<compile_context>
chip_gen: v7x
topology: tpu7x:2x2x1
jax: 0.10.2.dev20260603
libtpu: 0.0.44.dev20260713+nightly
codegen_flags: <defaults>
</compile_context>

<pallas_src>
import functools

import jax
import jax.numpy as jnp
from jax import lax
from jax.experimental import pallas as pl
from jax.experimental.pallas import tpu as pltpu
from jax.experimental.pallas import tpu_sc as plsc

N_REAL = 10000
N_CANDS = 100
M = N_REAL + N_CANDS
MP = 10240
E = 320000
NW = 32
CH = 80
B = 128
EPAD = NW * CH * B
RPT = MP // 16
_U = 8
_RD = MP // 128



@functools.cache
def _make_deg():
    mesh = plsc.VectorSubcoreMesh(core_axis_name="c", subcore_axis_name="s")

    @functools.partial(
        pl.kernel,
        out_type=jax.ShapeDtypeStruct((2, MP), jnp.float32),
        mesh=mesh,
        compiler_params=pltpu.CompilerParams(use_tc_tiling_on_sc=False),
        scratch_types=[
            pltpu.VMEM_SHARED((MP,), jnp.float32),
            pltpu.VMEM((CH, B), jnp.int32),
            pltpu.VMEM((B,), jnp.float32),
            pltpu.SemaphoreType.DMA,
        ],
    )
    def _deg(dst_hbm, zero_hbm, out_hbm, acc_sh, idx_v, ones_v, sem):
        c = lax.axis_index("c")
        s = lax.axis_index("s")
        wid = s * 2 + c
        one16 = jnp.ones((16,), jnp.float32)
        for i in range(B // 16):
            ones_v[pl.ds(i * 16, 16)] = one16
        sl0 = pl.ds(s * RPT, RPT)
        pltpu.sync_copy(zero_hbm.at[sl0], acc_sh.at[sl0])
        pltpu.sync_copy(dst_hbm.at[wid], idx_v)
        plsc.subcore_barrier()

        def group(jj):
            base = jj * _U
            ds = [pltpu.async_copy(ones_v, acc_sh.at[idx_v.at[base + b]],
                                   sem, add=True)
                  for b in range(_U)]
            for d in ds:
                d.wait()

        pl.loop(0, CH // _U)(group)
        plsc.subcore_barrier()
        sl = pl.ds(s * RPT, RPT)
        pltpu.sync_copy(acc_sh.at[sl], out_hbm.at[c, sl])

    return _deg


@functools.cache
def _make_agg(w):
    mesh = plsc.VectorSubcoreMesh(core_axis_name="c", subcore_axis_name="s")

    @functools.partial(
        pl.kernel,
        out_type=jax.ShapeDtypeStruct((2, MP, w), jnp.float32),
        mesh=mesh,
        compiler_params=pltpu.CompilerParams(use_tc_tiling_on_sc=False),
        scratch_types=[
            pltpu.VMEM_SHARED((MP, w), jnp.float32),
            pltpu.VMEM((CH, B), jnp.int32),
            pltpu.VMEM((CH, B), jnp.int32),
            pltpu.VMEM((_U, B, w), jnp.float32),
            pltpu.SemaphoreType.DMA((_U,)),
            pltpu.SemaphoreType.DMA((_U,)),
        ],
    )
    def _agg(g_hbm, src_hbm, dst_hbm, zero_hbm, out_hbm,
             acc_sh, src_v, dst_v, rows_v, gsems, ssems):
        c = lax.axis_index("c")
        s = lax.axis_index("s")
        wid = s * 2 + c
        sl0 = pl.ds(s * RPT, RPT)
        pltpu.sync_copy(zero_hbm.at[sl0], acc_sh.at[sl0])
        pltpu.sync_copy(src_hbm.at[wid], src_v)
        pltpu.sync_copy(dst_hbm.at[wid], dst_v)
        plsc.subcore_barrier()

        ngrp = CH // _U

        def group(jj):
            base = jj * _U
            gds = []
            for b in range(_U):
                @pl.when(jj > 0)
                def _(b=b):
                    pltpu.make_async_copy(
                        rows_v.at[b],
                        acc_sh.at[dst_v.at[base - _U + b]],
                        ssems.at[b]).wait()
                gds.append(pltpu.async_copy(g_hbm.at[src_v.at[base + b]],
                                            rows_v.at[b], gsems.at[b]))
            for b in range(_U):
                gds[b].wait()
                pltpu.async_copy(rows_v.at[b],
                                 acc_sh.at[dst_v.at[base + b]],
                                 ssems.at[b], add=True)

        pl.loop(0, ngrp)(group)
        for b in range(_U):
            pltpu.make_async_copy(
                rows_v.at[b],
                acc_sh.at[dst_v.at[(ngrp - 1) * _U + b]],
                ssems.at[b]).wait()
        plsc.subcore_barrier()
        sl = pl.ds(s * RPT, RPT)
        pltpu.sync_copy(acc_sh.at[sl], out_hbm.at[c, sl])

    return _agg



def _relu6(v):
    return jnp.clip(v, 0.0, 6.0)


def _softmax(v):
    m = jnp.max(v, axis=-1, keepdims=True)
    e = jnp.exp(v - m)
    return e / jnp.sum(e, axis=-1, keepdims=True)


def _g1_body(x_ref, tail_ref, w1_ref, degp_ref, g1_ref, dinv_ref):
    deg = degp_ref[0, :, :] + degp_ref[1, :, :] + 1.0
    r = lax.broadcasted_iota(jnp.int32, (MP, 1), 0)
    mask = (r < M).astype(jnp.float32)
    dinv = mask / jnp.sqrt(jnp.maximum(deg, 1.0))
    dinv_ref[...] = dinv
    w1 = w1_ref[...]
    h_main = jnp.dot(x_ref[...], w1, preferred_element_type=jnp.float32)
    h_tail = jnp.dot(tail_ref[...], w1, preferred_element_type=jnp.float32)
    g1_ref[:N_REAL, :] = h_main * dinv[:N_REAL, :]
    g1_ref[N_REAL:, :] = h_tail * dinv[N_REAL:, :]


_g1_call = pl.pallas_call(
    _g1_body,
    out_shape=(jax.ShapeDtypeStruct((MP, 16), jnp.float32),
               jax.ShapeDtypeStruct((MP, 1), jnp.float32)))


def _make_mid(w_in, w_out):
    def _body(accp_ref, g_ref, dinv_ref, b_ref, w_ref, out_ref):
        acc = accp_ref[0, :, :] + accp_ref[1, :, :] + g_ref[...]
        dinv = dinv_ref[...]
        r = lax.broadcasted_iota(jnp.int32, (MP, 1), 0)
        mask = (r < M).astype(jnp.float32)
        nf = (acc * dinv + b_ref[...]) * mask
        h = jnp.dot(nf, w_ref[...], preferred_element_type=jnp.float32)
        out_ref[...] = h * dinv

    return pl.pallas_call(
        _body, out_shape=jax.ShapeDtypeStruct((MP, w_out), jnp.float32))


_mid1_call = _make_mid(16, 24)
_mid2_call = _make_mid(24, 32)


_RB = 2048
_NRB = MP // _RB


def _probs_body(accp_ref, g_ref, dinv_ref, b3_ref,
                ws1_ref, bs1_ref, ws2_ref, bs2_ref,
                we1_ref, be1_ref, we2_ref, be2_ref,
                nf3_ref, sprob_ref, eprob_ref, ps_ref, pe_ref):
    i = pl.program_id(0)
    acc = accp_ref[0, :, :] + accp_ref[1, :, :] + g_ref[...]
    dinv = dinv_ref[...]
    r = i * _RB + lax.broadcasted_iota(jnp.int32, (_RB, 1), 0)
    mask = (r < M).astype(jnp.float32)
    nf3 = (acc * dinv + b3_ref[...]) * mask
    nf3_ref[...] = nf3

    sh = _relu6(jnp.dot(nf3, ws1_ref[...], preferred_element_type=jnp.float32)
                + bs1_ref[...])
    slog = jnp.dot(sh, ws2_ref[...], preferred_element_type=jnp.float32) \
        + bs2_ref[...]
    sp = _softmax(slog) * (r < N_REAL).astype(jnp.float32)
    sprob_ref[...] = sp
    ps_ref[...] = jnp.sum(sp, axis=-1, keepdims=True)

    eh = _relu6(jnp.dot(nf3, we1_ref[...], preferred_element_type=jnp.float32)
                + be1_ref[...])
    elog = jnp.dot(eh, we2_ref[...], preferred_element_type=jnp.float32) \
        + be2_ref[...]
    ep = _softmax(elog)
    eprob_ref[...] = ep
    pe_ref[...] = jnp.sum(ep, axis=-1, keepdims=True)


def _full_spec(shape):
    return pl.BlockSpec(shape, lambda i: tuple(0 for _ in shape))


_probs_call = pl.pallas_call(
    _probs_body,
    grid=(_NRB,),
    in_specs=[
        pl.BlockSpec((2, _RB, 32), lambda i: (0, i, 0)),
        pl.BlockSpec((_RB, 32), lambda i: (i, 0)),
        pl.BlockSpec((_RB, 1), lambda i: (i, 0)),
        _full_spec((32,)),
        _full_spec((32, 16)), _full_spec((16,)),
        _full_spec((16, 10)), _full_spec((10,)),
        _full_spec((32, 24)), _full_spec((24,)),
        _full_spec((24, 10)), _full_spec((10,)),
    ],
    out_specs=(
        pl.BlockSpec((_RB, 32), lambda i: (i, 0)),
        pl.BlockSpec((_RB, 10), lambda i: (i, 0)),
        pl.BlockSpec((_RB, 10), lambda i: (i, 0)),
        pl.BlockSpec((_RB, 1), lambda i: (i, 0)),
        pl.BlockSpec((_RB, 1), lambda i: (i, 0)),
    ),
    out_shape=(
        jax.ShapeDtypeStruct((MP, 32), jnp.float32),
        jax.ShapeDtypeStruct((MP, 10), jnp.float32),
        jax.ShapeDtypeStruct((MP, 10), jnp.float32),
        jax.ShapeDtypeStruct((MP, 1), jnp.float32),
        jax.ShapeDtypeStruct((MP, 1), jnp.float32),
    ),
)


def _sample_body(nf3_ref, ep_ref, ps_ref, pe_ref,
                 we1_ref, be1_ref, we2_ref, be2_ref,
                 g42_ref, g43_ref,
                 eprob_ref, start_ref, end_ref):
    flat = (lax.broadcasted_iota(jnp.int32, (_RD, 128), 0) * 128
            + lax.broadcasted_iota(jnp.int32, (_RD, 128), 1))
    score_s = jnp.log(ps_ref[...] + 1e-12) + g42_ref[...]
    best_s = jnp.max(score_s)
    sidx = jnp.min(jnp.where(score_s == best_s, flat, MP))
    start_ref[...] = jnp.broadcast_to(sidx, (1, 1))

    row = nf3_ref[pl.ds(sidx, 1), :]
    ehr = _relu6(jnp.dot(row, we1_ref[...], preferred_element_type=jnp.float32)
                 + be1_ref[...])
    elr = jnp.dot(ehr, we2_ref[...], preferred_element_type=jnp.float32) \
        + be2_ref[...]
    epr = _softmax(elr)

    r = lax.broadcasted_iota(jnp.int32, (MP, 1), 0)
    is_start = (r == sidx)
    is_extra = (r == M)
    ep_out = jnp.where(is_start, 0.0, jnp.where(is_extra, epr, ep_ref[...]))
    eprob_ref[...] = ep_out
    p_end = jnp.where(flat == M, jnp.sum(epr), pe_ref[...])
    p_end = jnp.where((flat == sidx) | (flat > M), 0.0, p_end)
    score_e = jnp.log(p_end + 1e-12) + g43_ref[...]
    best_e = jnp.max(score_e)
    end_ref[...] = jnp.broadcast_to(
        jnp.min(jnp.where(score_e == best_e, flat, MP)), (1, 1))


_sample_call = pl.pallas_call(
    _sample_body,
    out_shape=(
        jax.ShapeDtypeStruct((MP, 10), jnp.float32),
        jax.ShapeDtypeStruct((1, 1), jnp.int32),
        jax.ShapeDtypeStruct((1, 1), jnp.int32),
    ),
)



@functools.cache
def _gumbel_consts():
    f32 = jnp.float32
    gum_s = jax.random.gumbel(jax.random.key(42), (M,), f32)
    gum_e = jax.random.gumbel(jax.random.key(43), (M + 1,), f32)
    g42 = jnp.full((MP,), -1e30, f32).at[:M].set(gum_s).reshape(_RD, 128)
    g43 = jnp.full((MP,), -1e30, f32).at[:M + 1].set(gum_e).reshape(_RD, 128)
    return jax.block_until_ready(g42), jax.block_until_ready(g43)


def kernel(x, edge_index, candidate_set, W1, b1, W2, b2, W3, b3,
           Ws1, bs1, Ws2, bs2, We1, be1, We2, be2):
    f32 = jnp.float32
    tail = jnp.zeros((MP - N_REAL, 128), f32).at[:N_CANDS].set(candidate_set)

    pad = EPAD - E
    pad_idx = M + (jnp.arange(pad, dtype=jnp.int32) % (MP - M))
    src_p = jnp.concatenate([edge_index[0], pad_idx]).reshape(NW, CH, B)
    dst_p = jnp.concatenate([edge_index[1], pad_idx]).reshape(NW, CH, B)

    g42, g43 = _gumbel_consts()

    zd = jnp.zeros((MP,), f32)
    z16 = jnp.zeros((MP, 16), f32)
    z24 = jnp.zeros((MP, 24), f32)
    z32 = jnp.zeros((MP, 32), f32)

    degp = _make_deg()(dst_p, zd)
    g1, dinv = _g1_call(x, tail, W1, degp.reshape(2, MP, 1))

    accp1 = _make_agg(16)(g1, src_p, dst_p, z16)
    g2 = _mid1_call(accp1, g1, dinv, b1, W2)
    accp2 = _make_agg(24)(g2, src_p, dst_p, z24)
    g3 = _mid2_call(accp2, g2, dinv, b2, W3)
    accp3 = _make_agg(32)(g3, src_p, dst_p, z32)

    nf3, sprob, ep_raw, p_start, p_end = _probs_call(
        accp3, g3, dinv, b3, Ws1, bs1, Ws2, bs2, We1, be1, We2, be2)
    eprob, start2, end2 = _sample_call(
        nf3, ep_raw, p_start.reshape(_RD, 128), p_end.reshape(_RD, 128),
        We1, be1, We2, be2, g42, g43)

    start_node = start2.reshape(())
    end_node = end2.reshape(())
    return (start_node, end_node, sprob[:M], eprob[:M + 1])

# --- scband reference (transcript-rebuilt; emitter-appended) ---
"""Pipeline reference for scband-graph-generator-37142877175914 (READ-ONLY COPY).

The authoritative reference and input builder live on the scoring server;
editing this copy changes nothing except your own understanding.
"""

import jax, jax.numpy as jnp
import numpy as np

N_NODES = 10000
N_CAND = 100
N_EDGES = 320000
D_FEAT = 128
N_TYPES = 10


def relu6(x):
    return jnp.clip(x, 0.0, 6.0)


def gcn_conv(x, edge_index, W, b):
    # PyG-style GCNConv: add self-loops, symmetric normalization, scatter-add aggregation
    M = x.shape[0]
    loops = jnp.arange(M, dtype=edge_index.dtype)
    src = jnp.concatenate([edge_index[0], loops], axis=0)
    dst = jnp.concatenate([edge_index[1], loops], axis=0)
    h = x @ W
    deg = jnp.zeros((M,), dtype=x.dtype).at[dst].add(1.0)
    dinv = 1.0 / jnp.sqrt(jnp.clip(deg, 1.0, None))
    norm = dinv[src] * dinv[dst]
    msg = h[src] * norm[:, None]
    out = jnp.zeros((M, W.shape[1]), dtype=x.dtype).at[dst].add(msg)
    return out + b


def setup_inputs(seed: int = 0) -> dict:
    key = jax.random.key(seed)
    ks = jax.random.split(key, 18)
    inp = {}
    inp['x'] = jax.random.normal(ks[0], (N_NODES, D_FEAT), dtype=jnp.float32)
    inp['edge_index'] = jax.random.randint(ks[1], (2, N_EDGES), 0, N_NODES + N_CAND, dtype=jnp.int32)
    inp['candidate_set'] = jax.random.normal(ks[2], (N_CAND, D_FEAT), dtype=jnp.float32)
    # GCN layer params
    inp['W1'] = jax.random.normal(ks[3], (D_FEAT, 16), dtype=jnp.float32) * 0.05
    inp['b1'] = jnp.zeros((16,), dtype=jnp.float32)
    inp['W2'] = jax.random.normal(ks[4], (16, 24), dtype=jnp.float32) * 0.2
    inp['b2'] = jnp.zeros((24,), dtype=jnp.float32)
    inp['W3'] = jax.random.normal(ks[5], (24, 32), dtype=jnp.float32) * 0.2
    inp['b3'] = jnp.zeros((32,), dtype=jnp.float32)
    # mlp_start_node params: 32->16->T
    inp['Ws1'] = jax.random.normal(ks[6], (32, 16), dtype=jnp.float32) * 0.2
    inp['bs1'] = jnp.zeros((16,), dtype=jnp.float32)
    inp['Ws2'] = jax.random.normal(ks[7], (16, N_TYPES), dtype=jnp.float32) * 0.2
    inp['bs2'] = jnp.zeros((N_TYPES,), dtype=jnp.float32)
    # mlp_end_node params: 32->24->T
    inp['We1'] = jax.random.normal(ks[8], (32, 24), dtype=jnp.float32) * 0.2
    inp['be1'] = jnp.zeros((24,), dtype=jnp.float32)
    inp['We2'] = jax.random.normal(ks[9], (24, N_TYPES), dtype=jnp.float32) * 0.2
    inp['be2'] = jnp.zeros((N_TYPES,), dtype=jnp.float32)
    return inp


def reference(x, edge_index, candidate_set, W1, b1, W2, b2, W3, b3, Ws1, bs1, Ws2, bs2, We1, be1, We2, be2):
    # node_features = cat(graph_state.x, candidate_set)
    nf = jnp.concatenate([x, candidate_set], axis=0)
    nf = gcn_conv(nf, edge_index, W1, b1)
    nf = gcn_conv(nf, edge_index, W2, b2)
    nf = gcn_conv(nf, edge_index, W3, b3)
    # mlp_start_node with softmax over types
    start_node_probs = jax.nn.softmax(relu6(nf @ Ws1 + bs1) @ Ws2 + bs2, axis=-1)
    M = nf.shape[0]
    n_graph = x.shape[0]
    # mask out candidate rows (appended indices n_graph..M-1)
    mask = (jnp.arange(M) < n_graph).astype(start_node_probs.dtype)[:, None]
    start_node_probs = start_node_probs * mask
    p_start = start_node_probs.sum(axis=-1)
    start_node = jax.random.categorical(jax.random.key(42), jnp.log(p_start + 1e-12))
    combined = jnp.concatenate([nf, nf[start_node][None, :]], axis=0)
    end_node_probs = jax.nn.softmax(relu6(combined @ We1 + be1) @ We2 + be2, axis=-1)
    end_node_probs = end_node_probs.at[start_node].set(0.0)
    p_end = end_node_probs.sum(axis=-1)
    end_node = jax.random.categorical(jax.random.key(43), jnp.log(p_end + 1e-12))
    return (start_node, end_node, start_node_probs, end_node_probs)

if __name__ == "__main__":
    import jax
    _d = setup_inputs()
    print(jax.jit(kernel)(*tuple(_d.values())))

</pallas_src>

<mosaic_0001>
#map = affine_map<(d0, d1) -> (0, 0, 0)>
#map1 = affine_map<(d0, d1) -> (0)>
#map2 = affine_map<(d0, d1) -> (0, 0)>
module attributes {stable_mosaic.version = 14 : i64} {
  func.func @_deg(%arg0: i32, %arg1: i32, %arg2: memref<32x80x128xi32, #tpu.memory_space<hbm>>, %arg3: memref<10240xf32, #tpu.memory_space<hbm>>, %arg4: memref<2x10240xf32, #tpu.memory_space<hbm>>, %arg5: memref<10240xf32, #tpu.memory_space<vmem_shared>>, %arg6: memref<80x128xi32, #tpu.memory_space<vmem>>, %arg7: memref<128xf32, #tpu.memory_space<vmem>>, %arg8: memref<!tpu.dma_semaphore, #tpu.memory_space<semaphore_mem>>) attributes {dimension_semantics = [#tpu.dimension_semantics<core_parallel>, #tpu.dimension_semantics<subcore_parallel>], iteration_bounds = array<i64: 2, 16>, scalar_prefetch = 0 : i64, scratch_operands = 4 : i64, tpu.core_type = #tpu.core_type<sc_vector_subcore>, window_params = [{transform_indices = #map}, {transform_indices = #map1}, {transform_indices = #map2}]} {
    %mul3A = arith.constant 2 : i32
    %mul3A_0 = arith.muli %arg1, %mul3A : i32
    %add3A = arith.addi %mul3A_0, %arg0 : i32
    %broadcast_in_dim3A = arith.constant 1.000000e+00 : f32
    %broadcast_in_dim3A_1 = vector.broadcast %broadcast_in_dim3A : f32 to vector<16xf32>
    %swap3A = arith.constant 0 : index
    %swap3A_2 = tpu.vector_load %arg7[%swap3A] {strides = array<i32>} : memref<128xf32, #tpu.memory_space<vmem>>, vector<16xf32>,
    %swap3A_3 = vector.shape_cast %swap3A_2 : vector<16xf32> to vector<16xf32>
    %swap3A_4 = vector.shape_cast %broadcast_in_dim3A_1 : vector<16xf32> to vector<16xf32>
    tpu.vector_store %arg7[%swap3A], %swap3A_4 {strides = array<i32>} : memref<128xf32, #tpu.memory_space<vmem>>, vector<16xf32>,
    %swap3A_5 = arith.constant 16 : index
    %swap3A_6 = tpu.vector_load %arg7[%swap3A_5] {strides = array<i32>} : memref<128xf32, #tpu.memory_space<vmem>>, vector<16xf32>,
    %swap3A_7 = vector.shape_cast %swap3A_6 : vector<16xf32> to vector<16xf32>
    %swap3A_8 = vector.shape_cast %broadcast_in_dim3A_1 : vector<16xf32> to vector<16xf32>
    tpu.vector_store %arg7[%swap3A_5], %swap3A_8 {strides = array<i32>} : memref<128xf32, #tpu.memory_space<vmem>>, vector<16xf32>,
    %swap3A_9 = arith.constant 32 : index
    %swap3A_10 = tpu.vector_load %arg7[%swap3A_9] {strides = array<i32>} : memref<128xf32, #tpu.memory_space<vmem>>, vector<16xf32>,
    %swap3A_11 = vector.shape_cast %swap3A_10 : vector<16xf32> to vector<16xf32>
    %swap3A_12 = vector.shape_cast %broadcast_in_dim3A_1 : vector<16xf32> to vector<16xf32>
    tpu.vector_store %arg7[%swap3A_9], %swap3A_12 {strides = array<i32>} : memref<128xf32, #tpu.memory_space<vmem>>, vector<16xf32>,
    %swap3A_13 = arith.constant 48 : index
    %swap3A_14 = tpu.vector_load %arg7[%swap3A_13] {strides = array<i32>} : memref<128xf32, #tpu.memory_space<vmem>>, vector<16xf32>,
    %swap3A_15 = vector.shape_cast %swap3A_14 : vector<16xf32> to vector<16xf32>
    %swap3A_16 = vector.shape_cast %broadcast_in_dim3A_1 : vector<16xf32> to vector<16xf32>
    tpu.vector_store %arg7[%swap3A_13], %swap3A_16 {strides = array<i32>} : memref<128xf32, #tpu.memory_space<vmem>>, vector<16xf32>,
    %swap3A_17 = arith.constant 64 : index
    %swap3A_18 = tpu.vector_load %arg7[%swap3A_17] {strides = array<i32>} : memref<128xf32, #tpu.memory_space<vmem>>, vector<16xf32>,
    %swap3A_19 = vector.shape_cast %swap3A_18 : vector<16xf32> to vector<16xf32>
    %swap3A_20 = vector.shape_cast %broadcast_in_dim3A_1 : vector<16xf32> to vector<16xf32>
    tpu.vector_store %arg7[%swap3A_17], %swap3A_20 {strides = array<i32>} : memref<128xf32, #tpu.memory_space<vmem>>, vector<16xf32>,
    %swap3A_21 = arith.constant 80 : index
    %swap3A_22 = tpu.vector_load %arg7[%swap3A_21] {strides = array<i32>} : memref<128xf32, #tpu.memory_space<vmem>>, vector<16xf32>,
    %swap3A_23 = vector.shape_cast %swap3A_22 : vector<16xf32> to vector<16xf32>
    %swap3A_24 = vector.shape_cast %broadcast_in_dim3A_1 : vector<16xf32> to vector<16xf32>
    tpu.vector_store %arg7[%swap3A_21], %swap3A_24 {strides = array<i32>} : memref<128xf32, #tpu.memory_space<vmem>>, vector<16xf32>,
    %swap3A_25 = arith.constant 96 : index
    %swap3A_26 = tpu.vector_load %arg7[%swap3A_25] {strides = array<i32>} : memref<128xf32, #tpu.memory_space<vmem>>, vector<16xf32>,
    %swap3A_27 = vector.shape_cast %swap3A_26 : vector<16xf32> to vector<16xf32>
    %swap3A_28 = vector.shape_cast %broadcast_in_dim3A_1 : vector<16xf32> to vector<16xf32>
    tpu.vector_store %arg7[%swap3A_25], %swap3A_28 {strides = array<i32>} : memref<128xf32, #tpu.memory_space<vmem>>, vector<16xf32>,
    %swap3A_29 = arith.constant 112 : index
    %swap3A_30 = tpu.vector_load %arg7[%swap3A_29] {strides = array<i32>} : memref<128xf32, #tpu.memory_space<vmem>>, vector<16xf32>,
    %swap3A_31 = vector.shape_cast %swap3A_30 : vector<16xf32> to vector<16xf32>
    %swap3A_32 = vector.shape_cast %broadcast_in_dim3A_1 : vector<16xf32> to vector<16xf32>
    tpu.vector_store %arg7[%swap3A_29], %swap3A_32 {strides = array<i32>} : memref<128xf32, #tpu.memory_space<vmem>>, vector<16xf32>,
    %mul3A_33 = arith.constant 640 : i32
    %mul3A_34 = arith.muli %arg1, %mul3A_33 : i32
    "tpu.region"() ({
      %run_scoped3A = tpu.sem_alloc : memref<!tpu.dma_semaphore, #tpu.memory_space<semaphore_mem>>
      %dma_start3A = tpu.memref_slice %arg5[%mul3A_34] : memref<10240xf32, #tpu.memory_space<vmem_shared>> -> memref<640xf32, #tpu.memory_space<vmem_shared>>
      %dma_start3A_42 = tpu.memref_slice %arg3[%mul3A_34] : memref<10240xf32, #tpu.memory_space<hbm>> -> memref<640xf32, #tpu.memory_space<hbm>>
      tpu.enqueue_dma source(%dma_start3A_42 : memref<640xf32, #tpu.memory_space<hbm>>) target(%dma_start3A : memref<640xf32, #tpu.memory_space<vmem_shared>>) target_semaphore(%run_scoped3A : memref<!tpu.dma_semaphore, #tpu.memory_space<semaphore_mem>>)
      %dma_wait3A = tpu.memref_slice %arg5[%mul3A_34] : memref<10240xf32, #tpu.memory_space<vmem_shared>> -> memref<640xf32, #tpu.memory_space<vmem_shared>>
      %dma_wait3A_43 = tpu.memref_slice %arg3[%mul3A_34] : memref<10240xf32, #tpu.memory_space<hbm>> -> memref<640xf32, #tpu.memory_space<hbm>>
      tpu.wait_dma2 semaphore(%run_scoped3A : memref<!tpu.dma_semaphore, #tpu.memory_space<semaphore_mem>>) src(%dma_wait3A_43 : memref<640xf32, #tpu.memory_space<hbm>>) dst(%dma_wait3A : memref<640xf32, #tpu.memory_space<vmem_shared>>)
      tpu.yield
    }) : () -> ()
    "tpu.region"() ({
      %run_scoped3A = tpu.sem_alloc : memref<!tpu.dma_semaphore, #tpu.memory_space<semaphore_mem>>
      %dma_start3A = arith.constant 0 : i32
      %dma_start3A_42 = arith.constant 0 : i32
      %dma_start3A_43 = tpu.memref_slice %arg2[%add3A, %dma_start3A, %dma_start3A_42] : memref<32x80x128xi32, #tpu.memory_space<hbm>> -> memref<1x80x128xi32, #tpu.memory_space<hbm>>
      %dma_start3A_44 = tpu.memref_squeeze %dma_start3A_43 : memref<1x80x128xi32, #tpu.memory_space<hbm>> -> memref<80x128xi32, #tpu.memory_space<hbm>>
      %dma_start3A_45 = arith.constant 0 : i32
      %dma_start3A_46 = arith.constant 0 : i32
      %dma_start3A_47 = tpu.memref_slice %arg2[%add3A, %dma_start3A_45, %dma_start3A_46] : memref<32x80x128xi32, #tpu.memory_space<hbm>> -> memref<1x80x128xi32, #tpu.memory_space<hbm>>
      %dma_start3A_48 = tpu.memref_squeeze %dma_start3A_47 : memref<1x80x128xi32, #tpu.memory_space<hbm>> -> memref<80x128xi32, #tpu.memory_space<hbm>>
      tpu.enqueue_dma source(%dma_start3A_48 : memref<80x128xi32, #tpu.memory_space<hbm>>) target(%arg6 : memref<80x128xi32, #tpu.memory_space<vmem>>) target_semaphore(%run_scoped3A : memref<!tpu.dma_semaphore, #tpu.memory_space<semaphore_mem>>)
      %dma_wait3A = arith.constant 0 : i32
      %dma_wait3A_49 = arith.constant 0 : i32
      %dma_wait3A_50 = tpu.memref_slice %arg2[%add3A, %dma_wait3A, %dma_wait3A_49] : memref<32x80x128xi32, #tpu.memory_space<hbm>> -> memref<1x80x128xi32, #tpu.memory_space<hbm>>
      %dma_wait3A_51 = tpu.memref_squeeze %dma_wait3A_50 : memref<1x80x128xi32, #tpu.memory_space<hbm>> -> memref<80x128xi32, #tpu.memory_space<hbm>>
      %dma_wait3A_52 = arith.constant 0 : i32
      %dma_wait3A_53 = arith.constant 0 : i32
      %dma_wait3A_54 = tpu.memref_slice %arg2[%add3A, %dma_wait3A_52, %dma_wait3A_53] : memref<32x80x128xi32, #tpu.memory_space<hbm>> -> memref<1x80x128xi32, #tpu.memory_space<hbm>>
      %dma_wait3A_55 = tpu.memref_squeeze %dma_wait3A_54 : memref<1x80x128xi32, #tpu.memory_space<hbm>> -> memref<80x128xi32, #tpu.memory_space<hbm>>
      tpu.wait_dma2 semaphore(%run_scoped3A : memref<!tpu.dma_semaphore, #tpu.memory_space<semaphore_mem>>) src(%dma_wait3A_55 : memref<80x128xi32, #tpu.memory_space<hbm>>) dst(%arg6 : memref<80x128xi32, #tpu.memory_space<vmem>>)
      tpu.yield
    }) : () -> ()
    %barrier3A = arith.constant 0 : index
    tpu.barrier barrier_id(%barrier3A)
    %scan3A = arith.constant 0 : i32
    %scan3A_35 = arith.constant 10 : i32
    %scan3A_36 = arith.addi %scan3A, %scan3A_35 : i32
    %scan3A_37 = arith.constant 1 : i32
    scf.for %scan3A_42 = %scan3A to %scan3A_36 step %scan3A_37  : i32 {
      %mul3A_43 = arith.constant 1 : i32
      %mul3A_44 = arith.muli %scan3A_42, %mul3A_43 : i32
      %add3A_45 = arith.constant 0 : i32
      %add3A_46 = arith.addi %add3A_45, %mul3A_44 : i32
      %mul3A_47 = arith.constant 8 : i32
      %mul3A_48 = arith.muli %add3A_46, %mul3A_47 : i32
      %add3A_49 = arith.constant 0 : i32
      %add3A_50 = arith.addi %mul3A_48, %add3A_49 : i32
      %dma_start3A = arith.constant 0 : i32
      %dma_start3A_51 = tpu.memref_slice %arg6[%add3A_50, %dma_start3A] : memref<80x128xi32, #tpu.memory_space<vmem>> -> memref<1x128xi32, #tpu.memory_space<vmem>>
      %dma_start3A_52 = tpu.memref_squeeze %dma_start3A_51 : memref<1x128xi32, #tpu.memory_space<vmem>> -> memref<128xi32, #tpu.memory_space<vmem>>
      %dma_start3A_53 = arith.constant 0 : i32
      %dma_start3A_54 = tpu.memref_slice %arg5[%dma_start3A_53] : memref<10240xf32, #tpu.memory_space<vmem_shared>> -> memref<10240xf32, #tpu.memory_space<vmem_shared>>
      tpu.enqueue_indirect_dma source(%arg7 : memref<128xf32, #tpu.memory_space<vmem>>) target(%dma_start3A_54 : memref<10240xf32, #tpu.memory_space<vmem_shared>>) offsets(%dma_start3A_52 : memref<128xi32, #tpu.memory_space<vmem>>) semaphore(%arg8 : memref<!tpu.dma_semaphore, #tpu.memory_space<semaphore_mem>>) {add = true}
      %add3A_55 = arith.constant 1 : i32
      %add3A_56 = arith.addi %mul3A_48, %add3A_55 : i32
      %dma_start3A_57 = arith.constant 0 : i32
      %dma_start3A_58 = tpu.memref_slice %arg6[%add3A_56, %dma_start3A_57] : memref<80x128xi32, #tpu.memory_space<vmem>> -> memref<1x128xi32, #tpu.memory_space<vmem>>
      %dma_start3A_59 = tpu.memref_squeeze %dma_start3A_58 : memref<1x128xi32, #tpu.memory_space<vmem>> -> memref<128xi32, #tpu.memory_space<vmem>>
      %dma_start3A_60 = arith.constant 0 : i32
      %dma_start3A_61 = tpu.memref_slice %arg5[%dma_start3A_60] : memref<10240xf32, #tpu.memory_space<vmem_shared>> -> memref<10240xf32, #tpu.memory_space<vmem_shared>>
      tpu.enqueue_indirect_dma source(%arg7 : memref<128xf32, #tpu.memory_space<vmem>>) target(%dma_start3A_61 : memref<10240xf32, #tpu.memory_space<vmem_shared>>) offsets(%dma_start3A_59 : memref<128xi32, #tpu.memory_space<vmem>>) semaphore(%arg8 : memref<!tpu.dma_semaphore, #tpu.memory_space<semaphore_mem>>) {add = true}
      %add3A_62 = arith.constant 2 : i32
      %add3A_63 = arith.addi %mul3A_48, %add3A_62 : i32
      %dma_start3A_64 = arith.constant 0 : i32
      %dma_start3A_65 = tpu.memref_slice %arg6[%add3A_63, %dma_start3A_64] : memref<80x128xi32, #tpu.memory_space<vmem>> -> memref<1x128xi32, #tpu.memory_space<vmem>>
      %dma_start3A_66 = tpu.memref_squeeze %dma_start3A_65 : memref<1x128xi32, #tpu.memory_space<vmem>> -> memref<128xi32, #tpu.memory_space<vmem>>
      %dma_start3A_67 = arith.constant 0 : i32
      %dma_start3A_68 = tpu.memref_slice %arg5[%dma_start3A_67] : memref<10240xf32, #tpu.memory_space<vmem_shared>> -> memref<10240xf32, #tpu.memory_space<vmem_shared>>
      tpu.enqueue_indirect_dma source(%arg7 : memref<128xf32, #tpu.memory_space<vmem>>) target(%dma_start3A_68 : memref<10240xf32, #tpu.memory_space<vmem_shared>>) offsets(%dma_start3A_66 : memref<128xi32, #tpu.memory_space<vmem>>) semaphore(%arg8 : memref<!tpu.dma_semaphore, #tpu.memory_space<semaphore_mem>>) {add = true}
      %add3A_69 = arith.constant 3 : i32
      %add3A_70 = arith.addi %mul3A_48, %add3A_69 : i32
      %dma_start3A_71 = arith.constant 0 : i32
      %dma_start3A_72 = tpu.memref_slice %arg6[%add3A_70, %dma_start3A_71] : memref<80x128xi32, #tpu.memory_space<vmem>> -> memref<1x128xi32, #tpu.memory_space<vmem>>
      %dma_start3A_73 = tpu.memref_squeeze %dma_start3A_72 : memref<1x128xi32, #tpu.memory_space<vmem>> -> memref<128xi32, #tpu.memory_space<vmem>>
      %dma_start3A_74 = arith.constant 0 : i32
      %dma_start3A_75 = tpu.memref_slice %arg5[%dma_start3A_74] : memref<10240xf32, #tpu.memory_space<vmem_shared>> -> memref<10240xf32, #tpu.memory_space<vmem_shared>>
      tpu.enqueue_indirect_dma source(%arg7 : memref<128xf32, #tpu.memory_space<vmem>>) target(%dma_start3A_75 : memref<10240xf32, #tpu.memory_space<vmem_shared>>) offsets(%dma_start3A_73 : memref<128xi32, #tpu.memory_space<vmem>>) semaphore(%arg8 : memref<!tpu.dma_semaphore, #tpu.memory_space<semaphore_mem>>) {add = true}
      %add3A_76 = arith.constant 4 : i32
      %add3A_77 = arith.addi %mul3A_48, %add3A_76 : i32
      %dma_start3A_78 = arith.constant 0 : i32
      %dma_start3A_79 = tpu.memref_slice %arg6[%add3A_77, %dma_start3A_78] : memref<80x128xi32, #tpu.memory_space<vmem>> -> memref<1x128xi32, #tpu.memory_space<vmem>>
      %dma_start3A_80 = tpu.memref_squeeze %dma_start3A_79 : memref<1x128xi32, #tpu.memory_space<vmem>> -> memref<128xi32, #tpu.memory_space<vmem>>
      %dma_start3A_81 = arith.constant 0 : i32
      %dma_start3A_82 = tpu.memref_slice %arg5[%dma_start3A_81] : memref<10240xf32, #tpu.memory_space<vmem_shared>> -> memref<10240xf32, #tpu.memory_space<vmem_shared>>
      tpu.enqueue_indirect_dma source(%arg7 : memref<128xf32, #tpu.memory_space<vmem>>) target(%dma_start3A_82 : memref<10240xf32, #tpu.memory_space<vmem_shared>>) offsets(%dma_start3A_80 : memref<128xi32, #tpu.memory_space<vmem>>) semaphore(%arg8 : memref<!tpu.dma_semaphore, #tpu.memory_space<semaphore_mem>>) {add = true}
      %add3A_83 = arith.constant 5 : i32
      %add3A_84 = arith.addi %mul3A_48, %add3A_83 : i32
      %dma_start3A_85 = arith.constant 0 : i32
      %dma_start3A_86 = tpu.memref_slice %arg6[%add3A_84, %dma_start3A_85] : memref<80x128xi32, #tpu.memory_space<vmem>> -> memref<1x128xi32, #tpu.memory_space<vmem>>
      %dma_start3A_87 = tpu.memref_squeeze %dma_start3A_86 : memref<1x128xi32, #tpu.memory_space<vmem>> -> memref<128xi32, #tpu.memory_space<vmem>>
      %dma_start3A_88 = arith.constant 0 : i32
      %dma_start3A_89 = tpu.memref_slice %arg5[%dma_start3A_88] : memref<10240xf32, #tpu.memory_space<vmem_shared>> -> memref<10240xf32, #tpu.memory_space<vmem_shared>>
      tpu.enqueue_indirect_dma source(%arg7 : memref<128xf32, #tpu.memory_space<vmem>>) target(%dma_start3A_89 : memref<10240xf32, #tpu.memory_space<vmem_shared>>) offsets(%dma_start3A_87 : memref<128xi32, #tpu.memory_space<vmem>>) semaphore(%arg8 : memref<!tpu.dma_semaphore, #tpu.memory_space<semaphore_mem>>) {add = true}
      %add3A_90 = arith.constant 6 : i32
      %add3A_91 = arith.addi %mul3A_48, %add3A_90 : i32
      %dma_start3A_92 = arith.constant 0 : i32
      %dma_start3A_93 = tpu.memref_slice %arg6[%add3A_91, %dma_start3A_92] : memref<80x128xi32, #tpu.memory_space<vmem>> -> memref<1x128xi32, #tpu.memory_space<vmem>>
      %dma_start3A_94 = tpu.memref_squeeze %dma_start3A_93 : memref<1x128xi32, #tpu.memory_space<vmem>> -> memref<128xi32, #tpu.memory_space<vmem>>
      %dma_start3A_95 = arith.constant 0 : i32
      %dma_start3A_96 = tpu.memref_slice %arg5[%dma_start3A_95] : memref<10240xf32, #tpu.memory_space<vmem_shared>> -> memref<10240xf32, #tpu.memory_space<vmem_shared>>
      tpu.enqueue_indirect_dma source(%arg7 : memref<128xf32, #tpu.memory_space<vmem>>) target(%dma_start3A_96 : memref<10240xf32, #tpu.memory_space<vmem_shared>>) offsets(%dma_start3A_94 : memref<128xi32, #tpu.memory_space<vmem>>) semaphore(%arg8 : memref<!tpu.dma_semaphore, #tpu.memory_space<semaphore_mem>>) {add = true}
      %add3A_97 = arith.constant 7 : i32
      %add3A_98 = arith.addi %mul3A_48, %add3A_97 : i32
      %dma_start3A_99 = arith.constant 0 : i32
      %dma_start3A_100 = tpu.memref_slice %arg6[%add3A_98, %dma_start3A_99] : memref<80x128xi32, #tpu.memory_space<vmem>> -> memref<1x128xi32, #tpu.memory_space<vmem>>
      %dma_start3A_101 = tpu.memref_squeeze %dma_start3A_100 : memref<1x128xi32, #tpu.memory_space<vmem>> -> memref<128xi32, #tpu.memory_space<vmem>>
      %dma_start3A_102 = arith.constant 0 : i32
      %dma_start3A_103 = tpu.memref_slice %arg5[%dma_start3A_102] : memref<10240xf32, #tpu.memory_space<vmem_shared>> -> memref<10240xf32, #tpu.memory_space<vmem_shared>>
      tpu.enqueue_indirect_dma source(%arg7 : memref<128xf32, #tpu.memory_space<vmem>>) target(%dma_start3A_103 : memref<10240xf32, #tpu.memory_space<vmem_shared>>) offsets(%dma_start3A_101 : memref<128xi32, #tpu.memory_space<vmem>>) semaphore(%arg8 : memref<!tpu.dma_semaphore, #tpu.memory_space<semaphore_mem>>) {add = true}
      %dma_wait3A = arith.constant 0 : i32
      %dma_wait3A_104 = tpu.memref_slice %arg6[%add3A_50, %dma_wait3A] : memref<80x128xi32, #tpu.memory_space<vmem>> -> memref<1x128xi32, #tpu.memory_space<vmem>>
      %dma_wait3A_105 = tpu.memref_squeeze %dma_wait3A_104 : memref<1x128xi32, #tpu.memory_space<vmem>> -> memref<128xi32, #tpu.memory_space<vmem>>
      %dma_wait3A_106 = arith.constant 0 : i32
      %dma_wait3A_107 = tpu.memref_slice %arg5[%dma_wait3A_106] : memref<10240xf32, #tpu.memory_space<vmem_shared>> -> memref<10240xf32, #tpu.memory_space<vmem_shared>>
      tpu.wait_indirect_dma semaphore(%arg8 : memref<!tpu.dma_semaphore, #tpu.memory_space<semaphore_mem>>) src(%arg7 : memref<128xf32, #tpu.memory_space<vmem>>) dst(%dma_wait3A_107 : memref<10240xf32, #tpu.memory_space<vmem_shared>>)
      %dma_wait3A_108 = arith.constant 0 : i32
      %dma_wait3A_109 = tpu.memref_slice %arg6[%add3A_56, %dma_wait3A_108] : memref<80x128xi32, #tpu.memory_space<vmem>> -> memref<1x128xi32, #tpu.memory_space<vmem>>
      %dma_wait3A_110 = tpu.memref_squeeze %dma_wait3A_109 : memref<1x128xi32, #tpu.memory_space<vmem>> -> memref<128xi32, #tpu.memory_space<vmem>>
      %dma_wait3A_111 = arith.constant 0 : i32
      %dma_wait3A_112 = tpu.memref_slice %arg5[%dma_wait3A_111] : memref<10240xf32, #tpu.memory_space<vmem_shared>> -> memref<10240xf32, #tpu.memory_space<vmem_shared>>
      tpu.wait_indirect_dma semaphore(%arg8 : memref<!tpu.dma_semaphore, #tpu.memory_space<semaphore_mem>>) src(%arg7 : memref<128xf32, #tpu.memory_space<vmem>>) dst(%dma_wait3A_112 : memref<10240xf32, #tpu.memory_space<vmem_shared>>)
      %dma_wait3A_113 = arith.constant 0 : i32
      %dma_wait3A_114 = tpu.memref_slice %arg6[%add3A_63, %dma_wait3A_113] : memref<80x128xi32, #tpu.memory_space<vmem>> -> memref<1x128xi32, #tpu.memory_space<vmem>>
      %dma_wait3A_115 = tpu.memref_squeeze %dma_wait3A_114 : memref<1x128xi32, #tpu.memory_space<vmem>> -> memref<128xi32, #tpu.memory_space<vmem>>
      %dma_wait3A_116 = arith.constant 0 : i32
      %dma_wait3A_117 = tpu.memref_slice %arg5[%dma_wait3A_116] : memref<10240xf32, #tpu.memory_space<vmem_shared>> -> memref<10240xf32, #tpu.memory_space<vmem_shared>>
      tpu.wait_indirect_dma semaphore(%arg8 : memref<!tpu.dma_semaphore, #tpu.memory_space<semaphore_mem>>) src(%arg7 : memref<128xf32, #tpu.memory_space<vmem>>) dst(%dma_wait3A_117 : memref<10240xf32, #tpu.memory_space<vmem_shared>>)
      %dma_wait3A_118 = arith.constant 0 : i32
      %dma_wait3A_119 = tpu.memref_slice %arg6[%add3A_70, %dma_wait3A_118] : memref<80x128xi32, #tpu.memory_space<vmem>> -> memref<1x128xi32, #tpu.memory_space<vmem>>
      %dma_wait3A_120 = tpu.memref_squeeze %dma_wait3A_119 : memref<1x128xi32, #tpu.memory_space<vmem>> -> memref<128xi32, #tpu.memory_space<vmem>>
      %dma_wait3A_121 = arith.constant 0 : i32
      %dma_wait3A_122 = tpu.memref_slice %arg5[%dma_wait3A_121] : memref<10240xf32, #tpu.memory_space<vmem_shared>> -> memref<10240xf32, #tpu.memory_space<vmem_shared>>
      tpu.wait_indirect_dma semaphore(%arg8 : memref<!tpu.dma_semaphore, #tpu.memory_space<semaphore_mem>>) src(%arg7 : memref<128xf32, #tpu.memory_space<vmem>>) dst(%dma_wait3A_122 : memref<10240xf32, #tpu.memory_space<vmem_shared>>)
      %dma_wait3A_123 = arith.constant 0 : i32
      %dma_wait3A_124 = tpu.memref_slice %arg6[%add3A_77, %dma_wait3A_123] : memref<80x128xi32, #tpu.memory_space<vmem>> -> memref<1x128xi32, #tpu.memory_space<vmem>>
      %dma_wait3A_125 = tpu.memref_squeeze %dma_wait3A_124 : memref<1x128xi32, #tpu.memory_space<vmem>> -> memref<128xi32, #tpu.memory_space<vmem>>
      %dma_wait3A_126 = arith.constant 0 : i32
      %dma_wait3A_127 = tpu.memref_slice %arg5[%dma_wait3A_126] : memref<10240xf32, #tpu.memory_space<vmem_shared>> -> memref<10240xf32, #tpu.memory_space<vmem_shared>>
      tpu.wait_indirect_dma semaphore(%arg8 : memref<!tpu.dma_semaphore, #tpu.memory_space<semaphore_mem>>) src(%arg7 : memref<128xf32, #tpu.memory_space<vmem>>) dst(%dma_wait3A_127 : memref<10240xf32, #tpu.memory_space<vmem_shared>>)
      %dma_wait3A_128 = arith.constant 0 : i32
      %dma_wait3A_129 = tpu.memref_slice %arg6[%add3A_84, %dma_wait3A_128] : memref<80x128xi32, #tpu.memory_space<vmem>> -> memref<1x128xi32, #tpu.memory_space<vmem>>
      %dma_wait3A_130 = tpu.memref_squeeze %dma_wait3A_129 : memref<1x128xi32, #tpu.memory_space<vmem>> -> memref<128xi32, #tpu.memory_space<vmem>>
      %dma_wait3A_131 = arith.constant 0 : i32
      %dma_wait3A_132 = tpu.memref_slice %arg5[%dma_wait3A_131] : memref<10240xf32, #tpu.memory_space<vmem_shared>> -> memref<10240xf32, #tpu.memory_space<vmem_shared>>
      tpu.wait_indirect_dma semaphore(%arg8 : memref<!tpu.dma_semaphore, #tpu.memory_space<semaphore_mem>>) src(%arg7 : memref<128xf32, #tpu.memory_space<vmem>>) dst(%dma_wait3A_132 : memref<10240xf32, #tpu.memory_space<vmem_shared>>)
      %dma_wait3A_133 = arith.constant 0 : i32
      %dma_wait3A_134 = tpu.memref_slice %arg6[%add3A_91, %dma_wait3A_133] : memref<80x128xi32, #tpu.memory_space<vmem>> -> memref<1x128xi32, #tpu.memory_space<vmem>>
      %dma_wait3A_135 = tpu.memref_squeeze %dma_wait3A_134 : memref<1x128xi32, #tpu.memory_space<vmem>> -> memref<128xi32, #tpu.memory_space<vmem>>
      %dma_wait3A_136 = arith.constant 0 : i32
      %dma_wait3A_137 = tpu.memref_slice %arg5[%dma_wait3A_136] : memref<10240xf32, #tpu.memory_space<vmem_shared>> -> memref<10240xf32, #tpu.memory_space<vmem_shared>>
      tpu.wait_indirect_dma semaphore(%arg8 : memref<!tpu.dma_semaphore, #tpu.memory_space<semaphore_mem>>) src(%arg7 : memref<128xf32, #tpu.memory_space<vmem>>) dst(%dma_wait3A_137 : memref<10240xf32, #tpu.memory_space<vmem_shared>>)
      %dma_wait3A_138 = arith.constant 0 : i32
      %dma_wait3A_139 = tpu.memref_slice %arg6[%add3A_98, %dma_wait3A_138] : memref<80x128xi32, #tpu.memory_space<vmem>> -> memref<1x128xi32, #tpu.memory_space<vmem>>
      %dma_wait3A_140 = tpu.memref_squeeze %dma_wait3A_139 : memref<1x128xi32, #tpu.memory_space<vmem>> -> memref<128xi32, #tpu.memory_space<vmem>>
      %dma_wait3A_141 = arith.constant 0 : i32
      %dma_wait3A_142 = tpu.memref_slice %arg5[%dma_wait3A_141] : memref<10240xf32, #tpu.memory_space<vmem_shared>> -> memref<10240xf32, #tpu.memory_space<vmem_shared>>
      tpu.wait_indirect_dma semaphore(%arg8 : memref<!tpu.dma_semaphore, #tpu.memory_space<semaphore_mem>>) src(%arg7 : memref<128xf32, #tpu.memory_space<vmem>>) dst(%dma_wait3A_142 : memref<10240xf32, #tpu.memory_space<vmem_shared>>)
    }
    %scan3A_38 = arith.constant 10 : i32
    %barrier3A_39 = arith.constant 0 : index
    tpu.barrier barrier_id(%barrier3A_39)
    %mul3A_40 = arith.constant 640 : i32
    %mul3A_41 = arith.muli %arg1, %mul3A_40 : i32
    "tpu.region"() ({
      %run_scoped3A = tpu.sem_alloc : memref<!tpu.dma_semaphore, #tpu.memory_space<semaphore_mem>>
      %dma_start3A = tpu.memref_slice %arg4[%arg0, %mul3A_41] : memref<2x10240xf32, #tpu.memory_space<hbm>> -> memref<1x640xf32, #tpu.memory_space<hbm>>
      %dma_start3A_42 = tpu.memref_squeeze %dma_start3A : memref<1x640xf32, #tpu.memory_space<hbm>> -> memref<640xf32, #tpu.memory_space<hbm>>
      %dma_start3A_43 = tpu.memref_slice %arg5[%mul3A_41] : memref<10240xf32, #tpu.memory_space<vmem_shared>> -> memref<640xf32, #tpu.memory_space<vmem_shared>>
      tpu.enqueue_dma source(%dma_start3A_43 : memref<640xf32, #tpu.memory_space<vmem_shared>>) target(%dma_start3A_42 : memref<640xf32, #tpu.memory_space<hbm>>) target_semaphore(%run_scoped3A : memref<!tpu.dma_semaphore, #tpu.memory_space<semaphore_mem>>)
      %dma_wait3A = tpu.memref_slice %arg4[%arg0, %mul3A_41] : memref<2x10240xf32, #tpu.memory_space<hbm>> -> memref<1x640xf32, #tpu.memory_space<hbm>>
      %dma_wait3A_44 = tpu.memref_squeeze %dma_wait3A : memref<1x640xf32, #tpu.memory_space<hbm>> -> memref<640xf32, #tpu.memory_space<hbm>>
      %dma_wait3A_45 = tpu.memref_slice %arg5[%mul3A_41] : memref<10240xf32, #tpu.memory_space<vmem_shared>> -> memref<640xf32, #tpu.memory_space<vmem_shared>>
      tpu.wait_dma2 semaphore(%run_scoped3A : memref<!tpu.dma_semaphore, #tpu.memory_space<semaphore_mem>>) src(%dma_wait3A_45 : memref<640xf32, #tpu.memory_space<vmem_shared>>) dst(%dma_wait3A_44 : memref<640xf32, #tpu.memory_space<hbm>>)
      tpu.yield
    }) : () -> ()
    return
  }
}

#map = affine_map<(d0, d1) -> (0, 0)>
#map1 = affine_map<(d0, d1) -> (0, 0, 0)>
module attributes {stable_mosaic.version = 14 : i64} {
  func.func @_agg(%arg0: i32, %arg1: i32, %arg2: memref<10240x24xf32, #tpu.memory_space<hbm>>, %arg3: memref<32x80x128xi32, #tpu.memory_space<hbm>>, %arg4: memref<32x80x128xi32, #tpu.memory_space<hbm>>, %arg5: memref<10240x24xf32, #tpu.memory_space<hbm>>, %arg6: memref<2x10240x24xf32, #tpu.memory_space<hbm>>, %arg7: memref<10240x24xf32, #tpu.memory_space<vmem_shared>>, %arg8: memref<80x128xi32, #tpu.memory_space<vmem>>, %arg9: memref<80x128xi32, #tpu.memory_space<vmem>>, %arg10: memref<8x128x24xf32, #tpu.memory_space<vmem>>, %arg11: memref<8x!tpu.dma_semaphore, #tpu.memory_space<semaphore_mem>>, %arg12: memref<8x!tpu.dma_semaphore, #tpu.memory_space<semaphore_mem>>) attributes {dimension_semantics = [#tpu.dimension_semantics<core_parallel>, #tpu.dimension_semantics<subcore_parallel>], iteration_bounds = array<i64: 2, 16>, scalar_prefetch = 0 : i64, scratch_operands = 6 : i64, tpu.core_type = #tpu.core_type<sc_vector_subcore>, window_params = [{transform_indices = #map}, {transform_indices = #map1}, {transform_indices = #map1}, {transform_indices = #map}, {transform_indices = #map1}]} {
    %mul3A = arith.constant 2 : i32
    %mul3A_0 = arith.muli %arg1, %mul3A : i32
    %add3A = arith.addi %mul3A_0, %arg0 : i32
    %mul3A_1 = arith.constant 640 : i32
    %mul3A_2 = arith.muli %arg1, %mul3A_1 : i32
    "tpu.region"() ({
      %run_scoped3A = tpu.sem_alloc : memref<!tpu.dma_semaphore, #tpu.memory_space<semaphore_mem>>
      %dma_start3A = arith.constant 0 : i32
      %dma_start3A_129 = tpu.memref_slice %arg7[%mul3A_2, %dma_start3A] : memref<10240x24xf32, #tpu.memory_space<vmem_shared>> -> memref<640x24xf32, #tpu.memory_space<vmem_shared>>
      %dma_start3A_130 = arith.constant 0 : i32
      %dma_start3A_131 = tpu.memref_slice %arg5[%mul3A_2, %dma_start3A_130] : memref<10240x24xf32, #tpu.memory_space<hbm>> -> memref<640x24xf32, #tpu.memory_space<hbm>>
      tpu.enqueue_dma source(%dma_start3A_131 : memref<640x24xf32, #tpu.memory_space<hbm>>) target(%dma_start3A_129 : memref<640x24xf32, #tpu.memory_space<vmem_shared>>) target_semaphore(%run_scoped3A : memref<!tpu.dma_semaphore, #tpu.memory_space<semaphore_mem>>)
      %dma_wait3A_132 = arith.constant 0 : i32
      %dma_wait3A_133 = tpu.memref_slice %arg7[%mul3A_2, %dma_wait3A_132] : memref<10240x24xf32, #tpu.memory_space<vmem_shared>> -> memref<640x24xf32, #tpu.memory_space<vmem_shared>>
      %dma_wait3A_134 = arith.constant 0 : i32
      %dma_wait3A_135 = tpu.memref_slice %arg5[%mul3A_2, %dma_wait3A_134] : memref<10240x24xf32, #tpu.memory_space<hbm>> -> memref<640x24xf32, #tpu.memory_space<hbm>>
      tpu.wait_dma2 semaphore(%run_scoped3A : memref<!tpu.dma_semaphore, #tpu.memory_space<semaphore_mem>>) src(%dma_wait3A_135 : memref<640x24xf32, #tpu.memory_space<hbm>>) dst(%dma_wait3A_133 : memref<640x24xf32, #tpu.memory_space<vmem_shared>>)
      tpu.yield
    }) : () -> ()
    "tpu.region"() ({
      %run_scoped3A = tpu.sem_alloc : memref<!tpu.dma_semaphore, #tpu.memory_space<semaphore_mem>>
      %dma_start3A = arith.constant 0 : i32
      %dma_start3A_129 = arith.constant 0 : i32
      %dma_start3A_130 = tpu.memref_slice %arg3[%add3A, %dma_start3A, %dma_start3A_129] : memref<32x80x128xi32, #tpu.memory_space<hbm>> -> memref<1x80x128xi32, #tpu.memory_space<hbm>>
      %dma_start3A_131 = tpu.memref_squeeze %dma_start3A_130 : memref<1x80x128xi32, #tpu.memory_space<hbm>> -> memref<80x128xi32, #tpu.memory_space<hbm>>
      %dma_start3A_132 = arith.constant 0 : i32
      %dma_start3A_133 = arith.constant 0 : i32
      %dma_start3A_134 = tpu.memref_slice %arg3[%add3A, %dma_start3A_132, %dma_start3A_133] : memref<32x80x128xi32, #tpu.memory_space<hbm>> -> memref<1x80x128xi32, #tpu.memory_space<hbm>>
      %dma_start3A_135 = tpu.memref_squeeze %dma_start3A_134 : memref<1x80x128xi32, #tpu.memory_space<hbm>> -> memref<80x128xi32, #tpu.memory_space<hbm>>
      tpu.enqueue_dma source(%dma_start3A_135 : memref<80x128xi32, #tpu.memory_space<hbm>>) target(%arg8 : memref<80x128xi32, #tpu.memory_space<vmem>>) target_semaphore(%run_scoped3A : memref<!tpu.dma_semaphore, #tpu.memory_space<semaphore_mem>>)
      %dma_wait3A_136 = arith.constant 0 : i32
      %dma_wait3A_137 = arith.constant 0 : i32
      %dma_wait3A_138 = tpu.memref_slice %arg3[%add3A, %dma_wait3A_136, %dma_wait3A_137] : memref<32x80x128xi32, #tpu.memory_space<hbm>> -> memref<1x80x128xi32, #tpu.memory_space<hbm>>
      %dma_wait3A_139 = tpu.memref_squeeze %dma_wait3A_138 : memref<1x80x128xi32, #tpu.memory_space<hbm>> -> memref<80x128xi32, #tpu.memory_space<hbm>>
      %dma_wait3A_140 = arith.constant 0 : i32
      %dma_wait3A_141 = arith.constant 0 : i32
      %dma_wait3A_142 = tpu.memref_slice %arg3[%add3A, %dma_wait3A_140, %dma_wait3A_141] : memref<32x80x128xi32, #tpu.memory_space<hbm>> -> memref<1x80x128xi32, #tpu.memory_space<hbm>>
      %dma_wait3A_143 = tpu.memref_squeeze %dma_wait3A_142 : memref<1x80x128xi32, #tpu.memory_space<hbm>> -> memref<80x128xi32, #tpu.memory_space<hbm>>
      tpu.wait_dma2 semaphore(%run_scoped3A : memref<!tpu.dma_semaphore, #tpu.memory_space<semaphore_mem>>) src(%dma_wait3A_143 : memref<80x128xi32, #tpu.memory_space<hbm>>) dst(%arg8 : memref<80x128xi32, #tpu.memory_space<vmem>>)
      tpu.yield
    }) : () -> ()
    "tpu.region"() ({
      %run_scoped3A = tpu.sem_alloc : memref<!tpu.dma_semaphore, #tpu.memory_space<semaphore_mem>>
      %dma_start3A = arith.constant 0 : i32
      %dma_start3A_129 = arith.constant 0 : i32
      %dma_start3A_130 = tpu.memref_slice %arg4[%add3A, %dma_start3A, %dma_start3A_129] : memref<32x80x128xi32, #tpu.memory_space<hbm>> -> memref<1x80x128xi32, #tpu.memory_space<hbm>>
      %dma_start3A_131 = tpu.memref_squeeze %dma_start3A_130 : memref<1x80x128xi32, #tpu.memory_space<hbm>> -> memref<80x128xi32, #tpu.memory_space<hbm>>
      %dma_start3A_132 = arith.constant 0 : i32
      %dma_start3A_133 = arith.constant 0 : i32
      %dma_start3A_134 = tpu.memref_slice %arg4[%add3A, %dma_start3A_132, %dma_start3A_133] : memref<32x80x128xi32, #tpu.memory_space<hbm>> -> memref<1x80x128xi32, #tpu.memory_space<hbm>>
      %dma_start3A_135 = tpu.memref_squeeze %dma_start3A_134 : memref<1x80x128xi32, #tpu.memory_space<hbm>> -> memref<80x128xi32, #tpu.memory_space<hbm>>
      tpu.enqueue_dma source(%dma_start3A_135 : memref<80x128xi32, #tpu.memory_space<hbm>>) target(%arg9 : memref<80x128xi32, #tpu.memory_space<vmem>>) target_semaphore(%run_scoped3A : memref<!tpu.dma_semaphore, #tpu.memory_space<semaphore_mem>>)
      %dma_wait3A_136 = arith.constant 0 : i32
      %dma_wait3A_137 = arith.constant 0 : i32
      %dma_wait3A_138 = tpu.memref_slice %arg4[%add3A, %dma_wait3A_136, %dma_wait3A_137] : memref<32x80x128xi32, #tpu.memory_space<hbm>> -> memref<1x80x128xi32, #tpu.memory_space<hbm>>
      %dma_wait3A_139 = tpu.memref_squeeze %dma_wait3A_138 : memref<1x80x128xi32, #tpu.memory_space<hbm>> -> memref<80x128xi32, #tpu.memory_space<hbm>>
      %dma_wait3A_140 = arith.constant 0 : i32
      %dma_wait3A_141 = arith.constant 0 : i32
      %dma_wait3A_142 = tpu.memref_slice %arg4[%add3A, %dma_wait3A_140, %dma_wait3A_141] : memref<32x80x128xi32, #tpu.memory_space<hbm>> -> memref<1x80x128xi32, #tpu.memory_space<hbm>>
      %dma_wait3A_143 = tpu.memref_squeeze %dma_wait3A_142 : memref<1x80x128xi32, #tpu.memory_space<hbm>> -> memref<80x128xi32, #tpu.memory_space<hbm>>
      tpu.wait_dma2 semaphore(%run_scoped3A : memref<!tpu.dma_semaphore, #tpu.memory_space<semaphore_mem>>) src(%dma_wait3A_143 : memref<80x128xi32, #tpu.memory_space<hbm>>) dst(%arg9 : memref<80x128xi32, #tpu.memory_space<vmem>>)
      tpu.yield
    }) : () -> ()
    %barrier3A = arith.constant 0 : index
    tpu.barrier barrier_id(%barrier3A)
    %scan3A = arith.constant 0 : i32
    %scan3A_3 = arith.constant 10 : i32
    %scan3A_4 = arith.addi %scan3A, %scan3A_3 : i32
    %scan3A_5 = arith.constant 1 : i32
    scf.for %scan3A_129 = %scan3A to %scan3A_4 step %scan3A_5  : i32 {
      %mul3A_130 = arith.constant 1 : i32
      %mul3A_131 = arith.muli %scan3A_129, %mul3A_130 : i32
      %add3A_132 = arith.constant 0 : i32
      %add3A_133 = arith.addi %add3A_132, %mul3A_131 : i32
      %mul3A_134 = arith.constant 8 : i32
      %mul3A_135 = arith.muli %add3A_133, %mul3A_134 : i32
      %gt3A = arith.constant 0 : i32
      %gt3A_136 = arith.cmpi sgt, %add3A_133, %gt3A : i32
      %convert_element_type3A = arith.extui %gt3A_136 : i1 to i32
      %cond3A = arith.constant 0 : i32
      %cond3A_137 = arith.cmpi ne, %convert_element_type3A, %cond3A : i32
      scf.if %cond3A_137 {
        %sub3A = arith.constant 8 : i32
        %sub3A_540 = arith.subi %mul3A_135, %sub3A : i32
        %add3A_541 = arith.constant 0 : i32
        %add3A_542 = arith.addi %sub3A_540, %add3A_541 : i32
        %dma_wait3A_543 = arith.constant 0 : i32
        %dma_wait3A_544 = arith.constant 0 : i32
        %dma_wait3A_545 = arith.constant 0 : i32
        %dma_wait3A_546 = arith.constant 0 : i32
        %dma_wait3A_547 = tpu.memref_slice %arg10[%dma_wait3A_543, %dma_wait3A_545, %dma_wait3A_546] : memref<8x128x24xf32, #tpu.memory_space<vmem>> -> memref<1x128x24xf32, #tpu.memory_space<vmem>>
        %dma_wait3A_548 = tpu.memref_squeeze %dma_wait3A_547 : memref<1x128x24xf32, #tpu.memory_space<vmem>> -> memref<128x24xf32, #tpu.memory_space<vmem>>
        %dma_wait3A_549 = arith.constant 0 : i32
        %dma_wait3A_550 = tpu.memref_slice %arg9[%add3A_542, %dma_wait3A_549] : memref<80x128xi32, #tpu.memory_space<vmem>> -> memref<1x128xi32, #tpu.memory_space<vmem>>
        %dma_wait3A_551 = tpu.memref_squeeze %dma_wait3A_550 : memref<1x128xi32, #tpu.memory_space<vmem>> -> memref<128xi32, #tpu.memory_space<vmem>>
        %dma_wait3A_552 = arith.constant 0 : i32
        %dma_wait3A_553 = arith.constant 0 : i32
        %dma_wait3A_554 = tpu.memref_slice %arg7[%dma_wait3A_552, %dma_wait3A_553] : memref<10240x24xf32, #tpu.memory_space<vmem_shared>> -> memref<10240x24xf32, #tpu.memory_space<vmem_shared>>
        %dma_wait3A_555 = tpu.memref_slice %arg12[%dma_wait3A_544] : memref<8x!tpu.dma_semaphore, #tpu.memory_space<semaphore_mem>> -> memref<1x!tpu.dma_semaphore, #tpu.memory_space<semaphore_mem>>
        %dma_wait3A_556 = tpu.memref_squeeze %dma_wait3A_555 : memref<1x!tpu.dma_semaphore, #tpu.memory_space<semaphore_mem>> -> memref<!tpu.dma_semaphore, #tpu.memory_space<semaphore_mem>>
        tpu.wait_indirect_dma semaphore(%dma_wait3A_556 : memref<!tpu.dma_semaphore, #tpu.memory_space<semaphore_mem>>) src(%dma_wait3A_548 : memref<128x24xf32, #tpu.memory_space<vmem>>) dst(%dma_wait3A_554 : memref<10240x24xf32, #tpu.memory_space<vmem_shared>>)
      } else {
      }
      %add3A_138 = arith.constant 0 : i32
      %add3A_139 = arith.addi %mul3A_135, %add3A_138 : i32
      %dma_start3A = arith.constant 0 : i32
      %dma_start3A_140 = arith.constant 0 : i32
      %dma_start3A_141 = arith.constant 0 : i32
      %dma_start3A_142 = arith.constant 0 : i32
      %dma_start3A_143 = tpu.memref_slice %arg10[%dma_start3A, %dma_start3A_141, %dma_start3A_142] : memref<8x128x24xf32, #tpu.memory_space<vmem>> -> memref<1x128x24xf32, #tpu.memory_space<vmem>>
      %dma_start3A_144 = tpu.memref_squeeze %dma_start3A_143 : memref<1x128x24xf32, #tpu.memory_space<vmem>> -> memref<128x24xf32, #tpu.memory_space<vmem>>
      %dma_start3A_145 = arith.constant 0 : i32
      %dma_start3A_146 = tpu.memref_slice %arg8[%add3A_139, %dma_start3A_145] : memref<80x128xi32, #tpu.memory_space<vmem>> -> memref<1x128xi32, #tpu.memory_space<vmem>>
      %dma_start3A_147 = tpu.memref_squeeze %dma_start3A_146 : memref<1x128xi32, #tpu.memory_space<vmem>> -> memref<128xi32, #tpu.memory_space<vmem>>
      %dma_start3A_148 = arith.constant 0 : i32
      %dma_start3A_149 = arith.constant 0 : i32
      %dma_start3A_150 = tpu.memref_slice %arg2[%dma_start3A_148, %dma_start3A_149] : memref<10240x24xf32, #tpu.memory_space<hbm>> -> memref<10240x24xf32, #tpu.memory_space<hbm>>
      %dma_start3A_151 = tpu.memref_slice %arg11[%dma_start3A_140] : memref<8x!tpu.dma_semaphore, #tpu.memory_space<semaphore_mem>> -> memref<1x!tpu.dma_semaphore, #tpu.memory_space<semaphore_mem>>
      %dma_start3A_152 = tpu.memref_squeeze %dma_start3A_151 : memref<1x!tpu.dma_semaphore, #tpu.memory_space<semaphore_mem>> -> memref<!tpu.dma_semaphore, #tpu.memory_space<semaphore_mem>>
      tpu.enqueue_indirect_dma source(%dma_start3A_150 : memref<10240x24xf32, #tpu.memory_space<hbm>>) target(%dma_start3A_144 : memref<128x24xf32, #tpu.memory_space<vmem>>) offsets(%dma_start3A_147 : memref<128xi32, #tpu.memory_space<vmem>>) semaphore(%dma_start3A_152 : memref<!tpu.dma_semaphore, #tpu.memory_space<semaphore_mem>>)
      %gt3A_153 = arith.constant 0 : i32
      %gt3A_154 = arith.cmpi sgt, %add3A_133, %gt3A_153 : i32
      %convert_element_type3A_155 = arith.extui %gt3A_154 : i1 to i32
      %cond3A_156 = arith.constant 0 : i32
      %cond3A_157 = arith.cmpi ne, %convert_element_type3A_155, %cond3A_156 : i32
      scf.if %cond3A_157 {
        %sub3A = arith.constant 8 : i32
        %sub3A_540 = arith.subi %mul3A_135, %sub3A : i32
        %add3A_541 = arith.constant 1 : i32
        %add3A_542 = arith.addi %sub3A_540, %add3A_541 : i32
        %dma_wait3A_543 = arith.constant 1 : i32
        %dma_wait3A_544 = arith.constant 1 : i32
        %dma_wait3A_545 = arith.constant 0 : i32
        %dma_wait3A_546 = arith.constant 0 : i32
        %dma_wait3A_547 = tpu.memref_slice %arg10[%dma_wait3A_543, %dma_wait3A_545, %dma_wait3A_546] : memref<8x128x24xf32, #tpu.memory_space<vmem>> -> memref<1x128x24xf32, #tpu.memory_space<vmem>>
        %dma_wait3A_548 = tpu.memref_squeeze %dma_wait3A_547 : memref<1x128x24xf32, #tpu.memory_space<vmem>> -> memref<128x24xf32, #tpu.memory_space<vmem>>
        %dma_wait3A_549 = arith.constant 0 : i32
        %dma_wait3A_550 = tpu.memref_slice %arg9[%add3A_542, %dma_wait3A_549] : memref<80x128xi32, #tpu.memory_space<vmem>> -> memref<1x128xi32, #tpu.memory_space<vmem>>
        %dma_wait3A_551 = tpu.memref_squeeze %dma_wait3A_550 : memref<1x128xi32, #tpu.memory_space<vmem>> -> memref<128xi32, #tpu.memory_space<vmem>>
        %dma_wait3A_552 = arith.constant 0 : i32
        %dma_wait3A_553 = arith.constant 0 : i32
        %dma_wait3A_554 = tpu.memref_slice %arg7[%dma_wait3A_552, %dma_wait3A_553] : memref<10240x24xf32, #tpu.memory_space<vmem_shared>> -> memref<10240x24xf32, #tpu.memory_space<vmem_shared>>
        %dma_wait3A_555 = tpu.memref_slice %arg12[%dma_wait3A_544] : memref<8x!tpu.dma_semaphore, #tpu.memory_space<semaphore_mem>> -> memref<1x!tpu.dma_semaphore, #tpu.memory_space<semaphore_mem>>
        %dma_wait3A_556 = tpu.memref_squeeze %dma_wait3A_555 : memref<1x!tpu.dma_semaphore, #tpu.memory_space<semaphore_mem>> -> memref<!tpu.dma_semaphore, #tpu.memory_space<semaphore_mem>>
        tpu.wait_indirect_dma semaphore(%dma_wait3A_556 : memref<!tpu.dma_semaphore, #tpu.memory_space<semaphore_mem>>) src(%dma_wait3A_548 : memref<128x24xf32, #tpu.memory_space<vmem>>) dst(%dma_wait3A_554 : memref<10240x24xf32, #tpu.memory_space<vmem_shared>>)
      } else {
      }
      %add3A_158 = arith.constant 1 : i32
      %add3A_159 = arith.addi %mul3A_135, %add3A_158 : i32
      %dma_start3A_160 = arith.constant 1 : i32
      %dma_start3A_161 = arith.constant 1 : i32
      %dma_start3A_162 = arith.constant 0 : i32
      %dma_start3A_163 = arith.constant 0 : i32
      %dma_start3A_164 = tpu.memref_slice %arg10[%dma_start3A_160, %dma_start3A_162, %dma_start3A_163] : memref<8x128x24xf32, #tpu.memory_space<vmem>> -> memref<1x128x24xf32, #tpu.memory_space<vmem>>
      %dma_start3A_165 = tpu.memref_squeeze %dma_start3A_164 : memref<1x128x24xf32, #tpu.memory_space<vmem>> -> memref<128x24xf32, #tpu.memory_space<vmem>>
      %dma_start3A_166 = arith.constant 0 : i32
      %dma_start3A_167 = tpu.memref_slice %arg8[%add3A_159, %dma_start3A_166] : memref<80x128xi32, #tpu.memory_space<vmem>> -> memref<1x128xi32, #tpu.memory_space<vmem>>
      %dma_start3A_168 = tpu.memref_squeeze %dma_start3A_167 : memref<1x128xi32, #tpu.memory_space<vmem>> -> memref<128xi32, #tpu.memory_space<vmem>>
      %dma_start3A_169 = arith.constant 0 : i32
      %dma_start3A_170 = arith.constant 0 : i32
      %dma_start3A_171 = tpu.memref_slice %arg2[%dma_start3A_169, %dma_start3A_170] : memref<10240x24xf32, #tpu.memory_space<hbm>> -> memref<10240x24xf32, #tpu.memory_space<hbm>>
      %dma_start3A_172 = tpu.memref_slice %arg11[%dma_start3A_161] : memref<8x!tpu.dma_semaphore, #tpu.memory_space<semaphore_mem>> -> memref<1x!tpu.dma_semaphore, #tpu.memory_space<semaphore_mem>>
      %dma_start3A_173 = tpu.memref_squeeze %dma_start3A_172 : memref<1x!tpu.dma_semaphore, #tpu.memory_space<semaphore_mem>> -> memref<!tpu.dma_semaphore, #tpu.memory_space<semaphore_mem>>
      tpu.enqueue_indirect_dma source(%dma_start3A_171 : memref<10240x24xf32, #tpu.memory_space<hbm>>) target(%dma_start3A_165 : memref<128x24xf32, #tpu.memory_space<vmem>>) offsets(%dma_start3A_168 : memref<128xi32, #tpu.memory_space<vmem>>) semaphore(%dma_start3A_173 : memref<!tpu.dma_semaphore, #tpu.memory_space<semaphore_mem>>)
      %gt3A_174 = arith.constant 0 : i32
      %gt3A_175 = arith.cmpi sgt, %add3A_133, %gt3A_174 : i32
      %convert_element_type3A_176 = arith.extui %gt3A_175 : i1 to i32
      %cond3A_177 = arith.constant 0 : i32
      %cond3A_178 = arith.cmpi ne, %convert_element_type3A_176, %cond3A_177 : i32
      scf.if %cond3A_178 {
        %sub3A = arith.constant 8 : i32
        %sub3A_540 = arith.subi %mul3A_135, %sub3A : i32
        %add3A_541 = arith.constant 2 : i32
        %add3A_542 = arith.addi %sub3A_540, %add3A_541 : i32
        %dma_wait3A_543 = arith.constant 2 : i32
        %dma_wait3A_544 = arith.constant 2 : i32
        %dma_wait3A_545 = arith.constant 0 : i32
        %dma_wait3A_546 = arith.constant 0 : i32
        %dma_wait3A_547 = tpu.memref_slice %arg10[%dma_wait3A_543, %dma_wait3A_545, %dma_wait3A_546] : memref<8x128x24xf32, #tpu.memory_space<vmem>> -> memref<1x128x24xf32, #tpu.memory_space<vmem>>
        %dma_wait3A_548 = tpu.memref_squeeze %dma_wait3A_547 : memref<1x128x24xf32, #tpu.memory_space<vmem>> -> memref<128x24xf32, #tpu.memory_space<vmem>>
        %dma_wait3A_549 = arith.constant 0 : i32
        %dma_wait3A_550 = tpu.memref_slice %arg9[%add3A_542, %dma_wait3A_549] : memref<80x128xi32, #tpu.memory_space<vmem>> -> memref<1x128xi32, #tpu.memory_space<vmem>>
        %dma_wait3A_551 = tpu.memref_squeeze %dma_wait3A_550 : memref<1x128xi32, #tpu.memory_space<vmem>> -> memref<128xi32, #tpu.memory_space<vmem>>
        %dma_wait3A_552 = arith.constant 0 : i32
        %dma_wait3A_553 = arith.constant 0 : i32
        %dma_wait3A_554 = tpu.memref_slice %arg7[%dma_wait3A_552, %dma_wait3A_553] : memref<10240x24xf32, #tpu.memory_space<vmem_shared>> -> memref<10240x24xf32, #tpu.memory_space<vmem_shared>>
        %dma_wait3A_555 = tpu.memref_slice %arg12[%dma_wait3A_544] : memref<8x!tpu.dma_semaphore, #tpu.memory_space<semaphore_mem>> -> memref<1x!tpu.dma_semaphore, #tpu.memory_space<semaphore_mem>>
        %dma_wait3A_556 = tpu.memref_squeeze %dma_wait3A_555 : memref<1x!tpu.dma_semaphore, #tpu.memory_space<semaphore_mem>> -> memref<!tpu.dma_semaphore, #tpu.memory_space<semaphore_mem>>
        tpu.wait_indirect_dma semaphore(%dma_wait3A_556 : memref<!tpu.dma_semaphore, #tpu.memory_space<semaphore_mem>>) src(%dma_wait3A_548 : memref<128x24xf32, #tpu.memory_space<vmem>>) dst(%dma_wait3A_554 : memref<10240x24xf32, #tpu.memory_space<vmem_shared>>)
      } else {
      }
      %add3A_179 = arith.constant 2 : i32
      %add3A_180 = arith.addi %mul3A_135, %add3A_179 : i32
      %dma_start3A_181 = arith.constant 2 : i32
      %dma_start3A_182 = arith.constant 2 : i32
      %dma_start3A_183 = arith.constant 0 : i32
      %dma_start3A_184 = arith.constant 0 : i32
      %dma_start3A_185 = tpu.memref_slice %arg10[%dma_start3A_181, %dma_start3A_183, %dma_start3A_184] : memref<8x128x24xf32, #tpu.memory_space<vmem>> -> memref<1x128x24xf32, #tpu.memory_space<vmem>>
      %dma_start3A_186 = tpu.memref_squeeze %dma_start3A_185 : memref<1x128x24xf32, #tpu.memory_space<vmem>> -> memref<128x24xf32, #tpu.memory_space<vmem>>
      %dma_start3A_187 = arith.constant 0 : i32
      %dma_start3A_188 = tpu.memref_slice %arg8[%add3A_180, %dma_start3A_187] : memref<80x128xi32, #tpu.memory_space<vmem>> -> memref<1x128xi32, #tpu.memory_space<vmem>>
      %dma_start3A_189 = tpu.memref_squeeze %dma_start3A_188 : memref<1x128xi32, #tpu.memory_space<vmem>> -> memref<128xi32, #tpu.memory_space<vmem>>
      %dma_start3A_190 = arith.constant 0 : i32
      %dma_start3A_191 = arith.constant 0 : i32
      %dma_start3A_192 = tpu.memref_slice %arg2[%dma_start3A_190, %dma_start3A_191] : memref<10240x24xf32, #tpu.memory_space<hbm>> -> memref<10240x24xf32, #tpu.memory_space<hbm>>
      %dma_start3A_193 = tpu.memref_slice %arg11[%dma_start3A_182] : memref<8x!tpu.dma_semaphore, #tpu.memory_space<semaphore_mem>> -> memref<1x!tpu.dma_semaphore, #tpu.memory_space<semaphore_mem>>
      %dma_start3A_194 = tpu.memref_squeeze %dma_start3A_193 : memref<1x!tpu.dma_semaphore, #tpu.memory_space<semaphore_mem>> -> memref<!tpu.dma_semaphore, #tpu.memory_space<semaphore_mem>>
      tpu.enqueue_indirect_dma source(%dma_start3A_192 : memref<10240x24xf32, #tpu.memory_space<hbm>>) target(%dma_start3A_186 : memref<128x24xf32, #tpu.memory_space<vmem>>) offsets(%dma_start3A_189 : memref<128xi32, #tpu.memory_space<vmem>>) semaphore(%dma_start3A_194 : memref<!tpu.dma_semaphore, #tpu.memory_space<semaphore_mem>>)
      %gt3A_195 = arith.constant 0 : i32
      %gt3A_196 = arith.cmpi sgt, %add3A_133, %gt3A_195 : i32
      %convert_element_type3A_197 = arith.extui %gt3A_196 : i1 to i32
      %cond3A_198 = arith.constant 0 : i32
      %cond3A_199 = arith.cmpi ne, %convert_element_type3A_197, %cond3A_198 : i32
      scf.if %cond3A_199 {
        %sub3A = arith.constant 8 : i32
        %sub3A_540 = arith.subi %mul3A_135, %sub3A : i32
        %add3A_541 = arith.constant 3 : i32
        %add3A_542 = arith.addi %sub3A_540, %add3A_541 : i32
        %dma_wait3A_543 = arith.constant 3 : i32
        %dma_wait3A_544 = arith.constant 3 : i32
        %dma_wait3A_545 = arith.constant 0 : i32
        %dma_wait3A_546 = arith.constant 0 : i32
        %dma_wait3A_547 = tpu.memref_slice %arg10[%dma_wait3A_543, %dma_wait3A_545, %dma_wait3A_546] : memref<8x128x24xf32, #tpu.memory_space<vmem>> -> memref<1x128x24xf32, #tpu.memory_space<vmem>>
        %dma_wait3A_548 = tpu.memref_squeeze %dma_wait3A_547 : memref<1x128x24xf32, #tpu.memory_space<vmem>> -> memref<128x24xf32, #tpu.memory_space<vmem>>
        %dma_wait3A_549 = arith.constant 0 : i32
        %dma_wait3A_550 = tpu.memref_slice %arg9[%add3A_542, %dma_wait3A_549] : memref<80x128xi32, #tpu.memory_space<vmem>> -> memref<1x128xi32, #tpu.memory_space<vmem>>
        %dma_wait3A_551 = tpu.memref_squeeze %dma_wait3A_550 : memref<1x128xi32, #tpu.memory_space<vmem>> -> memref<128xi32, #tpu.memory_space<vmem>>
        %dma_wait3A_552 = arith.constant 0 : i32
        %dma_wait3A_553 = arith.constant 0 : i32
        %dma_wait3A_554 = tpu.memref_slice %arg7[%dma_wait3A_552, %dma_wait3A_553] : memref<10240x24xf32, #tpu.memory_space<vmem_shared>> -> memref<10240x24xf32, #tpu.memory_space<vmem_shared>>
        %dma_wait3A_555 = tpu.memref_slice %arg12[%dma_wait3A_544] : memref<8x!tpu.dma_semaphore, #tpu.memory_space<semaphore_mem>> -> memref<1x!tpu.dma_semaphore, #tpu.memory_space<semaphore_mem>>
        %dma_wait3A_556 = tpu.memref_squeeze %dma_wait3A_555 : memref<1x!tpu.dma_semaphore, #tpu.memory_space<semaphore_mem>> -> memref<!tpu.dma_semaphore, #tpu.memory_space<semaphore_mem>>
        tpu.wait_indirect_dma semaphore(%dma_wait3A_556 : memref<!tpu.dma_semaphore, #tpu.memory_space<semaphore_mem>>) src(%dma_wait3A_548 : memref<128x24xf32, #tpu.memory_space<vmem>>) dst(%dma_wait3A_554 : memref<10240x24xf32, #tpu.memory_space<vmem_shared>>)
      } else {
      }
      %add3A_200 = arith.constant 3 : i32
      %add3A_201 = arith.addi %mul3A_135, %add3A_200 : i32
      %dma_start3A_202 = arith.constant 3 : i32
      %dma_start3A_203 = arith.constant 3 : i32
      %dma_start3A_204 = arith.constant 0 : i32
      %dma_start3A_205 = arith.constant 0 : i32
      %dma_start3A_206 = tpu.memref_slice %arg10[%dma_start3A_202, %dma_start3A_204, %dma_start3A_205] : memref<8x128x24xf32, #tpu.memory_space<vmem>> -> memref<1x128x24xf32, #tpu.memory_space<vmem>>
      %dma_start3A_207 = tpu.memref_squeeze %dma_start3A_206 : memref<1x128x24xf32, #tpu.memory_space<vmem>> -> memref<128x24xf32, #tpu.memory_space<vmem>>
      %dma_start3A_208 = arith.constant 0 : i32
      %dma_start3A_209 = tpu.memref_slice %arg8[%add3A_201, %dma_start3A_208] : memref<80x128xi32, #tpu.memory_space<vmem>> -> memref<1x128xi32, #tpu.memory_space<vmem>>
      %dma_start3A_210 = tpu.memref_squeeze %dma_start3A_209 : memref<1x128xi32, #tpu.memory_space<vmem>> -> memref<128xi32, #tpu.memory_space<vmem>>
      %dma_start3A_211 = arith.constant 0 : i32
      %dma_start3A_212 = arith.constant 0 : i32
      %dma_start3A_213 = tpu.memref_slice %arg2[%dma_start3A_211, %dma_start3A_212] : memref<10240x24xf32, #tpu.memory_space<hbm>> -> memref<10240x24xf32, #tpu.memory_space<hbm>>
      %dma_start3A_214 = tpu.memref_slice %arg11[%dma_start3A_203] : memref<8x!tpu.dma_semaphore, #tpu.memory_space<semaphore_mem>> -> memref<1x!tpu.dma_semaphore, #tpu.memory_space<semaphore_mem>>
      %dma_start3A_215 = tpu.memref_squeeze %dma_start3A_214 : memref<1x!tpu.dma_semaphore, #tpu.memory_space<semaphore_mem>> -> memref<!tpu.dma_semaphore, #tpu.memory_space<semaphore_mem>>
      tpu.enqueue_indirect_dma source(%dma_start3A_213 : memref<10240x24xf32, #tpu.memory_space<hbm>>) target(%dma_start3A_207 : memref<128x24xf32, #tpu.memory_space<vmem>>) offsets(%dma_start3A_210 : memref<128xi32, #tpu.memory_space<vmem>>) semaphore(%dma_start3A_215 : memref<!tpu.dma_semaphore, #tpu.memory_space<semaphore_mem>>)
      %gt3A_216 = arith.constant 0 : i32
      %gt3A_217 = arith.cmpi sgt, %add3A_133, %gt3A_216 : i32
      %convert_element_type3A_218 = arith.extui %gt3A_217 : i1 to i32
      %cond3A_219 = arith.constant 0 : i32
      %cond3A_220 = arith.cmpi ne, %convert_element_type3A_218, %cond3A_219 : i32
      scf.if %cond3A_220 {
        %sub3A = arith.constant 8 : i32
        %sub3A_540 = arith.subi %mul3A_135, %sub3A : i32
        %add3A_541 = arith.constant 4 : i32
        %add3A_542 = arith.addi %sub3A_540, %add3A_541 : i32
        %dma_wait3A_543 = arith.constant 4 : i32
        %dma_wait3A_544 = arith.constant 4 : i32
        %dma_wait3A_545 = arith.constant 0 : i32
        %dma_wait3A_546 = arith.constant 0 : i32
        %dma_wait3A_547 = tpu.memref_slice %arg10[%dma_wait3A_543, %dma_wait3A_545, %dma_wait3A_546] : memref<8x128x24xf32, #tpu.memory_space<vmem>> -> memref<1x128x24xf32, #tpu.memory_space<vmem>>
        %dma_wait3A_548 = tpu.memref_squeeze %dma_wait3A_547 : memref<1x128x24xf32, #tpu.memory_space<vmem>> -> memref<128x24xf32, #tpu.memory_space<vmem>>
        %dma_wait3A_549 = arith.constant 0 : i32
        %dma_wait3A_550 = tpu.memref_slice %arg9[%add3A_542, %dma_wait3A_549] : memref<80x128xi32, #tpu.memory_space<vmem>> -> memref<1x128xi32, #tpu.memory_space<vmem>>
        %dma_wait3A_551 = tpu.memref_squeeze %dma_wait3A_550 : memref<1x128xi32, #tpu.memory_space<vmem>> -> memref<128xi32, #tpu.memory_space<vmem>>
        %dma_wait3A_552 = arith.constant 0 : i32
        %dma_wait3A_553 = arith.constant 0 : i32
        %dma_wait3A_554 = tpu.memref_slice %arg7[%dma_wait3A_552, %dma_wait3A_553] : memref<10240x24xf32, #tpu.memory_space<vmem_shared>> -> memref<10240x24xf32, #tpu.memory_space<vmem_shared>>
        %dma_wait3A_555 = tpu.memref_slice %arg12[%dma_wait3A_544] : memref<8x!tpu.dma_semaphore, #tpu.memory_space<semaphore_mem>> -> memref<1x!tpu.dma_semaphore, #tpu.memory_space<semaphore_mem>>
        %dma_wait3A_556 = tpu.memref_squeeze %dma_wait3A_555 : memref<1x!tpu.dma_semaphore, #tpu.memory_space<semaphore_mem>> -> memref<!tpu.dma_semaphore, #tpu.memory_space<semaphore_mem>>
        tpu.wait_indirect_dma semaphore(%dma_wait3A_556 : memref<!tpu.dma_semaphore, #tpu.memory_space<semaphore_mem>>) src(%dma_wait3A_548 : memref<128x24xf32, #tpu.memory_space<vmem>>) dst(%dma_wait3A_554 : memref<10240x24xf32, #tpu.memory_space<vmem_shared>>)
      } else {
      }
      %add3A_221 = arith.constant 4 : i32
      %add3A_222 = arith.addi %mul3A_135, %add3A_221 : i32
      %dma_start3A_223 = arith.constant 4 : i32
      %dma_start3A_224 = arith.constant 4 : i32
      %dma_start3A_225 = arith.constant 0 : i32
      %dma_start3A_226 = arith.constant 0 : i32
      %dma_start3A_227 = tpu.memref_slice %arg10[%dma_start3A_223, %dma_start3A_225, %dma_start3A_226] : memref<8x128x24xf32, #tpu.memory_space<vmem>> -> memref<1x128x24xf32, #tpu.memory_space<vmem>>
      %dma_start3A_228 = tpu.memref_squeeze %dma_start3A_227 : memref<1x128x24xf32, #tpu.memory_space<vmem>> -> memref<128x24xf32, #tpu.memory_space<vmem>>
      %dma_start3A_229 = arith.constant 0 : i32
      %dma_start3A_230 = tpu.memref_slice %arg8[%add3A_222, %dma_start3A_229] : memref<80x128xi32, #tpu.memory_space<vmem>> -> memref<1x128xi32, #tpu.memory_space<vmem>>
      %dma_start3A_231 = tpu.memref_squeeze %dma_start3A_230 : memref<1x128xi32, #tpu.memory_space<vmem>> -> memref<128xi32, #tpu.memory_space<vmem>>
      %dma_start3A_232 = arith.constant 0 : i32
      %dma_start3A_233 = arith.constant 0 : i32
      %dma_start3A_234 = tpu.memref_slice %arg2[%dma_start3A_232, %dma_start3A_233] : memref<10240x24xf32, #tpu.memory_space<hbm>> -> memref<10240x24xf32, #tpu.memory_space<hbm>>
      %dma_start3A_235 = tpu.memref_slice %arg11[%dma_start3A_224] : memref<8x!tpu.dma_semaphore, #tpu.memory_space<semaphore_mem>> -> memref<1x!tpu.dma_semaphore, #tpu.memory_space<semaphore_mem>>
      %dma_start3A_236 = tpu.memref_squeeze %dma_start3A_235 : memref<1x!tpu.dma_semaphore, #tpu.memory_space<semaphore_mem>> -> memref<!tpu.dma_semaphore, #tpu.memory_space<semaphore_mem>>
      tpu.enqueue_indirect_dma source(%dma_start3A_234 : memref<10240x24xf32, #tpu.memory_space<hbm>>) target(%dma_start3A_228 : memref<128x24xf32, #tpu.memory_space<vmem>>) offsets(%dma_start3A_231 : memref<128xi32, #tpu.memory_space<vmem>>) semaphore(%dma_start3A_236 : memref<!tpu.dma_semaphore, #tpu.memory_space<semaphore_mem>>)
      %gt3A_237 = arith.constant 0 : i32
      %gt3A_238 = arith.cmpi sgt, %add3A_133, %gt3A_237 : i32
      %convert_element_type3A_239 = arith.extui %gt3A_238 : i1 to i32
      %cond3A_240 = arith.constant 0 : i32
      %cond3A_241 = arith.cmpi ne, %convert_element_type3A_239, %cond3A_240 : i32
      scf.if %cond3A_241 {
        %sub3A = arith.constant 8 : i32
        %sub3A_540 = arith.subi %mul3A_135, %sub3A : i32
        %add3A_541 = arith.constant 5 : i32
        %add3A_542 = arith.addi %sub3A_540, %add3A_541 : i32
        %dma_wait3A_543 = arith.constant 5 : i32
        %dma_wait3A_544 = arith.constant 5 : i32
        %dma_wait3A_545 = arith.constant 0 : i32
        %dma_wait3A_546 = arith.constant 0 : i32
        %dma_wait3A_547 = tpu.memref_slice %arg10[%dma_wait3A_543, %dma_wait3A_545, %dma_wait3A_546] : memref<8x128x24xf32, #tpu.memory_space<vmem>> -> memref<1x128x24xf32, #tpu.memory_space<vmem>>
        %dma_wait3A_548 = tpu.memref_squeeze %dma_wait3A_547 : memref<1x128x24xf32, #tpu.memory_space<vmem>> -> memref<128x24xf32, #tpu.memory_space<vmem>>
        %dma_wait3A_549 = arith.constant 0 : i32
        %dma_wait3A_550 = tpu.memref_slice %arg9[%add3A_542, %dma_wait3A_549] : memref<80x128xi32, #tpu.memory_space<vmem>> -> memref<1x128xi32, #tpu.memory_space<vmem>>
        %dma_wait3A_551 = tpu.memref_squeeze %dma_wait3A_550 : memref<1x128xi32, #tpu.memory_space<vmem>> -> memref<128xi32, #tpu.memory_space<vmem>>
        %dma_wait3A_552 = arith.constant 0 : i32
        %dma_wait3A_553 = arith.constant 0 : i32
        %dma_wait3A_554 = tpu.memref_slice %arg7[%dma_wait3A_552, %dma_wait3A_553] : memref<10240x24xf32, #tpu.memory_space<vmem_shared>> -> memref<10240x24xf32, #tpu.memory_space<vmem_shared>>
        %dma_wait3A_555 = tpu.memref_slice %arg12[%dma_wait3A_544] : memref<8x!tpu.dma_semaphore, #tpu.memory_space<semaphore_mem>> -> memref<1x!tpu.dma_semaphore, #tpu.memory_space<semaphore_mem>>
        %dma_wait3A_556 = tpu.memref_squeeze %dma_wait3A_555 : memref<1x!tpu.dma_semaphore, #tpu.memory_space<semaphore_mem>> -> memref<!tpu.dma_semaphore, #tpu.memory_space<semaphore_mem>>
        tpu.wait_indirect_dma semaphore(%dma_wait3A_556 : memref<!tpu.dma_semaphore, #tpu.memory_space<semaphore_mem>>) src(%dma_wait3A_548 : memref<128x24xf32, #tpu.memory_space<vmem>>) dst(%dma_wait3A_554 : memref<10240x24xf32, #tpu.memory_space<vmem_shared>>)
      } else {
      }
      %add3A_242 = arith.constant 5 : i32
      %add3A_243 = arith.addi %mul3A_135, %add3A_242 : i32
      %dma_start3A_244 = arith.constant 5 : i32
      %dma_start3A_245 = arith.constant 5 : i32
      %dma_start3A_246 = arith.constant 0 : i32
      %dma_start3A_247 = arith.constant 0 : i32
      %dma_start3A_248 = tpu.memref_slice %arg10[%dma_start3A_244, %dma_start3A_246, %dma_start3A_247] : memref<8x128x24xf32, #tpu.memory_space<vmem>> -> memref<1x128x24xf32, #tpu.memory_space<vmem>>
      %dma_start3A_249 = tpu.memref_squeeze %dma_start3A_248 : memref<1x128x24xf32, #tpu.memory_space<vmem>> -> memref<128x24xf32, #tpu.memory_space<vmem>>
      %dma_start3A_250 = arith.constant 0 : i32
      %dma_start3A_251 = tpu.memref_slice %arg8[%add3A_243, %dma_start3A_250] : memref<80x128xi32, #tpu.memory_space<vmem>> -> memref<1x128xi32, #tpu.memory_space<vmem>>
      %dma_start3A_252 = tpu.memref_squeeze %dma_start3A_251 : memref<1x128xi32, #tpu.memory_space<vmem>> -> memref<128xi32, #tpu.memory_space<vmem>>
      %dma_start3A_253 = arith.constant 0 : i32
      %dma_start3A_254 = arith.constant 0 : i32
      %dma_start3A_255 = tpu.memref_slice %arg2[%dma_start3A_253, %dma_start3A_254] : memref<10240x24xf32, #tpu.memory_space<hbm>> -> memref<10240x24xf32, #tpu.memory_space<hbm>>
      %dma_start3A_256 = tpu.memref_slice %arg11[%dma_start3A_245] : memref<8x!tpu.dma_semaphore, #tpu.memory_space<semaphore_mem>> -> memref<1x!tpu.dma_semaphore, #tpu.memory_space<semaphore_mem>>
      %dma_start3A_257 = tpu.memref_squeeze %dma_start3A_256 : memref<1x!tpu.dma_semaphore, #tpu.memory_space<semaphore_mem>> -> memref<!tpu.dma_semaphore, #tpu.memory_space<semaphore_mem>>
      tpu.enqueue_indirect_dma source(%dma_start3A_255 : memref<10240x24xf32, #tpu.memory_space<hbm>>) target(%dma_start3A_249 : memref<128x24xf32, #tpu.memory_space<vmem>>) offsets(%dma_start3A_252 : memref<128xi32, #tpu.memory_space<vmem>>) semaphore(%dma_start3A_257 : memref<!tpu.dma_semaphore, #tpu.memory_space<semaphore_mem>>)
      %gt3A_258 = arith.constant 0 : i32
      %gt3A_259 = arith.cmpi sgt, %add3A_133, %gt3A_258 : i32
      %convert_element_type3A_260 = arith.extui %gt3A_259 : i1 to i32
      %cond3A_261 = arith.constant 0 : i32
      %cond3A_262 = arith.cmpi ne, %convert_element_type3A_260, %cond3A_261 : i32
      scf.if %cond3A_262 {
        %sub3A = arith.constant 8 : i32
        %sub3A_540 = arith.subi %mul3A_135, %sub3A : i32
        %add3A_541 = arith.constant 6 : i32
        %add3A_542 = arith.addi %sub3A_540, %add3A_541 : i32
        %dma_wait3A_543 = arith.constant 6 : i32
        %dma_wait3A_544 = arith.constant 6 : i32
        %dma_wait3A_545 = arith.constant 0 : i32
        %dma_wait3A_546 = arith.constant 0 : i32
        %dma_wait3A_547 = tpu.memref_slice %arg10[%dma_wait3A_543, %dma_wait3A_545, %dma_wait3A_546] : memref<8x128x24xf32, #tpu.memory_space<vmem>> -> memref<1x128x24xf32, #tpu.memory_space<vmem>>
        %dma_wait3A_548 = tpu.memref_squeeze %dma_wait3A_547 : memref<1x128x24xf32, #tpu.memory_space<vmem>> -> memref<128x24xf32, #tpu.memory_space<vmem>>
        %dma_wait3A_549 = arith.constant 0 : i32
        %dma_wait3A_550 = tpu.memref_slice %arg9[%add3A_542, %dma_wait3A_549] : memref<80x128xi32, #tpu.memory_space<vmem>> -> memref<1x128xi32, #tpu.memory_space<vmem>>
        %dma_wait3A_551 = tpu.memref_squeeze %dma_wait3A_550 : memref<1x128xi32, #tpu.memory_space<vmem>> -> memref<128xi32, #tpu.memory_space<vmem>>
        %dma_wait3A_552 = arith.constant 0 : i32
        %dma_wait3A_553 = arith.constant 0 : i32
        %dma_wait3A_554 = tpu.memref_slice %arg7[%dma_wait3A_552, %dma_wait3A_553] : memref<10240x24xf32, #tpu.memory_space<vmem_shared>> -> memref<10240x24xf32, #tpu.memory_space<vmem_shared>>
        %dma_wait3A_555 = tpu.memref_slice %arg12[%dma_wait3A_544] : memref<8x!tpu.dma_semaphore, #tpu.memory_space<semaphore_mem>> -> memref<1x!tpu.dma_semaphore, #tpu.memory_space<semaphore_mem>>
        %dma_wait3A_556 = tpu.memref_squeeze %dma_wait3A_555 : memref<1x!tpu.dma_semaphore, #tpu.memory_space<semaphore_mem>> -> memref<!tpu.dma_semaphore, #tpu.memory_space<semaphore_mem>>
        tpu.wait_indirect_dma semaphore(%dma_wait3A_556 : memref<!tpu.dma_semaphore, #tpu.memory_space<semaphore_mem>>) src(%dma_wait3A_548 : memref<128x24xf32, #tpu.memory_space<vmem>>) dst(%dma_wait3A_554 : memref<10240x24xf32, #tpu.memory_space<vmem_shared>>)
      } else {
      }
      %add3A_263 = arith.constant 6 : i32
      %add3A_264 = arith.addi %mul3A_135, %add3A_263 : i32
      %dma_start3A_265 = arith.constant 6 : i32
      %dma_start3A_266 = arith.constant 6 : i32
      %dma_start3A_267 = arith.constant 0 : i32
      %dma_start3A_268 = arith.constant 0 : i32
      %dma_start3A_269 = tpu.memref_slice %arg10[%dma_start3A_265, %dma_start3A_267, %dma_start3A_268] : memref<8x128x24xf32, #tpu.memory_space<vmem>> -> memref<1x128x24xf32, #tpu.memory_space<vmem>>
      %dma_start3A_270 = tpu.memref_squeeze %dma_start3A_269 : memref<1x128x24xf32, #tpu.memory_space<vmem>> -> memref<128x24xf32, #tpu.memory_space<vmem>>
      %dma_start3A_271 = arith.constant 0 : i32
      %dma_start3A_272 = tpu.memref_slice %arg8[%add3A_264, %dma_start3A_271] : memref<80x128xi32, #tpu.memory_space<vmem>> -> memref<1x128xi32, #tpu.memory_space<vmem>>
      %dma_start3A_273 = tpu.memref_squeeze %dma_start3A_272 : memref<1x128xi32, #tpu.memory_space<vmem>> -> memref<128xi32, #tpu.memory_space<vmem>>
      %dma_start3A_274 = arith.constant 0 : i32
      %dma_start3A_275 = arith.constant 0 : i32
      %dma_start3A_276 = tpu.memref_slice %arg2[%dma_start3A_274, %dma_start3A_275] : memref<10240x24xf32, #tpu.memory_space<hbm>> -> memref<10240x24xf32, #tpu.memory_space<hbm>>
      %dma_start3A_277 = tpu.memref_slice %arg11[%dma_start3A_266] : memref<8x!tpu.dma_semaphore, #tpu.memory_space<semaphore_mem>> -> memref<1x!tpu.dma_semaphore, #tpu.memory_space<semaphore_mem>>
      %dma_start3A_278 = tpu.memref_squeeze %dma_start3A_277 : memref<1x!tpu.dma_semaphore, #tpu.memory_space<semaphore_mem>> -> memref<!tpu.dma_semaphore, #tpu.memory_space<semaphore_mem>>
      tpu.enqueue_indirect_dma source(%dma_start3A_276 : memref<10240x24xf32, #tpu.memory_space<hbm>>) target(%dma_start3A_270 : memref<128x24xf32, #tpu.memory_space<vmem>>) offsets(%dma_start3A_273 : memref<128xi32, #tpu.memory_space<vmem>>) semaphore(%dma_start3A_278 : memref<!tpu.dma_semaphore, #tpu.memory_space<semaphore_mem>>)
      %gt3A_279 = arith.constant 0 : i32
      %gt3A_280 = arith.cmpi sgt, %add3A_133, %gt3A_279 : i32
      %convert_element_type3A_281 = arith.extui %gt3A_280 : i1 to i32
      %cond3A_282 = arith.constant 0 : i32
      %cond3A_283 = arith.cmpi ne, %convert_element_type3A_281, %cond3A_282 : i32
      scf.if %cond3A_283 {
        %sub3A = arith.constant 8 : i32
        %sub3A_540 = arith.subi %mul3A_135, %sub3A : i32
        %add3A_541 = arith.constant 7 : i32
        %add3A_542 = arith.addi %sub3A_540, %add3A_541 : i32
        %dma_wait3A_543 = arith.constant 7 : i32
        %dma_wait3A_544 = arith.constant 7 : i32
        %dma_wait3A_545 = arith.constant 0 : i32
        %dma_wait3A_546 = arith.constant 0 : i32
        %dma_wait3A_547 = tpu.memref_slice %arg10[%dma_wait3A_543, %dma_wait3A_545, %dma_wait3A_546] : memref<8x128x24xf32, #tpu.memory_space<vmem>> -> memref<1x128x24xf32, #tpu.memory_space<vmem>>
        %dma_wait3A_548 = tpu.memref_squeeze %dma_wait3A_547 : memref<1x128x24xf32, #tpu.memory_space<vmem>> -> memref<128x24xf32, #tpu.memory_space<vmem>>
        %dma_wait3A_549 = arith.constant 0 : i32
        %dma_wait3A_550 = tpu.memref_slice %arg9[%add3A_542, %dma_wait3A_549] : memref<80x128xi32, #tpu.memory_space<vmem>> -> memref<1x128xi32, #tpu.memory_space<vmem>>
        %dma_wait3A_551 = tpu.memref_squeeze %dma_wait3A_550 : memref<1x128xi32, #tpu.memory_space<vmem>> -> memref<128xi32, #tpu.memory_space<vmem>>
        %dma_wait3A_552 = arith.constant 0 : i32
        %dma_wait3A_553 = arith.constant 0 : i32
        %dma_wait3A_554 = tpu.memref_slice %arg7[%dma_wait3A_552, %dma_wait3A_553] : memref<10240x24xf32, #tpu.memory_space<vmem_shared>> -> memref<10240x24xf32, #tpu.memory_space<vmem_shared>>
        %dma_wait3A_555 = tpu.memref_slice %arg12[%dma_wait3A_544] : memref<8x!tpu.dma_semaphore, #tpu.memory_space<semaphore_mem>> -> memref<1x!tpu.dma_semaphore, #tpu.memory_space<semaphore_mem>>
        %dma_wait3A_556 = tpu.memref_squeeze %dma_wait3A_555 : memref<1x!tpu.dma_semaphore, #tpu.memory_space<semaphore_mem>> -> memref<!tpu.dma_semaphore, #tpu.memory_space<semaphore_mem>>
        tpu.wait_indirect_dma semaphore(%dma_wait3A_556 : memref<!tpu.dma_semaphore, #tpu.memory_space<semaphore_mem>>) src(%dma_wait3A_548 : memref<128x24xf32, #tpu.memory_space<vmem>>) dst(%dma_wait3A_554 : memref<10240x24xf32, #tpu.memory_space<vmem_shared>>)
      } else {
      }
      %add3A_284 = arith.constant 7 : i32
      %add3A_285 = arith.addi %mul3A_135, %add3A_284 : i32
      %dma_start3A_286 = arith.constant 7 : i32
      %dma_start3A_287 = arith.constant 7 : i32
      %dma_start3A_288 = arith.constant 0 : i32
      %dma_start3A_289 = arith.constant 0 : i32
      %dma_start3A_290 = tpu.memref_slice %arg10[%dma_start3A_286, %dma_start3A_288, %dma_start3A_289] : memref<8x128x24xf32, #tpu.memory_space<vmem>> -> memref<1x128x24xf32, #tpu.memory_space<vmem>>
      %dma_start3A_291 = tpu.memref_squeeze %dma_start3A_290 : memref<1x128x24xf32, #tpu.memory_space<vmem>> -> memref<128x24xf32, #tpu.memory_space<vmem>>
      %dma_start3A_292 = arith.constant 0 : i32
      %dma_start3A_293 = tpu.memref_slice %arg8[%add3A_285, %dma_start3A_292] : memref<80x128xi32, #tpu.memory_space<vmem>> -> memref<1x128xi32, #tpu.memory_space<vmem>>
      %dma_start3A_294 = tpu.memref_squeeze %dma_start3A_293 : memref<1x128xi32, #tpu.memory_space<vmem>> -> memref<128xi32, #tpu.memory_space<vmem>>
      %dma_start3A_295 = arith.constant 0 : i32
      %dma_start3A_296 = arith.constant 0 : i32
      %dma_start3A_297 = tpu.memref_slice %arg2[%dma_start3A_295, %dma_start3A_296] : memref<10240x24xf32, #tpu.memory_space<hbm>> -> memref<10240x24xf32, #tpu.memory_space<hbm>>
      %dma_start3A_298 = tpu.memref_slice %arg11[%dma_start3A_287] : memref<8x!tpu.dma_semaphore, #tpu.memory_space<semaphore_mem>> -> memref<1x!tpu.dma_semaphore, #tpu.memory_space<semaphore_mem>>
      %dma_start3A_299 = tpu.memref_squeeze %dma_start3A_298 : memref<1x!tpu.dma_semaphore, #tpu.memory_space<semaphore_mem>> -> memref<!tpu.dma_semaphore, #tpu.memory_space<semaphore_mem>>
      tpu.enqueue_indirect_dma source(%dma_start3A_297 : memref<10240x24xf32, #tpu.memory_space<hbm>>) target(%dma_start3A_291 : memref<128x24xf32, #tpu.memory_space<vmem>>) offsets(%dma_start3A_294 : memref<128xi32, #tpu.memory_space<vmem>>) semaphore(%dma_start3A_299 : memref<!tpu.dma_semaphore, #tpu.memory_space<semaphore_mem>>)
      %dma_wait3A_300 = arith.constant 0 : i32
      %dma_wait3A_301 = arith.constant 0 : i32
      %dma_wait3A_302 = arith.constant 0 : i32
      %dma_wait3A_303 = arith.constant 0 : i32
      %dma_wait3A_304 = tpu.memref_slice %arg10[%dma_wait3A_300, %dma_wait3A_302, %dma_wait3A_303] : memref<8x128x24xf32, #tpu.memory_space<vmem>> -> memref<1x128x24xf32, #tpu.memory_space<vmem>>
      %dma_wait3A_305 = tpu.memref_squeeze %dma_wait3A_304 : memref<1x128x24xf32, #tpu.memory_space<vmem>> -> memref<128x24xf32, #tpu.memory_space<vmem>>
      %dma_wait3A_306 = arith.constant 0 : i32
      %dma_wait3A_307 = tpu.memref_slice %arg8[%add3A_139, %dma_wait3A_306] : memref<80x128xi32, #tpu.memory_space<vmem>> -> memref<1x128xi32, #tpu.memory_space<vmem>>
      %dma_wait3A_308 = tpu.memref_squeeze %dma_wait3A_307 : memref<1x128xi32, #tpu.memory_space<vmem>> -> memref<128xi32, #tpu.memory_space<vmem>>
      %dma_wait3A_309 = arith.constant 0 : i32
      %dma_wait3A_310 = arith.constant 0 : i32
      %dma_wait3A_311 = tpu.memref_slice %arg2[%dma_wait3A_309, %dma_wait3A_310] : memref<10240x24xf32, #tpu.memory_space<hbm>> -> memref<10240x24xf32, #tpu.memory_space<hbm>>
      %dma_wait3A_312 = tpu.memref_slice %arg11[%dma_wait3A_301] : memref<8x!tpu.dma_semaphore, #tpu.memory_space<semaphore_mem>> -> memref<1x!tpu.dma_semaphore, #tpu.memory_space<semaphore_mem>>
      %dma_wait3A_313 = tpu.memref_squeeze %dma_wait3A_312 : memref<1x!tpu.dma_semaphore, #tpu.memory_space<semaphore_mem>> -> memref<!tpu.dma_semaphore, #tpu.memory_space<semaphore_mem>>
      tpu.wait_indirect_dma semaphore(%dma_wait3A_313 : memref<!tpu.dma_semaphore, #tpu.memory_space<semaphore_mem>>) src(%dma_wait3A_311 : memref<10240x24xf32, #tpu.memory_space<hbm>>) dst(%dma_wait3A_305 : memref<128x24xf32, #tpu.memory_space<vmem>>)
      %add3A_314 = arith.constant 0 : i32
      %add3A_315 = arith.addi %mul3A_135, %add3A_314 : i32
      %dma_start3A_316 = arith.constant 0 : i32
      %dma_start3A_317 = arith.constant 0 : i32
      %dma_start3A_318 = arith.constant 0 : i32
      %dma_start3A_319 = arith.constant 0 : i32
      %dma_start3A_320 = tpu.memref_slice %arg10[%dma_start3A_316, %dma_start3A_318, %dma_start3A_319] : memref<8x128x24xf32, #tpu.memory_space<vmem>> -> memref<1x128x24xf32, #tpu.memory_space<vmem>>
      %dma_start3A_321 = tpu.memref_squeeze %dma_start3A_320 : memref<1x128x24xf32, #tpu.memory_space<vmem>> -> memref<128x24xf32, #tpu.memory_space<vmem>>
      %dma_start3A_322 = arith.constant 0 : i32
      %dma_start3A_323 = tpu.memref_slice %arg9[%add3A_315, %dma_start3A_322] : memref<80x128xi32, #tpu.memory_space<vmem>> -> memref<1x128xi32, #tpu.memory_space<vmem>>
      %dma_start3A_324 = tpu.memref_squeeze %dma_start3A_323 : memref<1x128xi32, #tpu.memory_space<vmem>> -> memref<128xi32, #tpu.memory_space<vmem>>
      %dma_start3A_325 = arith.constant 0 : i32
      %dma_start3A_326 = arith.constant 0 : i32
      %dma_start3A_327 = tpu.memref_slice %arg7[%dma_start3A_325, %dma_start3A_326] : memref<10240x24xf32, #tpu.memory_space<vmem_shared>> -> memref<10240x24xf32, #tpu.memory_space<vmem_shared>>
      %dma_start3A_328 = tpu.memref_slice %arg12[%dma_start3A_317] : memref<8x!tpu.dma_semaphore, #tpu.memory_space<semaphore_mem>> -> memref<1x!tpu.dma_semaphore, #tpu.memory_space<semaphore_mem>>
      %dma_start3A_329 = tpu.memref_squeeze %dma_start3A_328 : memref<1x!tpu.dma_semaphore, #tpu.memory_space<semaphore_mem>> -> memref<!tpu.dma_semaphore, #tpu.memory_space<semaphore_mem>>
      tpu.enqueue_indirect_dma source(%dma_start3A_321 : memref<128x24xf32, #tpu.memory_space<vmem>>) target(%dma_start3A_327 : memref<10240x24xf32, #tpu.memory_space<vmem_shared>>) offsets(%dma_start3A_324 : memref<128xi32, #tpu.memory_space<vmem>>) semaphore(%dma_start3A_329 : memref<!tpu.dma_semaphore, #tpu.memory_space<semaphore_mem>>) {add = true}
      %dma_wait3A_330 = arith.constant 1 : i32
      %dma_wait3A_331 = arith.constant 1 : i32
      %dma_wait3A_332 = arith.constant 0 : i32
      %dma_wait3A_333 = arith.constant 0 : i32
      %dma_wait3A_334 = tpu.memref_slice %arg10[%dma_wait3A_330, %dma_wait3A_332, %dma_wait3A_333] : memref<8x128x24xf32, #tpu.memory_space<vmem>> -> memref<1x128x24xf32, #tpu.memory_space<vmem>>
      %dma_wait3A_335 = tpu.memref_squeeze %dma_wait3A_334 : memref<1x128x24xf32, #tpu.memory_space<vmem>> -> memref<128x24xf32, #tpu.memory_space<vmem>>
      %dma_wait3A_336 = arith.constant 0 : i32
      %dma_wait3A_337 = tpu.memref_slice %arg8[%add3A_159, %dma_wait3A_336] : memref<80x128xi32, #tpu.memory_space<vmem>> -> memref<1x128xi32, #tpu.memory_space<vmem>>
      %dma_wait3A_338 = tpu.memref_squeeze %dma_wait3A_337 : memref<1x128xi32, #tpu.memory_space<vmem>> -> memref<128xi32, #tpu.memory_space<vmem>>
      %dma_wait3A_339 = arith.constant 0 : i32
      %dma_wait3A_340 = arith.constant 0 : i32
      %dma_wait3A_341 = tpu.memref_slice %arg2[%dma_wait3A_339, %dma_wait3A_340] : memref<10240x24xf32, #tpu.memory_space<hbm>> -> memref<10240x24xf32, #tpu.memory_space<hbm>>
      %dma_wait3A_342 = tpu.memref_slice %arg11[%dma_wait3A_331] : memref<8x!tpu.dma_semaphore, #tpu.memory_space<semaphore_mem>> -> memref<1x!tpu.dma_semaphore, #tpu.memory_space<semaphore_mem>>
      %dma_wait3A_343 = tpu.memref_squeeze %dma_wait3A_342 : memref<1x!tpu.dma_semaphore, #tpu.memory_space<semaphore_mem>> -> memref<!tpu.dma_semaphore, #tpu.memory_space<semaphore_mem>>
      tpu.wait_indirect_dma semaphore(%dma_wait3A_343 : memref<!tpu.dma_semaphore, #tpu.memory_space<semaphore_mem>>) src(%dma_wait3A_341 : memref<10240x24xf32, #tpu.memory_space<hbm>>) dst(%dma_wait3A_335 : memref<128x24xf32, #tpu.memory_space<vmem>>)
      %add3A_344 = arith.constant 1 : i32
      %add3A_345 = arith.addi %mul3A_135, %add3A_344 : i32
      %dma_start3A_346 = arith.constant 1 : i32
      %dma_start3A_347 = arith.constant 1 : i32
      %dma_start3A_348 = arith.constant 0 : i32
      %dma_start3A_349 = arith.constant 0 : i32
      %dma_start3A_350 = tpu.memref_slice %arg10[%dma_start3A_346, %dma_start3A_348, %dma_start3A_349] : memref<8x128x24xf32, #tpu.memory_space<vmem>> -> memref<1x128x24xf32, #tpu.memory_space<vmem>>
      %dma_start3A_351 = tpu.memref_squeeze %dma_start3A_350 : memref<1x128x24xf32, #tpu.memory_space<vmem>> -> memref<128x24xf32, #tpu.memory_space<vmem>>
      %dma_start3A_352 = arith.constant 0 : i32
      %dma_start3A_353 = tpu.memref_slice %arg9[%add3A_345, %dma_start3A_352] : memref<80x128xi32, #tpu.memory_space<vmem>> -> memref<1x128xi32, #tpu.memory_space<vmem>>
      %dma_start3A_354 = tpu.memref_squeeze %dma_start3A_353 : memref<1x128xi32, #tpu.memory_space<vmem>> -> memref<128xi32, #tpu.memory_space<vmem>>
      %dma_start3A_355 = arith.constant 0 : i32
      %dma_start3A_356 = arith.constant 0 : i32
      %dma_start3A_357 = tpu.memref_slice %arg7[%dma_start3A_355, %dma_start3A_356] : memref<10240x24xf32, #tpu.memory_space<vmem_shared>> -> memref<10240x24xf32, #tpu.memory_space<vmem_shared>>
      %dma_start3A_358 = tpu.memref_slice %arg12[%dma_start3A_347] : memref<8x!tpu.dma_semaphore, #tpu.memory_space<semaphore_mem>> -> memref<1x!tpu.dma_semaphore, #tpu.memory_space<semaphore_mem>>
      %dma_start3A_359 = tpu.memref_squeeze %dma_start3A_358 : memref<1x!tpu.dma_semaphore, #tpu.memory_space<semaphore_mem>> -> memref<!tpu.dma_semaphore, #tpu.memory_space<semaphore_mem>>
      tpu.enqueue_indirect_dma source(%dma_start3A_351 : memref<128x24xf32, #tpu.memory_space<vmem>>) target(%dma_start3A_357 : memref<10240x24xf32, #tpu.memory_space<vmem_shared>>) offsets(%dma_start3A_354 : memref<128xi32, #tpu.memory_space<vmem>>) semaphore(%dma_start3A_359 : memref<!tpu.dma_semaphore, #tpu.memory_space<semaphore_mem>>) {add = true}
      %dma_wait3A_360 = arith.constant 2 : i32
      %dma_wait3A_361 = arith.constant 2 : i32
      %dma_wait3A_362 = arith.constant 0 : i32
      %dma_wait3A_363 = arith.constant 0 : i32
      %dma_wait3A_364 = tpu.memref_slice %arg10[%dma_wait3A_360, %dma_wait3A_362, %dma_wait3A_363] : memref<8x128x24xf32, #tpu.memory_space<vmem>> -> memref<1x128x24xf32, #tpu.memory_space<vmem>>
      %dma_wait3A_365 = tpu.memref_squeeze %dma_wait3A_364 : memref<1x128x24xf32, #tpu.memory_space<vmem>> -> memref<128x24xf32, #tpu.memory_space<vmem>>
      %dma_wait3A_366 = arith.constant 0 : i32
      %dma_wait3A_367 = tpu.memref_slice %arg8[%add3A_180, %dma_wait3A_366] : memref<80x128xi32, #tpu.memory_space<vmem>> -> memref<1x128xi32, #tpu.memory_space<vmem>>
      %dma_wait3A_368 = tpu.memref_squeeze %dma_wait3A_367 : memref<1x128xi32, #tpu.memory_space<vmem>> -> memref<128xi32, #tpu.memory_space<vmem>>
      %dma_wait3A_369 = arith.constant 0 : i32
      %dma_wait3A_370 = arith.constant 0 : i32
      %dma_wait3A_371 = tpu.memref_slice %arg2[%dma_wait3A_369, %dma_wait3A_370] : memref<10240x24xf32, #tpu.memory_space<hbm>> -> memref<10240x24xf32, #tpu.memory_space<hbm>>
      %dma_wait3A_372 = tpu.memref_slice %arg11[%dma_wait3A_361] : memref<8x!tpu.dma_semaphore, #tpu.memory_space<semaphore_mem>> -> memref<1x!tpu.dma_semaphore, #tpu.memory_space<semaphore_mem>>
      %dma_wait3A_373 = tpu.memref_squeeze %dma_wait3A_372 : memref<1x!tpu.dma_semaphore, #tpu.memory_space<semaphore_mem>> -> memref<!tpu.dma_semaphore, #tpu.memory_space<semaphore_mem>>
      tpu.wait_indirect_dma semaphore(%dma_wait3A_373 : memref<!tpu.dma_semaphore, #tpu.memory_space<semaphore_mem>>) src(%dma_wait3A_371 : memref<10240x24xf32, #tpu.memory_space<hbm>>) dst(%dma_wait3A_365 : memref<128x24xf32, #tpu.memory_space<vmem>>)
      %add3A_374 = arith.constant 2 : i32
      %add3A_375 = arith.addi %mul3A_135, %add3A_374 : i32
      %dma_start3A_376 = arith.constant 2 : i32
      %dma_start3A_377 = arith.constant 2 : i32
      %dma_start3A_378 = arith.constant 0 : i32
      %dma_start3A_379 = arith.constant 0 : i32
      %dma_start3A_380 = tpu.memref_slice %arg10[%dma_start3A_376, %dma_start3A_378, %dma_start3A_379] : memref<8x128x24xf32, #tpu.memory_space<vmem>> -> memref<1x128x24xf32, #tpu.memory_space<vmem>>
      %dma_start3A_381 = tpu.memref_squeeze %dma_start3A_380 : memref<1x128x24xf32, #tpu.memory_space<vmem>> -> memref<128x24xf32, #tpu.memory_space<vmem>>
      %dma_start3A_382 = arith.constant 0 : i32
      %dma_start3A_383 = tpu.memref_slice %arg9[%add3A_375, %dma_start3A_382] : memref<80x128xi32, #tpu.memory_space<vmem>> -> memref<1x128xi32, #tpu.memory_space<vmem>>
      %dma_start3A_384 = tpu.memref_squeeze %dma_start3A_383 : memref<1x128xi32, #tpu.memory_space<vmem>> -> memref<128xi32, #tpu.memory_space<vmem>>
      %dma_start3A_385 = arith.constant 0 : i32
      %dma_start3A_386 = arith.constant 0 : i32
      %dma_start3A_387 = tpu.memref_slice %arg7[%dma_start3A_385, %dma_start3A_386] : memref<10240x24xf32, #tpu.memory_space<vmem_shared>> -> memref<10240x24xf32, #tpu.memory_space<vmem_shared>>
      %dma_start3A_388 = tpu.memref_slice %arg12[%dma_start3A_377] : memref<8x!tpu.dma_semaphore, #tpu.memory_space<semaphore_mem>> -> memref<1x!tpu.dma_semaphore, #tpu.memory_space<semaphore_mem>>
      %dma_start3A_389 = tpu.memref_squeeze %dma_start3A_388 : memref<1x!tpu.dma_semaphore, #tpu.memory_space<semaphore_mem>> -> memref<!tpu.dma_semaphore, #tpu.memory_space<semaphore_mem>>
      tpu.enqueue_indirect_dma source(%dma_start3A_381 : memref<128x24xf32, #tpu.memory_space<vmem>>) target(%dma_start3A_387 : memref<10240x24xf32, #tpu.memory_space<vmem_shared>>) offsets(%dma_start3A_384 : memref<128xi32, #tpu.memory_space<vmem>>) semaphore(%dma_start3A_389 : memref<!tpu.dma_semaphore, #tpu.memory_space<semaphore_mem>>) {add = true}
      %dma_wait3A_390 = arith.constant 3 : i32
      %dma_wait3A_391 = arith.constant 3 : i32
      %dma_wait3A_392 = arith.constant 0 : i32
      %dma_wait3A_393 = arith.constant 0 : i32
      %dma_wait3A_394 = tpu.memref_slice %arg10[%dma_wait3A_390, %dma_wait3A_392, %dma_wait3A_393] : memref<8x128x24xf32, #tpu.memory_space<vmem>> -> memref<1x128x24xf32, #tpu.memory_space<vmem>>
      %dma_wait3A_395 = tpu.memref_squeeze %dma_wait3A_394 : memref<1x128x24xf32, #tpu.memory_space<vmem>> -> memref<128x24xf32, #tpu.memory_space<vmem>>
      %dma_wait3A_396 = arith.constant 0 : i32
      %dma_wait3A_397 = tpu.memref_slice %arg8[%add3A_201, %dma_wait3A_396] : memref<80x128xi32, #tpu.memory_space<vmem>> -> memref<1x128xi32, #tpu.memory_space<vmem>>
      %dma_wait3A_398 = tpu.memref_squeeze %dma_wait3A_397 : memref<1x128xi32, #tpu.memory_space<vmem>> -> memref<128xi32, #tpu.memory_space<vmem>>
      %dma_wait3A_399 = arith.constant 0 : i32
      %dma_wait3A_400 = arith.constant 0 : i32
      %dma_wait3A_401 = tpu.memref_slice %arg2[%dma_wait3A_399, %dma_wait3A_400] : memref<10240x24xf32, #tpu.memory_space<hbm>> -> memref<10240x24xf32, #tpu.memory_space<hbm>>
      %dma_wait3A_402 = tpu.memref_slice %arg11[%dma_wait3A_391] : memref<8x!tpu.dma_semaphore, #tpu.memory_space<semaphore_mem>> -> memref<1x!tpu.dma_semaphore, #tpu.memory_space<semaphore_mem>>
      %dma_wait3A_403 = tpu.memref_squeeze %dma_wait3A_402 : memref<1x!tpu.dma_semaphore, #tpu.memory_space<semaphore_mem>> -> memref<!tpu.dma_semaphore, #tpu.memory_space<semaphore_mem>>
      tpu.wait_indirect_dma semaphore(%dma_wait3A_403 : memref<!tpu.dma_semaphore, #tpu.memory_space<semaphore_mem>>) src(%dma_wait3A_401 : memref<10240x24xf32, #tpu.memory_space<hbm>>) dst(%dma_wait3A_395 : memref<128x24xf32, #tpu.memory_space<vmem>>)
      %add3A_404 = arith.constant 3 : i32
      %add3A_405 = arith.addi %mul3A_135, %add3A_404 : i32
      %dma_start3A_406 = arith.constant 3 : i32
      %dma_start3A_407 = arith.constant 3 : i32
      %dma_start3A_408 = arith.constant 0 : i32
      %dma_start3A_409 = arith.constant 0 : i32
      %dma_start3A_410 = tpu.memref_slice %arg10[%dma_start3A_406, %dma_start3A_408, %dma_start3A_409] : memref<8x128x24xf32, #tpu.memory_space<vmem>> -> memref<1x128x24xf32, #tpu.memory_space<vmem>>
      %dma_start3A_411 = tpu.memref_squeeze %dma_start3A_410 : memref<1x128x24xf32, #tpu.memory_space<vmem>> -> memref<128x24xf32, #tpu.memory_space<vmem>>
      %dma_start3A_412 = arith.constant 0 : i32
      %dma_start3A_413 = tpu.memref_slice %arg9[%add3A_405, %dma_start3A_412] : memref<80x128xi32, #tpu.memory_space<vmem>> -> memref<1x128xi32, #tpu.memory_space<vmem>>
      %dma_start3A_414 = tpu.memref_squeeze %dma_start3A_413 : memref<1x128xi32, #tpu.memory_space<vmem>> -> memref<128xi32, #tpu.memory_space<vmem>>
      %dma_start3A_415 = arith.constant 0 : i32
      %dma_start3A_416 = arith.constant 0 : i32
      %dma_start3A_417 = tpu.memref_slice %arg7[%dma_start3A_415, %dma_start3A_416] : memref<10240x24xf32, #tpu.memory_space<vmem_shared>> -> memref<10240x24xf32, #tpu.memory_space<vmem_shared>>
      %dma_start3A_418 = tpu.memref_slice %arg12[%dma_start3A_407] : memref<8x!tpu.dma_semaphore, #tpu.memory_space<semaphore_mem>> -> memref<1x!tpu.dma_semaphore, #tpu.memory_space<semaphore_mem>>
      %dma_start3A_419 = tpu.memref_squeeze %dma_start3A_418 : memref<1x!tpu.dma_semaphore, #tpu.memory_space<semaphore_mem>> -> memref<!tpu.dma_semaphore, #tpu.memory_space<semaphore_mem>>
      tpu.enqueue_indirect_dma source(%dma_start3A_411 : memref<128x24xf32, #tpu.memory_space<vmem>>) target(%dma_start3A_417 : memref<10240x24xf32, #tpu.memory_space<vmem_shared>>) offsets(%dma_start3A_414 : memref<128xi32, #tpu.memory_space<vmem>>) semaphore(%dma_start3A_419 : memref<!tpu.dma_semaphore, #tpu.memory_space<semaphore_mem>>) {add = true}
      %dma_wait3A_420 = arith.constant 4 : i32
      %dma_wait3A_421 = arith.constant 4 : i32
      %dma_wait3A_422 = arith.constant 0 : i32
      %dma_wait3A_423 = arith.constant 0 : i32
      %dma_wait3A_424 = tpu.memref_slice %arg10[%dma_wait3A_420, %dma_wait3A_422, %dma_wait3A_423] : memref<8x128x24xf32, #tpu.memory_space<vmem>> -> memref<1x128x24xf32, #tpu.memory_space<vmem>>
      %dma_wait3A_425 = tpu.memref_squeeze %dma_wait3A_424 : memref<1x128x24xf32, #tpu.memory_space<vmem>> -> memref<128x24xf32, #tpu.memory_space<vmem>>
      %dma_wait3A_426 = arith.constant 0 : i32
      %dma_wait3A_427 = tpu.memref_slice %arg8[%add3A_222, %dma_wait3A_426] : memref<80x128xi32, #tpu.memory_space<vmem>> -> memref<1x128xi32, #tpu.memory_space<vmem>>
      %dma_wait3A_428 = tpu.memref_squeeze %dma_wait3A_427 : memref<1x128xi32, #tpu.memory_space<vmem>> -> memref<128xi32, #tpu.memory_space<vmem>>
      %dma_wait3A_429 = arith.constant 0 : i32
      %dma_wait3A_430 = arith.constant 0 : i32
      %dma_wait3A_431 = tpu.memref_slice %arg2[%dma_wait3A_429, %dma_wait3A_430] : memref<10240x24xf32, #tpu.memory_space<hbm>> -> memref<10240x24xf32, #tpu.memory_space<hbm>>
      %dma_wait3A_432 = tpu.memref_slice %arg11[%dma_wait3A_421] : memref<8x!tpu.dma_semaphore, #tpu.memory_space<semaphore_mem>> -> memref<1x!tpu.dma_semaphore, #tpu.memory_space<semaphore_mem>>
      %dma_wait3A_433 = tpu.memref_squeeze %dma_wait3A_432 : memref<1x!tpu.dma_semaphore, #tpu.memory_space<semaphore_mem>> -> memref<!tpu.dma_semaphore, #tpu.memory_space<semaphore_mem>>
      tpu.wait_indirect_dma semaphore(%dma_wait3A_433 : memref<!tpu.dma_semaphore, #tpu.memory_space<semaphore_mem>>) src(%dma_wait3A_431 : memref<10240x24xf32, #tpu.memory_space<hbm>>) dst(%dma_wait3A_425 : memref<128x24xf32, #tpu.memory_space<vmem>>)
      %add3A_434 = arith.constant 4 : i32
      %add3A_435 = arith.addi %mul3A_135, %add3A_434 : i32
      %dma_start3A_436 = arith.constant 4 : i32
      %dma_start3A_437 = arith.constant 4 : i32
      %dma_start3A_438 = arith.constant 0 : i32
      %dma_start3A_439 = arith.constant 0 : i32
      %dma_start3A_440 = tpu.memref_slice %arg10[%dma_start3A_436, %dma_start3A_438, %dma_start3A_439] : memref<8x128x24xf32, #tpu.memory_space<vmem>> -> memref<1x128x24xf32, #tpu.memory_space<vmem>>
      %dma_start3A_441 = tpu.memref_squeeze %dma_start3A_440 : memref<1x128x24xf32, #tpu.memory_space<vmem>> -> memref<128x24xf32, #tpu.memory_space<vmem>>
      %dma_start3A_442 = arith.constant 0 : i32
      %dma_start3A_443 = tpu.memref_slice %arg9[%add3A_435, %dma_start3A_442] : memref<80x128xi32, #tpu.memory_space<vmem>> -> memref<1x128xi32, #tpu.memory_space<vmem>>
      %dma_start3A_444 = tpu.memref_squeeze %dma_start3A_443 : memref<1x128xi32, #tpu.memory_space<vmem>> -> memref<128xi32, #tpu.memory_space<vmem>>
      %dma_start3A_445 = arith.constant 0 : i32
      %dma_start3A_446 = arith.constant 0 : i32
      %dma_start3A_447 = tpu.memref_slice %arg7[%dma_start3A_445, %dma_start3A_446] : memref<10240x24xf32, #tpu.memory_space<vmem_shared>> -> memref<10240x24xf32, #tpu.memory_space<vmem_shared>>
      %dma_start3A_448 = tpu.memref_slice %arg12[%dma_start3A_437] : memref<8x!tpu.dma_semaphore, #tpu.memory_space<semaphore_mem>> -> memref<1x!tpu.dma_semaphore, #tpu.memory_space<semaphore_mem>>
      %dma_start3A_449 = tpu.memref_squeeze %dma_start3A_448 : memref<1x!tpu.dma_semaphore, #tpu.memory_space<semaphore_mem>> -> memref<!tpu.dma_semaphore, #tpu.memory_space<semaphore_mem>>
      tpu.enqueue_indirect_dma source(%dma_start3A_441 : memref<128x24xf32, #tpu.memory_space<vmem>>) target(%dma_start3A_447 : memref<10240x24xf32, #tpu.memory_space<vmem_shared>>) offsets(%dma_start3A_444 : memref<128xi32, #tpu.memory_space<vmem>>) semaphore(%dma_start3A_449 : memref<!tpu.dma_semaphore, #tpu.memory_space<semaphore_mem>>) {add = true}
      %dma_wait3A_450 = arith.constant 5 : i32
      %dma_wait3A_451 = arith.constant 5 : i32
      %dma_wait3A_452 = arith.constant 0 : i32
      %dma_wait3A_453 = arith.constant 0 : i32
      %dma_wait3A_454 = tpu.memref_slice %arg10[%dma_wait3A_450, %dma_wait3A_452, %dma_wait3A_453] : memref<8x128x24xf32, #tpu.memory_space<vmem>> -> memref<1x128x24xf32, #tpu.memory_space<vmem>>
      %dma_wait3A_455 = tpu.memref_squeeze %dma_wait3A_454 : memref<1x128x24xf32, #tpu.memory_space<vmem>> -> memref<128x24xf32, #tpu.memory_space<vmem>>
      %dma_wait3A_456 = arith.constant 0 : i32
      %dma_wait3A_457 = tpu.memref_slice %arg8[%add3A_243, %dma_wait3A_456] : memref<80x128xi32, #tpu.memory_space<vmem>> -> memref<1x128xi32, #tpu.memory_space<vmem>>
      %dma_wait3A_458 = tpu.memref_squeeze %dma_wait3A_457 : memref<1x128xi32, #tpu.memory_space<vmem>> -> memref<128xi32, #tpu.memory_space<vmem>>
      %dma_wait3A_459 = arith.constant 0 : i32
      %dma_wait3A_460 = arith.constant 0 : i32
      %dma_wait3A_461 = tpu.memref_slice %arg2[%dma_wait3A_459, %dma_wait3A_460] : memref<10240x24xf32, #tpu.memory_space<hbm>> -> memref<10240x24xf32, #tpu.memory_space<hbm>>
      %dma_wait3A_462 = tpu.memref_slice %arg11[%dma_wait3A_451] : memref<8x!tpu.dma_semaphore, #tpu.memory_space<semaphore_mem>> -> memref<1x!tpu.dma_semaphore, #tpu.memory_space<semaphore_mem>>
      %dma_wait3A_463 = tpu.memref_squeeze %dma_wait3A_462 : memref<1x!tpu.dma_semaphore, #tpu.memory_space<semaphore_mem>> -> memref<!tpu.dma_semaphore, #tpu.memory_space<semaphore_mem>>
      tpu.wait_indirect_dma semaphore(%dma_wait3A_463 : memref<!tpu.dma_semaphore, #tpu.memory_space<semaphore_mem>>) src(%dma_wait3A_461 : memref<10240x24xf32, #tpu.memory_space<hbm>>) dst(%dma_wait3A_455 : memref<128x24xf32, #tpu.memory_space<vmem>>)
      %add3A_464 = arith.constant 5 : i32
      %add3A_465 = arith.addi %mul3A_135, %add3A_464 : i32
      %dma_start3A_466 = arith.constant 5 : i32
      %dma_start3A_467 = arith.constant 5 : i32
      %dma_start3A_468 = arith.constant 0 : i32
      %dma_start3A_469 = arith.constant 0 : i32
      %dma_start3A_470 = tpu.memref_slice %arg10[%dma_start3A_466, %dma_start3A_468, %dma_start3A_469] : memref<8x128x24xf32, #tpu.memory_space<vmem>> -> memref<1x128x24xf32, #tpu.memory_space<vmem>>
      %dma_start3A_471 = tpu.memref_squeeze %dma_start3A_470 : memref<1x128x24xf32, #tpu.memory_space<vmem>> -> memref<128x24xf32, #tpu.memory_space<vmem>>
      %dma_start3A_472 = arith.constant 0 : i32
      %dma_start3A_473 = tpu.memref_slice %arg9[%add3A_465, %dma_start3A_472] : memref<80x128xi32, #tpu.memory_space<vmem>> -> memref<1x128xi32, #tpu.memory_space<vmem>>
      %dma_start3A_474 = tpu.memref_squeeze %dma_start3A_473 : memref<1x128xi32, #tpu.memory_space<vmem>> -> memref<128xi32, #tpu.memory_space<vmem>>
      %dma_start3A_475 = arith.constant 0 : i32
      %dma_start3A_476 = arith.constant 0 : i32
      %dma_start3A_477 = tpu.memref_slice %arg7[%dma_start3A_475, %dma_start3A_476] : memref<10240x24xf32, #tpu.memory_space<vmem_shared>> -> memref<10240x24xf32, #tpu.memory_space<vmem_shared>>
      %dma_start3A_478 = tpu.memref_slice %arg12[%dma_start3A_467] : memref<8x!tpu.dma_semaphore, #tpu.memory_space<semaphore_mem>> -> memref<1x!tpu.dma_semaphore, #tpu.memory_space<semaphore_mem>>
      %dma_start3A_479 = tpu.memref_squeeze %dma_start3A_478 : memref<1x!tpu.dma_semaphore, #tpu.memory_space<semaphore_mem>> -> memref<!tpu.dma_semaphore, #tpu.memory_space<semaphore_mem>>
      tpu.enqueue_indirect_dma source(%dma_start3A_471 : memref<128x24xf32, #tpu.memory_space<vmem>>) target(%dma_start3A_477 : memref<10240x24xf32, #tpu.memory_space<vmem_shared>>) offsets(%dma_start3A_474 : memref<128xi32, #tpu.memory_space<vmem>>) semaphore(%dma_start3A_479 : memref<!tpu.dma_semaphore, #tpu.memory_space<semaphore_mem>>) {add = true}
      %dma_wait3A_480 = arith.constant 6 : i32
      %dma_wait3A_481 = arith.constant 6 : i32
      %dma_wait3A_482 = arith.constant 0 : i32
      %dma_wait3A_483 = arith.constant 0 : i32
      %dma_wait3A_484 = tpu.memref_slice %arg10[%dma_wait3A_480, %dma_wait3A_482, %dma_wait3A_483] : memref<8x128x24xf32, #tpu.memory_space<vmem>> -> memref<1x128x24xf32, #tpu.memory_space<vmem>>
      %dma_wait3A_485 = tpu.memref_squeeze %dma_wait3A_484 : memref<1x128x24xf32, #tpu.memory_space<vmem>> -> memref<128x24xf32, #tpu.memory_space<vmem>>
      %dma_wait3A_486 = arith.constant 0 : i32
      %dma_wait3A_487 = tpu.memref_slice %arg8[%add3A_264, %dma_wait3A_486] : memref<80x128xi32, #tpu.memory_space<vmem>> -> memref<1x128xi32, #tpu.memory_space<vmem>>
      %dma_wait3A_488 = tpu.memref_squeeze %dma_wait3A_487 : memref<1x128xi32, #tpu.memory_space<vmem>> -> memref<128xi32, #tpu.memory_space<vmem>>
      %dma_wait3A_489 = arith.constant 0 : i32
      %dma_wait3A_490 = arith.constant 0 : i32
      %dma_wait3A_491 = tpu.memref_slice %arg2[%dma_wait3A_489, %dma_wait3A_490] : memref<10240x24xf32, #tpu.memory_space<hbm>> -> memref<10240x24xf32, #tpu.memory_space<hbm>>
      %dma_wait3A_492 = tpu.memref_slice %arg11[%dma_wait3A_481] : memref<8x!tpu.dma_semaphore, #tpu.memory_space<semaphore_mem>> -> memref<1x!tpu.dma_semaphore, #tpu.memory_space<semaphore_mem>>
      %dma_wait3A_493 = tpu.memref_squeeze %dma_wait3A_492 : memref<1x!tpu.dma_semaphore, #tpu.memory_space<semaphore_mem>> -> memref<!tpu.dma_semaphore, #tpu.memory_space<semaphore_mem>>
      tpu.wait_indirect_dma semaphore(%dma_wait3A_493 : memref<!tpu.dma_semaphore, #tpu.memory_space<semaphore_mem>>) src(%dma_wait3A_491 : memref<10240x24xf32, #tpu.memory_space<hbm>>) dst(%dma_wait3A_485 : memref<128x24xf32, #tpu.memory_space<vmem>>)
      %add3A_494 = arith.constant 6 : i32
      %add3A_495 = arith.addi %mul3A_135, %add3A_494 : i32
      %dma_start3A_496 = arith.constant 6 : i32
      %dma_start3A_497 = arith.constant 6 : i32
      %dma_start3A_498 = arith.constant 0 : i32
      %dma_start3A_499 = arith.constant 0 : i32
      %dma_start3A_500 = tpu.memref_slice %arg10[%dma_start3A_496, %dma_start3A_498, %dma_start3A_499] : memref<8x128x24xf32, #tpu.memory_space<vmem>> -> memref<1x128x24xf32, #tpu.memory_space<vmem>>
      %dma_start3A_501 = tpu.memref_squeeze %dma_start3A_500 : memref<1x128x24xf32, #tpu.memory_space<vmem>> -> memref<128x24xf32, #tpu.memory_space<vmem>>
      %dma_start3A_502 = arith.constant 0 : i32
      %dma_start3A_503 = tpu.memref_slice %arg9[%add3A_495, %dma_start3A_502] : memref<80x128xi32, #tpu.memory_space<vmem>> -> memref<1x128xi32, #tpu.memory_space<vmem>>
      %dma_start3A_504 = tpu.memref_squeeze %dma_start3A_503 : memref<1x128xi32, #tpu.memory_space<vmem>> -> memref<128xi32, #tpu.memory_space<vmem>>
      %dma_start3A_505 = arith.constant 0 : i32
      %dma_start3A_506 = arith.constant 0 : i32
      %dma_start3A_507 = tpu.memref_slice %arg7[%dma_start3A_505, %dma_start3A_506] : memref<10240x24xf32, #tpu.memory_space<vmem_shared>> -> memref<10240x24xf32, #tpu.memory_space<vmem_shared>>
      %dma_start3A_508 = tpu.memref_slice %arg12[%dma_start3A_497] : memref<8x!tpu.dma_semaphore, #tpu.memory_space<semaphore_mem>> -> memref<1x!tpu.dma_semaphore, #tpu.memory_space<semaphore_mem>>
      %dma_start3A_509 = tpu.memref_squeeze %dma_start3A_508 : memref<1x!tpu.dma_semaphore, #tpu.memory_space<semaphore_mem>> -> memref<!tpu.dma_semaphore, #tpu.memory_space<semaphore_mem>>
      tpu.enqueue_indirect_dma source(%dma_start3A_501 : memref<128x24xf32, #tpu.memory_space<vmem>>) target(%dma_start3A_507 : memref<10240x24xf32, #tpu.memory_space<vmem_shared>>) offsets(%dma_start3A_504 : memref<128xi32, #tpu.memory_space<vmem>>) semaphore(%dma_start3A_509 : memref<!tpu.dma_semaphore, #tpu.memory_space<semaphore_mem>>) {add = true}
      %dma_wait3A_510 = arith.constant 7 : i32
      %dma_wait3A_511 = arith.constant 7 : i32
      %dma_wait3A_512 = arith.constant 0 : i32
      %dma_wait3A_513 = arith.constant 0 : i32
      %dma_wait3A_514 = tpu.memref_slice %arg10[%dma_wait3A_510, %dma_wait3A_512, %dma_wait3A_513] : memref<8x128x24xf32, #tpu.memory_space<vmem>> -> memref<1x128x24xf32, #tpu.memory_space<vmem>>
      %dma_wait3A_515 = tpu.memref_squeeze %dma_wait3A_514 : memref<1x128x24xf32, #tpu.memory_space<vmem>> -> memref<128x24xf32, #tpu.memory_space<vmem>>
      %dma_wait3A_516 = arith.constant 0 : i32
      %dma_wait3A_517 = tpu.memref_slice %arg8[%add3A_285, %dma_wait3A_516] : memref<80x128xi32, #tpu.memory_space<vmem>> -> memref<1x128xi32, #tpu.memory_space<vmem>>
      %dma_wait3A_518 = tpu.memref_squeeze %dma_wait3A_517 : memref<1x128xi32, #tpu.memory_space<vmem>> -> memref<128xi32, #tpu.memory_space<vmem>>
      %dma_wait3A_519 = arith.constant 0 : i32
      %dma_wait3A_520 = arith.constant 0 : i32
      %dma_wait3A_521 = tpu.memref_slice %arg2[%dma_wait3A_519, %dma_wait3A_520] : memref<10240x24xf32, #tpu.memory_space<hbm>> -> memref<10240x24xf32, #tpu.memory_space<hbm>>
      %dma_wait3A_522 = tpu.memref_slice %arg11[%dma_wait3A_511] : memref<8x!tpu.dma_semaphore, #tpu.memory_space<semaphore_mem>> -> memref<1x!tpu.dma_semaphore, #tpu.memory_space<semaphore_mem>>
      %dma_wait3A_523 = tpu.memref_squeeze %dma_wait3A_522 : memref<1x!tpu.dma_semaphore, #tpu.memory_space<semaphore_mem>> -> memref<!tpu.dma_semaphore, #tpu.memory_space<semaphore_mem>>
      tpu.wait_indirect_dma semaphore(%dma_wait3A_523 : memref<!tpu.dma_semaphore, #tpu.memory_space<semaphore_mem>>) src(%dma_wait3A_521 : memref<10240x24xf32, #tpu.memory_space<hbm>>) dst(%dma_wait3A_515 : memref<128x24xf32, #tpu.memory_space<vmem>>)
      %add3A_524 = arith.constant 7 : i32
      %add3A_525 = arith.addi %mul3A_135, %add3A_524 : i32
      %dma_start3A_526 = arith.constant 7 : i32
      %dma_start3A_527 = arith.constant 7 : i32
      %dma_start3A_528 = arith.constant 0 : i32
      %dma_start3A_529 = arith.constant 0 : i32
      %dma_start3A_530 = tpu.memref_slice %arg10[%dma_start3A_526, %dma_start3A_528, %dma_start3A_529] : memref<8x128x24xf32, #tpu.memory_space<vmem>> -> memref<1x128x24xf32, #tpu.memory_space<vmem>>
      %dma_start3A_531 = tpu.memref_squeeze %dma_start3A_530 : memref<1x128x24xf32, #tpu.memory_space<vmem>> -> memref<128x24xf32, #tpu.memory_space<vmem>>
      %dma_start3A_532 = arith.constant 0 : i32
      %dma_start3A_533 = tpu.memref_slice %arg9[%add3A_525, %dma_start3A_532] : memref<80x128xi32, #tpu.memory_space<vmem>> -> memref<1x128xi32, #tpu.memory_space<vmem>>
      %dma_start3A_534 = tpu.memref_squeeze %dma_start3A_533 : memref<1x128xi32, #tpu.memory_space<vmem>> -> memref<128xi32, #tpu.memory_space<vmem>>
      %dma_start3A_535 = arith.constant 0 : i32
      %dma_start3A_536 = arith.constant 0 : i32
      %dma_start3A_537 = tpu.memref_slice %arg7[%dma_start3A_535, %dma_start3A_536] : memref<10240x24xf32, #tpu.memory_space<vmem_shared>> -> memref<10240x24xf32, #tpu.memory_space<vmem_shared>>
      %dma_start3A_538 = tpu.memref_slice %arg12[%dma_start3A_527] : memref<8x!tpu.dma_semaphore, #tpu.memory_space<semaphore_mem>> -> memref<1x!tpu.dma_semaphore, #tpu.memory_space<semaphore_mem>>
      %dma_start3A_539 = tpu.memref_squeeze %dma_start3A_538 : memref<1x!tpu.dma_semaphore, #tpu.memory_space<semaphore_mem>> -> memref<!tpu.dma_semaphore, #tpu.memory_space<semaphore_mem>>
      tpu.enqueue_indirect_dma source(%dma_start3A_531 : memref<128x24xf32, #tpu.memory_space<vmem>>) target(%dma_start3A_537 : memref<10240x24xf32, #tpu.memory_space<vmem_shared>>) offsets(%dma_start3A_534 : memref<128xi32, #tpu.memory_space<vmem>>) semaphore(%dma_start3A_539 : memref<!tpu.dma_semaphore, #tpu.memory_space<semaphore_mem>>) {add = true}
    }
    %scan3A_6 = arith.constant 10 : i32
    %dma_wait3A = arith.constant 0 : i32
    %dma_wait3A_7 = arith.constant 72 : i32
    %dma_wait3A_8 = arith.constant 0 : i32
    %dma_wait3A_9 = arith.constant 0 : i32
    %dma_wait3A_10 = arith.constant 0 : i32
    %dma_wait3A_11 = tpu.memref_slice %arg10[%dma_wait3A, %dma_wait3A_9, %dma_wait3A_10] : memref<8x128x24xf32, #tpu.memory_space<vmem>> -> memref<1x128x24xf32, #tpu.memory_space<vmem>>
    %dma_wait3A_12 = tpu.memref_squeeze %dma_wait3A_11 : memref<1x128x24xf32, #tpu.memory_space<vmem>> -> memref<128x24xf32, #tpu.memory_space<vmem>>
    %dma_wait3A_13 = arith.constant 0 : i32
    %dma_wait3A_14 = tpu.memref_slice %arg9[%dma_wait3A_7, %dma_wait3A_13] : memref<80x128xi32, #tpu.memory_space<vmem>> -> memref<1x128xi32, #tpu.memory_space<vmem>>
    %dma_wait3A_15 = tpu.memref_squeeze %dma_wait3A_14 : memref<1x128xi32, #tpu.memory_space<vmem>> -> memref<128xi32, #tpu.memory_space<vmem>>
    %dma_wait3A_16 = arith.constant 0 : i32
    %dma_wait3A_17 = arith.constant 0 : i32
    %dma_wait3A_18 = tpu.memref_slice %arg7[%dma_wait3A_16, %dma_wait3A_17] : memref<10240x24xf32, #tpu.memory_space<vmem_shared>> -> memref<10240x24xf32, #tpu.memory_space<vmem_shared>>
    %dma_wait3A_19 = tpu.memref_slice %arg12[%dma_wait3A_8] : memref<8x!tpu.dma_semaphore, #tpu.memory_space<semaphore_mem>> -> memref<1x!tpu.dma_semaphore, #tpu.memory_space<semaphore_mem>>
    %dma_wait3A_20 = tpu.memref_squeeze %dma_wait3A_19 : memref<1x!tpu.dma_semaphore, #tpu.memory_space<semaphore_mem>> -> memref<!tpu.dma_semaphore, #tpu.memory_space<semaphore_mem>>
    tpu.wait_indirect_dma semaphore(%dma_wait3A_20 : memref<!tpu.dma_semaphore, #tpu.memory_space<semaphore_mem>>) src(%dma_wait3A_12 : memref<128x24xf32, #tpu.memory_space<vmem>>) dst(%dma_wait3A_18 : memref<10240x24xf32, #tpu.memory_space<vmem_shared>>)
    %dma_wait3A_21 = arith.constant 1 : i32
    %dma_wait3A_22 = arith.constant 73 : i32
    %dma_wait3A_23 = arith.constant 1 : i32
    %dma_wait3A_24 = arith.constant 0 : i32
    %dma_wait3A_25 = arith.constant 0 : i32
    %dma_wait3A_26 = tpu.memref_slice %arg10[%dma_wait3A_21, %dma_wait3A_24, %dma_wait3A_25] : memref<8x128x24xf32, #tpu.memory_space<vmem>> -> memref<1x128x24xf32, #tpu.memory_space<vmem>>
    %dma_wait3A_27 = tpu.memref_squeeze %dma_wait3A_26 : memref<1x128x24xf32, #tpu.memory_space<vmem>> -> memref<128x24xf32, #tpu.memory_space<vmem>>
    %dma_wait3A_28 = arith.constant 0 : i32
    %dma_wait3A_29 = tpu.memref_slice %arg9[%dma_wait3A_22, %dma_wait3A_28] : memref<80x128xi32, #tpu.memory_space<vmem>> -> memref<1x128xi32, #tpu.memory_space<vmem>>
    %dma_wait3A_30 = tpu.memref_squeeze %dma_wait3A_29 : memref<1x128xi32, #tpu.memory_space<vmem>> -> memref<128xi32, #tpu.memory_space<vmem>>
    %dma_wait3A_31 = arith.constant 0 : i32
    %dma_wait3A_32 = arith.constant 0 : i32
    %dma_wait3A_33 = tpu.memref_slice %arg7[%dma_wait3A_31, %dma_wait3A_32] : memref<10240x24xf32, #tpu.memory_space<vmem_shared>> -> memref<10240x24xf32, #tpu.memory_space<vmem_shared>>
    %dma_wait3A_34 = tpu.memref_slice %arg12[%dma_wait3A_23] : memref<8x!tpu.dma_semaphore, #tpu.memory_space<semaphore_mem>> -> memref<1x!tpu.dma_semaphore, #tpu.memory_space<semaphore_mem>>
    %dma_wait3A_35 = tpu.memref_squeeze %dma_wait3A_34 : memref<1x!tpu.dma_semaphore, #tpu.memory_space<semaphore_mem>> -> memref<!tpu.dma_semaphore, #tpu.memory_space<semaphore_mem>>
    tpu.wait_indirect_dma semaphore(%dma_wait3A_35 : memref<!tpu.dma_semaphore, #tpu.memory_space<semaphore_mem>>) src(%dma_wait3A_27 : memref<128x24xf32, #tpu.memory_space<vmem>>) dst(%dma_wait3A_33 : memref<10240x24xf32, #tpu.memory_space<vmem_shared>>)
    %dma_wait3A_36 = arith.constant 2 : i32
    %dma_wait3A_37 = arith.constant 74 : i32
    %dma_wait3A_38 = arith.constant 2 : i32
    %dma_wait3A_39 = arith.constant 0 : i32
    %dma_wait3A_40 = arith.constant 0 : i32
    %dma_wait3A_41 = tpu.memref_slice %arg10[%dma_wait3A_36, %dma_wait3A_39, %dma_wait3A_40] : memref<8x128x24xf32, #tpu.memory_space<vmem>> -> memref<1x128x24xf32, #tpu.memory_space<vmem>>
    %dma_wait3A_42 = tpu.memref_squeeze %dma_wait3A_41 : memref<1x128x24xf32, #tpu.memory_space<vmem>> -> memref<128x24xf32, #tpu.memory_space<vmem>>
    %dma_wait3A_43 = arith.constant 0 : i32
    %dma_wait3A_44 = tpu.memref_slice %arg9[%dma_wait3A_37, %dma_wait3A_43] : memref<80x128xi32, #tpu.memory_space<vmem>> -> memref<1x128xi32, #tpu.memory_space<vmem>>
    %dma_wait3A_45 = tpu.memref_squeeze %dma_wait3A_44 : memref<1x128xi32, #tpu.memory_space<vmem>> -> memref<128xi32, #tpu.memory_space<vmem>>
    %dma_wait3A_46 = arith.constant 0 : i32
    %dma_wait3A_47 = arith.constant 0 : i32
    %dma_wait3A_48 = tpu.memref_slice %arg7[%dma_wait3A_46, %dma_wait3A_47] : memref<10240x24xf32, #tpu.memory_space<vmem_shared>> -> memref<10240x24xf32, #tpu.memory_space<vmem_shared>>
    %dma_wait3A_49 = tpu.memref_slice %arg12[%dma_wait3A_38] : memref<8x!tpu.dma_semaphore, #tpu.memory_space<semaphore_mem>> -> memref<1x!tpu.dma_semaphore, #tpu.memory_space<semaphore_mem>>
    %dma_wait3A_50 = tpu.memref_squeeze %dma_wait3A_49 : memref<1x!tpu.dma_semaphore, #tpu.memory_space<semaphore_mem>> -> memref<!tpu.dma_semaphore, #tpu.memory_space<semaphore_mem>>
    tpu.wait_indirect_dma semaphore(%dma_wait3A_50 : memref<!tpu.dma_semaphore, #tpu.memory_space<semaphore_mem>>) src(%dma_wait3A_42 : memref<128x24xf32, #tpu.memory_space<vmem>>) dst(%dma_wait3A_48 : memref<10240x24xf32, #tpu.memory_space<vmem_shared>>)
    %dma_wait3A_51 = arith.constant 3 : i32
    %dma_wait3A_52 = arith.constant 75 : i32
    %dma_wait3A_53 = arith.constant 3 : i32
    %dma_wait3A_54 = arith.constant 0 : i32
    %dma_wait3A_55 = arith.constant 0 : i32
    %dma_wait3A_56 = tpu.memref_slice %arg10[%dma_wait3A_51, %dma_wait3A_54, %dma_wait3A_55] : memref<8x128x24xf32, #tpu.memory_space<vmem>> -> memref<1x128x24xf32, #tpu.memory_space<vmem>>
    %dma_wait3A_57 = tpu.memref_squeeze %dma_wait3A_56 : memref<1x128x24xf32, #tpu.memory_space<vmem>> -> memref<128x24xf32, #tpu.memory_space<vmem>>
    %dma_wait3A_58 = arith.constant 0 : i32
    %dma_wait3A_59 = tpu.memref_slice %arg9[%dma_wait3A_52, %dma_wait3A_58] : memref<80x128xi32, #tpu.memory_space<vmem>> -> memref<1x128xi32, #tpu.memory_space<vmem>>
    %dma_wait3A_60 = tpu.memref_squeeze %dma_wait3A_59 : memref<1x128xi32, #tpu.memory_space<vmem>> -> memref<128xi32, #tpu.memory_space<vmem>>
    %dma_wait3A_61 = arith.constant 0 : i32
    %dma_wait3A_62 = arith.constant 0 : i32
    %dma_wait3A_63 = tpu.memref_slice %arg7[%dma_wait3A_61, %dma_wait3A_62] : memref<10240x24xf32, #tpu.memory_space<vmem_shared>> -> memref<10240x24xf32, #tpu.memory_space<vmem_shared>>
    %dma_wait3A_64 = tpu.memref_slice %arg12[%dma_wait3A_53] : memref<8x!tpu.dma_semaphore, #tpu.memory_space<semaphore_mem>> -> memref<1x!tpu.dma_semaphore, #tpu.memory_space<semaphore_mem>>
    %dma_wait3A_65 = tpu.memref_squeeze %dma_wait3A_64 : memref<1x!tpu.dma_semaphore, #tpu.memory_space<semaphore_mem>> -> memref<!tpu.dma_semaphore, #tpu.memory_space<semaphore_mem>>
    tpu.wait_indirect_dma semaphore(%dma_wait3A_65 : memref<!tpu.dma_semaphore, #tpu.memory_space<semaphore_mem>>) src(%dma_wait3A_57 : memref<128x24xf32, #tpu.memory_space<vmem>>) dst(%dma_wait3A_63 : memref<10240x24xf32, #tpu.memory_space<vmem_shared>>)
    %dma_wait3A_66 = arith.constant 4 : i32
    %dma_wait3A_67 = arith.constant 76 : i32
    %dma_wait3A_68 = arith.constant 4 : i32
    %dma_wait3A_69 = arith.constant 0 : i32
    %dma_wait3A_70 = arith.constant 0 : i32
    %dma_wait3A_71 = tpu.memref_slice %arg10[%dma_wait3A_66, %dma_wait3A_69, %dma_wait3A_70] : memref<8x128x24xf32, #tpu.memory_space<vmem>> -> memref<1x128x24xf32, #tpu.memory_space<vmem>>
    %dma_wait3A_72 = tpu.memref_squeeze %dma_wait3A_71 : memref<1x128x24xf32, #tpu.memory_space<vmem>> -> memref<128x24xf32, #tpu.memory_space<vmem>>
    %dma_wait3A_73 = arith.constant 0 : i32
    %dma_wait3A_74 = tpu.memref_slice %arg9[%dma_wait3A_67, %dma_wait3A_73] : memref<80x128xi32, #tpu.memory_space<vmem>> -> memref<1x128xi32, #tpu.memory_space<vmem>>
    %dma_wait3A_75 = tpu.memref_squeeze %dma_wait3A_74 : memref<1x128xi32, #tpu.memory_space<vmem>> -> memref<128xi32, #tpu.memory_space<vmem>>
    %dma_wait3A_76 = arith.constant 0 : i32
    %dma_wait3A_77 = arith.constant 0 : i32
    %dma_wait3A_78 = tpu.memref_slice %arg7[%dma_wait3A_76, %dma_wait3A_77] : memref<10240x24xf32, #tpu.memory_space<vmem_shared>> -> memref<10240x24xf32, #tpu.memory_space<vmem_shared>>
    %dma_wait3A_79 = tpu.memref_slice %arg12[%dma_wait3A_68] : memref<8x!tpu.dma_semaphore, #tpu.memory_space<semaphore_mem>> -> memref<1x!tpu.dma_semaphore, #tpu.memory_space<semaphore_mem>>
    %dma_wait3A_80 = tpu.memref_squeeze %dma_wait3A_79 : memref<1x!tpu.dma_semaphore, #tpu.memory_space<semaphore_mem>> -> memref<!tpu.dma_semaphore, #tpu.memory_space<semaphore_mem>>
    tpu.wait_indirect_dma semaphore(%dma_wait3A_80 : memref<!tpu.dma_semaphore, #tpu.memory_space<semaphore_mem>>) src(%dma_wait3A_72 : memref<128x24xf32, #tpu.memory_space<vmem>>) dst(%dma_wait3A_78 : memref<10240x24xf32, #tpu.memory_space<vmem_shared>>)
    %dma_wait3A_81 = arith.constant 5 : i32
    %dma_wait3A_82 = arith.constant 77 : i32
    %dma_wait3A_83 = arith.constant 5 : i32
    %dma_wait3A_84 = arith.constant 0 : i32
    %dma_wait3A_85 = arith.constant 0 : i32
    %dma_wait3A_86 = tpu.memref_slice %arg10[%dma_wait3A_81, %dma_wait3A_84, %dma_wait3A_85] : memref<8x128x24xf32, #tpu.memory_space<vmem>> -> memref<1x128x24xf32, #tpu.memory_space<vmem>>
    %dma_wait3A_87 = tpu.memref_squeeze %dma_wait3A_86 : memref<1x128x24xf32, #tpu.memory_space<vmem>> -> memref<128x24xf32, #tpu.memory_space<vmem>>
    %dma_wait3A_88 = arith.constant 0 : i32
    %dma_wait3A_89 = tpu.memref_slice %arg9[%dma_wait3A_82, %dma_wait3A_88] : memref<80x128xi32, #tpu.memory_space<vmem>> -> memref<1x128xi32, #tpu.memory_space<vmem>>
    %dma_wait3A_90 = tpu.memref_squeeze %dma_wait3A_89 : memref<1x128xi32, #tpu.memory_space<vmem>> -> memref<128xi32, #tpu.memory_space<vmem>>
    %dma_wait3A_91 = arith.constant 0 : i32
    %dma_wait3A_92 = arith.constant 0 : i32
    %dma_wait3A_93 = tpu.memref_slice %arg7[%dma_wait3A_91, %dma_wait3A_92] : memref<10240x24xf32, #tpu.memory_space<vmem_shared>> -> memref<10240x24xf32, #tpu.memory_space<vmem_shared>>
    %dma_wait3A_94 = tpu.memref_slice %arg12[%dma_wait3A_83] : memref<8x!tpu.dma_semaphore, #tpu.memory_space<semaphore_mem>> -> memref<1x!tpu.dma_semaphore, #tpu.memory_space<semaphore_mem>>
    %dma_wait3A_95 = tpu.memref_squeeze %dma_wait3A_94 : memref<1x!tpu.dma_semaphore, #tpu.memory_space<semaphore_mem>> -> memref<!tpu.dma_semaphore, #tpu.memory_space<semaphore_mem>>
    tpu.wait_indirect_dma semaphore(%dma_wait3A_95 : memref<!tpu.dma_semaphore, #tpu.memory_space<semaphore_mem>>) src(%dma_wait3A_87 : memref<128x24xf32, #tpu.memory_space<vmem>>) dst(%dma_wait3A_93 : memref<10240x24xf32, #tpu.memory_space<vmem_shared>>)
    %dma_wait3A_96 = arith.constant 6 : i32
    %dma_wait3A_97 = arith.constant 78 : i32
    %dma_wait3A_98 = arith.constant 6 : i32
    %dma_wait3A_99 = arith.constant 0 : i32
    %dma_wait3A_100 = arith.constant 0 : i32
    %dma_wait3A_101 = tpu.memref_slice %arg10[%dma_wait3A_96, %dma_wait3A_99, %dma_wait3A_100] : memref<8x128x24xf32, #tpu.memory_space<vmem>> -> memref<1x128x24xf32, #tpu.memory_space<vmem>>
    %dma_wait3A_102 = tpu.memref_squeeze %dma_wait3A_101 : memref<1x128x24xf32, #tpu.memory_space<vmem>> -> memref<128x24xf32, #tpu.memory_space<vmem>>
    %dma_wait3A_103 = arith.constant 0 : i32
    %dma_wait3A_104 = tpu.memref_slice %arg9[%dma_wait3A_97, %dma_wait3A_103] : memref<80x128xi32, #tpu.memory_space<vmem>> -> memref<1x128xi32, #tpu.memory_space<vmem>>
    %dma_wait3A_105 = tpu.memref_squeeze %dma_wait3A_104 : memref<1x128xi32, #tpu.memory_space<vmem>> -> memref<128xi32, #tpu.memory_space<vmem>>
    %dma_wait3A_106 = arith.constant 0 : i32
    %dma_wait3A_107 = arith.constant 0 : i32
    %dma_wait3A_108 = tpu.memref_slice %arg7[%dma_wait3A_106, %dma_wait3A_107] : memref<10240x24xf32, #tpu.memory_space<vmem_shared>> -> memref<10240x24xf32, #tpu.memory_space<vmem_shared>>
    %dma_wait3A_109 = tpu.memref_slice %arg12[%dma_wait3A_98] : memref<8x!tpu.dma_semaphore, #tpu.memory_space<semaphore_mem>> -> memref<1x!tpu.dma_semaphore, #tpu.memory_space<semaphore_mem>>
    %dma_wait3A_110 = tpu.memref_squeeze %dma_wait3A_109 : memref<1x!tpu.dma_semaphore, #tpu.memory_space<semaphore_mem>> -> memref<!tpu.dma_semaphore, #tpu.memory_space<semaphore_mem>>
    tpu.wait_indirect_dma semaphore(%dma_wait3A_110 : memref<!tpu.dma_semaphore, #tpu.memory_space<semaphore_mem>>) src(%dma_wait3A_102 : memref<128x24xf32, #tpu.memory_space<vmem>>) dst(%dma_wait3A_108 : memref<10240x24xf32, #tpu.memory_space<vmem_shared>>)
    %dma_wait3A_111 = arith.constant 7 : i32
    %dma_wait3A_112 = arith.constant 79 : i32
    %dma_wait3A_113 = arith.constant 7 : i32
    %dma_wait3A_114 = arith.constant 0 : i32
    %dma_wait3A_115 = arith.constant 0 : i32
    %dma_wait3A_116 = tpu.memref_slice %arg10[%dma_wait3A_111, %dma_wait3A_114, %dma_wait3A_115] : memref<8x128x24xf32, #tpu.memory_space<vmem>> -> memref<1x128x24xf32, #tpu.memory_space<vmem>>
    %dma_wait3A_117 = tpu.memref_squeeze %dma_wait3A_116 : memref<1x128x24xf32, #tpu.memory_space<vmem>> -> memref<128x24xf32, #tpu.memory_space<vmem>>
    %dma_wait3A_118 = arith.constant 0 : i32
    %dma_wait3A_119 = tpu.memref_slice %arg9[%dma_wait3A_112, %dma_wait3A_118] : memref<80x128xi32, #tpu.memory_space<vmem>> -> memref<1x128xi32, #tpu.memory_space<vmem>>
    %dma_wait3A_120 = tpu.memref_squeeze %dma_wait3A_119 : memref<1x128xi32, #tpu.memory_space<vmem>> -> memref<128xi32, #tpu.memory_space<vmem>>
    %dma_wait3A_121 = arith.constant 0 : i32
    %dma_wait3A_122 = arith.constant 0 : i32
    %dma_wait3A_123 = tpu.memref_slice %arg7[%dma_wait3A_121, %dma_wait3A_122] : memref<10240x24xf32, #tpu.memory_space<vmem_shared>> -> memref<10240x24xf32, #tpu.memory_space<vmem_shared>>
    %dma_wait3A_124 = tpu.memref_slice %arg12[%dma_wait3A_113] : memref<8x!tpu.dma_semaphore, #tpu.memory_space<semaphore_mem>> -> memref<1x!tpu.dma_semaphore, #tpu.memory_space<semaphore_mem>>
    %dma_wait3A_125 = tpu.memref_squeeze %dma_wait3A_124 : memref<1x!tpu.dma_semaphore, #tpu.memory_space<semaphore_mem>> -> memref<!tpu.dma_semaphore, #tpu.memory_space<semaphore_mem>>
    tpu.wait_indirect_dma semaphore(%dma_wait3A_125 : memref<!tpu.dma_semaphore, #tpu.memory_space<semaphore_mem>>) src(%dma_wait3A_117 : memref<128x24xf32, #tpu.memory_space<vmem>>) dst(%dma_wait3A_123 : memref<10240x24xf32, #tpu.memory_space<vmem_shared>>)
    %barrier3A_126 = arith.constant 0 : index
    tpu.barrier barrier_id(%barrier3A_126)
    %mul3A_127 = arith.constant 640 : i32
    %mul3A_128 = arith.muli %arg1, %mul3A_127 : i32
    "tpu.region"() ({
      %run_scoped3A = tpu.sem_alloc : memref<!tpu.dma_semaphore, #tpu.memory_space<semaphore_mem>>
      %dma_start3A = arith.constant 0 : i32
      %dma_start3A_129 = tpu.memref_slice %arg6[%arg0, %mul3A_128, %dma_start3A] : memref<2x10240x24xf32, #tpu.memory_space<hbm>> -> memref<1x640x24xf32, #tpu.memory_space<hbm>>
      %dma_start3A_130 = tpu.memref_squeeze %dma_start3A_129 : memref<1x640x24xf32, #tpu.memory_space<hbm>> -> memref<640x24xf32, #tpu.memory_space<hbm>>
      %dma_start3A_131 = arith.constant 0 : i32
      %dma_start3A_132 = tpu.memref_slice %arg7[%mul3A_128, %dma_start3A_131] : memref<10240x24xf32, #tpu.memory_space<vmem_shared>> -> memref<640x24xf32, #tpu.memory_space<vmem_shared>>
      tpu.enqueue_dma source(%dma_start3A_132 : memref<640x24xf32, #tpu.memory_space<vmem_shared>>) target(%dma_start3A_130 : memref<640x24xf32, #tpu.memory_space<hbm>>) target_semaphore(%run_scoped3A : memref<!tpu.dma_semaphore, #tpu.memory_space<semaphore_mem>>)
      %dma_wait3A_133 = arith.constant 0 : i32
      %dma_wait3A_134 = tpu.memref_slice %arg6[%arg0, %mul3A_128, %dma_wait3A_133] : memref<2x10240x24xf32, #tpu.memory_space<hbm>> -> memref<1x640x24xf32, #tpu.memory_space<hbm>>
      %dma_wait3A_135 = tpu.memref_squeeze %dma_wait3A_134 : memref<1x640x24xf32, #tpu.memory_space<hbm>> -> memref<640x24xf32, #tpu.memory_space<hbm>>
      %dma_wait3A_136 = arith.constant 0 : i32
      %dma_wait3A_137 = tpu.memref_slice %arg7[%mul3A_128, %dma_wait3A_136] : memref<10240x24xf32, #tpu.memory_space<vmem_shared>> -> memref<640x24xf32, #tpu.memory_space<vmem_shared>>
      tpu.wait_dma2 semaphore(%run_scoped3A : memref<!tpu.dma_semaphore, #tpu.memory_space<semaphore_mem>>) src(%dma_wait3A_137 : memref<640x24xf32, #tpu.memory_space<vmem_shared>>) dst(%dma_wait3A_135 : memref<640x24xf32, #tpu.memory_space<hbm>>)
      tpu.yield
    }) : () -> ()
    return
  }
}

#map = affine_map<(d0, d1) -> (0, 0)>
#map1 = affine_map<(d0, d1) -> (0, 0, 0)>
module attributes {stable_mosaic.version = 14 : i64} {
  func.func @_agg(%arg0: i32, %arg1: i32, %arg2: memref<10240x32xf32, #tpu.memory_space<hbm>>, %arg3: memref<32x80x128xi32, #tpu.memory_space<hbm>>, %arg4: memref<32x80x128xi32, #tpu.memory_space<hbm>>, %arg5: memref<10240x32xf32, #tpu.memory_space<hbm>>, %arg6: memref<2x10240x32xf32, #tpu.memory_space<hbm>>, %arg7: memref<10240x32xf32, #tpu.memory_space<vmem_shared>>, %arg8: memref<80x128xi32, #tpu.memory_space<vmem>>, %arg9: memref<80x128xi32, #tpu.memory_space<vmem>>, %arg10: memref<8x128x32xf32, #tpu.memory_space<vmem>>, %arg11: memref<8x!tpu.dma_semaphore, #tpu.memory_space<semaphore_mem>>, %arg12: memref<8x!tpu.dma_semaphore, #tpu.memory_space<semaphore_mem>>) attributes {dimension_semantics = [#tpu.dimension_semantics<core_parallel>, #tpu.dimension_semantics<subcore_parallel>], iteration_bounds = array<i64: 2, 16>, scalar_prefetch = 0 : i64, scratch_operands = 6 : i64, tpu.core_type = #tpu.core_type<sc_vector_subcore>, window_params = [{transform_indices = #map}, {transform_indices = #map1}, {transform_indices = #map1}, {transform_indices = #map}, {transform_indices = #map1}]} {
    %mul3A = arith.constant 2 : i32
    %mul3A_0 = arith.muli %arg1, %mul3A : i32
    %add3A = arith.addi %mul3A_0, %arg0 : i32
    %mul3A_1 = arith.constant 640 : i32
    %mul3A_2 = arith.muli %arg1, %mul3A_1 : i32
    "tpu.region"() ({
      %run_scoped3A = tpu.sem_alloc : memref<!tpu.dma_semaphore, #tpu.memory_space<semaphore_mem>>
      %dma_start3A = arith.constant 0 : i32
      %dma_start3A_129 = tpu.memref_slice %arg7[%mul3A_2, %dma_start3A] : memref<10240x32xf32, #tpu.memory_space<vmem_shared>> -> memref<640x32xf32, #tpu.memory_space<vmem_shared>>
      %dma_start3A_130 = arith.constant 0 : i32
      %dma_start3A_131 = tpu.memref_slice %arg5[%mul3A_2, %dma_start3A_130] : memref<10240x32xf32, #tpu.memory_space<hbm>> -> memref<640x32xf32, #tpu.memory_space<hbm>>
      tpu.enqueue_dma source(%dma_start3A_131 : memref<640x32xf32, #tpu.memory_space<hbm>>) target(%dma_start3A_129 : memref<640x32xf32, #tpu.memory_space<vmem_shared>>) target_semaphore(%run_scoped3A : memref<!tpu.dma_semaphore, #tpu.memory_space<semaphore_mem>>)
      %dma_wait3A_132 = arith.constant 0 : i32
      %dma_wait3A_133 = tpu.memref_slice %arg7[%mul3A_2, %dma_wait3A_132] : memref<10240x32xf32, #tpu.memory_space<vmem_shared>> -> memref<640x32xf32, #tpu.memory_space<vmem_shared>>
      %dma_wait3A_134 = arith.constant 0 : i32
      %dma_wait3A_135 = tpu.memref_slice %arg5[%mul3A_2, %dma_wait3A_134] : memref<10240x32xf32, #tpu.memory_space<hbm>> -> memref<640x32xf32, #tpu.memory_space<hbm>>
      tpu.wait_dma2 semaphore(%run_scoped3A : memref<!tpu.dma_semaphore, #tpu.memory_space<semaphore_mem>>) src(%dma_wait3A_135 : memref<640x32xf32, #tpu.memory_space<hbm>>) dst(%dma_wait3A_133 : memref<640x32xf32, #tpu.memory_space<vmem_shared>>)
      tpu.yield
    }) : () -> ()
    "tpu.region"() ({
      %run_scoped3A = tpu.sem_alloc : memref<!tpu.dma_semaphore, #tpu.memory_space<semaphore_mem>>
      %dma_start3A = arith.constant 0 : i32
      %dma_start3A_129 = arith.constant 0 : i32
      %dma_start3A_130 = tpu.memref_slice %arg3[%add3A, %dma_start3A, %dma_start3A_129] : memref<32x80x128xi32, #tpu.memory_space<hbm>> -> memref<1x80x128xi32, #tpu.memory_space<hbm>>
      %dma_start3A_131 = tpu.memref_squeeze %dma_start3A_130 : memref<1x80x128xi32, #tpu.memory_space<hbm>> -> memref<80x128xi32, #tpu.memory_space<hbm>>
      %dma_start3A_132 = arith.constant 0 : i32
      %dma_start3A_133 = arith.constant 0 : i32
      %dma_start3A_134 = tpu.memref_slice %arg3[%add3A, %dma_start3A_132, %dma_start3A_133] : memref<32x80x128xi32, #tpu.memory_space<hbm>> -> memref<1x80x128xi32, #tpu.memory_space<hbm>>
      %dma_start3A_135 = tpu.memref_squeeze %dma_start3A_134 : memref<1x80x128xi32, #tpu.memory_space<hbm>> -> memref<80x128xi32, #tpu.memory_space<hbm>>
      tpu.enqueue_dma source(%dma_start3A_135 : memref<80x128xi32, #tpu.memory_space<hbm>>) target(%arg8 : memref<80x128xi32, #tpu.memory_space<vmem>>) target_semaphore(%run_scoped3A : memref<!tpu.dma_semaphore, #tpu.memory_space<semaphore_mem>>)
      %dma_wait3A_136 = arith.constant 0 : i32
      %dma_wait3A_137 = arith.constant 0 : i32
      %dma_wait3A_138 = tpu.memref_slice %arg3[%add3A, %dma_wait3A_136, %dma_wait3A_137] : memref<32x80x128xi32, #tpu.memory_space<hbm>> -> memref<1x80x128xi32, #tpu.memory_space<hbm>>
      %dma_wait3A_139 = tpu.memref_squeeze %dma_wait3A_138 : memref<1x80x128xi32, #tpu.memory_space<hbm>> -> memref<80x128xi32, #tpu.memory_space<hbm>>
      %dma_wait3A_140 = arith.constant 0 : i32
      %dma_wait3A_141 = arith.constant 0 : i32
      %dma_wait3A_142 = tpu.memref_slice %arg3[%add3A, %dma_wait3A_140, %dma_wait3A_141] : memref<32x80x128xi32, #tpu.memory_space<hbm>> -> memref<1x80x128xi32, #tpu.memory_space<hbm>>
      %dma_wait3A_143 = tpu.memref_squeeze %dma_wait3A_142 : memref<1x80x128xi32, #tpu.memory_space<hbm>> -> memref<80x128xi32, #tpu.memory_space<hbm>>
      tpu.wait_dma2 semaphore(%run_scoped3A : memref<!tpu.dma_semaphore, #tpu.memory_space<semaphore_mem>>) src(%dma_wait3A_143 : memref<80x128xi32, #tpu.memory_space<hbm>>) dst(%arg8 : memref<80x128xi32, #tpu.memory_space<vmem>>)
      tpu.yield
    }) : () -> ()
    "tpu.region"() ({
      %run_scoped3A = tpu.sem_alloc : memref<!tpu.dma_semaphore, #tpu.memory_space<semaphore_mem>>
      %dma_start3A = arith.constant 0 : i32
      %dma_start3A_129 = arith.constant 0 : i32
      %dma_start3A_130 = tpu.memref_slice %arg4[%add3A, %dma_start3A, %dma_start3A_129] : memref<32x80x128xi32, #tpu.memory_space<hbm>> -> memref<1x80x128xi32, #tpu.memory_space<hbm>>
      %dma_start3A_131 = tpu.memref_squeeze %dma_start3A_130 : memref<1x80x128xi32, #tpu.memory_space<hbm>> -> memref<80x128xi32, #tpu.memory_space<hbm>>
      %dma_start3A_132 = arith.constant 0 : i32
      %dma_start3A_133 = arith.constant 0 : i32
      %dma_start3A_134 = tpu.memref_slice %arg4[%add3A, %dma_start3A_132, %dma_start3A_133] : memref<32x80x128xi32, #tpu.memory_space<hbm>> -> memref<1x80x128xi32, #tpu.memory_space<hbm>>
      %dma_start3A_135 = tpu.memref_squeeze %dma_start3A_134 : memref<1x80x128xi32, #tpu.memory_space<hbm>> -> memref<80x128xi32, #tpu.memory_space<hbm>>
      tpu.enqueue_dma source(%dma_start3A_135 : memref<80x128xi32, #tpu.memory_space<hbm>>) target(%arg9 : memref<80x128xi32, #tpu.memory_space<vmem>>) target_semaphore(%run_scoped3A : memref<!tpu.dma_semaphore, #tpu.memory_space<semaphore_mem>>)
      %dma_wait3A_136 = arith.constant 0 : i32
      %dma_wait3A_137 = arith.constant 0 : i32
      %dma_wait3A_138 = tpu.memref_slice %arg4[%add3A, %dma_wait3A_136, %dma_wait3A_137] : memref<32x80x128xi32, #tpu.memory_space<hbm>> -> memref<1x80x128xi32, #tpu.memory_space<hbm>>
      %dma_wait3A_139 = tpu.memref_squeeze %dma_wait3A_138 : memref<1x80x128xi32, #tpu.memory_space<hbm>> -> memref<80x128xi32, #tpu.memory_space<hbm>>
      %dma_wait3A_140 = arith.constant 0 : i32
      %dma_wait3A_141 = arith.constant 0 : i32
      %dma_wait3A_142 = tpu.memref_slice %arg4[%add3A, %dma_wait3A_140, %dma_wait3A_141] : memref<32x80x128xi32, #tpu.memory_space<hbm>> -> memref<1x80x128xi32, #tpu.memory_space<hbm>>
      %dma_wait3A_143 = tpu.memref_squeeze %dma_wait3A_142 : memref<1x80x128xi32, #tpu.memory_space<hbm>> -> memref<80x128xi32, #tpu.memory_space<hbm>>
      tpu.wait_dma2 semaphore(%run_scoped3A : memref<!tpu.dma_semaphore, #tpu.memory_space<semaphore_mem>>) src(%dma_wait3A_143 : memref<80x128xi32, #tpu.memory_space<hbm>>) dst(%arg9 : memref<80x128xi32, #tpu.memory_space<vmem>>)
      tpu.yield
    }) : () -> ()
    %barrier3A = arith.constant 0 : index
    tpu.barrier barrier_id(%barrier3A)
    %scan3A = arith.constant 0 : i32
    %scan3A_3 = arith.constant 10 : i32
    %scan3A_4 = arith.addi %scan3A, %scan3A_3 : i32
    %scan3A_5 = arith.constant 1 : i32
    scf.for %scan3A_129 = %scan3A to %scan3A_4 step %scan3A_5  : i32 {
      %mul3A_130 = arith.constant 1 : i32
      %mul3A_131 = arith.muli %scan3A_129, %mul3A_130 : i32
      %add3A_132 = arith.constant 0 : i32
      %add3A_133 = arith.addi %add3A_132, %mul3A_131 : i32
      %mul3A_134 = arith.constant 8 : i32
      %mul3A_135 = arith.muli %add3A_133, %mul3A_134 : i32
      %gt3A = arith.constant 0 : i32
      %gt3A_136 = arith.cmpi sgt, %add3A_133, %gt3A : i32
      %convert_element_type3A = arith.extui %gt3A_136 : i1 to i32
      %cond3A = arith.constant 0 : i32
      %cond3A_137 = arith.cmpi ne, %convert_element_type3A, %cond3A : i32
      scf.if %cond3A_137 {
        %sub3A = arith.constant 8 : i32
        %sub3A_540 = arith.subi %mul3A_135, %sub3A : i32
        %add3A_541 = arith.constant 0 : i32
        %add3A_542 = arith.addi %sub3A_540, %add3A_541 : i32
        %dma_wait3A_543 = arith.constant 0 : i32
        %dma_wait3A_544 = arith.constant 0 : i32
        %dma_wait3A_545 = arith.constant 0 : i32
        %dma_wait3A_546 = arith.constant 0 : i32
        %dma_wait3A_547 = tpu.memref_slice %arg10[%dma_wait3A_543, %dma_wait3A_545, %dma_wait3A_546] : memref<8x128x32xf32, #tpu.memory_space<vmem>> -> memref<1x128x32xf32, #tpu.memory_space<vmem>>
        %dma_wait3A_548 = tpu.memref_squeeze %dma_wait3A_547 : memref<1x128x32xf32, #tpu.memory_space<vmem>> -> memref<128x32xf32, #tpu.memory_space<vmem>>
        %dma_wait3A_549 = arith.constant 0 : i32
        %dma_wait3A_550 = tpu.memref_slice %arg9[%add3A_542, %dma_wait3A_549] : memref<80x128xi32, #tpu.memory_space<vmem>> -> memref<1x128xi32, #tpu.memory_space<vmem>>
        %dma_wait3A_551 = tpu.memref_squeeze %dma_wait3A_550 : memref<1x128xi32, #tpu.memory_space<vmem>> -> memref<128xi32, #tpu.memory_space<vmem>>
        %dma_wait3A_552 = arith.constant 0 : i32
        %dma_wait3A_553 = arith.constant 0 : i32
        %dma_wait3A_554 = tpu.memref_slice %arg7[%dma_wait3A_552, %dma_wait3A_553] : memref<10240x32xf32, #tpu.memory_space<vmem_shared>> -> memref<10240x32xf32, #tpu.memory_space<vmem_shared>>
        %dma_wait3A_555 = tpu.memref_slice %arg12[%dma_wait3A_544] : memref<8x!tpu.dma_semaphore, #tpu.memory_space<semaphore_mem>> -> memref<1x!tpu.dma_semaphore, #tpu.memory_space<semaphore_mem>>
        %dma_wait3A_556 = tpu.memref_squeeze %dma_wait3A_555 : memref<1x!tpu.dma_semaphore, #tpu.memory_space<semaphore_mem>> -> memref<!tpu.dma_semaphore, #tpu.memory_space<semaphore_mem>>
        tpu.wait_indirect_dma semaphore(%dma_wait3A_556 : memref<!tpu.dma_semaphore, #tpu.memory_space<semaphore_mem>>) src(%dma_wait3A_548 : memref<128x32xf32, #tpu.memory_space<vmem>>) dst(%dma_wait3A_554 : memref<10240x32xf32, #tpu.memory_space<vmem_shared>>)
      } else {
      }
      %add3A_138 = arith.constant 0 : i32
      %add3A_139 = arith.addi %mul3A_135, %add3A_138 : i32
      %dma_start3A = arith.constant 0 : i32
      %dma_start3A_140 = arith.constant 0 : i32
      %dma_start3A_141 = arith.constant 0 : i32
      %dma_start3A_142 = arith.constant 0 : i32
      %dma_start3A_143 = tpu.memref_slice %arg10[%dma_start3A, %dma_start3A_141, %dma_start3A_142] : memref<8x128x32xf32, #tpu.memory_space<vmem>> -> memref<1x128x32xf32, #tpu.memory_space<vmem>>
      %dma_start3A_144 = tpu.memref_squeeze %dma_start3A_143 : memref<1x128x32xf32, #tpu.memory_space<vmem>> -> memref<128x32xf32, #tpu.memory_space<vmem>>
      %dma_start3A_145 = arith.constant 0 : i32
      %dma_start3A_146 = tpu.memref_slice %arg8[%add3A_139, %dma_start3A_145] : memref<80x128xi32, #tpu.memory_space<vmem>> -> memref<1x128xi32, #tpu.memory_space<vmem>>
      %dma_start3A_147 = tpu.memref_squeeze %dma_start3A_146 : memref<1x128xi32, #tpu.memory_space<vmem>> -> memref<128xi32, #tpu.memory_space<vmem>>
      %dma_start3A_148 = arith.constant 0 : i32
      %dma_start3A_149 = arith.constant 0 : i32
      %dma_start3A_150 = tpu.memref_slice %arg2[%dma_start3A_148, %dma_start3A_149] : memref<10240x32xf32, #tpu.memory_space<hbm>> -> memref<10240x32xf32, #tpu.memory_space<hbm>>
      %dma_start3A_151 = tpu.memref_slice %arg11[%dma_start3A_140] : memref<8x!tpu.dma_semaphore, #tpu.memory_space<semaphore_mem>> -> memref<1x!tpu.dma_semaphore, #tpu.memory_space<semaphore_mem>>
      %dma_start3A_152 = tpu.memref_squeeze %dma_start3A_151 : memref<1x!tpu.dma_semaphore, #tpu.memory_space<semaphore_mem>> -> memref<!tpu.dma_semaphore, #tpu.memory_space<semaphore_mem>>
      tpu.enqueue_indirect_dma source(%dma_start3A_150 : memref<10240x32xf32, #tpu.memory_space<hbm>>) target(%dma_start3A_144 : memref<128x32xf32, #tpu.memory_space<vmem>>) offsets(%dma_start3A_147 : memref<128xi32, #tpu.memory_space<vmem>>) semaphore(%dma_start3A_152 : memref<!tpu.dma_semaphore, #tpu.memory_space<semaphore_mem>>)
      %gt3A_153 = arith.constant 0 : i32
      %gt3A_154 = arith.cmpi sgt, %add3A_133, %gt3A_153 : i32
      %convert_element_type3A_155 = arith.extui %gt3A_154 : i1 to i32
      %cond3A_156 = arith.constant 0 : i32
      %cond3A_157 = arith.cmpi ne, %convert_element_type3A_155, %cond3A_156 : i32
      scf.if %cond3A_157 {
        %sub3A = arith.constant 8 : i32
        %sub3A_540 = arith.subi %mul3A_135, %sub3A : i32
        %add3A_541 = arith.constant 1 : i32
        %add3A_542 = arith.addi %sub3A_540, %add3A_541 : i32
        %dma_wait3A_543 = arith.constant 1 : i32
        %dma_wait3A_544 = arith.constant 1 : i32
        %dma_wait3A_545 = arith.constant 0 : i32
        %dma_wait3A_546 = arith.constant 0 : i32
        %dma_wait3A_547 = tpu.memref_slice %arg10[%dma_wait3A_543, %dma_wait3A_545, %dma_wait3A_546] : memref<8x128x32xf32, #tpu.memory_space<vmem>> -> memref<1x128x32xf32, #tpu.memory_space<vmem>>
        %dma_wait3A_548 = tpu.memref_squeeze %dma_wait3A_547 : memref<1x128x32xf32, #tpu.memory_space<vmem>> -> memref<128x32xf32, #tpu.memory_space<vmem>>
        %dma_wait3A_549 = arith.constant 0 : i32
        %dma_wait3A_550 = tpu.memref_slice %arg9[%add3A_542, %dma_wait3A_549] : memref<80x128xi32, #tpu.memory_space<vmem>> -> memref<1x128xi32, #tpu.memory_space<vmem>>
        %dma_wait3A_551 = tpu.memref_squeeze %dma_wait3A_550 : memref<1x128xi32, #tpu.memory_space<vmem>> -> memref<128xi32, #tpu.memory_space<vmem>>
        %dma_wait3A_552 = arith.constant 0 : i32
        %dma_wait3A_553 = arith.constant 0 : i32
        %dma_wait3A_554 = tpu.memref_slice %arg7[%dma_wait3A_552, %dma_wait3A_553] : memref<10240x32xf32, #tpu.memory_space<vmem_shared>> -> memref<10240x32xf32, #tpu.memory_space<vmem_shared>>
        %dma_wait3A_555 = tpu.memref_slice %arg12[%dma_wait3A_544] : memref<8x!tpu.dma_semaphore, #tpu.memory_space<semaphore_mem>> -> memref<1x!tpu.dma_semaphore, #tpu.memory_space<semaphore_mem>>
        %dma_wait3A_556 = tpu.memref_squeeze %dma_wait3A_555 : memref<1x!tpu.dma_semaphore, #tpu.memory_space<semaphore_mem>> -> memref<!tpu.dma_semaphore, #tpu.memory_space<semaphore_mem>>
        tpu.wait_indirect_dma semaphore(%dma_wait3A_556 : memref<!tpu.dma_semaphore, #tpu.memory_space<semaphore_mem>>) src(%dma_wait3A_548 : memref<128x32xf32, #tpu.memory_space<vmem>>) dst(%dma_wait3A_554 : memref<10240x32xf32, #tpu.memory_space<vmem_shared>>)
      } else {
      }
      %add3A_158 = arith.constant 1 : i32
      %add3A_159 = arith.addi %mul3A_135, %add3A_158 : i32
      %dma_start3A_160 = arith.constant 1 : i32
      %dma_start3A_161 = arith.constant 1 : i32
      %dma_start3A_162 = arith.constant 0 : i32
      %dma_start3A_163 = arith.constant 0 : i32
      %dma_start3A_164 = tpu.memref_slice %arg10[%dma_start3A_160, %dma_start3A_162, %dma_start3A_163] : memref<8x128x32xf32, #tpu.memory_space<vmem>> -> memref<1x128x32xf32, #tpu.memory_space<vmem>>
      %dma_start3A_165 = tpu.memref_squeeze %dma_start3A_164 : memref<1x128x32xf32, #tpu.memory_space<vmem>> -> memref<128x32xf32, #tpu.memory_space<vmem>>
      %dma_start3A_166 = arith.constant 0 : i32
      %dma_start3A_167 = tpu.memref_slice %arg8[%add3A_159, %dma_start3A_166] : memref<80x128xi32, #tpu.memory_space<vmem>> -> memref<1x128xi32, #tpu.memory_space<vmem>>
      %dma_start3A_168 = tpu.memref_squeeze %dma_start3A_167 : memref<1x128xi32, #tpu.memory_space<vmem>> -> memref<128xi32, #tpu.memory_space<vmem>>
      %dma_start3A_169 = arith.constant 0 : i32
      %dma_start3A_170 = arith.constant 0 : i32
      %dma_start3A_171 = tpu.memref_slice %arg2[%dma_start3A_169, %dma_start3A_170] : memref<10240x32xf32, #tpu.memory_space<hbm>> -> memref<10240x32xf32, #tpu.memory_space<hbm>>
      %dma_start3A_172 = tpu.memref_slice %arg11[%dma_start3A_161] : memref<8x!tpu.dma_semaphore, #tpu.memory_space<semaphore_mem>> -> memref<1x!tpu.dma_semaphore, #tpu.memory_space<semaphore_mem>>
      %dma_start3A_173 = tpu.memref_squeeze %dma_start3A_172 : memref<1x!tpu.dma_semaphore, #tpu.memory_space<semaphore_mem>> -> memref<!tpu.dma_semaphore, #tpu.memory_space<semaphore_mem>>
      tpu.enqueue_indirect_dma source(%dma_start3A_171 : memref<10240x32xf32, #tpu.memory_space<hbm>>) target(%dma_start3A_165 : memref<128x32xf32, #tpu.memory_space<vmem>>) offsets(%dma_start3A_168 : memref<128xi32, #tpu.memory_space<vmem>>) semaphore(%dma_start3A_173 : memref<!tpu.dma_semaphore, #tpu.memory_space<semaphore_mem>>)
      %gt3A_174 = arith.constant 0 : i32
      %gt3A_175 = arith.cmpi sgt, %add3A_133, %gt3A_174 : i32
      %convert_element_type3A_176 = arith.extui %gt3A_175 : i1 to i32
      %cond3A_177 = arith.constant 0 : i32
      %cond3A_178 = arith.cmpi ne, %convert_element_type3A_176, %cond3A_177 : i32
      scf.if %cond3A_178 {
        %sub3A = arith.constant 8 : i32
        %sub3A_540 = arith.subi %mul3A_135, %sub3A : i32
        %add3A_541 = arith.constant 2 : i32
        %add3A_542 = arith.addi %sub3A_540, %add3A_541 : i32
        %dma_wait3A_543 = arith.constant 2 : i32
        %dma_wait3A_544 = arith.constant 2 : i32
        %dma_wait3A_545 = arith.constant 0 : i32
        %dma_wait3A_546 = arith.constant 0 : i32
        %dma_wait3A_547 = tpu.memref_slice %arg10[%dma_wait3A_543, %dma_wait3A_545, %dma_wait3A_546] : memref<8x128x32xf32, #tpu.memory_space<vmem>> -> memref<1x128x32xf32, #tpu.memory_space<vmem>>
        %dma_wait3A_548 = tpu.memref_squeeze %dma_wait3A_547 : memref<1x128x32xf32, #tpu.memory_space<vmem>> -> memref<128x32xf32, #tpu.memory_space<vmem>>
        %dma_wait3A_549 = arith.constant 0 : i32
        %dma_wait3A_550 = tpu.memref_slice %arg9[%add3A_542, %dma_wait3A_549] : memref<80x128xi32, #tpu.memory_space<vmem>> -> memref<1x128xi32, #tpu.memory_space<vmem>>
        %dma_wait3A_551 = tpu.memref_squeeze %dma_wait3A_550 : memref<1x128xi32, #tpu.memory_space<vmem>> -> memref<128xi32, #tpu.memory_space<vmem>>
        %dma_wait3A_552 = arith.constant 0 : i32
        %dma_wait3A_553 = arith.constant 0 : i32
        %dma_wait3A_554 = tpu.memref_slice %arg7[%dma_wait3A_552, %dma_wait3A_553] : memref<10240x32xf32, #tpu.memory_space<vmem_shared>> -> memref<10240x32xf32, #tpu.memory_space<vmem_shared>>
        %dma_wait3A_555 = tpu.memref_slice %arg12[%dma_wait3A_544] : memref<8x!tpu.dma_semaphore, #tpu.memory_space<semaphore_mem>> -> memref<1x!tpu.dma_semaphore, #tpu.memory_space<semaphore_mem>>
        %dma_wait3A_556 = tpu.memref_squeeze %dma_wait3A_555 : memref<1x!tpu.dma_semaphore, #tpu.memory_space<semaphore_mem>> -> memref<!tpu.dma_semaphore, #tpu.memory_space<semaphore_mem>>
        tpu.wait_indirect_dma semaphore(%dma_wait3A_556 : memref<!tpu.dma_semaphore, #tpu.memory_space<semaphore_mem>>) src(%dma_wait3A_548 : memref<128x32xf32, #tpu.memory_space<vmem>>) dst(%dma_wait3A_554 : memref<10240x32xf32, #tpu.memory_space<vmem_shared>>)
      } else {
      }
      %add3A_179 = arith.constant 2 : i32
      %add3A_180 = arith.addi %mul3A_135, %add3A_179 : i32
      %dma_start3A_181 = arith.constant 2 : i32
      %dma_start3A_182 = arith.constant 2 : i32
      %dma_start3A_183 = arith.constant 0 : i32
      %dma_start3A_184 = arith.constant 0 : i32
      %dma_start3A_185 = tpu.memref_slice %arg10[%dma_start3A_181, %dma_start3A_183, %dma_start3A_184] : memref<8x128x32xf32, #tpu.memory_space<vmem>> -> memref<1x128x32xf32, #tpu.memory_space<vmem>>
      %dma_start3A_186 = tpu.memref_squeeze %dma_start3A_185 : memref<1x128x32xf32, #tpu.memory_space<vmem>> -> memref<128x32xf32, #tpu.memory_space<vmem>>
      %dma_start3A_187 = arith.constant 0 : i32
      %dma_start3A_188 = tpu.memref_slice %arg8[%add3A_180, %dma_start3A_187] : memref<80x128xi32, #tpu.memory_space<vmem>> -> memref<1x128xi32, #tpu.memory_space<vmem>>
      %dma_start3A_189 = tpu.memref_squeeze %dma_start3A_188 : memref<1x128xi32, #tpu.memory_space<vmem>> -> memref<128xi32, #tpu.memory_space<vmem>>
      %dma_start3A_190 = arith.constant 0 : i32
      %dma_start3A_191 = arith.constant 0 : i32
      %dma_start3A_192 = tpu.memref_slice %arg2[%dma_start3A_190, %dma_start3A_191] : memref<10240x32xf32, #tpu.memory_space<hbm>> -> memref<10240x32xf32, #tpu.memory_space<hbm>>
      %dma_start3A_193 = tpu.memref_slice %arg11[%dma_start3A_182] : memref<8x!tpu.dma_semaphore, #tpu.memory_space<semaphore_mem>> -> memref<1x!tpu.dma_semaphore, #tpu.memory_space<semaphore_mem>>
      %dma_start3A_194 = tpu.memref_squeeze %dma_start3A_193 : memref<1x!tpu.dma_semaphore, #tpu.memory_space<semaphore_mem>> -> memref<!tpu.dma_semaphore, #tpu.memory_space<semaphore_mem>>
      tpu.enqueue_indirect_dma source(%dma_start3A_192 : memref<10240x32xf32, #tpu.memory_space<hbm>>) target(%dma_start3A_186 : memref<128x32xf32, #tpu.memory_space<vmem>>) offsets(%dma_start3A_189 : memref<128xi32, #tpu.memory_space<vmem>>) semaphore(%dma_start3A_194 : memref<!tpu.dma_semaphore, #tpu.memory_space<semaphore_mem>>)
      %gt3A_195 = arith.constant 0 : i32
      %gt3A_196 = arith.cmpi sgt, %add3A_133, %gt3A_195 : i32
      %convert_element_type3A_197 = arith.extui %gt3A_196 : i1 to i32
      %cond3A_198 = arith.constant 0 : i32
      %cond3A_199 = arith.cmpi ne, %convert_element_type3A_197, %cond3A_198 : i32
      scf.if %cond3A_199 {
        %sub3A = arith.constant 8 : i32
        %sub3A_540 = arith.subi %mul3A_135, %sub3A : i32
        %add3A_541 = arith.constant 3 : i32
        %add3A_542 = arith.addi %sub3A_540, %add3A_541 : i32
        %dma_wait3A_543 = arith.constant 3 : i32
        %dma_wait3A_544 = arith.constant 3 : i32
        %dma_wait3A_545 = arith.constant 0 : i32
        %dma_wait3A_546 = arith.constant 0 : i32
        %dma_wait3A_547 = tpu.memref_slice %arg10[%dma_wait3A_543, %dma_wait3A_545, %dma_wait3A_546] : memref<8x128x32xf32, #tpu.memory_space<vmem>> -> memref<1x128x32xf32, #tpu.memory_space<vmem>>
        %dma_wait3A_548 = tpu.memref_squeeze %dma_wait3A_547 : memref<1x128x32xf32, #tpu.memory_space<vmem>> -> memref<128x32xf32, #tpu.memory_space<vmem>>
        %dma_wait3A_549 = arith.constant 0 : i32
        %dma_wait3A_550 = tpu.memref_slice %arg9[%add3A_542, %dma_wait3A_549] : memref<80x128xi32, #tpu.memory_space<vmem>> -> memref<1x128xi32, #tpu.memory_space<vmem>>
        %dma_wait3A_551 = tpu.memref_squeeze %dma_wait3A_550 : memref<1x128xi32, #tpu.memory_space<vmem>> -> memref<128xi32, #tpu.memory_space<vmem>>
        %dma_wait3A_552 = arith.constant 0 : i32
        %dma_wait3A_553 = arith.constant 0 : i32
        %dma_wait3A_554 = tpu.memref_slice %arg7[%dma_wait3A_552, %dma_wait3A_553] : memref<10240x32xf32, #tpu.memory_space<vmem_shared>> -> memref<10240x32xf32, #tpu.memory_space<vmem_shared>>
        %dma_wait3A_555 = tpu.memref_slice %arg12[%dma_wait3A_544] : memref<8x!tpu.dma_semaphore, #tpu.memory_space<semaphore_mem>> -> memref<1x!tpu.dma_semaphore, #tpu.memory_space<semaphore_mem>>
        %dma_wait3A_556 = tpu.memref_squeeze %dma_wait3A_555 : memref<1x!tpu.dma_semaphore, #tpu.memory_space<semaphore_mem>> -> memref<!tpu.dma_semaphore, #tpu.memory_space<semaphore_mem>>
        tpu.wait_indirect_dma semaphore(%dma_wait3A_556 : memref<!tpu.dma_semaphore, #tpu.memory_space<semaphore_mem>>) src(%dma_wait3A_548 : memref<128x32xf32, #tpu.memory_space<vmem>>) dst(%dma_wait3A_554 : memref<10240x32xf32, #tpu.memory_space<vmem_shared>>)
      } else {
      }
      %add3A_200 = arith.constant 3 : i32
      %add3A_201 = arith.addi %mul3A_135, %add3A_200 : i32
      %dma_start3A_202 = arith.constant 3 : i32
      %dma_start3A_203 = arith.constant 3 : i32
      %dma_start3A_204 = arith.constant 0 : i32
      %dma_start3A_205 = arith.constant 0 : i32
      %dma_start3A_206 = tpu.memref_slice %arg10[%dma_start3A_202, %dma_start3A_204, %dma_start3A_205] : memref<8x128x32xf32, #tpu.memory_space<vmem>> -> memref<1x128x32xf32, #tpu.memory_space<vmem>>
      %dma_start3A_207 = tpu.memref_squeeze %dma_start3A_206 : memref<1x128x32xf32, #tpu.memory_space<vmem>> -> memref<128x32xf32, #tpu.memory_space<vmem>>
      %dma_start3A_208 = arith.constant 0 : i32
      %dma_start3A_209 = tpu.memref_slice %arg8[%add3A_201, %dma_start3A_208] : memref<80x128xi32, #tpu.memory_space<vmem>> -> memref<1x128xi32, #tpu.memory_space<vmem>>
      %dma_start3A_210 = tpu.memref_squeeze %dma_start3A_209 : memref<1x128xi32, #tpu.memory_space<vmem>> -> memref<128xi32, #tpu.memory_space<vmem>>
      %dma_start3A_211 = arith.constant 0 : i32
      %dma_start3A_212 = arith.constant 0 : i32
      %dma_start3A_213 = tpu.memref_slice %arg2[%dma_start3A_211, %dma_start3A_212] : memref<10240x32xf32, #tpu.memory_space<hbm>> -> memref<10240x32xf32, #tpu.memory_space<hbm>>
      %dma_start3A_214 = tpu.memref_slice %arg11[%dma_start3A_203] : memref<8x!tpu.dma_semaphore, #tpu.memory_space<semaphore_mem>> -> memref<1x!tpu.dma_semaphore, #tpu.memory_space<semaphore_mem>>
      %dma_start3A_215 = tpu.memref_squeeze %dma_start3A_214 : memref<1x!tpu.dma_semaphore, #tpu.memory_space<semaphore_mem>> -> memref<!tpu.dma_semaphore, #tpu.memory_space<semaphore_mem>>
      tpu.enqueue_indirect_dma source(%dma_start3A_213 : memref<10240x32xf32, #tpu.memory_space<hbm>>) target(%dma_start3A_207 : memref<128x32xf32, #tpu.memory_space<vmem>>) offsets(%dma_start3A_210 : memref<128xi32, #tpu.memory_space<vmem>>) semaphore(%dma_start3A_215 : memref<!tpu.dma_semaphore, #tpu.memory_space<semaphore_mem>>)
      %gt3A_216 = arith.constant 0 : i32
      %gt3A_217 = arith.cmpi sgt, %add3A_133, %gt3A_216 : i32
      %convert_element_type3A_218 = arith.extui %gt3A_217 : i1 to i32
      %cond3A_219 = arith.constant 0 : i32
      %cond3A_220 = arith.cmpi ne, %convert_element_type3A_218, %cond3A_219 : i32
      scf.if %cond3A_220 {
        %sub3A = arith.constant 8 : i32
        %sub3A_540 = arith.subi %mul3A_135, %sub3A : i32
        %add3A_541 = arith.constant 4 : i32
        %add3A_542 = arith.addi %sub3A_540, %add3A_541 : i32
        %dma_wait3A_543 = arith.constant 4 : i32
        %dma_wait3A_544 = arith.constant 4 : i32
        %dma_wait3A_545 = arith.constant 0 : i32
        %dma_wait3A_546 = arith.constant 0 : i32
        %dma_wait3A_547 = tpu.memref_slice %arg10[%dma_wait3A_543, %dma_wait3A_545, %dma_wait3A_546] : memref<8x128x32xf32, #tpu.memory_space<vmem>> -> memref<1x128x32xf32, #tpu.memory_space<vmem>>
        %dma_wait3A_548 = tpu.memref_squeeze %dma_wait3A_547 : memref<1x128x32xf32, #tpu.memory_space<vmem>> -> memref<128x32xf32, #tpu.memory_space<vmem>>
        %dma_wait3A_549 = arith.constant 0 : i32
        %dma_wait3A_550 = tpu.memref_slice %arg9[%add3A_542, %dma_wait3A_549] : memref<80x128xi32, #tpu.memory_space<vmem>> -> memref<1x128xi32, #tpu.memory_space<vmem>>
        %dma_wait3A_551 = tpu.memref_squeeze %dma_wait3A_550 : memref<1x128xi32, #tpu.memory_space<vmem>> -> memref<128xi32, #tpu.memory_space<vmem>>
        %dma_wait3A_552 = arith.constant 0 : i32
        %dma_wait3A_553 = arith.constant 0 : i32
        %dma_wait3A_554 = tpu.memref_slice %arg7[%dma_wait3A_552, %dma_wait3A_553] : memref<10240x32xf32, #tpu.memory_space<vmem_shared>> -> memref<10240x32xf32, #tpu.memory_space<vmem_shared>>
        %dma_wait3A_555 = tpu.memref_slice %arg12[%dma_wait3A_544] : memref<8x!tpu.dma_semaphore, #tpu.memory_space<semaphore_mem>> -> memref<1x!tpu.dma_semaphore, #tpu.memory_space<semaphore_mem>>
        %dma_wait3A_556 = tpu.memref_squeeze %dma_wait3A_555 : memref<1x!tpu.dma_semaphore, #tpu.memory_space<semaphore_mem>> -> memref<!tpu.dma_semaphore, #tpu.memory_space<semaphore_mem>>
        tpu.wait_indirect_dma semaphore(%dma_wait3A_556 : memref<!tpu.dma_semaphore, #tpu.memory_space<semaphore_mem>>) src(%dma_wait3A_548 : memref<128x32xf32, #tpu.memory_space<vmem>>) dst(%dma_wait3A_554 : memref<10240x32xf32, #tpu.memory_space<vmem_shared>>)
      } else {
      }
      %add3A_221 = arith.constant 4 : i32
      %add3A_222 = arith.addi %mul3A_135, %add3A_221 : i32
      %dma_start3A_223 = arith.constant 4 : i32
      %dma_start3A_224 = arith.constant 4 : i32
      %dma_start3A_225 = arith.constant 0 : i32
      %dma_start3A_226 = arith.constant 0 : i32
      %dma_start3A_227 = tpu.memref_slice %arg10[%dma_start3A_223, %dma_start3A_225, %dma_start3A_226] : memref<8x128x32xf32, #tpu.memory_space<vmem>> -> memref<1x128x32xf32, #tpu.memory_space<vmem>>
      %dma_start3A_228 = tpu.memref_squeeze %dma_start3A_227 : memref<1x128x32xf32, #tpu.memory_space<vmem>> -> memref<128x32xf32, #tpu.memory_space<vmem>>
      %dma_start3A_229 = arith.constant 0 : i32
      %dma_start3A_230 = tpu.memref_slice %arg8[%add3A_222, %dma_start3A_229] : memref<80x128xi32, #tpu.memory_space<vmem>> -> memref<1x128xi32, #tpu.memory_space<vmem>>
      %dma_start3A_231 = tpu.memref_squeeze %dma_start3A_230 : memref<1x128xi32, #tpu.memory_space<vmem>> -> memref<128xi32, #tpu.memory_space<vmem>>
      %dma_start3A_232 = arith.constant 0 : i32
      %dma_start3A_233 = arith.constant 0 : i32
      %dma_start3A_234 = tpu.memref_slice %arg2[%dma_start3A_232, %dma_start3A_233] : memref<10240x32xf32, #tpu.memory_space<hbm>> -> memref<10240x32xf32, #tpu.memory_space<hbm>>
      %dma_start3A_235 = tpu.memref_slice %arg11[%dma_start3A_224] : memref<8x!tpu.dma_semaphore, #tpu.memory_space<semaphore_mem>> -> memref<1x!tpu.dma_semaphore, #tpu.memory_space<semaphore_mem>>
      %dma_start3A_236 = tpu.memref_squeeze %dma_start3A_235 : memref<1x!tpu.dma_semaphore, #tpu.memory_space<semaphore_mem>> -> memref<!tpu.dma_semaphore, #tpu.memory_space<semaphore_mem>>
      tpu.enqueue_indirect_dma source(%dma_start3A_234 : memref<10240x32xf32, #tpu.memory_space<hbm>>) target(%dma_start3A_228 : memref<128x32xf32, #tpu.memory_space<vmem>>) offsets(%dma_start3A_231 : memref<128xi32, #tpu.memory_space<vmem>>) semaphore(%dma_start3A_236 : memref<!tpu.dma_semaphore, #tpu.memory_space<semaphore_mem>>)
      %gt3A_237 = arith.constant 0 : i32
      %gt3A_238 = arith.cmpi sgt, %add3A_133, %gt3A_237 : i32
      %convert_element_type3A_239 = arith.extui %gt3A_238 : i1 to i32
      %cond3A_240 = arith.constant 0 : i32
      %cond3A_241 = arith.cmpi ne, %convert_element_type3A_239, %cond3A_240 : i32
      scf.if %cond3A_241 {
        %sub3A = arith.constant 8 : i32
        %sub3A_540 = arith.subi %mul3A_135, %sub3A : i32
        %add3A_541 = arith.constant 5 : i32
        %add3A_542 = arith.addi %sub3A_540, %add3A_541 : i32
        %dma_wait3A_543 = arith.constant 5 : i32
        %dma_wait3A_544 = arith.constant 5 : i32
        %dma_wait3A_545 = arith.constant 0 : i32
        %dma_wait3A_546 = arith.constant 0 : i32
        %dma_wait3A_547 = tpu.memref_slice %arg10[%dma_wait3A_543, %dma_wait3A_545, %dma_wait3A_546] : memref<8x128x32xf32, #tpu.memory_space<vmem>> -> memref<1x128x32xf32, #tpu.memory_space<vmem>>
        %dma_wait3A_548 = tpu.memref_squeeze %dma_wait3A_547 : memref<1x128x32xf32, #tpu.memory_space<vmem>> -> memref<128x32xf32, #tpu.memory_space<vmem>>
        %dma_wait3A_549 = arith.constant 0 : i32
        %dma_wait3A_550 = tpu.memref_slice %arg9[%add3A_542, %dma_wait3A_549] : memref<80x128xi32, #tpu.memory_space<vmem>> -> memref<1x128xi32, #tpu.memory_space<vmem>>
        %dma_wait3A_551 = tpu.memref_squeeze %dma_wait3A_550 : memref<1x128xi32, #tpu.memory_space<vmem>> -> memref<128xi32, #tpu.memory_space<vmem>>
        %dma_wait3A_552 = arith.constant 0 : i32
        %dma_wait3A_553 = arith.constant 0 : i32
        %dma_wait3A_554 = tpu.memref_slice %arg7[%dma_wait3A_552, %dma_wait3A_553] : memref<10240x32xf32, #tpu.memory_space<vmem_shared>> -> memref<10240x32xf32, #tpu.memory_space<vmem_shared>>
        %dma_wait3A_555 = tpu.memref_slice %arg12[%dma_wait3A_544] : memref<8x!tpu.dma_semaphore, #tpu.memory_space<semaphore_mem>> -> memref<1x!tpu.dma_semaphore, #tpu.memory_space<semaphore_mem>>
        %dma_wait3A_556 = tpu.memref_squeeze %dma_wait3A_555 : memref<1x!tpu.dma_semaphore, #tpu.memory_space<semaphore_mem>> -> memref<!tpu.dma_semaphore, #tpu.memory_space<semaphore_mem>>
        tpu.wait_indirect_dma semaphore(%dma_wait3A_556 : memref<!tpu.dma_semaphore, #tpu.memory_space<semaphore_mem>>) src(%dma_wait3A_548 : memref<128x32xf32, #tpu.memory_space<vmem>>) dst(%dma_wait3A_554 : memref<10240x32xf32, #tpu.memory_space<vmem_shared>>)
      } else {
      }
      %add3A_242 = arith.constant 5 : i32
      %add3A_243 = arith.addi %mul3A_135, %add3A_242 : i32
      %dma_start3A_244 = arith.constant 5 : i32
      %dma_start3A_245 = arith.constant 5 : i32
      %dma_start3A_246 = arith.constant 0 : i32
      %dma_start3A_247 = arith.constant 0 : i32
      %dma_start3A_248 = tpu.memref_slice %arg10[%dma_start3A_244, %dma_start3A_246, %dma_start3A_247] : memref<8x128x32xf32, #tpu.memory_space<vmem>> -> memref<1x128x32xf32, #tpu.memory_space<vmem>>
      %dma_start3A_249 = tpu.memref_squeeze %dma_start3A_248 : memref<1x128x32xf32, #tpu.memory_space<vmem>> -> memref<128x32xf32, #tpu.memory_space<vmem>>
      %dma_start3A_250 = arith.constant 0 : i32
      %dma_start3A_251 = tpu.memref_slice %arg8[%add3A_243, %dma_start3A_250] : memref<80x128xi32, #tpu.memory_space<vmem>> -> memref<1x128xi32, #tpu.memory_space<vmem>>
      %dma_start3A_252 = tpu.memref_squeeze %dma_start3A_251 : memref<1x128xi32, #tpu.memory_space<vmem>> -> memref<128xi32, #tpu.memory_space<vmem>>
      %dma_start3A_253 = arith.constant 0 : i32
      %dma_start3A_254 = arith.constant 0 : i32
      %dma_start3A_255 = tpu.memref_slice %arg2[%dma_start3A_253, %dma_start3A_254] : memref<10240x32xf32, #tpu.memory_space<hbm>> -> memref<10240x32xf32, #tpu.memory_space<hbm>>
      %dma_start3A_256 = tpu.memref_slice %arg11[%dma_start3A_245] : memref<8x!tpu.dma_semaphore, #tpu.memory_space<semaphore_mem>> -> memref<1x!tpu.dma_semaphore, #tpu.memory_space<semaphore_mem>>
      %dma_start3A_257 = tpu.memref_squeeze %dma_start3A_256 : memref<1x!tpu.dma_semaphore, #tpu.memory_space<semaphore_mem>> -> memref<!tpu.dma_semaphore, #tpu.memory_space<semaphore_mem>>
      tpu.enqueue_indirect_dma source(%dma_start3A_255 : memref<10240x32xf32, #tpu.memory_space<hbm>>) target(%dma_start3A_249 : memref<128x32xf32, #tpu.memory_space<vmem>>) offsets(%dma_start3A_252 : memref<128xi32, #tpu.memory_space<vmem>>) semaphore(%dma_start3A_257 : memref<!tpu.dma_semaphore, #tpu.memory_space<semaphore_mem>>)
      %gt3A_258 = arith.constant 0 : i32
      %gt3A_259 = arith.cmpi sgt, %add3A_133, %gt3A_258 : i32
      %convert_element_type3A_260 = arith.extui %gt3A_259 : i1 to i32
      %cond3A_261 = arith.constant 0 : i32
      %cond3A_262 = arith.cmpi ne, %convert_element_type3A_260, %cond3A_261 : i32
      scf.if %cond3A_262 {
        %sub3A = arith.constant 8 : i32
        %sub3A_540 = arith.subi %mul3A_135, %sub3A : i32
        %add3A_541 = arith.constant 6 : i32
        %add3A_542 = arith.addi %sub3A_540, %add3A_541 : i32
        %dma_wait3A_543 = arith.constant 6 : i32
        %dma_wait3A_544 = arith.constant 6 : i32
        %dma_wait3A_545 = arith.constant 0 : i32
        %dma_wait3A_546 = arith.constant 0 : i32
        %dma_wait3A_547 = tpu.memref_slice %arg10[%dma_wait3A_543, %dma_wait3A_545, %dma_wait3A_546] : memref<8x128x32xf32, #tpu.memory_space<vmem>> -> memref<1x128x32xf32, #tpu.memory_space<vmem>>
        %dma_wait3A_548 = tpu.memref_squeeze %dma_wait3A_547 : memref<1x128x32xf32, #tpu.memory_space<vmem>> -> memref<128x32xf32, #tpu.memory_space<vmem>>
        %dma_wait3A_549 = arith.constant 0 : i32
        %dma_wait3A_550 = tpu.memref_slice %arg9[%add3A_542, %dma_wait3A_549] : memref<80x128xi32, #tpu.memory_space<vmem>> -> memref<1x128xi32, #tpu.memory_space<vmem>>
        %dma_wait3A_551 = tpu.memref_squeeze %dma_wait3A_550 : memref<1x128xi32, #tpu.memory_space<vmem>> -> memref<128xi32, #tpu.memory_space<vmem>>
        %dma_wait3A_552 = arith.constant 0 : i32
        %dma_wait3A_553 = arith.constant 0 : i32
        %dma_wait3A_554 = tpu.memref_slice %arg7[%dma_wait3A_552, %dma_wait3A_553] : memref<10240x32xf32, #tpu.memory_space<vmem_shared>> -> memref<10240x32xf32, #tpu.memory_space<vmem_shared>>
        %dma_wait3A_555 = tpu.memref_slice %arg12[%dma_wait3A_544] : memref<8x!tpu.dma_semaphore, #tpu.memory_space<semaphore_mem>> -> memref<1x!tpu.dma_semaphore, #tpu.memory_space<semaphore_mem>>
        %dma_wait3A_556 = tpu.memref_squeeze %dma_wait3A_555 : memref<1x!tpu.dma_semaphore, #tpu.memory_space<semaphore_mem>> -> memref<!tpu.dma_semaphore, #tpu.memory_space<semaphore_mem>>
        tpu.wait_indirect_dma semaphore(%dma_wait3A_556 : memref<!tpu.dma_semaphore, #tpu.memory_space<semaphore_mem>>) src(%dma_wait3A_548 : memref<128x32xf32, #tpu.memory_space<vmem>>) dst(%dma_wait3A_554 : memref<10240x32xf32, #tpu.memory_space<vmem_shared>>)
      } else {
      }
      %add3A_263 = arith.constant 6 : i32
      %add3A_264 = arith.addi %mul3A_135, %add3A_263 : i32
      %dma_start3A_265 = arith.constant 6 : i32
      %dma_start3A_266 = arith.constant 6 : i32
      %dma_start3A_267 = arith.constant 0 : i32
      %dma_start3A_268 = arith.constant 0 : i32
      %dma_start3A_269 = tpu.memref_slice %arg10[%dma_start3A_265, %dma_start3A_267, %dma_start3A_268] : memref<8x128x32xf32, #tpu.memory_space<vmem>> -> memref<1x128x32xf32, #tpu.memory_space<vmem>>
      %dma_start3A_270 = tpu.memref_squeeze %dma_start3A_269 : memref<1x128x32xf32, #tpu.memory_space<vmem>> -> memref<128x32xf32, #tpu.memory_space<vmem>>
      %dma_start3A_271 = arith.constant 0 : i32
      %dma_start3A_272 = tpu.memref_slice %arg8[%add3A_264, %dma_start3A_271] : memref<80x128xi32, #tpu.memory_space<vmem>> -> memref<1x128xi32, #tpu.memory_space<vmem>>
      %dma_start3A_273 = tpu.memref_squeeze %dma_start3A_272 : memref<1x128xi32, #tpu.memory_space<vmem>> -> memref<128xi32, #tpu.memory_space<vmem>>
      %dma_start3A_274 = arith.constant 0 : i32
      %dma_start3A_275 = arith.constant 0 : i32
      %dma_start3A_276 = tpu.memref_slice %arg2[%dma_start3A_274, %dma_start3A_275] : memref<10240x32xf32, #tpu.memory_space<hbm>> -> memref<10240x32xf32, #tpu.memory_space<hbm>>
      %dma_start3A_277 = tpu.memref_slice %arg11[%dma_start3A_266] : memref<8x!tpu.dma_semaphore, #tpu.memory_space<semaphore_mem>> -> memref<1x!tpu.dma_semaphore, #tpu.memory_space<semaphore_mem>>
      %dma_start3A_278 = tpu.memref_squeeze %dma_start3A_277 : memref<1x!tpu.dma_semaphore, #tpu.memory_space<semaphore_mem>> -> memref<!tpu.dma_semaphore, #tpu.memory_space<semaphore_mem>>
      tpu.enqueue_indirect_dma source(%dma_start3A_276 : memref<10240x32xf32, #tpu.memory_space<hbm>>) target(%dma_start3A_270 : memref<128x32xf32, #tpu.memory_space<vmem>>) offsets(%dma_start3A_273 : memref<128xi32, #tpu.memory_space<vmem>>) semaphore(%dma_start3A_278 : memref<!tpu.dma_semaphore, #tpu.memory_space<semaphore_mem>>)
      %gt3A_279 = arith.constant 0 : i32
      %gt3A_280 = arith.cmpi sgt, %add3A_133, %gt3A_279 : i32
      %convert_element_type3A_281 = arith.extui %gt3A_280 : i1 to i32
      %cond3A_282 = arith.constant 0 : i32
      %cond3A_283 = arith.cmpi ne, %convert_element_type3A_281, %cond3A_282 : i32
      scf.if %cond3A_283 {
        %sub3A = arith.constant 8 : i32
        %sub3A_540 = arith.subi %mul3A_135, %sub3A : i32
        %add3A_541 = arith.constant 7 : i32
        %add3A_542 = arith.addi %sub3A_540, %add3A_541 : i32
        %dma_wait3A_543 = arith.constant 7 : i32
        %dma_wait3A_544 = arith.constant 7 : i32
        %dma_wait3A_545 = arith.constant 0 : i32
        %dma_wait3A_546 = arith.constant 0 : i32
        %dma_wait3A_547 = tpu.memref_slice %arg10[%dma_wait3A_543, %dma_wait3A_545, %dma_wait3A_546] : memref<8x128x32xf32, #tpu.memory_space<vmem>> -> memref<1x128x32xf32, #tpu.memory_space<vmem>>
        %dma_wait3A_548 = tpu.memref_squeeze %dma_wait3A_547 : memref<1x128x32xf32, #tpu.memory_space<vmem>> -> memref<128x32xf32, #tpu.memory_space<vmem>>
        %dma_wait3A_549 = arith.constant 0 : i32
        %dma_wait3A_550 = tpu.memref_slice %arg9[%add3A_542, %dma_wait3A_549] : memref<80x128xi32, #tpu.memory_space<vmem>> -> memref<1x128xi32, #tpu.memory_space<vmem>>
        %dma_wait3A_551 = tpu.memref_squeeze %dma_wait3A_550 : memref<1x128xi32, #tpu.memory_space<vmem>> -> memref<128xi32, #tpu.memory_space<vmem>>
        %dma_wait3A_552 = arith.constant 0 : i32
        %dma_wait3A_553 = arith.constant 0 : i32
        %dma_wait3A_554 = tpu.memref_slice %arg7[%dma_wait3A_552, %dma_wait3A_553] : memref<10240x32xf32, #tpu.memory_space<vmem_shared>> -> memref<10240x32xf32, #tpu.memory_space<vmem_shared>>
        %dma_wait3A_555 = tpu.memref_slice %arg12[%dma_wait3A_544] : memref<8x!tpu.dma_semaphore, #tpu.memory_space<semaphore_mem>> -> memref<1x!tpu.dma_semaphore, #tpu.memory_space<semaphore_mem>>
        %dma_wait3A_556 = tpu.memref_squeeze %dma_wait3A_555 : memref<1x!tpu.dma_semaphore, #tpu.memory_space<semaphore_mem>> -> memref<!tpu.dma_semaphore, #tpu.memory_space<semaphore_mem>>
        tpu.wait_indirect_dma semaphore(%dma_wait3A_556 : memref<!tpu.dma_semaphore, #tpu.memory_space<semaphore_mem>>) src(%dma_wait3A_548 : memref<128x32xf32, #tpu.memory_space<vmem>>) dst(%dma_wait3A_554 : memref<10240x32xf32, #tpu.memory_space<vmem_shared>>)
      } else {
      }
      %add3A_284 = arith.constant 7 : i32
      %add3A_285 = arith.addi %mul3A_135, %add3A_284 : i32
      %dma_start3A_286 = arith.constant 7 : i32
      %dma_start3A_287 = arith.constant 7 : i32
      %dma_start3A_288 = arith.constant 0 : i32
      %dma_start3A_289 = arith.constant 0 : i32
      %dma_start3A_290 = tpu.memref_slice %arg10[%dma_start3A_286, %dma_start3A_288, %dma_start3A_289] : memref<8x128x32xf32, #tpu.memory_space<vmem>> -> memref<1x128x32xf32, #tpu.memory_space<vmem>>
      %dma_start3A_291 = tpu.memref_squeeze %dma_start3A_290 : memref<1x128x32xf32, #tpu.memory_space<vmem>> -> memref<128x32xf32, #tpu.memory_space<vmem>>
      %dma_start3A_292 = arith.constant 0 : i32
      %dma_start3A_293 = tpu.memref_slice %arg8[%add3A_285, %dma_start3A_292] : memref<80x128xi32, #tpu.memory_space<vmem>> -> memref<1x128xi32, #tpu.memory_space<vmem>>
      %dma_start3A_294 = tpu.memref_squeeze %dma_start3A_293 : memref<1x128xi32, #tpu.memory_space<vmem>> -> memref<128xi32, #tpu.memory_space<vmem>>
      %dma_start3A_295 = arith.constant 0 : i32
      %dma_start3A_296 = arith.constant 0 : i32
      %dma_start3A_297 = tpu.memref_slice %arg2[%dma_start3A_295, %dma_start3A_296] : memref<10240x32xf32, #tpu.memory_space<hbm>> -> memref<10240x32xf32, #tpu.memory_space<hbm>>
      %dma_start3A_298 = tpu.memref_slice %arg11[%dma_start3A_287] : memref<8x!tpu.dma_semaphore, #tpu.memory_space<semaphore_mem>> -> memref<1x!tpu.dma_semaphore, #tpu.memory_space<semaphore_mem>>
      %dma_start3A_299 = tpu.memref_squeeze %dma_start3A_298 : memref<1x!tpu.dma_semaphore, #tpu.memory_space<semaphore_mem>> -> memref<!tpu.dma_semaphore, #tpu.memory_space<semaphore_mem>>
      tpu.enqueue_indirect_dma source(%dma_start3A_297 : memref<10240x32xf32, #tpu.memory_space<hbm>>) target(%dma_start3A_291 : memref<128x32xf32, #tpu.memory_space<vmem>>) offsets(%dma_start3A_294 : memref<128xi32, #tpu.memory_space<vmem>>) semaphore(%dma_start3A_299 : memref<!tpu.dma_semaphore, #tpu.memory_space<semaphore_mem>>)
      %dma_wait3A_300 = arith.constant 0 : i32
      %dma_wait3A_301 = arith.constant 0 : i32
      %dma_wait3A_302 = arith.constant 0 : i32
      %dma_wait3A_303 = arith.constant 0 : i32
      %dma_wait3A_304 = tpu.memref_slice %arg10[%dma_wait3A_300, %dma_wait3A_302, %dma_wait3A_303] : memref<8x128x32xf32, #tpu.memory_space<vmem>> -> memref<1x128x32xf32, #tpu.memory_space<vmem>>
      %dma_wait3A_305 = tpu.memref_squeeze %dma_wait3A_304 : memref<1x128x32xf32, #tpu.memory_space<vmem>> -> memref<128x32xf32, #tpu.memory_space<vmem>>
      %dma_wait3A_306 = arith.constant 0 : i32
      %dma_wait3A_307 = tpu.memref_slice %arg8[%add3A_139, %dma_wait3A_306] : memref<80x128xi32, #tpu.memory_space<vmem>> -> memref<1x128xi32, #tpu.memory_space<vmem>>
      %dma_wait3A_308 = tpu.memref_squeeze %dma_wait3A_307 : memref<1x128xi32, #tpu.memory_space<vmem>> -> memref<128xi32, #tpu.memory_space<vmem>>
      %dma_wait3A_309 = arith.constant 0 : i32
      %dma_wait3A_310 = arith.constant 0 : i32
      %dma_wait3A_311 = tpu.memref_slice %arg2[%dma_wait3A_309, %dma_wait3A_310] : memref<10240x32xf32, #tpu.memory_space<hbm>> -> memref<10240x32xf32, #tpu.memory_space<hbm>>
      %dma_wait3A_312 = tpu.memref_slice %arg11[%dma_wait3A_301] : memref<8x!tpu.dma_semaphore, #tpu.memory_space<semaphore_mem>> -> memref<1x!tpu.dma_semaphore, #tpu.memory_space<semaphore_mem>>
      %dma_wait3A_313 = tpu.memref_squeeze %dma_wait3A_312 : memref<1x!tpu.dma_semaphore, #tpu.memory_space<semaphore_mem>> -> memref<!tpu.dma_semaphore, #tpu.memory_space<semaphore_mem>>
      tpu.wait_indirect_dma semaphore(%dma_wait3A_313 : memref<!tpu.dma_semaphore, #tpu.memory_space<semaphore_mem>>) src(%dma_wait3A_311 : memref<10240x32xf32, #tpu.memory_space<hbm>>) dst(%dma_wait3A_305 : memref<128x32xf32, #tpu.memory_space<vmem>>)
      %add3A_314 = arith.constant 0 : i32
      %add3A_315 = arith.addi %mul3A_135, %add3A_314 : i32
      %dma_start3A_316 = arith.constant 0 : i32
      %dma_start3A_317 = arith.constant 0 : i32
      %dma_start3A_318 = arith.constant 0 : i32
      %dma_start3A_319 = arith.constant 0 : i32
      %dma_start3A_320 = tpu.memref_slice %arg10[%dma_start3A_316, %dma_start3A_318, %dma_start3A_319] : memref<8x128x32xf32, #tpu.memory_space<vmem>> -> memref<1x128x32xf32, #tpu.memory_space<vmem>>
      %dma_start3A_321 = tpu.memref_squeeze %dma_start3A_320 : memref<1x128x32xf32, #tpu.memory_space<vmem>> -> memref<128x32xf32, #tpu.memory_space<vmem>>
      %dma_start3A_322 = arith.constant 0 : i32
      %dma_start3A_323 = tpu.memref_slice %arg9[%add3A_315, %dma_start3A_322] : memref<80x128xi32, #tpu.memory_space<vmem>> -> memref<1x128xi32, #tpu.memory_space<vmem>>
      %dma_start3A_324 = tpu.memref_squeeze %dma_start3A_323 : memref<1x128xi32, #tpu.memory_space<vmem>> -> memref<128xi32, #tpu.memory_space<vmem>>
      %dma_start3A_325 = arith.constant 0 : i32
      %dma_start3A_326 = arith.constant 0 : i32
      %dma_start3A_327 = tpu.memref_slice %arg7[%dma_start3A_325, %dma_start3A_326] : memref<10240x32xf32, #tpu.memory_space<vmem_shared>> -> memref<10240x32xf32, #tpu.memory_space<vmem_shared>>
      %dma_start3A_328 = tpu.memref_slice %arg12[%dma_start3A_317] : memref<8x!tpu.dma_semaphore, #tpu.memory_space<semaphore_mem>> -> memref<1x!tpu.dma_semaphore, #tpu.memory_space<semaphore_mem>>
      %dma_start3A_329 = tpu.memref_squeeze %dma_start3A_328 : memref<1x!tpu.dma_semaphore, #tpu.memory_space<semaphore_mem>> -> memref<!tpu.dma_semaphore, #tpu.memory_space<semaphore_mem>>
      tpu.enqueue_indirect_dma source(%dma_start3A_321 : memref<128x32xf32, #tpu.memory_space<vmem>>) target(%dma_start3A_327 : memref<10240x32xf32, #tpu.memory_space<vmem_shared>>) offsets(%dma_start3A_324 : memref<128xi32, #tpu.memory_space<vmem>>) semaphore(%dma_start3A_329 : memref<!tpu.dma_semaphore, #tpu.memory_space<semaphore_mem>>) {add = true}
      %dma_wait3A_330 = arith.constant 1 : i32
      %dma_wait3A_331 = arith.constant 1 : i32
      %dma_wait3A_332 = arith.constant 0 : i32
      %dma_wait3A_333 = arith.constant 0 : i32
      %dma_wait3A_334 = tpu.memref_slice %arg10[%dma_wait3A_330, %dma_wait3A_332, %dma_wait3A_333] : memref<8x128x32xf32, #tpu.memory_space<vmem>> -> memref<1x128x32xf32, #tpu.memory_space<vmem>>
      %dma_wait3A_335 = tpu.memref_squeeze %dma_wait3A_334 : memref<1x128x32xf32, #tpu.memory_space<vmem>> -> memref<128x32xf32, #tpu.memory_space<vmem>>
      %dma_wait3A_336 = arith.constant 0 : i32
      %dma_wait3A_337 = tpu.memref_slice %arg8[%add3A_159, %dma_wait3A_336] : memref<80x128xi32, #tpu.memory_space<vmem>> -> memref<1x128xi32, #tpu.memory_space<vmem>>
      %dma_wait3A_338 = tpu.memref_squeeze %dma_wait3A_337 : memref<1x128xi32, #tpu.memory_space<vmem>> -> memref<128xi32, #tpu.memory_space<vmem>>
      %dma_wait3A_339 = arith.constant 0 : i32
      %dma_wait3A_340 = arith.constant 0 : i32
      %dma_wait3A_341 = tpu.memref_slice %arg2[%dma_wait3A_339, %dma_wait3A_340] : memref<10240x32xf32, #tpu.memory_space<hbm>> -> memref<10240x32xf32, #tpu.memory_space<hbm>>
      %dma_wait3A_342 = tpu.memref_slice %arg11[%dma_wait3A_331] : memref<8x!tpu.dma_semaphore, #tpu.memory_space<semaphore_mem>> -> memref<1x!tpu.dma_semaphore, #tpu.memory_space<semaphore_mem>>
      %dma_wait3A_343 = tpu.memref_squeeze %dma_wait3A_342 : memref<1x!tpu.dma_semaphore, #tpu.memory_space<semaphore_mem>> -> memref<!tpu.dma_semaphore, #tpu.memory_space<semaphore_mem>>
      tpu.wait_indirect_dma semaphore(%dma_wait3A_343 : memref<!tpu.dma_semaphore, #tpu.memory_space<semaphore_mem>>) src(%dma_wait3A_341 : memref<10240x32xf32, #tpu.memory_space<hbm>>) dst(%dma_wait3A_335 : memref<128x32xf32, #tpu.memory_space<vmem>>)
      %add3A_344 = arith.constant 1 : i32
      %add3A_345 = arith.addi %mul3A_135, %add3A_344 : i32
      %dma_start3A_346 = arith.constant 1 : i32
      %dma_start3A_347 = arith.constant 1 : i32
      %dma_start3A_348 = arith.constant 0 : i32
      %dma_start3A_349 = arith.constant 0 : i32
      %dma_start3A_350 = tpu.memref_slice %arg10[%dma_start3A_346, %dma_start3A_348, %dma_start3A_349] : memref<8x128x32xf32, #tpu.memory_space<vmem>> -> memref<1x128x32xf32, #tpu.memory_space<vmem>>
      %dma_start3A_351 = tpu.memref_squeeze %dma_start3A_350 : memref<1x128x32xf32, #tpu.memory_space<vmem>> -> memref<128x32xf32, #tpu.memory_space<vmem>>
      %dma_start3A_352 = arith.constant 0 : i32
      %dma_start3A_353 = tpu.memref_slice %arg9[%add3A_345, %dma_start3A_352] : memref<80x128xi32, #tpu.memory_space<vmem>> -> memref<1x128xi32, #tpu.memory_space<vmem>>
      %dma_start3A_354 = tpu.memref_squeeze %dma_start3A_353 : memref<1x128xi32, #tpu.memory_space<vmem>> -> memref<128xi32, #tpu.memory_space<vmem>>
      %dma_start3A_355 = arith.constant 0 : i32
      %dma_start3A_356 = arith.constant 0 : i32
      %dma_start3A_357 = tpu.memref_slice %arg7[%dma_start3A_355, %dma_start3A_356] : memref<10240x32xf32, #tpu.memory_space<vmem_shared>> -> memref<10240x32xf32, #tpu.memory_space<vmem_shared>>
      %dma_start3A_358 = tpu.memref_slice %arg12[%dma_start3A_347] : memref<8x!tpu.dma_semaphore, #tpu.memory_space<semaphore_mem>> -> memref<1x!tpu.dma_semaphore, #tpu.memory_space<semaphore_mem>>
      %dma_start3A_359 = tpu.memref_squeeze %dma_start3A_358 : memref<1x!tpu.dma_semaphore, #tpu.memory_space<semaphore_mem>> -> memref<!tpu.dma_semaphore, #tpu.memory_space<semaphore_mem>>
      tpu.enqueue_indirect_dma source(%dma_start3A_351 : memref<128x32xf32, #tpu.memory_space<vmem>>) target(%dma_start3A_357 : memref<10240x32xf32, #tpu.memory_space<vmem_shared>>) offsets(%dma_start3A_354 : memref<128xi32, #tpu.memory_space<vmem>>) semaphore(%dma_start3A_359 : memref<!tpu.dma_semaphore, #tpu.memory_space<semaphore_mem>>) {add = true}
      %dma_wait3A_360 = arith.constant 2 : i32
      %dma_wait3A_361 = arith.constant 2 : i32
      %dma_wait3A_362 = arith.constant 0 : i32
      %dma_wait3A_363 = arith.constant 0 : i32
      %dma_wait3A_364 = tpu.memref_slice %arg10[%dma_wait3A_360, %dma_wait3A_362, %dma_wait3A_363] : memref<8x128x32xf32, #tpu.memory_space<vmem>> -> memref<1x128x32xf32, #tpu.memory_space<vmem>>
      %dma_wait3A_365 = tpu.memref_squeeze %dma_wait3A_364 : memref<1x128x32xf32, #tpu.memory_space<vmem>> -> memref<128x32xf32, #tpu.memory_space<vmem>>
      %dma_wait3A_366 = arith.constant 0 : i32
      %dma_wait3A_367 = tpu.memref_slice %arg8[%add3A_180, %dma_wait3A_366] : memref<80x128xi32, #tpu.memory_space<vmem>> -> memref<1x128xi32, #tpu.memory_space<vmem>>
      %dma_wait3A_368 = tpu.memref_squeeze %dma_wait3A_367 : memref<1x128xi32, #tpu.memory_space<vmem>> -> memref<128xi32, #tpu.memory_space<vmem>>
      %dma_wait3A_369 = arith.constant 0 : i32
      %dma_wait3A_370 = arith.constant 0 : i32
      %dma_wait3A_371 = tpu.memref_slice %arg2[%dma_wait3A_369, %dma_wait3A_370] : memref<10240x32xf32, #tpu.memory_space<hbm>> -> memref<10240x32xf32, #tpu.memory_space<hbm>>
      %dma_wait3A_372 = tpu.memref_slice %arg11[%dma_wait3A_361] : memref<8x!tpu.dma_semaphore, #tpu.memory_space<semaphore_mem>> -> memref<1x!tpu.dma_semaphore, #tpu.memory_space<semaphore_mem>>
      %dma_wait3A_373 = tpu.memref_squeeze %dma_wait3A_372 : memref<1x!tpu.dma_semaphore, #tpu.memory_space<semaphore_mem>> -> memref<!tpu.dma_semaphore, #tpu.memory_space<semaphore_mem>>
      tpu.wait_indirect_dma semaphore(%dma_wait3A_373 : memref<!tpu.dma_semaphore, #tpu.memory_space<semaphore_mem>>) src(%dma_wait3A_371 : memref<10240x32xf32, #tpu.memory_space<hbm>>) dst(%dma_wait3A_365 : memref<128x32xf32, #tpu.memory_space<vmem>>)
      %add3A_374 = arith.constant 2 : i32
      %add3A_375 = arith.addi %mul3A_135, %add3A_374 : i32
      %dma_start3A_376 = arith.constant 2 : i32
      %dma_start3A_377 = arith.constant 2 : i32
      %dma_start3A_378 = arith.constant 0 : i32
      %dma_start3A_379 = arith.constant 0 : i32
      %dma_start3A_380 = tpu.memref_slice %arg10[%dma_start3A_376, %dma_start3A_378, %dma_start3A_379] : memref<8x128x32xf32, #tpu.memory_space<vmem>> -> memref<1x128x32xf32, #tpu.memory_space<vmem>>
      %dma_start3A_381 = tpu.memref_squeeze %dma_start3A_380 : memref<1x128x32xf32, #tpu.memory_space<vmem>> -> memref<128x32xf32, #tpu.memory_space<vmem>>
      %dma_start3A_382 = arith.constant 0 : i32
      %dma_start3A_383 = tpu.memref_slice %arg9[%add3A_375, %dma_start3A_382] : memref<80x128xi32, #tpu.memory_space<vmem>> -> memref<1x128xi32, #tpu.memory_space<vmem>>
      %dma_start3A_384 = tpu.memref_squeeze %dma_start3A_383 : memref<1x128xi32, #tpu.memory_space<vmem>> -> memref<128xi32, #tpu.memory_space<vmem>>
      %dma_start3A_385 = arith.constant 0 : i32
      %dma_start3A_386 = arith.constant 0 : i32
      %dma_start3A_387 = tpu.memref_slice %arg7[%dma_start3A_385, %dma_start3A_386] : memref<10240x32xf32, #tpu.memory_space<vmem_shared>> -> memref<10240x32xf32, #tpu.memory_space<vmem_shared>>
      %dma_start3A_388 = tpu.memref_slice %arg12[%dma_start3A_377] : memref<8x!tpu.dma_semaphore, #tpu.memory_space<semaphore_mem>> -> memref<1x!tpu.dma_semaphore, #tpu.memory_space<semaphore_mem>>
      %dma_start3A_389 = tpu.memref_squeeze %dma_start3A_388 : memref<1x!tpu.dma_semaphore, #tpu.memory_space<semaphore_mem>> -> memref<!tpu.dma_semaphore, #tpu.memory_space<semaphore_mem>>
      tpu.enqueue_indirect_dma source(%dma_start3A_381 : memref<128x32xf32, #tpu.memory_space<vmem>>) target(%dma_start3A_387 : memref<10240x32xf32, #tpu.memory_space<vmem_shared>>) offsets(%dma_start3A_384 : memref<128xi32, #tpu.memory_space<vmem>>) semaphore(%dma_start3A_389 : memref<!tpu.dma_semaphore, #tpu.memory_space<semaphore_mem>>) {add = true}
      %dma_wait3A_390 = arith.constant 3 : i32
      %dma_wait3A_391 = arith.constant 3 : i32
      %dma_wait3A_392 = arith.constant 0 : i32
      %dma_wait3A_393 = arith.constant 0 : i32
      %dma_wait3A_394 = tpu.memref_slice %arg10[%dma_wait3A_390, %dma_wait3A_392, %dma_wait3A_393] : memref<8x128x32xf32, #tpu.memory_space<vmem>> -> memref<1x128x32xf32, #tpu.memory_space<vmem>>
      %dma_wait3A_395 = tpu.memref_squeeze %dma_wait3A_394 : memref<1x128x32xf32, #tpu.memory_space<vmem>> -> memref<128x32xf32, #tpu.memory_space<vmem>>
      %dma_wait3A_396 = arith.constant 0 : i32
      %dma_wait3A_397 = tpu.memref_slice %arg8[%add3A_201, %dma_wait3A_396] : memref<80x128xi32, #tpu.memory_space<vmem>> -> memref<1x128xi32, #tpu.memory_space<vmem>>
      %dma_wait3A_398 = tpu.memref_squeeze %dma_wait3A_397 : memref<1x128xi32, #tpu.memory_space<vmem>> -> memref<128xi32, #tpu.memory_space<vmem>>
      %dma_wait3A_399 = arith.constant 0 : i32
      %dma_wait3A_400 = arith.constant 0 : i32
      %dma_wait3A_401 = tpu.memref_slice %arg2[%dma_wait3A_399, %dma_wait3A_400] : memref<10240x32xf32, #tpu.memory_space<hbm>> -> memref<10240x32xf32, #tpu.memory_space<hbm>>
      %dma_wait3A_402 = tpu.memref_slice %arg11[%dma_wait3A_391] : memref<8x!tpu.dma_semaphore, #tpu.memory_space<semaphore_mem>> -> memref<1x!tpu.dma_semaphore, #tpu.memory_space<semaphore_mem>>
      %dma_wait3A_403 = tpu.memref_squeeze %dma_wait3A_402 : memref<1x!tpu.dma_semaphore, #tpu.memory_space<semaphore_mem>> -> memref<!tpu.dma_semaphore, #tpu.memory_space<semaphore_mem>>
      tpu.wait_indirect_dma semaphore(%dma_wait3A_403 : memref<!tpu.dma_semaphore, #tpu.memory_space<semaphore_mem>>) src(%dma_wait3A_401 : memref<10240x32xf32, #tpu.memory_space<hbm>>) dst(%dma_wait3A_395 : memref<128x32xf32, #tpu.memory_space<vmem>>)
      %add3A_404 = arith.constant 3 : i32
      %add3A_405 = arith.addi %mul3A_135, %add3A_404 : i32
      %dma_start3A_406 = arith.constant 3 : i32
      %dma_start3A_407 = arith.constant 3 : i32
      %dma_start3A_408 = arith.constant 0 : i32
      %dma_start3A_409 = arith.constant 0 : i32
      %dma_start3A_410 = tpu.memref_slice %arg10[%dma_start3A_406, %dma_start3A_408, %dma_start3A_409] : memref<8x128x32xf32, #tpu.memory_space<vmem>> -> memref<1x128x32xf32, #tpu.memory_space<vmem>>
      %dma_start3A_411 = tpu.memref_squeeze %dma_start3A_410 : memref<1x128x32xf32, #tpu.memory_space<vmem>> -> memref<128x32xf32, #tpu.memory_space<vmem>>
      %dma_start3A_412 = arith.constant 0 : i32
      %dma_start3A_413 = tpu.memref_slice %arg9[%add3A_405, %dma_start3A_412] : memref<80x128xi32, #tpu.memory_space<vmem>> -> memref<1x128xi32, #tpu.memory_space<vmem>>
      %dma_start3A_414 = tpu.memref_squeeze %dma_start3A_413 : memref<1x128xi32, #tpu.memory_space<vmem>> -> memref<128xi32, #tpu.memory_space<vmem>>
      %dma_start3A_415 = arith.constant 0 : i32
      %dma_start3A_416 = arith.constant 0 : i32
      %dma_start3A_417 = tpu.memref_slice %arg7[%dma_start3A_415, %dma_start3A_416] : memref<10240x32xf32, #tpu.memory_space<vmem_shared>> -> memref<10240x32xf32, #tpu.memory_space<vmem_shared>>
      %dma_start3A_418 = tpu.memref_slice %arg12[%dma_start3A_407] : memref<8x!tpu.dma_semaphore, #tpu.memory_space<semaphore_mem>> -> memref<1x!tpu.dma_semaphore, #tpu.memory_space<semaphore_mem>>
      %dma_start3A_419 = tpu.memref_squeeze %dma_start3A_418 : memref<1x!tpu.dma_semaphore, #tpu.memory_space<semaphore_mem>> -> memref<!tpu.dma_semaphore, #tpu.memory_space<semaphore_mem>>
      tpu.enqueue_indirect_dma source(%dma_start3A_411 : memref<128x32xf32, #tpu.memory_space<vmem>>) target(%dma_start3A_417 : memref<10240x32xf32, #tpu.memory_space<vmem_shared>>) offsets(%dma_start3A_414 : memref<128xi32, #tpu.memory_space<vmem>>) semaphore(%dma_start3A_419 : memref<!tpu.dma_semaphore, #tpu.memory_space<semaphore_mem>>) {add = true}
      %dma_wait3A_420 = arith.constant 4 : i32
      %dma_wait3A_421 = arith.constant 4 : i32
      %dma_wait3A_422 = arith.constant 0 : i32
      %dma_wait3A_423 = arith.constant 0 : i32
      %dma_wait3A_424 = tpu.memref_slice %arg10[%dma_wait3A_420, %dma_wait3A_422, %dma_wait3A_423] : memref<8x128x32xf32, #tpu.memory_space<vmem>> -> memref<1x128x32xf32, #tpu.memory_space<vmem>>
      %dma_wait3A_425 = tpu.memref_squeeze %dma_wait3A_424 : memref<1x128x32xf32, #tpu.memory_space<vmem>> -> memref<128x32xf32, #tpu.memory_space<vmem>>
      %dma_wait3A_426 = arith.constant 0 : i32
      %dma_wait3A_427 = tpu.memref_slice %arg8[%add3A_222, %dma_wait3A_426] : memref<80x128xi32, #tpu.memory_space<vmem>> -> memref<1x128xi32, #tpu.memory_space<vmem>>
      %dma_wait3A_428 = tpu.memref_squeeze %dma_wait3A_427 : memref<1x128xi32, #tpu.memory_space<vmem>> -> memref<128xi32, #tpu.memory_space<vmem>>
      %dma_wait3A_429 = arith.constant 0 : i32
      %dma_wait3A_430 = arith.constant 0 : i32
      %dma_wait3A_431 = tpu.memref_slice %arg2[%dma_wait3A_429, %dma_wait3A_430] : memref<10240x32xf32, #tpu.memory_space<hbm>> -> memref<10240x32xf32, #tpu.memory_space<hbm>>
      %dma_wait3A_432 = tpu.memref_slice %arg11[%dma_wait3A_421] : memref<8x!tpu.dma_semaphore, #tpu.memory_space<semaphore_mem>> -> memref<1x!tpu.dma_semaphore, #tpu.memory_space<semaphore_mem>>
      %dma_wait3A_433 = tpu.memref_squeeze %dma_wait3A_432 : memref<1x!tpu.dma_semaphore, #tpu.memory_space<semaphore_mem>> -> memref<!tpu.dma_semaphore, #tpu.memory_space<semaphore_mem>>
      tpu.wait_indirect_dma semaphore(%dma_wait3A_433 : memref<!tpu.dma_semaphore, #tpu.memory_space<semaphore_mem>>) src(%dma_wait3A_431 : memref<10240x32xf32, #tpu.memory_space<hbm>>) dst(%dma_wait3A_425 : memref<128x32xf32, #tpu.memory_space<vmem>>)
      %add3A_434 = arith.constant 4 : i32
      %add3A_435 = arith.addi %mul3A_135, %add3A_434 : i32
      %dma_start3A_436 = arith.constant 4 : i32
      %dma_start3A_437 = arith.constant 4 : i32
      %dma_start3A_438 = arith.constant 0 : i32
      %dma_start3A_439 = arith.constant 0 : i32
      %dma_start3A_440 = tpu.memref_slice %arg10[%dma_start3A_436, %dma_start3A_438, %dma_start3A_439] : memref<8x128x32xf32, #tpu.memory_space<vmem>> -> memref<1x128x32xf32, #tpu.memory_space<vmem>>
      %dma_start3A_441 = tpu.memref_squeeze %dma_start3A_440 : memref<1x128x32xf32, #tpu.memory_space<vmem>> -> memref<128x32xf32, #tpu.memory_space<vmem>>
      %dma_start3A_442 = arith.constant 0 : i32
      %dma_start3A_443 = tpu.memref_slice %arg9[%add3A_435, %dma_start3A_442] : memref<80x128xi32, #tpu.memory_space<vmem>> -> memref<1x128xi32, #tpu.memory_space<vmem>>
      %dma_start3A_444 = tpu.memref_squeeze %dma_start3A_443 : memref<1x128xi32, #tpu.memory_space<vmem>> -> memref<128xi32, #tpu.memory_space<vmem>>
      %dma_start3A_445 = arith.constant 0 : i32
      %dma_start3A_446 = arith.constant 0 : i32
      %dma_start3A_447 = tpu.memref_slice %arg7[%dma_start3A_445, %dma_start3A_446] : memref<10240x32xf32, #tpu.memory_space<vmem_shared>> -> memref<10240x32xf32, #tpu.memory_space<vmem_shared>>
      %dma_start3A_448 = tpu.memref_slice %arg12[%dma_start3A_437] : memref<8x!tpu.dma_semaphore, #tpu.memory_space<semaphore_mem>> -> memref<1x!tpu.dma_semaphore, #tpu.memory_space<semaphore_mem>>
      %dma_start3A_449 = tpu.memref_squeeze %dma_start3A_448 : memref<1x!tpu.dma_semaphore, #tpu.memory_space<semaphore_mem>> -> memref<!tpu.dma_semaphore, #tpu.memory_space<semaphore_mem>>
      tpu.enqueue_indirect_dma source(%dma_start3A_441 : memref<128x32xf32, #tpu.memory_space<vmem>>) target(%dma_start3A_447 : memref<10240x32xf32, #tpu.memory_space<vmem_shared>>) offsets(%dma_start3A_444 : memref<128xi32, #tpu.memory_space<vmem>>) semaphore(%dma_start3A_449 : memref<!tpu.dma_semaphore, #tpu.memory_space<semaphore_mem>>) {add = true}
      %dma_wait3A_450 = arith.constant 5 : i32
      %dma_wait3A_451 = arith.constant 5 : i32
      %dma_wait3A_452 = arith.constant 0 : i32
      %dma_wait3A_453 = arith.constant 0 : i32
      %dma_wait3A_454 = tpu.memref_slice %arg10[%dma_wait3A_450, %dma_wait3A_452, %dma_wait3A_453] : memref<8x128x32xf32, #tpu.memory_space<vmem>> -> memref<1x128x32xf32, #tpu.memory_space<vmem>>
      %dma_wait3A_455 = tpu.memref_squeeze %dma_wait3A_454 : memref<1x128x32xf32, #tpu.memory_space<vmem>> -> memref<128x32xf32, #tpu.memory_space<vmem>>
      %dma_wait3A_456 = arith.constant 0 : i32
      %dma_wait3A_457 = tpu.memref_slice %arg8[%add3A_243, %dma_wait3A_456] : memref<80x128xi32, #tpu.memory_space<vmem>> -> memref<1x128xi32, #tpu.memory_space<vmem>>
      %dma_wait3A_458 = tpu.memref_squeeze %dma_wait3A_457 : memref<1x128xi32, #tpu.memory_space<vmem>> -> memref<128xi32, #tpu.memory_space<vmem>>
      %dma_wait3A_459 = arith.constant 0 : i32
      %dma_wait3A_460 = arith.constant 0 : i32
      %dma_wait3A_461 = tpu.memref_slice %arg2[%dma_wait3A_459, %dma_wait3A_460] : memref<10240x32xf32, #tpu.memory_space<hbm>> -> memref<10240x32xf32, #tpu.memory_space<hbm>>
      %dma_wait3A_462 = tpu.memref_slice %arg11[%dma_wait3A_451] : memref<8x!tpu.dma_semaphore, #tpu.memory_space<semaphore_mem>> -> memref<1x!tpu.dma_semaphore, #tpu.memory_space<semaphore_mem>>
      %dma_wait3A_463 = tpu.memref_squeeze %dma_wait3A_462 : memref<1x!tpu.dma_semaphore, #tpu.memory_space<semaphore_mem>> -> memref<!tpu.dma_semaphore, #tpu.memory_space<semaphore_mem>>
      tpu.wait_indirect_dma semaphore(%dma_wait3A_463 : memref<!tpu.dma_semaphore, #tpu.memory_space<semaphore_mem>>) src(%dma_wait3A_461 : memref<10240x32xf32, #tpu.memory_space<hbm>>) dst(%dma_wait3A_455 : memref<128x32xf32, #tpu.memory_space<vmem>>)
      %add3A_464 = arith.constant 5 : i32
      %add3A_465 = arith.addi %mul3A_135, %add3A_464 : i32
      %dma_start3A_466 = arith.constant 5 : i32
      %dma_start3A_467 = arith.constant 5 : i32
      %dma_start3A_468 = arith.constant 0 : i32
      %dma_start3A_469 = arith.constant 0 : i32
      %dma_start3A_470 = tpu.memref_slice %arg10[%dma_start3A_466, %dma_start3A_468, %dma_start3A_469] : memref<8x128x32xf32, #tpu.memory_space<vmem>> -> memref<1x128x32xf32, #tpu.memory_space<vmem>>
      %dma_start3A_471 = tpu.memref_squeeze %dma_start3A_470 : memref<1x128x32xf32, #tpu.memory_space<vmem>> -> memref<128x32xf32, #tpu.memory_space<vmem>>
      %dma_start3A_472 = arith.constant 0 : i32
      %dma_start3A_473 = tpu.memref_slice %arg9[%add3A_465, %dma_start3A_472] : memref<80x128xi32, #tpu.memory_space<vmem>> -> memref<1x128xi32, #tpu.memory_space<vmem>>
      %dma_start3A_474 = tpu.memref_squeeze %dma_start3A_473 : memref<1x128xi32, #tpu.memory_space<vmem>> -> memref<128xi32, #tpu.memory_space<vmem>>
      %dma_start3A_475 = arith.constant 0 : i32
      %dma_start3A_476 = arith.constant 0 : i32
      %dma_start3A_477 = tpu.memref_slice %arg7[%dma_start3A_475, %dma_start3A_476] : memref<10240x32xf32, #tpu.memory_space<vmem_shared>> -> memref<10240x32xf32, #tpu.memory_space<vmem_shared>>
      %dma_start3A_478 = tpu.memref_slice %arg12[%dma_start3A_467] : memref<8x!tpu.dma_semaphore, #tpu.memory_space<semaphore_mem>> -> memref<1x!tpu.dma_semaphore, #tpu.memory_space<semaphore_mem>>
      %dma_start3A_479 = tpu.memref_squeeze %dma_start3A_478 : memref<1x!tpu.dma_semaphore, #tpu.memory_space<semaphore_mem>> -> memref<!tpu.dma_semaphore, #tpu.memory_space<semaphore_mem>>
      tpu.enqueue_indirect_dma source(%dma_start3A_471 : memref<128x32xf32, #tpu.memory_space<vmem>>) target(%dma_start3A_477 : memref<10240x32xf32, #tpu.memory_space<vmem_shared>>) offsets(%dma_start3A_474 : memref<128xi32, #tpu.memory_space<vmem>>) semaphore(%dma_start3A_479 : memref<!tpu.dma_semaphore, #tpu.memory_space<semaphore_mem>>) {add = true}
      %dma_wait3A_480 = arith.constant 6 : i32
      %dma_wait3A_481 = arith.constant 6 : i32
      %dma_wait3A_482 = arith.constant 0 : i32
      %dma_wait3A_483 = arith.constant 0 : i32
      %dma_wait3A_484 = tpu.memref_slice %arg10[%dma_wait3A_480, %dma_wait3A_482, %dma_wait3A_483] : memref<8x128x32xf32, #tpu.memory_space<vmem>> -> memref<1x128x32xf32, #tpu.memory_space<vmem>>
      %dma_wait3A_485 = tpu.memref_squeeze %dma_wait3A_484 : memref<1x128x32xf32, #tpu.memory_space<vmem>> -> memref<128x32xf32, #tpu.memory_space<vmem>>
      %dma_wait3A_486 = arith.constant 0 : i32
      %dma_wait3A_487 = tpu.memref_slice %arg8[%add3A_264, %dma_wait3A_486] : memref<80x128xi32, #tpu.memory_space<vmem>> -> memref<1x128xi32, #tpu.memory_space<vmem>>
      %dma_wait3A_488 = tpu.memref_squeeze %dma_wait3A_487 : memref<1x128xi32, #tpu.memory_space<vmem>> -> memref<128xi32, #tpu.memory_space<vmem>>
      %dma_wait3A_489 = arith.constant 0 : i32
      %dma_wait3A_490 = arith.constant 0 : i32
      %dma_wait3A_491 = tpu.memref_slice %arg2[%dma_wait3A_489, %dma_wait3A_490] : memref<10240x32xf32, #tpu.memory_space<hbm>> -> memref<10240x32xf32, #tpu.memory_space<hbm>>
      %dma_wait3A_492 = tpu.memref_slice %arg11[%dma_wait3A_481] : memref<8x!tpu.dma_semaphore, #tpu.memory_space<semaphore_mem>> -> memref<1x!tpu.dma_semaphore, #tpu.memory_space<semaphore_mem>>
      %dma_wait3A_493 = tpu.memref_squeeze %dma_wait3A_492 : memref<1x!tpu.dma_semaphore, #tpu.memory_space<semaphore_mem>> -> memref<!tpu.dma_semaphore, #tpu.memory_space<semaphore_mem>>
      tpu.wait_indirect_dma semaphore(%dma_wait3A_493 : memref<!tpu.dma_semaphore, #tpu.memory_space<semaphore_mem>>) src(%dma_wait3A_491 : memref<10240x32xf32, #tpu.memory_space<hbm>>) dst(%dma_wait3A_485 : memref<128x32xf32, #tpu.memory_space<vmem>>)
      %add3A_494 = arith.constant 6 : i32
      %add3A_495 = arith.addi %mul3A_135, %add3A_494 : i32
      %dma_start3A_496 = arith.constant 6 : i32
      %dma_start3A_497 = arith.constant 6 : i32
      %dma_start3A_498 = arith.constant 0 : i32
      %dma_start3A_499 = arith.constant 0 : i32
      %dma_start3A_500 = tpu.memref_slice %arg10[%dma_start3A_496, %dma_start3A_498, %dma_start3A_499] : memref<8x128x32xf32, #tpu.memory_space<vmem>> -> memref<1x128x32xf32, #tpu.memory_space<vmem>>
      %dma_start3A_501 = tpu.memref_squeeze %dma_start3A_500 : memref<1x128x32xf32, #tpu.memory_space<vmem>> -> memref<128x32xf32, #tpu.memory_space<vmem>>
      %dma_start3A_502 = arith.constant 0 : i32
      %dma_start3A_503 = tpu.memref_slice %arg9[%add3A_495, %dma_start3A_502] : memref<80x128xi32, #tpu.memory_space<vmem>> -> memref<1x128xi32, #tpu.memory_space<vmem>>
      %dma_start3A_504 = tpu.memref_squeeze %dma_start3A_503 : memref<1x128xi32, #tpu.memory_space<vmem>> -> memref<128xi32, #tpu.memory_space<vmem>>
      %dma_start3A_505 = arith.constant 0 : i32
      %dma_start3A_506 = arith.constant 0 : i32
      %dma_start3A_507 = tpu.memref_slice %arg7[%dma_start3A_505, %dma_start3A_506] : memref<10240x32xf32, #tpu.memory_space<vmem_shared>> -> memref<10240x32xf32, #tpu.memory_space<vmem_shared>>
      %dma_start3A_508 = tpu.memref_slice %arg12[%dma_start3A_497] : memref<8x!tpu.dma_semaphore, #tpu.memory_space<semaphore_mem>> -> memref<1x!tpu.dma_semaphore, #tpu.memory_space<semaphore_mem>>
      %dma_start3A_509 = tpu.memref_squeeze %dma_start3A_508 : memref<1x!tpu.dma_semaphore, #tpu.memory_space<semaphore_mem>> -> memref<!tpu.dma_semaphore, #tpu.memory_space<semaphore_mem>>
      tpu.enqueue_indirect_dma source(%dma_start3A_501 : memref<128x32xf32, #tpu.memory_space<vmem>>) target(%dma_start3A_507 : memref<10240x32xf32, #tpu.memory_space<vmem_shared>>) offsets(%dma_start3A_504 : memref<128xi32, #tpu.memory_space<vmem>>) semaphore(%dma_start3A_509 : memref<!tpu.dma_semaphore, #tpu.memory_space<semaphore_mem>>) {add = true}
      %dma_wait3A_510 = arith.constant 7 : i32
      %dma_wait3A_511 = arith.constant 7 : i32
      %dma_wait3A_512 = arith.constant 0 : i32
      %dma_wait3A_513 = arith.constant 0 : i32
      %dma_wait3A_514 = tpu.memref_slice %arg10[%dma_wait3A_510, %dma_wait3A_512, %dma_wait3A_513] : memref<8x128x32xf32, #tpu.memory_space<vmem>> -> memref<1x128x32xf32, #tpu.memory_space<vmem>>
      %dma_wait3A_515 = tpu.memref_squeeze %dma_wait3A_514 : memref<1x128x32xf32, #tpu.memory_space<vmem>> -> memref<128x32xf32, #tpu.memory_space<vmem>>
      %dma_wait3A_516 = arith.constant 0 : i32
      %dma_wait3A_517 = tpu.memref_slice %arg8[%add3A_285, %dma_wait3A_516] : memref<80x128xi32, #tpu.memory_space<vmem>> -> memref<1x128xi32, #tpu.memory_space<vmem>>
      %dma_wait3A_518 = tpu.memref_squeeze %dma_wait3A_517 : memref<1x128xi32, #tpu.memory_space<vmem>> -> memref<128xi32, #tpu.memory_space<vmem>>
      %dma_wait3A_519 = arith.constant 0 : i32
      %dma_wait3A_520 = arith.constant 0 : i32
      %dma_wait3A_521 = tpu.memref_slice %arg2[%dma_wait3A_519, %dma_wait3A_520] : memref<10240x32xf32, #tpu.memory_space<hbm>> -> memref<10240x32xf32, #tpu.memory_space<hbm>>
      %dma_wait3A_522 = tpu.memref_slice %arg11[%dma_wait3A_511] : memref<8x!tpu.dma_semaphore, #tpu.memory_space<semaphore_mem>> -> memref<1x!tpu.dma_semaphore, #tpu.memory_space<semaphore_mem>>
      %dma_wait3A_523 = tpu.memref_squeeze %dma_wait3A_522 : memref<1x!tpu.dma_semaphore, #tpu.memory_space<semaphore_mem>> -> memref<!tpu.dma_semaphore, #tpu.memory_space<semaphore_mem>>
      tpu.wait_indirect_dma semaphore(%dma_wait3A_523 : memref<!tpu.dma_semaphore, #tpu.memory_space<semaphore_mem>>) src(%dma_wait3A_521 : memref<10240x32xf32, #tpu.memory_space<hbm>>) dst(%dma_wait3A_515 : memref<128x32xf32, #tpu.memory_space<vmem>>)
      %add3A_524 = arith.constant 7 : i32
      %add3A_525 = arith.addi %mul3A_135, %add3A_524 : i32
      %dma_start3A_526 = arith.constant 7 : i32
      %dma_start3A_527 = arith.constant 7 : i32
      %dma_start3A_528 = arith.constant 0 : i32
      %dma_start3A_529 = arith.constant 0 : i32
      %dma_start3A_530 = tpu.memref_slice %arg10[%dma_start3A_526, %dma_start3A_528, %dma_start3A_529] : memref<8x128x32xf32, #tpu.memory_space<vmem>> -> memref<1x128x32xf32, #tpu.memory_space<vmem>>
      %dma_start3A_531 = tpu.memref_squeeze %dma_start3A_530 : memref<1x128x32xf32, #tpu.memory_space<vmem>> -> memref<128x32xf32, #tpu.memory_space<vmem>>
      %dma_start3A_532 = arith.constant 0 : i32
      %dma_start3A_533 = tpu.memref_slice %arg9[%add3A_525, %dma_start3A_532] : memref<80x128xi32, #tpu.memory_space<vmem>> -> memref<1x128xi32, #tpu.memory_space<vmem>>
      %dma_start3A_534 = tpu.memref_squeeze %dma_start3A_533 : memref<1x128xi32, #tpu.memory_space<vmem>> -> memref<128xi32, #tpu.memory_space<vmem>>
      %dma_start3A_535 = arith.constant 0 : i32
      %dma_start3A_536 = arith.constant 0 : i32
      %dma_start3A_537 = tpu.memref_slice %arg7[%dma_start3A_535, %dma_start3A_536] : memref<10240x32xf32, #tpu.memory_space<vmem_shared>> -> memref<10240x32xf32, #tpu.memory_space<vmem_shared>>
      %dma_start3A_538 = tpu.memref_slice %arg12[%dma_start3A_527] : memref<8x!tpu.dma_semaphore, #tpu.memory_space<semaphore_mem>> -> memref<1x!tpu.dma_semaphore, #tpu.memory_space<semaphore_mem>>
      %dma_start3A_539 = tpu.memref_squeeze %dma_start3A_538 : memref<1x!tpu.dma_semaphore, #tpu.memory_space<semaphore_mem>> -> memref<!tpu.dma_semaphore, #tpu.memory_space<semaphore_mem>>
      tpu.enqueue_indirect_dma source(%dma_start3A_531 : memref<128x32xf32, #tpu.memory_space<vmem>>) target(%dma_start3A_537 : memref<10240x32xf32, #tpu.memory_space<vmem_shared>>) offsets(%dma_start3A_534 : memref<128xi32, #tpu.memory_space<vmem>>) semaphore(%dma_start3A_539 : memref<!tpu.dma_semaphore, #tpu.memory_space<semaphore_mem>>) {add = true}
    }
    %scan3A_6 = arith.constant 10 : i32
    %dma_wait3A = arith.constant 0 : i32
    %dma_wait3A_7 = arith.constant 72 : i32
    %dma_wait3A_8 = arith.constant 0 : i32
    %dma_wait3A_9 = arith.constant 0 : i32
    %dma_wait3A_10 = arith.constant 0 : i32
    %dma_wait3A_11 = tpu.memref_slice %arg10[%dma_wait3A, %dma_wait3A_9, %dma_wait3A_10] : memref<8x128x32xf32, #tpu.memory_space<vmem>> -> memref<1x128x32xf32, #tpu.memory_space<vmem>>
    %dma_wait3A_12 = tpu.memref_squeeze %dma_wait3A_11 : memref<1x128x32xf32, #tpu.memory_space<vmem>> -> memref<128x32xf32, #tpu.memory_space<vmem>>
    %dma_wait3A_13 = arith.constant 0 : i32
    %dma_wait3A_14 = tpu.memref_slice %arg9[%dma_wait3A_7, %dma_wait3A_13] : memref<80x128xi32, #tpu.memory_space<vmem>> -> memref<1x128xi32, #tpu.memory_space<vmem>>
    %dma_wait3A_15 = tpu.memref_squeeze %dma_wait3A_14 : memref<1x128xi32, #tpu.memory_space<vmem>> -> memref<128xi32, #tpu.memory_space<vmem>>
    %dma_wait3A_16 = arith.constant 0 : i32
    %dma_wait3A_17 = arith.constant 0 : i32
    %dma_wait3A_18 = tpu.memref_slice %arg7[%dma_wait3A_16, %dma_wait3A_17] : memref<10240x32xf32, #tpu.memory_space<vmem_shared>> -> memref<10240x32xf32, #tpu.memory_space<vmem_shared>>
    %dma_wait3A_19 = tpu.memref_slice %arg12[%dma_wait3A_8] : memref<8x!tpu.dma_semaphore, #tpu.memory_space<semaphore_mem>> -> memref<1x!tpu.dma_semaphore, #tpu.memory_space<semaphore_mem>>
    %dma_wait3A_20 = tpu.memref_squeeze %dma_wait3A_19 : memref<1x!tpu.dma_semaphore, #tpu.memory_space<semaphore_mem>> -> memref<!tpu.dma_semaphore, #tpu.memory_space<semaphore_mem>>
    tpu.wait_indirect_dma semaphore(%dma_wait3A_20 : memref<!tpu.dma_semaphore, #tpu.memory_space<semaphore_mem>>) src(%dma_wait3A_12 : memref<128x32xf32, #tpu.memory_space<vmem>>) dst(%dma_wait3A_18 : memref<10240x32xf32, #tpu.memory_space<vmem_shared>>)
    %dma_wait3A_21 = arith.constant 1 : i32
    %dma_wait3A_22 = arith.constant 73 : i32
    %dma_wait3A_23 = arith.constant 1 : i32
    %dma_wait3A_24 = arith.constant 0 : i32
    %dma_wait3A_25 = arith.constant 0 : i32
    %dma_wait3A_26 = tpu.memref_slice %arg10[%dma_wait3A_21, %dma_wait3A_24, %dma_wait3A_25] : memref<8x128x32xf32, #tpu.memory_space<vmem>> -> memref<1x128x32xf32, #tpu.memory_space<vmem>>
    %dma_wait3A_27 = tpu.memref_squeeze %dma_wait3A_26 : memref<1x128x32xf32, #tpu.memory_space<vmem>> -> memref<128x32xf32, #tpu.memory_space<vmem>>
    %dma_wait3A_28 = arith.constant 0 : i32
    %dma_wait3A_29 = tpu.memref_slice %arg9[%dma_wait3A_22, %dma_wait3A_28] : memref<80x128xi32, #tpu.memory_space<vmem>> -> memref<1x128xi32, #tpu.memory_space<vmem>>
    %dma_wait3A_30 = tpu.memref_squeeze %dma_wait3A_29 : memref<1x128xi32, #tpu.memory_space<vmem>> -> memref<128xi32, #tpu.memory_space<vmem>>
    %dma_wait3A_31 = arith.constant 0 : i32
    %dma_wait3A_32 = arith.constant 0 : i32
    %dma_wait3A_33 = tpu.memref_slice %arg7[%dma_wait3A_31, %dma_wait3A_32] : memref<10240x32xf32, #tpu.memory_space<vmem_shared>> -> memref<10240x32xf32, #tpu.memory_space<vmem_shared>>
    %dma_wait3A_34 = tpu.memref_slice %arg12[%dma_wait3A_23] : memref<8x!tpu.dma_semaphore, #tpu.memory_space<semaphore_mem>> -> memref<1x!tpu.dma_semaphore, #tpu.memory_space<semaphore_mem>>
    %dma_wait3A_35 = tpu.memref_squeeze %dma_wait3A_34 : memref<1x!tpu.dma_semaphore, #tpu.memory_space<semaphore_mem>> -> memref<!tpu.dma_semaphore, #tpu.memory_space<semaphore_mem>>
    tpu.wait_indirect_dma semaphore(%dma_wait3A_35 : memref<!tpu.dma_semaphore, #tpu.memory_space<semaphore_mem>>) src(%dma_wait3A_27 : memref<128x32xf32, #tpu.memory_space<vmem>>) dst(%dma_wait3A_33 : memref<10240x32xf32, #tpu.memory_space<vmem_shared>>)
    %dma_wait3A_36 = arith.constant 2 : i32
    %dma_wait3A_37 = arith.constant 74 : i32
    %dma_wait3A_38 = arith.constant 2 : i32
    %dma_wait3A_39 = arith.constant 0 : i32
    %dma_wait3A_40 = arith.constant 0 : i32
    %dma_wait3A_41 = tpu.memref_slice %arg10[%dma_wait3A_36, %dma_wait3A_39, %dma_wait3A_40] : memref<8x128x32xf32, #tpu.memory_space<vmem>> -> memref<1x128x32xf32, #tpu.memory_space<vmem>>
    %dma_wait3A_42 = tpu.memref_squeeze %dma_wait3A_41 : memref<1x128x32xf32, #tpu.memory_space<vmem>> -> memref<128x32xf32, #tpu.memory_space<vmem>>
    %dma_wait3A_43 = arith.constant 0 : i32
    %dma_wait3A_44 = tpu.memref_slice %arg9[%dma_wait3A_37, %dma_wait3A_43] : memref<80x128xi32, #tpu.memory_space<vmem>> -> memref<1x128xi32, #tpu.memory_space<vmem>>
    %dma_wait3A_45 = tpu.memref_squeeze %dma_wait3A_44 : memref<1x128xi32, #tpu.memory_space<vmem>> -> memref<128xi32, #tpu.memory_space<vmem>>
    %dma_wait3A_46 = arith.constant 0 : i32
    %dma_wait3A_47 = arith.constant 0 : i32
    %dma_wait3A_48 = tpu.memref_slice %arg7[%dma_wait3A_46, %dma_wait3A_47] : memref<10240x32xf32, #tpu.memory_space<vmem_shared>> -> memref<10240x32xf32, #tpu.memory_space<vmem_shared>>
    %dma_wait3A_49 = tpu.memref_slice %arg12[%dma_wait3A_38] : memref<8x!tpu.dma_semaphore, #tpu.memory_space<semaphore_mem>> -> memref<1x!tpu.dma_semaphore, #tpu.memory_space<semaphore_mem>>
    %dma_wait3A_50 = tpu.memref_squeeze %dma_wait3A_49 : memref<1x!tpu.dma_semaphore, #tpu.memory_space<semaphore_mem>> -> memref<!tpu.dma_semaphore, #tpu.memory_space<semaphore_mem>>
    tpu.wait_indirect_dma semaphore(%dma_wait3A_50 : memref<!tpu.dma_semaphore, #tpu.memory_space<semaphore_mem>>) src(%dma_wait3A_42 : memref<128x32xf32, #tpu.memory_space<vmem>>) dst(%dma_wait3A_48 : memref<10240x32xf32, #tpu.memory_space<vmem_shared>>)
    %dma_wait3A_51 = arith.constant 3 : i32
    %dma_wait3A_52 = arith.constant 75 : i32
    %dma_wait3A_53 = arith.constant 3 : i32
    %dma_wait3A_54 = arith.constant 0 : i32
    %dma_wait3A_55 = arith.constant 0 : i32
    %dma_wait3A_56 = tpu.memref_slice %arg10[%dma_wait3A_51, %dma_wait3A_54, %dma_wait3A_55] : memref<8x128x32xf32, #tpu.memory_space<vmem>> -> memref<1x128x32xf32, #tpu.memory_space<vmem>>
    %dma_wait3A_57 = tpu.memref_squeeze %dma_wait3A_56 : memref<1x128x32xf32, #tpu.memory_space<vmem>> -> memref<128x32xf32, #tpu.memory_space<vmem>>
    %dma_wait3A_58 = arith.constant 0 : i32
    %dma_wait3A_59 = tpu.memref_slice %arg9[%dma_wait3A_52, %dma_wait3A_58] : memref<80x128xi32, #tpu.memory_space<vmem>> -> memref<1x128xi32, #tpu.memory_space<vmem>>
    %dma_wait3A_60 = tpu.memref_squeeze %dma_wait3A_59 : memref<1x128xi32, #tpu.memory_space<vmem>> -> memref<128xi32, #tpu.memory_space<vmem>>
    %dma_wait3A_61 = arith.constant 0 : i32
    %dma_wait3A_62 = arith.constant 0 : i32
    %dma_wait3A_63 = tpu.memref_slice %arg7[%dma_wait3A_61, %dma_wait3A_62] : memref<10240x32xf32, #tpu.memory_space<vmem_shared>> -> memref<10240x32xf32, #tpu.memory_space<vmem_shared>>
    %dma_wait3A_64 = tpu.memref_slice %arg12[%dma_wait3A_53] : memref<8x!tpu.dma_semaphore, #tpu.memory_space<semaphore_mem>> -> memref<1x!tpu.dma_semaphore, #tpu.memory_space<semaphore_mem>>
    %dma_wait3A_65 = tpu.memref_squeeze %dma_wait3A_64 : memref<1x!tpu.dma_semaphore, #tpu.memory_space<semaphore_mem>> -> memref<!tpu.dma_semaphore, #tpu.memory_space<semaphore_mem>>
    tpu.wait_indirect_dma semaphore(%dma_wait3A_65 : memref<!tpu.dma_semaphore, #tpu.memory_space<semaphore_mem>>) src(%dma_wait3A_57 : memref<128x32xf32, #tpu.memory_space<vmem>>) dst(%dma_wait3A_63 : memref<10240x32xf32, #tpu.memory_space<vmem_shared>>)
    %dma_wait3A_66 = arith.constant 4 : i32
    %dma_wait3A_67 = arith.constant 76 : i32
    %dma_wait3A_68 = arith.constant 4 : i32
    %dma_wait3A_69 = arith.constant 0 : i32
    %dma_wait3A_70 = arith.constant 0 : i32
    %dma_wait3A_71 = tpu.memref_slice %arg10[%dma_wait3A_66, %dma_wait3A_69, %dma_wait3A_70] : memref<8x128x32xf32, #tpu.memory_space<vmem>> -> memref<1x128x32xf32, #tpu.memory_space<vmem>>
    %dma_wait3A_72 = tpu.memref_squeeze %dma_wait3A_71 : memref<1x128x32xf32, #tpu.memory_space<vmem>> -> memref<128x32xf32, #tpu.memory_space<vmem>>
    %dma_wait3A_73 = arith.constant 0 : i32
    %dma_wait3A_74 = tpu.memref_slice %arg9[%dma_wait3A_67, %dma_wait3A_73] : memref<80x128xi32, #tpu.memory_space<vmem>> -> memref<1x128xi32, #tpu.memory_space<vmem>>
    %dma_wait3A_75 = tpu.memref_squeeze %dma_wait3A_74 : memref<1x128xi32, #tpu.memory_space<vmem>> -> memref<128xi32, #tpu.memory_space<vmem>>
    %dma_wait3A_76 = arith.constant 0 : i32
    %dma_wait3A_77 = arith.constant 0 : i32
    %dma_wait3A_78 = tpu.memref_slice %arg7[%dma_wait3A_76, %dma_wait3A_77] : memref<10240x32xf32, #tpu.memory_space<vmem_shared>> -> memref<10240x32xf32, #tpu.memory_space<vmem_shared>>
    %dma_wait3A_79 = tpu.memref_slice %arg12[%dma_wait3A_68] : memref<8x!tpu.dma_semaphore, #tpu.memory_space<semaphore_mem>> -> memref<1x!tpu.dma_semaphore, #tpu.memory_space<semaphore_mem>>
    %dma_wait3A_80 = tpu.memref_squeeze %dma_wait3A_79 : memref<1x!tpu.dma_semaphore, #tpu.memory_space<semaphore_mem>> -> memref<!tpu.dma_semaphore, #tpu.memory_space<semaphore_mem>>
    tpu.wait_indirect_dma semaphore(%dma_wait3A_80 : memref<!tpu.dma_semaphore, #tpu.memory_space<semaphore_mem>>) src(%dma_wait3A_72 : memref<128x32xf32, #tpu.memory_space<vmem>>) dst(%dma_wait3A_78 : memref<10240x32xf32, #tpu.memory_space<vmem_shared>>)
    %dma_wait3A_81 = arith.constant 5 : i32
    %dma_wait3A_82 = arith.constant 77 : i32
    %dma_wait3A_83 = arith.constant 5 : i32
    %dma_wait3A_84 = arith.constant 0 : i32
    %dma_wait3A_85 = arith.constant 0 : i32
    %dma_wait3A_86 = tpu.memref_slice %arg10[%dma_wait3A_81, %dma_wait3A_84, %dma_wait3A_85] : memref<8x128x32xf32, #tpu.memory_space<vmem>> -> memref<1x128x32xf32, #tpu.memory_space<vmem>>
    %dma_wait3A_87 = tpu.memref_squeeze %dma_wait3A_86 : memref<1x128x32xf32, #tpu.memory_space<vmem>> -> memref<128x32xf32, #tpu.memory_space<vmem>>
    %dma_wait3A_88 = arith.constant 0 : i32
    %dma_wait3A_89 = tpu.memref_slice %arg9[%dma_wait3A_82, %dma_wait3A_88] : memref<80x128xi32, #tpu.memory_space<vmem>> -> memref<1x128xi32, #tpu.memory_space<vmem>>
    %dma_wait3A_90 = tpu.memref_squeeze %dma_wait3A_89 : memref<1x128xi32, #tpu.memory_space<vmem>> -> memref<128xi32, #tpu.memory_space<vmem>>
    %dma_wait3A_91 = arith.constant 0 : i32
    %dma_wait3A_92 = arith.constant 0 : i32
    %dma_wait3A_93 = tpu.memref_slice %arg7[%dma_wait3A_91, %dma_wait3A_92] : memref<10240x32xf32, #tpu.memory_space<vmem_shared>> -> memref<10240x32xf32, #tpu.memory_space<vmem_shared>>
    %dma_wait3A_94 = tpu.memref_slice %arg12[%dma_wait3A_83] : memref<8x!tpu.dma_semaphore, #tpu.memory_space<semaphore_mem>> -> memref<1x!tpu.dma_semaphore, #tpu.memory_space<semaphore_mem>>
    %dma_wait3A_95 = tpu.memref_squeeze %dma_wait3A_94 : memref<1x!tpu.dma_semaphore, #tpu.memory_space<semaphore_mem>> -> memref<!tpu.dma_semaphore, #tpu.memory_space<semaphore_mem>>
    tpu.wait_indirect_dma semaphore(%dma_wait3A_95 : memref<!tpu.dma_semaphore, #tpu.memory_space<semaphore_mem>>) src(%dma_wait3A_87 : memref<128x32xf32, #tpu.memory_space<vmem>>) dst(%dma_wait3A_93 : memref<10240x32xf32, #tpu.memory_space<vmem_shared>>)
    %dma_wait3A_96 = arith.constant 6 : i32
    %dma_wait3A_97 = arith.constant 78 : i32
    %dma_wait3A_98 = arith.constant 6 : i32
    %dma_wait3A_99 = arith.constant 0 : i32
    %dma_wait3A_100 = arith.constant 0 : i32
    %dma_wait3A_101 = tpu.memref_slice %arg10[%dma_wait3A_96, %dma_wait3A_99, %dma_wait3A_100] : memref<8x128x32xf32, #tpu.memory_space<vmem>> -> memref<1x128x32xf32, #tpu.memory_space<vmem>>
    %dma_wait3A_102 = tpu.memref_squeeze %dma_wait3A_101 : memref<1x128x32xf32, #tpu.memory_space<vmem>> -> memref<128x32xf32, #tpu.memory_space<vmem>>
    %dma_wait3A_103 = arith.constant 0 : i32
    %dma_wait3A_104 = tpu.memref_slice %arg9[%dma_wait3A_97, %dma_wait3A_103] : memref<80x128xi32, #tpu.memory_space<vmem>> -> memref<1x128xi32, #tpu.memory_space<vmem>>
    %dma_wait3A_105 = tpu.memref_squeeze %dma_wait3A_104 : memref<1x128xi32, #tpu.memory_space<vmem>> -> memref<128xi32, #tpu.memory_space<vmem>>
    %dma_wait3A_106 = arith.constant 0 : i32
    %dma_wait3A_107 = arith.constant 0 : i32
    %dma_wait3A_108 = tpu.memref_slice %arg7[%dma_wait3A_106, %dma_wait3A_107] : memref<10240x32xf32, #tpu.memory_space<vmem_shared>> -> memref<10240x32xf32, #tpu.memory_space<vmem_shared>>
    %dma_wait3A_109 = tpu.memref_slice %arg12[%dma_wait3A_98] : memref<8x!tpu.dma_semaphore, #tpu.memory_space<semaphore_mem>> -> memref<1x!tpu.dma_semaphore, #tpu.memory_space<semaphore_mem>>
    %dma_wait3A_110 = tpu.memref_squeeze %dma_wait3A_109 : memref<1x!tpu.dma_semaphore, #tpu.memory_space<semaphore_mem>> -> memref<!tpu.dma_semaphore, #tpu.memory_space<semaphore_mem>>
    tpu.wait_indirect_dma semaphore(%dma_wait3A_110 : memref<!tpu.dma_semaphore, #tpu.memory_space<semaphore_mem>>) src(%dma_wait3A_102 : memref<128x32xf32, #tpu.memory_space<vmem>>) dst(%dma_wait3A_108 : memref<10240x32xf32, #tpu.memory_space<vmem_shared>>)
    %dma_wait3A_111 = arith.constant 7 : i32
    %dma_wait3A_112 = arith.constant 79 : i32
    %dma_wait3A_113 = arith.constant 7 : i32
    %dma_wait3A_114 = arith.constant 0 : i32
    %dma_wait3A_115 = arith.constant 0 : i32
    %dma_wait3A_116 = tpu.memref_slice %arg10[%dma_wait3A_111, %dma_wait3A_114, %dma_wait3A_115] : memref<8x128x32xf32, #tpu.memory_space<vmem>> -> memref<1x128x32xf32, #tpu.memory_space<vmem>>
    %dma_wait3A_117 = tpu.memref_squeeze %dma_wait3A_116 : memref<1x128x32xf32, #tpu.memory_space<vmem>> -> memref<128x32xf32, #tpu.memory_space<vmem>>
    %dma_wait3A_118 = arith.constant 0 : i32
    %dma_wait3A_119 = tpu.memref_slice %arg9[%dma_wait3A_112, %dma_wait3A_118] : memref<80x128xi32, #tpu.memory_space<vmem>> -> memref<1x128xi32, #tpu.memory_space<vmem>>
    %dma_wait3A_120 = tpu.memref_squeeze %dma_wait3A_119 : memref<1x128xi32, #tpu.memory_space<vmem>> -> memref<128xi32, #tpu.memory_space<vmem>>
    %dma_wait3A_121 = arith.constant 0 : i32
    %dma_wait3A_122 = arith.constant 0 : i32
    %dma_wait3A_123 = tpu.memref_slice %arg7[%dma_wait3A_121, %dma_wait3A_122] : memref<10240x32xf32, #tpu.memory_space<vmem_shared>> -> memref<10240x32xf32, #tpu.memory_space<vmem_shared>>
    %dma_wait3A_124 = tpu.memref_slice %arg12[%dma_wait3A_113] : memref<8x!tpu.dma_semaphore, #tpu.memory_space<semaphore_mem>> -> memref<1x!tpu.dma_semaphore, #tpu.memory_space<semaphore_mem>>
    %dma_wait3A_125 = tpu.memref_squeeze %dma_wait3A_124 : memref<1x!tpu.dma_semaphore, #tpu.memory_space<semaphore_mem>> -> memref<!tpu.dma_semaphore, #tpu.memory_space<semaphore_mem>>
    tpu.wait_indirect_dma semaphore(%dma_wait3A_125 : memref<!tpu.dma_semaphore, #tpu.memory_space<semaphore_mem>>) src(%dma_wait3A_117 : memref<128x32xf32, #tpu.memory_space<vmem>>) dst(%dma_wait3A_123 : memref<10240x32xf32, #tpu.memory_space<vmem_shared>>)
    %barrier3A_126 = arith.constant 0 : index
    tpu.barrier barrier_id(%barrier3A_126)
    %mul3A_127 = arith.constant 640 : i32
    %mul3A_128 = arith.muli %arg1, %mul3A_127 : i32
    "tpu.region"() ({
      %run_scoped3A = tpu.sem_alloc : memref<!tpu.dma_semaphore, #tpu.memory_space<semaphore_mem>>
      %dma_start3A = arith.constant 0 : i32
      %dma_start3A_129 = tpu.memref_slice %arg6[%arg0, %mul3A_128, %dma_start3A] : memref<2x10240x32xf32, #tpu.memory_space<hbm>> -> memref<1x640x32xf32, #tpu.memory_space<hbm>>
      %dma_start3A_130 = tpu.memref_squeeze %dma_start3A_129 : memref<1x640x32xf32, #tpu.memory_space<hbm>> -> memref<640x32xf32, #tpu.memory_space<hbm>>
      %dma_start3A_131 = arith.constant 0 : i32
      %dma_start3A_132 = tpu.memref_slice %arg7[%mul3A_128, %dma_start3A_131] : memref<10240x32xf32, #tpu.memory_space<vmem_shared>> -> memref<640x32xf32, #tpu.memory_space<vmem_shared>>
      tpu.enqueue_dma source(%dma_start3A_132 : memref<640x32xf32, #tpu.memory_space<vmem_shared>>) target(%dma_start3A_130 : memref<640x32xf32, #tpu.memory_space<hbm>>) target_semaphore(%run_scoped3A : memref<!tpu.dma_semaphore, #tpu.memory_space<semaphore_mem>>)
      %dma_wait3A_133 = arith.constant 0 : i32
      %dma_wait3A_134 = tpu.memref_slice %arg6[%arg0, %mul3A_128, %dma_wait3A_133] : memref<2x10240x32xf32, #tpu.memory_space<hbm>> -> memref<1x640x32xf32, #tpu.memory_space<hbm>>
      %dma_wait3A_135 = tpu.memref_squeeze %dma_wait3A_134 : memref<1x640x32xf32, #tpu.memory_space<hbm>> -> memref<640x32xf32, #tpu.memory_space<hbm>>
      %dma_wait3A_136 = arith.constant 0 : i32
      %dma_wait3A_137 = tpu.memref_slice %arg7[%mul3A_128, %dma_wait3A_136] : memref<10240x32xf32, #tpu.memory_space<vmem_shared>> -> memref<640x32xf32, #tpu.memory_space<vmem_shared>>
      tpu.wait_dma2 semaphore(%run_scoped3A : memref<!tpu.dma_semaphore, #tpu.memory_space<semaphore_mem>>) src(%dma_wait3A_137 : memref<640x32xf32, #tpu.memory_space<vmem_shared>>) dst(%dma_wait3A_135 : memref<640x32xf32, #tpu.memory_space<hbm>>)
      tpu.yield
    }) : () -> ()
    return
  }
}

#map = affine_map<(d0, d1) -> (0, 0)>
#map1 = affine_map<(d0, d1) -> (0, 0, 0)>
module attributes {stable_mosaic.version = 14 : i64} {
  func.func @_agg(%arg0: i32, %arg1: i32, %arg2: memref<10240x16xf32, #tpu.memory_space<hbm>>, %arg3: memref<32x80x128xi32, #tpu.memory_space<hbm>>, %arg4: memref<32x80x128xi32, #tpu.memory_space<hbm>>, %arg5: memref<10240x16xf32, #tpu.memory_space<hbm>>, %arg6: memref<2x10240x16xf32, #tpu.memory_space<hbm>>, %arg7: memref<10240x16xf32, #tpu.memory_space<vmem_shared>>, %arg8: memref<80x128xi32, #tpu.memory_space<vmem>>, %arg9: memref<80x128xi32, #tpu.memory_space<vmem>>, %arg10: memref<8x128x16xf32, #tpu.memory_space<vmem>>, %arg11: memref<8x!tpu.dma_semaphore, #tpu.memory_space<semaphore_mem>>, %arg12: memref<8x!tpu.dma_semaphore, #tpu.memory_space<semaphore_mem>>) attributes {dimension_semantics = [#tpu.dimension_semantics<core_parallel>, #tpu.dimension_semantics<subcore_parallel>], iteration_bounds = array<i64: 2, 16>, scalar_prefetch = 0 : i64, scratch_operands = 6 : i64, tpu.core_type = #tpu.core_type<sc_vector_subcore>, window_params = [{transform_indices = #map}, {transform_indices = #map1}, {transform_indices = #map1}, {transform_indices = #map}, {transform_indices = #map1}]} {
    %mul3A = arith.constant 2 : i32
    %mul3A_0 = arith.muli %arg1, %mul3A : i32
    %add3A = arith.addi %mul3A_0, %arg0 : i32
    %mul3A_1 = arith.constant 640 : i32
    %mul3A_2 = arith.muli %arg1, %mul3A_1 : i32
    "tpu.region"() ({
      %run_scoped3A = tpu.sem_alloc : memref<!tpu.dma_semaphore, #tpu.memory_space<semaphore_mem>>
      %dma_start3A = arith.constant 0 : i32
      %dma_start3A_129 = tpu.memref_slice %arg7[%mul3A_2, %dma_start3A] : memref<10240x16xf32, #tpu.memory_space<vmem_shared>> -> memref<640x16xf32, #tpu.memory_space<vmem_shared>>
      %dma_start3A_130 = arith.constant 0 : i32
      %dma_start3A_131 = tpu.memref_slice %arg5[%mul3A_2, %dma_start3A_130] : memref<10240x16xf32, #tpu.memory_space<hbm>> -> memref<640x16xf32, #tpu.memory_space<hbm>>
      tpu.enqueue_dma source(%dma_start3A_131 : memref<640x16xf32, #tpu.memory_space<hbm>>) target(%dma_start3A_129 : memref<640x16xf32, #tpu.memory_space<vmem_shared>>) target_semaphore(%run_scoped3A : memref<!tpu.dma_semaphore, #tpu.memory_space<semaphore_mem>>)
      %dma_wait3A_132 = arith.constant 0 : i32
      %dma_wait3A_133 = tpu.memref_slice %arg7[%mul3A_2, %dma_wait3A_132] : memref<10240x16xf32, #tpu.memory_space<vmem_shared>> -> memref<640x16xf32, #tpu.memory_space<vmem_shared>>
      %dma_wait3A_134 = arith.constant 0 : i32
      %dma_wait3A_135 = tpu.memref_slice %arg5[%mul3A_2, %dma_wait3A_134] : memref<10240x16xf32, #tpu.memory_space<hbm>> -> memref<640x16xf32, #tpu.memory_space<hbm>>
      tpu.wait_dma2 semaphore(%run_scoped3A : memref<!tpu.dma_semaphore, #tpu.memory_space<semaphore_mem>>) src(%dma_wait3A_135 : memref<640x16xf32, #tpu.memory_space<hbm>>) dst(%dma_wait3A_133 : memref<640x16xf32, #tpu.memory_space<vmem_shared>>)
      tpu.yield
    }) : () -> ()
    "tpu.region"() ({
      %run_scoped3A = tpu.sem_alloc : memref<!tpu.dma_semaphore, #tpu.memory_space<semaphore_mem>>
      %dma_start3A = arith.constant 0 : i32
      %dma_start3A_129 = arith.constant 0 : i32
      %dma_start3A_130 = tpu.memref_slice %arg3[%add3A, %dma_start3A, %dma_start3A_129] : memref<32x80x128xi32, #tpu.memory_space<hbm>> -> memref<1x80x128xi32, #tpu.memory_space<hbm>>
      %dma_start3A_131 = tpu.memref_squeeze %dma_start3A_130 : memref<1x80x128xi32, #tpu.memory_space<hbm>> -> memref<80x128xi32, #tpu.memory_space<hbm>>
      %dma_start3A_132 = arith.constant 0 : i32
      %dma_start3A_133 = arith.constant 0 : i32
      %dma_start3A_134 = tpu.memref_slice %arg3[%add3A, %dma_start3A_132, %dma_start3A_133] : memref<32x80x128xi32, #tpu.memory_space<hbm>> -> memref<1x80x128xi32, #tpu.memory_space<hbm>>
      %dma_start3A_135 = tpu.memref_squeeze %dma_start3A_134 : memref<1x80x128xi32, #tpu.memory_space<hbm>> -> memref<80x128xi32, #tpu.memory_space<hbm>>
      tpu.enqueue_dma source(%dma_start3A_135 : memref<80x128xi32, #tpu.memory_space<hbm>>) target(%arg8 : memref<80x128xi32, #tpu.memory_space<vmem>>) target_semaphore(%run_scoped3A : memref<!tpu.dma_semaphore, #tpu.memory_space<semaphore_mem>>)
      %dma_wait3A_136 = arith.constant 0 : i32
      %dma_wait3A_137 = arith.constant 0 : i32
      %dma_wait3A_138 = tpu.memref_slice %arg3[%add3A, %dma_wait3A_136, %dma_wait3A_137] : memref<32x80x128xi32, #tpu.memory_space<hbm>> -> memref<1x80x128xi32, #tpu.memory_space<hbm>>
      %dma_wait3A_139 = tpu.memref_squeeze %dma_wait3A_138 : memref<1x80x128xi32, #tpu.memory_space<hbm>> -> memref<80x128xi32, #tpu.memory_space<hbm>>
      %dma_wait3A_140 = arith.constant 0 : i32
      %dma_wait3A_141 = arith.constant 0 : i32
      %dma_wait3A_142 = tpu.memref_slice %arg3[%add3A, %dma_wait3A_140, %dma_wait3A_141] : memref<32x80x128xi32, #tpu.memory_space<hbm>> -> memref<1x80x128xi32, #tpu.memory_space<hbm>>
      %dma_wait3A_143 = tpu.memref_squeeze %dma_wait3A_142 : memref<1x80x128xi32, #tpu.memory_space<hbm>> -> memref<80x128xi32, #tpu.memory_space<hbm>>
      tpu.wait_dma2 semaphore(%run_scoped3A : memref<!tpu.dma_semaphore, #tpu.memory_space<semaphore_mem>>) src(%dma_wait3A_143 : memref<80x128xi32, #tpu.memory_space<hbm>>) dst(%arg8 : memref<80x128xi32, #tpu.memory_space<vmem>>)
      tpu.yield
    }) : () -> ()
    "tpu.region"() ({
      %run_scoped3A = tpu.sem_alloc : memref<!tpu.dma_semaphore, #tpu.memory_space<semaphore_mem>>
      %dma_start3A = arith.constant 0 : i32
      %dma_start3A_129 = arith.constant 0 : i32
      %dma_start3A_130 = tpu.memref_slice %arg4[%add3A, %dma_start3A, %dma_start3A_129] : memref<32x80x128xi32, #tpu.memory_space<hbm>> -> memref<1x80x128xi32, #tpu.memory_space<hbm>>
      %dma_start3A_131 = tpu.memref_squeeze %dma_start3A_130 : memref<1x80x128xi32, #tpu.memory_space<hbm>> -> memref<80x128xi32, #tpu.memory_space<hbm>>
      %dma_start3A_132 = arith.constant 0 : i32
      %dma_start3A_133 = arith.constant 0 : i32
      %dma_start3A_134 = tpu.memref_slice %arg4[%add3A, %dma_start3A_132, %dma_start3A_133] : memref<32x80x128xi32, #tpu.memory_space<hbm>> -> memref<1x80x128xi32, #tpu.memory_space<hbm>>
      %dma_start3A_135 = tpu.memref_squeeze %dma_start3A_134 : memref<1x80x128xi32, #tpu.memory_space<hbm>> -> memref<80x128xi32, #tpu.memory_space<hbm>>
      tpu.enqueue_dma source(%dma_start3A_135 : memref<80x128xi32, #tpu.memory_space<hbm>>) target(%arg9 : memref<80x128xi32, #tpu.memory_space<vmem>>) target_semaphore(%run_scoped3A : memref<!tpu.dma_semaphore, #tpu.memory_space<semaphore_mem>>)
      %dma_wait3A_136 = arith.constant 0 : i32
      %dma_wait3A_137 = arith.constant 0 : i32
      %dma_wait3A_138 = tpu.memref_slice %arg4[%add3A, %dma_wait3A_136, %dma_wait3A_137] : memref<32x80x128xi32, #tpu.memory_space<hbm>> -> memref<1x80x128xi32, #tpu.memory_space<hbm>>
      %dma_wait3A_139 = tpu.memref_squeeze %dma_wait3A_138 : memref<1x80x128xi32, #tpu.memory_space<hbm>> -> memref<80x128xi32, #tpu.memory_space<hbm>>
      %dma_wait3A_140 = arith.constant 0 : i32
      %dma_wait3A_141 = arith.constant 0 : i32
      %dma_wait3A_142 = tpu.memref_slice %arg4[%add3A, %dma_wait3A_140, %dma_wait3A_141] : memref<32x80x128xi32, #tpu.memory_space<hbm>> -> memref<1x80x128xi32, #tpu.memory_space<hbm>>
      %dma_wait3A_143 = tpu.memref_squeeze %dma_wait3A_142 : memref<1x80x128xi32, #tpu.memory_space<hbm>> -> memref<80x128xi32, #tpu.memory_space<hbm>>
      tpu.wait_dma2 semaphore(%run_scoped3A : memref<!tpu.dma_semaphore, #tpu.memory_space<semaphore_mem>>) src(%dma_wait3A_143 : memref<80x128xi32, #tpu.memory_space<hbm>>) dst(%arg9 : memref<80x128xi32, #tpu.memory_space<vmem>>)
      tpu.yield
    }) : () -> ()
    %barrier3A = arith.constant 0 : index
    tpu.barrier barrier_id(%barrier3A)
    %scan3A = arith.constant 0 : i32
    %scan3A_3 = arith.constant 10 : i32
    %scan3A_4 = arith.addi %scan3A, %scan3A_3 : i32
    %scan3A_5 = arith.constant 1 : i32
    scf.for %scan3A_129 = %scan3A to %scan3A_4 step %scan3A_5  : i32 {
      %mul3A_130 = arith.constant 1 : i32
      %mul3A_131 = arith.muli %scan3A_129, %mul3A_130 : i32
      %add3A_132 = arith.constant 0 : i32
      %add3A_133 = arith.addi %add3A_132, %mul3A_131 : i32
      %mul3A_134 = arith.constant 8 : i32
      %mul3A_135 = arith.muli %add3A_133, %mul3A_134 : i32
      %gt3A = arith.constant 0 : i32
      %gt3A_136 = arith.cmpi sgt, %add3A_133, %gt3A : i32
      %convert_element_type3A = arith.extui %gt3A_136 : i1 to i32
      %cond3A = arith.constant 0 : i32
      %cond3A_137 = arith.cmpi ne, %convert_element_type3A, %cond3A : i32
      scf.if %cond3A_137 {
        %sub3A = arith.constant 8 : i32
        %sub3A_540 = arith.subi %mul3A_135, %sub3A : i32
        %add3A_541 = arith.constant 0 : i32
        %add3A_542 = arith.addi %sub3A_540, %add3A_541 : i32
        %dma_wait3A_543 = arith.constant 0 : i32
        %dma_wait3A_544 = arith.constant 0 : i32
        %dma_wait3A_545 = arith.constant 0 : i32
        %dma_wait3A_546 = arith.constant 0 : i32
        %dma_wait3A_547 = tpu.memref_slice %arg10[%dma_wait3A_543, %dma_wait3A_545, %dma_wait3A_546] : memref<8x128x16xf32, #tpu.memory_space<vmem>> -> memref<1x128x16xf32, #tpu.memory_space<vmem>>
        %dma_wait3A_548 = tpu.memref_squeeze %dma_wait3A_547 : memref<1x128x16xf32, #tpu.memory_space<vmem>> -> memref<128x16xf32, #tpu.memory_space<vmem>>
        %dma_wait3A_549 = arith.constant 0 : i32
        %dma_wait3A_550 = tpu.memref_slice %arg9[%add3A_542, %dma_wait3A_549] : memref<80x128xi32, #tpu.memory_space<vmem>> -> memref<1x128xi32, #tpu.memory_space<vmem>>
        %dma_wait3A_551 = tpu.memref_squeeze %dma_wait3A_550 : memref<1x128xi32, #tpu.memory_space<vmem>> -> memref<128xi32, #tpu.memory_space<vmem>>
        %dma_wait3A_552 = arith.constant 0 : i32
        %dma_wait3A_553 = arith.constant 0 : i32
        %dma_wait3A_554 = tpu.memref_slice %arg7[%dma_wait3A_552, %dma_wait3A_553] : memref<10240x16xf32, #tpu.memory_space<vmem_shared>> -> memref<10240x16xf32, #tpu.memory_space<vmem_shared>>
        %dma_wait3A_555 = tpu.memref_slice %arg12[%dma_wait3A_544] : memref<8x!tpu.dma_semaphore, #tpu.memory_space<semaphore_mem>> -> memref<1x!tpu.dma_semaphore, #tpu.memory_space<semaphore_mem>>
        %dma_wait3A_556 = tpu.memref_squeeze %dma_wait3A_555 : memref<1x!tpu.dma_semaphore, #tpu.memory_space<semaphore_mem>> -> memref<!tpu.dma_semaphore, #tpu.memory_space<semaphore_mem>>
        tpu.wait_indirect_dma semaphore(%dma_wait3A_556 : memref<!tpu.dma_semaphore, #tpu.memory_space<semaphore_mem>>) src(%dma_wait3A_548 : memref<128x16xf32, #tpu.memory_space<vmem>>) dst(%dma_wait3A_554 : memref<10240x16xf32, #tpu.memory_space<vmem_shared>>)
      } else {
      }
      %add3A_138 = arith.constant 0 : i32
      %add3A_139 = arith.addi %mul3A_135, %add3A_138 : i32
      %dma_start3A = arith.constant 0 : i32
      %dma_start3A_140 = arith.constant 0 : i32
      %dma_start3A_141 = arith.constant 0 : i32
      %dma_start3A_142 = arith.constant 0 : i32
      %dma_start3A_143 = tpu.memref_slice %arg10[%dma_start3A, %dma_start3A_141, %dma_start3A_142] : memref<8x128x16xf32, #tpu.memory_space<vmem>> -> memref<1x128x16xf32, #tpu.memory_space<vmem>>
      %dma_start3A_144 = tpu.memref_squeeze %dma_start3A_143 : memref<1x128x16xf32, #tpu.memory_space<vmem>> -> memref<128x16xf32, #tpu.memory_space<vmem>>
      %dma_start3A_145 = arith.constant 0 : i32
      %dma_start3A_146 = tpu.memref_slice %arg8[%add3A_139, %dma_start3A_145] : memref<80x128xi32, #tpu.memory_space<vmem>> -> memref<1x128xi32, #tpu.memory_space<vmem>>
      %dma_start3A_147 = tpu.memref_squeeze %dma_start3A_146 : memref<1x128xi32, #tpu.memory_space<vmem>> -> memref<128xi32, #tpu.memory_space<vmem>>
      %dma_start3A_148 = arith.constant 0 : i32
      %dma_start3A_149 = arith.constant 0 : i32
      %dma_start3A_150 = tpu.memref_slice %arg2[%dma_start3A_148, %dma_start3A_149] : memref<10240x16xf32, #tpu.memory_space<hbm>> -> memref<10240x16xf32, #tpu.memory_space<hbm>>
      %dma_start3A_151 = tpu.memref_slice %arg11[%dma_start3A_140] : memref<8x!tpu.dma_semaphore, #tpu.memory_space<semaphore_mem>> -> memref<1x!tpu.dma_semaphore, #tpu.memory_space<semaphore_mem>>
      %dma_start3A_152 = tpu.memref_squeeze %dma_start3A_151 : memref<1x!tpu.dma_semaphore, #tpu.memory_space<semaphore_mem>> -> memref<!tpu.dma_semaphore, #tpu.memory_space<semaphore_mem>>
      tpu.enqueue_indirect_dma source(%dma_start3A_150 : memref<10240x16xf32, #tpu.memory_space<hbm>>) target(%dma_start3A_144 : memref<128x16xf32, #tpu.memory_space<vmem>>) offsets(%dma_start3A_147 : memref<128xi32, #tpu.memory_space<vmem>>) semaphore(%dma_start3A_152 : memref<!tpu.dma_semaphore, #tpu.memory_space<semaphore_mem>>)
      %gt3A_153 = arith.constant 0 : i32
      %gt3A_154 = arith.cmpi sgt, %add3A_133, %gt3A_153 : i32
      %convert_element_type3A_155 = arith.extui %gt3A_154 : i1 to i32
      %cond3A_156 = arith.constant 0 : i32
      %cond3A_157 = arith.cmpi ne, %convert_element_type3A_155, %cond3A_156 : i32
      scf.if %cond3A_157 {
        %sub3A = arith.constant 8 : i32
        %sub3A_540 = arith.subi %mul3A_135, %sub3A : i32
        %add3A_541 = arith.constant 1 : i32
        %add3A_542 = arith.addi %sub3A_540, %add3A_541 : i32
        %dma_wait3A_543 = arith.constant 1 : i32
        %dma_wait3A_544 = arith.constant 1 : i32
        %dma_wait3A_545 = arith.constant 0 : i32
        %dma_wait3A_546 = arith.constant 0 : i32
        %dma_wait3A_547 = tpu.memref_slice %arg10[%dma_wait3A_543, %dma_wait3A_545, %dma_wait3A_546] : memref<8x128x16xf32, #tpu.memory_space<vmem>> -> memref<1x128x16xf32, #tpu.memory_space<vmem>>
        %dma_wait3A_548 = tpu.memref_squeeze %dma_wait3A_547 : memref<1x128x16xf32, #tpu.memory_space<vmem>> -> memref<128x16xf32, #tpu.memory_space<vmem>>
        %dma_wait3A_549 = arith.constant 0 : i32
        %dma_wait3A_550 = tpu.memref_slice %arg9[%add3A_542, %dma_wait3A_549] : memref<80x128xi32, #tpu.memory_space<vmem>> -> memref<1x128xi32, #tpu.memory_space<vmem>>
        %dma_wait3A_551 = tpu.memref_squeeze %dma_wait3A_550 : memref<1x128xi32, #tpu.memory_space<vmem>> -> memref<128xi32, #tpu.memory_space<vmem>>
        %dma_wait3A_552 = arith.constant 0 : i32
        %dma_wait3A_553 = arith.constant 0 : i32
        %dma_wait3A_554 = tpu.memref_slice %arg7[%dma_wait3A_552, %dma_wait3A_553] : memref<10240x16xf32, #tpu.memory_space<vmem_shared>> -> memref<10240x16xf32, #tpu.memory_space<vmem_shared>>
        %dma_wait3A_555 = tpu.memref_slice %arg12[%dma_wait3A_544] : memref<8x!tpu.dma_semaphore, #tpu.memory_space<semaphore_mem>> -> memref<1x!tpu.dma_semaphore, #tpu.memory_space<semaphore_mem>>
        %dma_wait3A_556 = tpu.memref_squeeze %dma_wait3A_555 : memref<1x!tpu.dma_semaphore, #tpu.memory_space<semaphore_mem>> -> memref<!tpu.dma_semaphore, #tpu.memory_space<semaphore_mem>>
        tpu.wait_indirect_dma semaphore(%dma_wait3A_556 : memref<!tpu.dma_semaphore, #tpu.memory_space<semaphore_mem>>) src(%dma_wait3A_548 : memref<128x16xf32, #tpu.memory_space<vmem>>) dst(%dma_wait3A_554 : memref<10240x16xf32, #tpu.memory_space<vmem_shared>>)
      } else {
      }
      %add3A_158 = arith.constant 1 : i32
      %add3A_159 = arith.addi %mul3A_135, %add3A_158 : i32
      %dma_start3A_160 = arith.constant 1 : i32
      %dma_start3A_161 = arith.constant 1 : i32
      %dma_start3A_162 = arith.constant 0 : i32
      %dma_start3A_163 = arith.constant 0 : i32
      %dma_start3A_164 = tpu.memref_slice %arg10[%dma_start3A_160, %dma_start3A_162, %dma_start3A_163] : memref<8x128x16xf32, #tpu.memory_space<vmem>> -> memref<1x128x16xf32, #tpu.memory_space<vmem>>
      %dma_start3A_165 = tpu.memref_squeeze %dma_start3A_164 : memref<1x128x16xf32, #tpu.memory_space<vmem>> -> memref<128x16xf32, #tpu.memory_space<vmem>>
      %dma_start3A_166 = arith.constant 0 : i32
      %dma_start3A_167 = tpu.memref_slice %arg8[%add3A_159, %dma_start3A_166] : memref<80x128xi32, #tpu.memory_space<vmem>> -> memref<1x128xi32, #tpu.memory_space<vmem>>
      %dma_start3A_168 = tpu.memref_squeeze %dma_start3A_167 : memref<1x128xi32, #tpu.memory_space<vmem>> -> memref<128xi32, #tpu.memory_space<vmem>>
      %dma_start3A_169 = arith.constant 0 : i32
      %dma_start3A_170 = arith.constant 0 : i32
      %dma_start3A_171 = tpu.memref_slice %arg2[%dma_start3A_169, %dma_start3A_170] : memref<10240x16xf32, #tpu.memory_space<hbm>> -> memref<10240x16xf32, #tpu.memory_space<hbm>>
      %dma_start3A_172 = tpu.memref_slice %arg11[%dma_start3A_161] : memref<8x!tpu.dma_semaphore, #tpu.memory_space<semaphore_mem>> -> memref<1x!tpu.dma_semaphore, #tpu.memory_space<semaphore_mem>>
      %dma_start3A_173 = tpu.memref_squeeze %dma_start3A_172 : memref<1x!tpu.dma_semaphore, #tpu.memory_space<semaphore_mem>> -> memref<!tpu.dma_semaphore, #tpu.memory_space<semaphore_mem>>
      tpu.enqueue_indirect_dma source(%dma_start3A_171 : memref<10240x16xf32, #tpu.memory_space<hbm>>) target(%dma_start3A_165 : memref<128x16xf32, #tpu.memory_space<vmem>>) offsets(%dma_start3A_168 : memref<128xi32, #tpu.memory_space<vmem>>) semaphore(%dma_start3A_173 : memref<!tpu.dma_semaphore, #tpu.memory_space<semaphore_mem>>)
      %gt3A_174 = arith.constant 0 : i32
      %gt3A_175 = arith.cmpi sgt, %add3A_133, %gt3A_174 : i32
      %convert_element_type3A_176 = arith.extui %gt3A_175 : i1 to i32
      %cond3A_177 = arith.constant 0 : i32
      %cond3A_178 = arith.cmpi ne, %convert_element_type3A_176, %cond3A_177 : i32
      scf.if %cond3A_178 {
        %sub3A = arith.constant 8 : i32
        %sub3A_540 = arith.subi %mul3A_135, %sub3A : i32
        %add3A_541 = arith.constant 2 : i32
        %add3A_542 = arith.addi %sub3A_540, %add3A_541 : i32
        %dma_wait3A_543 = arith.constant 2 : i32
        %dma_wait3A_544 = arith.constant 2 : i32
        %dma_wait3A_545 = arith.constant 0 : i32
        %dma_wait3A_546 = arith.constant 0 : i32
        %dma_wait3A_547 = tpu.memref_slice %arg10[%dma_wait3A_543, %dma_wait3A_545, %dma_wait3A_546] : memref<8x128x16xf32, #tpu.memory_space<vmem>> -> memref<1x128x16xf32, #tpu.memory_space<vmem>>
        %dma_wait3A_548 = tpu.memref_squeeze %dma_wait3A_547 : memref<1x128x16xf32, #tpu.memory_space<vmem>> -> memref<128x16xf32, #tpu.memory_space<vmem>>
        %dma_wait3A_549 = arith.constant 0 : i32
        %dma_wait3A_550 = tpu.memref_slice %arg9[%add3A_542, %dma_wait3A_549] : memref<80x128xi32, #tpu.memory_space<vmem>> -> memref<1x128xi32, #tpu.memory_space<vmem>>
        %dma_wait3A_551 = tpu.memref_squeeze %dma_wait3A_550 : memref<1x128xi32, #tpu.memory_space<vmem>> -> memref<128xi32, #tpu.memory_space<vmem>>
        %dma_wait3A_552 = arith.constant 0 : i32
        %dma_wait3A_553 = arith.constant 0 : i32
        %dma_wait3A_554 = tpu.memref_slice %arg7[%dma_wait3A_552, %dma_wait3A_553] : memref<10240x16xf32, #tpu.memory_space<vmem_shared>> -> memref<10240x16xf32, #tpu.memory_space<vmem_shared>>
        %dma_wait3A_555 = tpu.memref_slice %arg12[%dma_wait3A_544] : memref<8x!tpu.dma_semaphore, #tpu.memory_space<semaphore_mem>> -> memref<1x!tpu.dma_semaphore, #tpu.memory_space<semaphore_mem>>
        %dma_wait3A_556 = tpu.memref_squeeze %dma_wait3A_555 : memref<1x!tpu.dma_semaphore, #tpu.memory_space<semaphore_mem>> -> memref<!tpu.dma_semaphore, #tpu.memory_space<semaphore_mem>>
        tpu.wait_indirect_dma semaphore(%dma_wait3A_556 : memref<!tpu.dma_semaphore, #tpu.memory_space<semaphore_mem>>) src(%dma_wait3A_548 : memref<128x16xf32, #tpu.memory_space<vmem>>) dst(%dma_wait3A_554 : memref<10240x16xf32, #tpu.memory_space<vmem_shared>>)
      } else {
      }
      %add3A_179 = arith.constant 2 : i32
      %add3A_180 = arith.addi %mul3A_135, %add3A_179 : i32
      %dma_start3A_181 = arith.constant 2 : i32
      %dma_start3A_182 = arith.constant 2 : i32
      %dma_start3A_183 = arith.constant 0 : i32
      %dma_start3A_184 = arith.constant 0 : i32
      %dma_start3A_185 = tpu.memref_slice %arg10[%dma_start3A_181, %dma_start3A_183, %dma_start3A_184] : memref<8x128x16xf32, #tpu.memory_space<vmem>> -> memref<1x128x16xf32, #tpu.memory_space<vmem>>
      %dma_start3A_186 = tpu.memref_squeeze %dma_start3A_185 : memref<1x128x16xf32, #tpu.memory_space<vmem>> -> memref<128x16xf32, #tpu.memory_space<vmem>>
      %dma_start3A_187 = arith.constant 0 : i32
      %dma_start3A_188 = tpu.memref_slice %arg8[%add3A_180, %dma_start3A_187] : memref<80x128xi32, #tpu.memory_space<vmem>> -> memref<1x128xi32, #tpu.memory_space<vmem>>
      %dma_start3A_189 = tpu.memref_squeeze %dma_start3A_188 : memref<1x128xi32, #tpu.memory_space<vmem>> -> memref<128xi32, #tpu.memory_space<vmem>>
      %dma_start3A_190 = arith.constant 0 : i32
      %dma_start3A_191 = arith.constant 0 : i32
      %dma_start3A_192 = tpu.memref_slice %arg2[%dma_start3A_190, %dma_start3A_191] : memref<10240x16xf32, #tpu.memory_space<hbm>> -> memref<10240x16xf32, #tpu.memory_space<hbm>>
      %dma_start3A_193 = tpu.memref_slice %arg11[%dma_start3A_182] : memref<8x!tpu.dma_semaphore, #tpu.memory_space<semaphore_mem>> -> memref<1x!tpu.dma_semaphore, #tpu.memory_space<semaphore_mem>>
      %dma_start3A_194 = tpu.memref_squeeze %dma_start3A_193 : memref<1x!tpu.dma_semaphore, #tpu.memory_space<semaphore_mem>> -> memref<!tpu.dma_semaphore, #tpu.memory_space<semaphore_mem>>
      tpu.enqueue_indirect_dma source(%dma_start3A_192 : memref<10240x16xf32, #tpu.memory_space<hbm>>) target(%dma_start3A_186 : memref<128x16xf32, #tpu.memory_space<vmem>>) offsets(%dma_start3A_189 : memref<128xi32, #tpu.memory_space<vmem>>) semaphore(%dma_start3A_194 : memref<!tpu.dma_semaphore, #tpu.memory_space<semaphore_mem>>)
      %gt3A_195 = arith.constant 0 : i32
      %gt3A_196 = arith.cmpi sgt, %add3A_133, %gt3A_195 : i32
      %convert_element_type3A_197 = arith.extui %gt3A_196 : i1 to i32
      %cond3A_198 = arith.constant 0 : i32
      %cond3A_199 = arith.cmpi ne, %convert_element_type3A_197, %cond3A_198 : i32
      scf.if %cond3A_199 {
        %sub3A = arith.constant 8 : i32
        %sub3A_540 = arith.subi %mul3A_135, %sub3A : i32
        %add3A_541 = arith.constant 3 : i32
        %add3A_542 = arith.addi %sub3A_540, %add3A_541 : i32
        %dma_wait3A_543 = arith.constant 3 : i32
        %dma_wait3A_544 = arith.constant 3 : i32
        %dma_wait3A_545 = arith.constant 0 : i32
        %dma_wait3A_546 = arith.constant 0 : i32
        %dma_wait3A_547 = tpu.memref_slice %arg10[%dma_wait3A_543, %dma_wait3A_545, %dma_wait3A_546] : memref<8x128x16xf32, #tpu.memory_space<vmem>> -> memref<1x128x16xf32, #tpu.memory_space<vmem>>
        %dma_wait3A_548 = tpu.memref_squeeze %dma_wait3A_547 : memref<1x128x16xf32, #tpu.memory_space<vmem>> -> memref<128x16xf32, #tpu.memory_space<vmem>>
        %dma_wait3A_549 = arith.constant 0 : i32
        %dma_wait3A_550 = tpu.memref_slice %arg9[%add3A_542, %dma_wait3A_549] : memref<80x128xi32, #tpu.memory_space<vmem>> -> memref<1x128xi32, #tpu.memory_space<vmem>>
        %dma_wait3A_551 = tpu.memref_squeeze %dma_wait3A_550 : memref<1x128xi32, #tpu.memory_space<vmem>> -> memref<128xi32, #tpu.memory_space<vmem>>
        %dma_wait3A_552 = arith.constant 0 : i32
        %dma_wait3A_553 = arith.constant 0 : i32
        %dma_wait3A_554 = tpu.memref_slice %arg7[%dma_wait3A_552, %dma_wait3A_553] : memref<10240x16xf32, #tpu.memory_space<vmem_shared>> -> memref<10240x16xf32, #tpu.memory_space<vmem_shared>>
        %dma_wait3A_555 = tpu.memref_slice %arg12[%dma_wait3A_544] : memref<8x!tpu.dma_semaphore, #tpu.memory_space<semaphore_mem>> -> memref<1x!tpu.dma_semaphore, #tpu.memory_space<semaphore_mem>>
        %dma_wait3A_556 = tpu.memref_squeeze %dma_wait3A_555 : memref<1x!tpu.dma_semaphore, #tpu.memory_space<semaphore_mem>> -> memref<!tpu.dma_semaphore, #tpu.memory_space<semaphore_mem>>
        tpu.wait_indirect_dma semaphore(%dma_wait3A_556 : memref<!tpu.dma_semaphore, #tpu.memory_space<semaphore_mem>>) src(%dma_wait3A_548 : memref<128x16xf32, #tpu.memory_space<vmem>>) dst(%dma_wait3A_554 : memref<10240x16xf32, #tpu.memory_space<vmem_shared>>)
      } else {
      }
      %add3A_200 = arith.constant 3 : i32
      %add3A_201 = arith.addi %mul3A_135, %add3A_200 : i32
      %dma_start3A_202 = arith.constant 3 : i32
      %dma_start3A_203 = arith.constant 3 : i32
      %dma_start3A_204 = arith.constant 0 : i32
      %dma_start3A_205 = arith.constant 0 : i32
      %dma_start3A_206 = tpu.memref_slice %arg10[%dma_start3A_202, %dma_start3A_204, %dma_start3A_205] : memref<8x128x16xf32, #tpu.memory_space<vmem>> -> memref<1x128x16xf32, #tpu.memory_space<vmem>>
      %dma_start3A_207 = tpu.memref_squeeze %dma_start3A_206 : memref<1x128x16xf32, #tpu.memory_space<vmem>> -> memref<128x16xf32, #tpu.memory_space<vmem>>
      %dma_start3A_208 = arith.constant 0 : i32
      %dma_start3A_209 = tpu.memref_slice %arg8[%add3A_201, %dma_start3A_208] : memref<80x128xi32, #tpu.memory_space<vmem>> -> memref<1x128xi32, #tpu.memory_space<vmem>>
      %dma_start3A_210 = tpu.memref_squeeze %dma_start3A_209 : memref<1x128xi32, #tpu.memory_space<vmem>> -> memref<128xi32, #tpu.memory_space<vmem>>
      %dma_start3A_211 = arith.constant 0 : i32
      %dma_start3A_212 = arith.constant 0 : i32
      %dma_start3A_213 = tpu.memref_slice %arg2[%dma_start3A_211, %dma_start3A_212] : memref<10240x16xf32, #tpu.memory_space<hbm>> -> memref<10240x16xf32, #tpu.memory_space<hbm>>
      %dma_start3A_214 = tpu.memref_slice %arg11[%dma_start3A_203] : memref<8x!tpu.dma_semaphore, #tpu.memory_space<semaphore_mem>> -> memref<1x!tpu.dma_semaphore, #tpu.memory_space<semaphore_mem>>
      %dma_start3A_215 = tpu.memref_squeeze %dma_start3A_214 : memref<1x!tpu.dma_semaphore, #tpu.memory_space<semaphore_mem>> -> memref<!tpu.dma_semaphore, #tpu.memory_space<semaphore_mem>>
      tpu.enqueue_indirect_dma source(%dma_start3A_213 : memref<10240x16xf32, #tpu.memory_space<hbm>>) target(%dma_start3A_207 : memref<128x16xf32, #tpu.memory_space<vmem>>) offsets(%dma_start3A_210 : memref<128xi32, #tpu.memory_space<vmem>>) semaphore(%dma_start3A_215 : memref<!tpu.dma_semaphore, #tpu.memory_space<semaphore_mem>>)
      %gt3A_216 = arith.constant 0 : i32
      %gt3A_217 = arith.cmpi sgt, %add3A_133, %gt3A_216 : i32
      %convert_element_type3A_218 = arith.extui %gt3A_217 : i1 to i32
      %cond3A_219 = arith.constant 0 : i32
      %cond3A_220 = arith.cmpi ne, %convert_element_type3A_218, %cond3A_219 : i32
      scf.if %cond3A_220 {
        %sub3A = arith.constant 8 : i32
        %sub3A_540 = arith.subi %mul3A_135, %sub3A : i32
        %add3A_541 = arith.constant 4 : i32
        %add3A_542 = arith.addi %sub3A_540, %add3A_541 : i32
        %dma_wait3A_543 = arith.constant 4 : i32
        %dma_wait3A_544 = arith.constant 4 : i32
        %dma_wait3A_545 = arith.constant 0 : i32
        %dma_wait3A_546 = arith.constant 0 : i32
        %dma_wait3A_547 = tpu.memref_slice %arg10[%dma_wait3A_543, %dma_wait3A_545, %dma_wait3A_546] : memref<8x128x16xf32, #tpu.memory_space<vmem>> -> memref<1x128x16xf32, #tpu.memory_space<vmem>>
        %dma_wait3A_548 = tpu.memref_squeeze %dma_wait3A_547 : memref<1x128x16xf32, #tpu.memory_space<vmem>> -> memref<128x16xf32, #tpu.memory_space<vmem>>
        %dma_wait3A_549 = arith.constant 0 : i32
        %dma_wait3A_550 = tpu.memref_slice %arg9[%add3A_542, %dma_wait3A_549] : memref<80x128xi32, #tpu.memory_space<vmem>> -> memref<1x128xi32, #tpu.memory_space<vmem>>
        %dma_wait3A_551 = tpu.memref_squeeze %dma_wait3A_550 : memref<1x128xi32, #tpu.memory_space<vmem>> -> memref<128xi32, #tpu.memory_space<vmem>>
        %dma_wait3A_552 = arith.constant 0 : i32
        %dma_wait3A_553 = arith.constant 0 : i32
        %dma_wait3A_554 = tpu.memref_slice %arg7[%dma_wait3A_552, %dma_wait3A_553] : memref<10240x16xf32, #tpu.memory_space<vmem_shared>> -> memref<10240x16xf32, #tpu.memory_space<vmem_shared>>
        %dma_wait3A_555 = tpu.memref_slice %arg12[%dma_wait3A_544] : memref<8x!tpu.dma_semaphore, #tpu.memory_space<semaphore_mem>> -> memref<1x!tpu.dma_semaphore, #tpu.memory_space<semaphore_mem>>
        %dma_wait3A_556 = tpu.memref_squeeze %dma_wait3A_555 : memref<1x!tpu.dma_semaphore, #tpu.memory_space<semaphore_mem>> -> memref<!tpu.dma_semaphore, #tpu.memory_space<semaphore_mem>>
        tpu.wait_indirect_dma semaphore(%dma_wait3A_556 : memref<!tpu.dma_semaphore, #tpu.memory_space<semaphore_mem>>) src(%dma_wait3A_548 : memref<128x16xf32, #tpu.memory_space<vmem>>) dst(%dma_wait3A_554 : memref<10240x16xf32, #tpu.memory_space<vmem_shared>>)
      } else {
      }
      %add3A_221 = arith.constant 4 : i32
      %add3A_222 = arith.addi %mul3A_135, %add3A_221 : i32
      %dma_start3A_223 = arith.constant 4 : i32
      %dma_start3A_224 = arith.constant 4 : i32
      %dma_start3A_225 = arith.constant 0 : i32
      %dma_start3A_226 = arith.constant 0 : i32
      %dma_start3A_227 = tpu.memref_slice %arg10[%dma_start3A_223, %dma_start3A_225, %dma_start3A_226] : memref<8x128x16xf32, #tpu.memory_space<vmem>> -> memref<1x128x16xf32, #tpu.memory_space<vmem>>
      %dma_start3A_228 = tpu.memref_squeeze %dma_start3A_227 : memref<1x128x16xf32, #tpu.memory_space<vmem>> -> memref<128x16xf32, #tpu.memory_space<vmem>>
      %dma_start3A_229 = arith.constant 0 : i32
      %dma_start3A_230 = tpu.memref_slice %arg8[%add3A_222, %dma_start3A_229] : memref<80x128xi32, #tpu.memory_space<vmem>> -> memref<1x128xi32, #tpu.memory_space<vmem>>
      %dma_start3A_231 = tpu.memref_squeeze %dma_start3A_230 : memref<1x128xi32, #tpu.memory_space<vmem>> -> memref<128xi32, #tpu.memory_space<vmem>>
      %dma_start3A_232 = arith.constant 0 : i32
      %dma_start3A_233 = arith.constant 0 : i32
      %dma_start3A_234 = tpu.memref_slice %arg2[%dma_start3A_232, %dma_start3A_233] : memref<10240x16xf32, #tpu.memory_space<hbm>> -> memref<10240x16xf32, #tpu.memory_space<hbm>>
      %dma_start3A_235 = tpu.memref_slice %arg11[%dma_start3A_224] : memref<8x!tpu.dma_semaphore, #tpu.memory_space<semaphore_mem>> -> memref<1x!tpu.dma_semaphore, #tpu.memory_space<semaphore_mem>>
      %dma_start3A_236 = tpu.memref_squeeze %dma_start3A_235 : memref<1x!tpu.dma_semaphore, #tpu.memory_space<semaphore_mem>> -> memref<!tpu.dma_semaphore, #tpu.memory_space<semaphore_mem>>
      tpu.enqueue_indirect_dma source(%dma_start3A_234 : memref<10240x16xf32, #tpu.memory_space<hbm>>) target(%dma_start3A_228 : memref<128x16xf32, #tpu.memory_space<vmem>>) offsets(%dma_start3A_231 : memref<128xi32, #tpu.memory_space<vmem>>) semaphore(%dma_start3A_236 : memref<!tpu.dma_semaphore, #tpu.memory_space<semaphore_mem>>)
      %gt3A_237 = arith.constant 0 : i32
      %gt3A_238 = arith.cmpi sgt, %add3A_133, %gt3A_237 : i32
      %convert_element_type3A_239 = arith.extui %gt3A_238 : i1 to i32
      %cond3A_240 = arith.constant 0 : i32
      %cond3A_241 = arith.cmpi ne, %convert_element_type3A_239, %cond3A_240 : i32
      scf.if %cond3A_241 {
        %sub3A = arith.constant 8 : i32
        %sub3A_540 = arith.subi %mul3A_135, %sub3A : i32
        %add3A_541 = arith.constant 5 : i32
        %add3A_542 = arith.addi %sub3A_540, %add3A_541 : i32
        %dma_wait3A_543 = arith.constant 5 : i32
        %dma_wait3A_544 = arith.constant 5 : i32
        %dma_wait3A_545 = arith.constant 0 : i32
        %dma_wait3A_546 = arith.constant 0 : i32
        %dma_wait3A_547 = tpu.memref_slice %arg10[%dma_wait3A_543, %dma_wait3A_545, %dma_wait3A_546] : memref<8x128x16xf32, #tpu.memory_space<vmem>> -> memref<1x128x16xf32, #tpu.memory_space<vmem>>
        %dma_wait3A_548 = tpu.memref_squeeze %dma_wait3A_547 : memref<1x128x16xf32, #tpu.memory_space<vmem>> -> memref<128x16xf32, #tpu.memory_space<vmem>>
        %dma_wait3A_549 = arith.constant 0 : i32
        %dma_wait3A_550 = tpu.memref_slice %arg9[%add3A_542, %dma_wait3A_549] : memref<80x128xi32, #tpu.memory_space<vmem>> -> memref<1x128xi32, #tpu.memory_space<vmem>>
        %dma_wait3A_551 = tpu.memref_squeeze %dma_wait3A_550 : memref<1x128xi32, #tpu.memory_space<vmem>> -> memref<128xi32, #tpu.memory_space<vmem>>
        %dma_wait3A_552 = arith.constant 0 : i32
        %dma_wait3A_553 = arith.constant 0 : i32
        %dma_wait3A_554 = tpu.memref_slice %arg7[%dma_wait3A_552, %dma_wait3A_553] : memref<10240x16xf32, #tpu.memory_space<vmem_shared>> -> memref<10240x16xf32, #tpu.memory_space<vmem_shared>>
        %dma_wait3A_555 = tpu.memref_slice %arg12[%dma_wait3A_544] : memref<8x!tpu.dma_semaphore, #tpu.memory_space<semaphore_mem>> -> memref<1x!tpu.dma_semaphore, #tpu.memory_space<semaphore_mem>>
        %dma_wait3A_556 = tpu.memref_squeeze %dma_wait3A_555 : memref<1x!tpu.dma_semaphore, #tpu.memory_space<semaphore_mem>> -> memref<!tpu.dma_semaphore, #tpu.memory_space<semaphore_mem>>
        tpu.wait_indirect_dma semaphore(%dma_wait3A_556 : memref<!tpu.dma_semaphore, #tpu.memory_space<semaphore_mem>>) src(%dma_wait3A_548 : memref<128x16xf32, #tpu.memory_space<vmem>>) dst(%dma_wait3A_554 : memref<10240x16xf32, #tpu.memory_space<vmem_shared>>)
      } else {
      }
      %add3A_242 = arith.constant 5 : i32
      %add3A_243 = arith.addi %mul3A_135, %add3A_242 : i32
      %dma_start3A_244 = arith.constant 5 : i32
      %dma_start3A_245 = arith.constant 5 : i32
      %dma_start3A_246 = arith.constant 0 : i32
      %dma_start3A_247 = arith.constant 0 : i32
      %dma_start3A_248 = tpu.memref_slice %arg10[%dma_start3A_244, %dma_start3A_246, %dma_start3A_247] : memref<8x128x16xf32, #tpu.memory_space<vmem>> -> memref<1x128x16xf32, #tpu.memory_space<vmem>>
      %dma_start3A_249 = tpu.memref_squeeze %dma_start3A_248 : memref<1x128x16xf32, #tpu.memory_space<vmem>> -> memref<128x16xf32, #tpu.memory_space<vmem>>
      %dma_start3A_250 = arith.constant 0 : i32
      %dma_start3A_251 = tpu.memref_slice %arg8[%add3A_243, %dma_start3A_250] : memref<80x128xi32, #tpu.memory_space<vmem>> -> memref<1x128xi32, #tpu.memory_space<vmem>>
      %dma_start3A_252 = tpu.memref_squeeze %dma_start3A_251 : memref<1x128xi32, #tpu.memory_space<vmem>> -> memref<128xi32, #tpu.memory_space<vmem>>
      %dma_start3A_253 = arith.constant 0 : i32
      %dma_start3A_254 = arith.constant 0 : i32
      %dma_start3A_255 = tpu.memref_slice %arg2[%dma_start3A_253, %dma_start3A_254] : memref<10240x16xf32, #tpu.memory_space<hbm>> -> memref<10240x16xf32, #tpu.memory_space<hbm>>
      %dma_start3A_256 = tpu.memref_slice %arg11[%dma_start3A_245] : memref<8x!tpu.dma_semaphore, #tpu.memory_space<semaphore_mem>> -> memref<1x!tpu.dma_semaphore, #tpu.memory_space<semaphore_mem>>
      %dma_start3A_257 = tpu.memref_squeeze %dma_start3A_256 : memref<1x!tpu.dma_semaphore, #tpu.memory_space<semaphore_mem>> -> memref<!tpu.dma_semaphore, #tpu.memory_space<semaphore_mem>>
      tpu.enqueue_indirect_dma source(%dma_start3A_255 : memref<10240x16xf32, #tpu.memory_space<hbm>>) target(%dma_start3A_249 : memref<128x16xf32, #tpu.memory_space<vmem>>) offsets(%dma_start3A_252 : memref<128xi32, #tpu.memory_space<vmem>>) semaphore(%dma_start3A_257 : memref<!tpu.dma_semaphore, #tpu.memory_space<semaphore_mem>>)
      %gt3A_258 = arith.constant 0 : i32
      %gt3A_259 = arith.cmpi sgt, %add3A_133, %gt3A_258 : i32
      %convert_element_type3A_260 = arith.extui %gt3A_259 : i1 to i32
      %cond3A_261 = arith.constant 0 : i32
      %cond3A_262 = arith.cmpi ne, %convert_element_type3A_260, %cond3A_261 : i32
      scf.if %cond3A_262 {
        %sub3A = arith.constant 8 : i32
        %sub3A_540 = arith.subi %mul3A_135, %sub3A : i32
        %add3A_541 = arith.constant 6 : i32
        %add3A_542 = arith.addi %sub3A_540, %add3A_541 : i32
        %dma_wait3A_543 = arith.constant 6 : i32
        %dma_wait3A_544 = arith.constant 6 : i32
        %dma_wait3A_545 = arith.constant 0 : i32
        %dma_wait3A_546 = arith.constant 0 : i32
        %dma_wait3A_547 = tpu.memref_slice %arg10[%dma_wait3A_543, %dma_wait3A_545, %dma_wait3A_546] : memref<8x128x16xf32, #tpu.memory_space<vmem>> -> memref<1x128x16xf32, #tpu.memory_space<vmem>>
        %dma_wait3A_548 = tpu.memref_squeeze %dma_wait3A_547 : memref<1x128x16xf32, #tpu.memory_space<vmem>> -> memref<128x16xf32, #tpu.memory_space<vmem>>
        %dma_wait3A_549 = arith.constant 0 : i32
        %dma_wait3A_550 = tpu.memref_slice %arg9[%add3A_542, %dma_wait3A_549] : memref<80x128xi32, #tpu.memory_space<vmem>> -> memref<1x128xi32, #tpu.memory_space<vmem>>
        %dma_wait3A_551 = tpu.memref_squeeze %dma_wait3A_550 : memref<1x128xi32, #tpu.memory_space<vmem>> -> memref<128xi32, #tpu.memory_space<vmem>>
        %dma_wait3A_552 = arith.constant 0 : i32
        %dma_wait3A_553 = arith.constant 0 : i32
        %dma_wait3A_554 = tpu.memref_slice %arg7[%dma_wait3A_552, %dma_wait3A_553] : memref<10240x16xf32, #tpu.memory_space<vmem_shared>> -> memref<10240x16xf32, #tpu.memory_space<vmem_shared>>
        %dma_wait3A_555 = tpu.memref_slice %arg12[%dma_wait3A_544] : memref<8x!tpu.dma_semaphore, #tpu.memory_space<semaphore_mem>> -> memref<1x!tpu.dma_semaphore, #tpu.memory_space<semaphore_mem>>
        %dma_wait3A_556 = tpu.memref_squeeze %dma_wait3A_555 : memref<1x!tpu.dma_semaphore, #tpu.memory_space<semaphore_mem>> -> memref<!tpu.dma_semaphore, #tpu.memory_space<semaphore_mem>>
        tpu.wait_indirect_dma semaphore(%dma_wait3A_556 : memref<!tpu.dma_semaphore, #tpu.memory_space<semaphore_mem>>) src(%dma_wait3A_548 : memref<128x16xf32, #tpu.memory_space<vmem>>) dst(%dma_wait3A_554 : memref<10240x16xf32, #tpu.memory_space<vmem_shared>>)
      } else {
      }
      %add3A_263 = arith.constant 6 : i32
      %add3A_264 = arith.addi %mul3A_135, %add3A_263 : i32
      %dma_start3A_265 = arith.constant 6 : i32
      %dma_start3A_266 = arith.constant 6 : i32
      %dma_start3A_267 = arith.constant 0 : i32
      %dma_start3A_268 = arith.constant 0 : i32
      %dma_start3A_269 = tpu.memref_slice %arg10[%dma_start3A_265, %dma_start3A_267, %dma_start3A_268] : memref<8x128x16xf32, #tpu.memory_space<vmem>> -> memref<1x128x16xf32, #tpu.memory_space<vmem>>
      %dma_start3A_270 = tpu.memref_squeeze %dma_start3A_269 : memref<1x128x16xf32, #tpu.memory_space<vmem>> -> memref<128x16xf32, #tpu.memory_space<vmem>>
      %dma_start3A_271 = arith.constant 0 : i32
      %dma_start3A_272 = tpu.memref_slice %arg8[%add3A_264, %dma_start3A_271] : memref<80x128xi32, #tpu.memory_space<vmem>> -> memref<1x128xi32, #tpu.memory_space<vmem>>
      %dma_start3A_273 = tpu.memref_squeeze %dma_start3A_272 : memref<1x128xi32, #tpu.memory_space<vmem>> -> memref<128xi32, #tpu.memory_space<vmem>>
      %dma_start3A_274 = arith.constant 0 : i32
      %dma_start3A_275 = arith.constant 0 : i32
      %dma_start3A_276 = tpu.memref_slice %arg2[%dma_start3A_274, %dma_start3A_275] : memref<10240x16xf32, #tpu.memory_space<hbm>> -> memref<10240x16xf32, #tpu.memory_space<hbm>>
      %dma_start3A_277 = tpu.memref_slice %arg11[%dma_start3A_266] : memref<8x!tpu.dma_semaphore, #tpu.memory_space<semaphore_mem>> -> memref<1x!tpu.dma_semaphore, #tpu.memory_space<semaphore_mem>>
      %dma_start3A_278 = tpu.memref_squeeze %dma_start3A_277 : memref<1x!tpu.dma_semaphore, #tpu.memory_space<semaphore_mem>> -> memref<!tpu.dma_semaphore, #tpu.memory_space<semaphore_mem>>
      tpu.enqueue_indirect_dma source(%dma_start3A_276 : memref<10240x16xf32, #tpu.memory_space<hbm>>) target(%dma_start3A_270 : memref<128x16xf32, #tpu.memory_space<vmem>>) offsets(%dma_start3A_273 : memref<128xi32, #tpu.memory_space<vmem>>) semaphore(%dma_start3A_278 : memref<!tpu.dma_semaphore, #tpu.memory_space<semaphore_mem>>)
      %gt3A_279 = arith.constant 0 : i32
      %gt3A_280 = arith.cmpi sgt, %add3A_133, %gt3A_279 : i32
      %convert_element_type3A_281 = arith.extui %gt3A_280 : i1 to i32
      %cond3A_282 = arith.constant 0 : i32
      %cond3A_283 = arith.cmpi ne, %convert_element_type3A_281, %cond3A_282 : i32
      scf.if %cond3A_283 {
        %sub3A = arith.constant 8 : i32
        %sub3A_540 = arith.subi %mul3A_135, %sub3A : i32
        %add3A_541 = arith.constant 7 : i32
        %add3A_542 = arith.addi %sub3A_540, %add3A_541 : i32
        %dma_wait3A_543 = arith.constant 7 : i32
        %dma_wait3A_544 = arith.constant 7 : i32
        %dma_wait3A_545 = arith.constant 0 : i32
        %dma_wait3A_546 = arith.constant 0 : i32
        %dma_wait3A_547 = tpu.memref_slice %arg10[%dma_wait3A_543, %dma_wait3A_545, %dma_wait3A_546] : memref<8x128x16xf32, #tpu.memory_space<vmem>> -> memref<1x128x16xf32, #tpu.memory_space<vmem>>
        %dma_wait3A_548 = tpu.memref_squeeze %dma_wait3A_547 : memref<1x128x16xf32, #tpu.memory_space<vmem>> -> memref<128x16xf32, #tpu.memory_space<vmem>>
        %dma_wait3A_549 = arith.constant 0 : i32
        %dma_wait3A_550 = tpu.memref_slice %arg9[%add3A_542, %dma_wait3A_549] : memref<80x128xi32, #tpu.memory_space<vmem>> -> memref<1x128xi32, #tpu.memory_space<vmem>>
        %dma_wait3A_551 = tpu.memref_squeeze %dma_wait3A_550 : memref<1x128xi32, #tpu.memory_space<vmem>> -> memref<128xi32, #tpu.memory_space<vmem>>
        %dma_wait3A_552 = arith.constant 0 : i32
        %dma_wait3A_553 = arith.constant 0 : i32
        %dma_wait3A_554 = tpu.memref_slice %arg7[%dma_wait3A_552, %dma_wait3A_553] : memref<10240x16xf32, #tpu.memory_space<vmem_shared>> -> memref<10240x16xf32, #tpu.memory_space<vmem_shared>>
        %dma_wait3A_555 = tpu.memref_slice %arg12[%dma_wait3A_544] : memref<8x!tpu.dma_semaphore, #tpu.memory_space<semaphore_mem>> -> memref<1x!tpu.dma_semaphore, #tpu.memory_space<semaphore_mem>>
        %dma_wait3A_556 = tpu.memref_squeeze %dma_wait3A_555 : memref<1x!tpu.dma_semaphore, #tpu.memory_space<semaphore_mem>> -> memref<!tpu.dma_semaphore, #tpu.memory_space<semaphore_mem>>
        tpu.wait_indirect_dma semaphore(%dma_wait3A_556 : memref<!tpu.dma_semaphore, #tpu.memory_space<semaphore_mem>>) src(%dma_wait3A_548 : memref<128x16xf32, #tpu.memory_space<vmem>>) dst(%dma_wait3A_554 : memref<10240x16xf32, #tpu.memory_space<vmem_shared>>)
      } else {
      }
      %add3A_284 = arith.constant 7 : i32
      %add3A_285 = arith.addi %mul3A_135, %add3A_284 : i32
      %dma_start3A_286 = arith.constant 7 : i32
      %dma_start3A_287 = arith.constant 7 : i32
      %dma_start3A_288 = arith.constant 0 : i32
      %dma_start3A_289 = arith.constant 0 : i32
      %dma_start3A_290 = tpu.memref_slice %arg10[%dma_start3A_286, %dma_start3A_288, %dma_start3A_289] : memref<8x128x16xf32, #tpu.memory_space<vmem>> -> memref<1x128x16xf32, #tpu.memory_space<vmem>>
      %dma_start3A_291 = tpu.memref_squeeze %dma_start3A_290 : memref<1x128x16xf32, #tpu.memory_space<vmem>> -> memref<128x16xf32, #tpu.memory_space<vmem>>
      %dma_start3A_292 = arith.constant 0 : i32
      %dma_start3A_293 = tpu.memref_slice %arg8[%add3A_285, %dma_start3A_292] : memref<80x128xi32, #tpu.memory_space<vmem>> -> memref<1x128xi32, #tpu.memory_space<vmem>>
      %dma_start3A_294 = tpu.memref_squeeze %dma_start3A_293 : memref<1x128xi32, #tpu.memory_space<vmem>> -> memref<128xi32, #tpu.memory_space<vmem>>
      %dma_start3A_295 = arith.constant 0 : i32
      %dma_start3A_296 = arith.constant 0 : i32
      %dma_start3A_297 = tpu.memref_slice %arg2[%dma_start3A_295, %dma_start3A_296] : memref<10240x16xf32, #tpu.memory_space<hbm>> -> memref<10240x16xf32, #tpu.memory_space<hbm>>
      %dma_start3A_298 = tpu.memref_slice %arg11[%dma_start3A_287] : memref<8x!tpu.dma_semaphore, #tpu.memory_space<semaphore_mem>> -> memref<1x!tpu.dma_semaphore, #tpu.memory_space<semaphore_mem>>
      %dma_start3A_299 = tpu.memref_squeeze %dma_start3A_298 : memref<1x!tpu.dma_semaphore, #tpu.memory_space<semaphore_mem>> -> memref<!tpu.dma_semaphore, #tpu.memory_space<semaphore_mem>>
      tpu.enqueue_indirect_dma source(%dma_start3A_297 : memref<10240x16xf32, #tpu.memory_space<hbm>>) target(%dma_start3A_291 : memref<128x16xf32, #tpu.memory_space<vmem>>) offsets(%dma_start3A_294 : memref<128xi32, #tpu.memory_space<vmem>>) semaphore(%dma_start3A_299 : memref<!tpu.dma_semaphore, #tpu.memory_space<semaphore_mem>>)
      %dma_wait3A_300 = arith.constant 0 : i32
      %dma_wait3A_301 = arith.constant 0 : i32
      %dma_wait3A_302 = arith.constant 0 : i32
      %dma_wait3A_303 = arith.constant 0 : i32
      %dma_wait3A_304 = tpu.memref_slice %arg10[%dma_wait3A_300, %dma_wait3A_302, %dma_wait3A_303] : memref<8x128x16xf32, #tpu.memory_space<vmem>> -> memref<1x128x16xf32, #tpu.memory_space<vmem>>
      %dma_wait3A_305 = tpu.memref_squeeze %dma_wait3A_304 : memref<1x128x16xf32, #tpu.memory_space<vmem>> -> memref<128x16xf32, #tpu.memory_space<vmem>>
      %dma_wait3A_306 = arith.constant 0 : i32
      %dma_wait3A_307 = tpu.memref_slice %arg8[%add3A_139, %dma_wait3A_306] : memref<80x128xi32, #tpu.memory_space<vmem>> -> memref<1x128xi32, #tpu.memory_space<vmem>>
      %dma_wait3A_308 = tpu.memref_squeeze %dma_wait3A_307 : memref<1x128xi32, #tpu.memory_space<vmem>> -> memref<128xi32, #tpu.memory_space<vmem>>
      %dma_wait3A_309 = arith.constant 0 : i32
      %dma_wait3A_310 = arith.constant 0 : i32
      %dma_wait3A_311 = tpu.memref_slice %arg2[%dma_wait3A_309, %dma_wait3A_310] : memref<10240x16xf32, #tpu.memory_space<hbm>> -> memref<10240x16xf32, #tpu.memory_space<hbm>>
      %dma_wait3A_312 = tpu.memref_slice %arg11[%dma_wait3A_301] : memref<8x!tpu.dma_semaphore, #tpu.memory_space<semaphore_mem>> -> memref<1x!tpu.dma_semaphore, #tpu.memory_space<semaphore_mem>>
      %dma_wait3A_313 = tpu.memref_squeeze %dma_wait3A_312 : memref<1x!tpu.dma_semaphore, #tpu.memory_space<semaphore_mem>> -> memref<!tpu.dma_semaphore, #tpu.memory_space<semaphore_mem>>
      tpu.wait_indirect_dma semaphore(%dma_wait3A_313 : memref<!tpu.dma_semaphore, #tpu.memory_space<semaphore_mem>>) src(%dma_wait3A_311 : memref<10240x16xf32, #tpu.memory_space<hbm>>) dst(%dma_wait3A_305 : memref<128x16xf32, #tpu.memory_space<vmem>>)
      %add3A_314 = arith.constant 0 : i32
      %add3A_315 = arith.addi %mul3A_135, %add3A_314 : i32
      %dma_start3A_316 = arith.constant 0 : i32
      %dma_start3A_317 = arith.constant 0 : i32
      %dma_start3A_318 = arith.constant 0 : i32
      %dma_start3A_319 = arith.constant 0 : i32
      %dma_start3A_320 = tpu.memref_slice %arg10[%dma_start3A_316, %dma_start3A_318, %dma_start3A_319] : memref<8x128x16xf32, #tpu.memory_space<vmem>> -> memref<1x128x16xf32, #tpu.memory_space<vmem>>
      %dma_start3A_321 = tpu.memref_squeeze %dma_start3A_320 : memref<1x128x16xf32, #tpu.memory_space<vmem>> -> memref<128x16xf32, #tpu.memory_space<vmem>>
      %dma_start3A_322 = arith.constant 0 : i32
      %dma_start3A_323 = tpu.memref_slice %arg9[%add3A_315, %dma_start3A_322] : memref<80x128xi32, #tpu.memory_space<vmem>> -> memref<1x128xi32, #tpu.memory_space<vmem>>
      %dma_start3A_324 = tpu.memref_squeeze %dma_start3A_323 : memref<1x128xi32, #tpu.memory_space<vmem>> -> memref<128xi32, #tpu.memory_space<vmem>>
      %dma_start3A_325 = arith.constant 0 : i32
      %dma_start3A_326 = arith.constant 0 : i32
      %dma_start3A_327 = tpu.memref_slice %arg7[%dma_start3A_325, %dma_start3A_326] : memref<10240x16xf32, #tpu.memory_space<vmem_shared>> -> memref<10240x16xf32, #tpu.memory_space<vmem_shared>>
      %dma_start3A_328 = tpu.memref_slice %arg12[%dma_start3A_317] : memref<8x!tpu.dma_semaphore, #tpu.memory_space<semaphore_mem>> -> memref<1x!tpu.dma_semaphore, #tpu.memory_space<semaphore_mem>>
      %dma_start3A_329 = tpu.memref_squeeze %dma_start3A_328 : memref<1x!tpu.dma_semaphore, #tpu.memory_space<semaphore_mem>> -> memref<!tpu.dma_semaphore, #tpu.memory_space<semaphore_mem>>
      tpu.enqueue_indirect_dma source(%dma_start3A_321 : memref<128x16xf32, #tpu.memory_space<vmem>>) target(%dma_start3A_327 : memref<10240x16xf32, #tpu.memory_space<vmem_shared>>) offsets(%dma_start3A_324 : memref<128xi32, #tpu.memory_space<vmem>>) semaphore(%dma_start3A_329 : memref<!tpu.dma_semaphore, #tpu.memory_space<semaphore_mem>>) {add = true}
      %dma_wait3A_330 = arith.constant 1 : i32
      %dma_wait3A_331 = arith.constant 1 : i32
      %dma_wait3A_332 = arith.constant 0 : i32
      %dma_wait3A_333 = arith.constant 0 : i32
      %dma_wait3A_334 = tpu.memref_slice %arg10[%dma_wait3A_330, %dma_wait3A_332, %dma_wait3A_333] : memref<8x128x16xf32, #tpu.memory_space<vmem>> -> memref<1x128x16xf32, #tpu.memory_space<vmem>>
      %dma_wait3A_335 = tpu.memref_squeeze %dma_wait3A_334 : memref<1x128x16xf32, #tpu.memory_space<vmem>> -> memref<128x16xf32, #tpu.memory_space<vmem>>
      %dma_wait3A_336 = arith.constant 0 : i32
      %dma_wait3A_337 = tpu.memref_slice %arg8[%add3A_159, %dma_wait3A_336] : memref<80x128xi32, #tpu.memory_space<vmem>> -> memref<1x128xi32, #tpu.memory_space<vmem>>
      %dma_wait3A_338 = tpu.memref_squeeze %dma_wait3A_337 : memref<1x128xi32, #tpu.memory_space<vmem>> -> memref<128xi32, #tpu.memory_space<vmem>>
      %dma_wait3A_339 = arith.constant 0 : i32
      %dma_wait3A_340 = arith.constant 0 : i32
      %dma_wait3A_341 = tpu.memref_slice %arg2[%dma_wait3A_339, %dma_wait3A_340] : memref<10240x16xf32, #tpu.memory_space<hbm>> -> memref<10240x16xf32, #tpu.memory_space<hbm>>
      %dma_wait3A_342 = tpu.memref_slice %arg11[%dma_wait3A_331] : memref<8x!tpu.dma_semaphore, #tpu.memory_space<semaphore_mem>> -> memref<1x!tpu.dma_semaphore, #tpu.memory_space<semaphore_mem>>
      %dma_wait3A_343 = tpu.memref_squeeze %dma_wait3A_342 : memref<1x!tpu.dma_semaphore, #tpu.memory_space<semaphore_mem>> -> memref<!tpu.dma_semaphore, #tpu.memory_space<semaphore_mem>>
      tpu.wait_indirect_dma semaphore(%dma_wait3A_343 : memref<!tpu.dma_semaphore, #tpu.memory_space<semaphore_mem>>) src(%dma_wait3A_341 : memref<10240x16xf32, #tpu.memory_space<hbm>>) dst(%dma_wait3A_335 : memref<128x16xf32, #tpu.memory_space<vmem>>)
      %add3A_344 = arith.constant 1 : i32
      %add3A_345 = arith.addi %mul3A_135, %add3A_344 : i32
      %dma_start3A_346 = arith.constant 1 : i32
      %dma_start3A_347 = arith.constant 1 : i32
      %dma_start3A_348 = arith.constant 0 : i32
      %dma_start3A_349 = arith.constant 0 : i32
      %dma_start3A_350 = tpu.memref_slice %arg10[%dma_start3A_346, %dma_start3A_348, %dma_start3A_349] : memref<8x128x16xf32, #tpu.memory_space<vmem>> -> memref<1x128x16xf32, #tpu.memory_space<vmem>>
      %dma_start3A_351 = tpu.memref_squeeze %dma_start3A_350 : memref<1x128x16xf32, #tpu.memory_space<vmem>> -> memref<128x16xf32, #tpu.memory_space<vmem>>
      %dma_start3A_352 = arith.constant 0 : i32
      %dma_start3A_353 = tpu.memref_slice %arg9[%add3A_345, %dma_start3A_352] : memref<80x128xi32, #tpu.memory_space<vmem>> -> memref<1x128xi32, #tpu.memory_space<vmem>>
      %dma_start3A_354 = tpu.memref_squeeze %dma_start3A_353 : memref<1x128xi32, #tpu.memory_space<vmem>> -> memref<128xi32, #tpu.memory_space<vmem>>
      %dma_start3A_355 = arith.constant 0 : i32
      %dma_start3A_356 = arith.constant 0 : i32
      %dma_start3A_357 = tpu.memref_slice %arg7[%dma_start3A_355, %dma_start3A_356] : memref<10240x16xf32, #tpu.memory_space<vmem_shared>> -> memref<10240x16xf32, #tpu.memory_space<vmem_shared>>
      %dma_start3A_358 = tpu.memref_slice %arg12[%dma_start3A_347] : memref<8x!tpu.dma_semaphore, #tpu.memory_space<semaphore_mem>> -> memref<1x!tpu.dma_semaphore, #tpu.memory_space<semaphore_mem>>
      %dma_start3A_359 = tpu.memref_squeeze %dma_start3A_358 : memref<1x!tpu.dma_semaphore, #tpu.memory_space<semaphore_mem>> -> memref<!tpu.dma_semaphore, #tpu.memory_space<semaphore_mem>>
      tpu.enqueue_indirect_dma source(%dma_start3A_351 : memref<128x16xf32, #tpu.memory_space<vmem>>) target(%dma_start3A_357 : memref<10240x16xf32, #tpu.memory_space<vmem_shared>>) offsets(%dma_start3A_354 : memref<128xi32, #tpu.memory_space<vmem>>) semaphore(%dma_start3A_359 : memref<!tpu.dma_semaphore, #tpu.memory_space<semaphore_mem>>) {add = true}
      %dma_wait3A_360 = arith.constant 2 : i32
      %dma_wait3A_361 = arith.constant 2 : i32
      %dma_wait3A_362 = arith.constant 0 : i32
      %dma_wait3A_363 = arith.constant 0 : i32
      %dma_wait3A_364 = tpu.memref_slice %arg10[%dma_wait3A_360, %dma_wait3A_362, %dma_wait3A_363] : memref<8x128x16xf32, #tpu.memory_space<vmem>> -> memref<1x128x16xf32, #tpu.memory_space<vmem>>
      %dma_wait3A_365 = tpu.memref_squeeze %dma_wait3A_364 : memref<1x128x16xf32, #tpu.memory_space<vmem>> -> memref<128x16xf32, #tpu.memory_space<vmem>>
      %dma_wait3A_366 = arith.constant 0 : i32
      %dma_wait3A_367 = tpu.memref_slice %arg8[%add3A_180, %dma_wait3A_366] : memref<80x128xi32, #tpu.memory_space<vmem>> -> memref<1x128xi32, #tpu.memory_space<vmem>>
      %dma_wait3A_368 = tpu.memref_squeeze %dma_wait3A_367 : memref<1x128xi32, #tpu.memory_space<vmem>> -> memref<128xi32, #tpu.memory_space<vmem>>
      %dma_wait3A_369 = arith.constant 0 : i32
      %dma_wait3A_370 = arith.constant 0 : i32
      %dma_wait3A_371 = tpu.memref_slice %arg2[%dma_wait3A_369, %dma_wait3A_370] : memref<10240x16xf32, #tpu.memory_space<hbm>> -> memref<10240x16xf32, #tpu.memory_space<hbm>>
      %dma_wait3A_372 = tpu.memref_slice %arg11[%dma_wait3A_361] : memref<8x!tpu.dma_semaphore, #tpu.memory_space<semaphore_mem>> -> memref<1x!tpu.dma_semaphore, #tpu.memory_space<semaphore_mem>>
      %dma_wait3A_373 = tpu.memref_squeeze %dma_wait3A_372 : memref<1x!tpu.dma_semaphore, #tpu.memory_space<semaphore_mem>> -> memref<!tpu.dma_semaphore, #tpu.memory_space<semaphore_mem>>
      tpu.wait_indirect_dma semaphore(%dma_wait3A_373 : memref<!tpu.dma_semaphore, #tpu.memory_space<semaphore_mem>>) src(%dma_wait3A_371 : memref<10240x16xf32, #tpu.memory_space<hbm>>) dst(%dma_wait3A_365 : memref<128x16xf32, #tpu.memory_space<vmem>>)
      %add3A_374 = arith.constant 2 : i32
      %add3A_375 = arith.addi %mul3A_135, %add3A_374 : i32
      %dma_start3A_376 = arith.constant 2 : i32
      %dma_start3A_377 = arith.constant 2 : i32
      %dma_start3A_378 = arith.constant 0 : i32
      %dma_start3A_379 = arith.constant 0 : i32
      %dma_start3A_380 = tpu.memref_slice %arg10[%dma_start3A_376, %dma_start3A_378, %dma_start3A_379] : memref<8x128x16xf32, #tpu.memory_space<vmem>> -> memref<1x128x16xf32, #tpu.memory_space<vmem>>
      %dma_start3A_381 = tpu.memref_squeeze %dma_start3A_380 : memref<1x128x16xf32, #tpu.memory_space<vmem>> -> memref<128x16xf32, #tpu.memory_space<vmem>>
      %dma_start3A_382 = arith.constant 0 : i32
      %dma_start3A_383 = tpu.memref_slice %arg9[%add3A_375, %dma_start3A_382] : memref<80x128xi32, #tpu.memory_space<vmem>> -> memref<1x128xi32, #tpu.memory_space<vmem>>
      %dma_start3A_384 = tpu.memref_squeeze %dma_start3A_383 : memref<1x128xi32, #tpu.memory_space<vmem>> -> memref<128xi32, #tpu.memory_space<vmem>>
      %dma_start3A_385 = arith.constant 0 : i32
      %dma_start3A_386 = arith.constant 0 : i32
      %dma_start3A_387 = tpu.memref_slice %arg7[%dma_start3A_385, %dma_start3A_386] : memref<10240x16xf32, #tpu.memory_space<vmem_shared>> -> memref<10240x16xf32, #tpu.memory_space<vmem_shared>>
      %dma_start3A_388 = tpu.memref_slice %arg12[%dma_start3A_377] : memref<8x!tpu.dma_semaphore, #tpu.memory_space<semaphore_mem>> -> memref<1x!tpu.dma_semaphore, #tpu.memory_space<semaphore_mem>>
      %dma_start3A_389 = tpu.memref_squeeze %dma_start3A_388 : memref<1x!tpu.dma_semaphore, #tpu.memory_space<semaphore_mem>> -> memref<!tpu.dma_semaphore, #tpu.memory_space<semaphore_mem>>
      tpu.enqueue_indirect_dma source(%dma_start3A_381 : memref<128x16xf32, #tpu.memory_space<vmem>>) target(%dma_start3A_387 : memref<10240x16xf32, #tpu.memory_space<vmem_shared>>) offsets(%dma_start3A_384 : memref<128xi32, #tpu.memory_space<vmem>>) semaphore(%dma_start3A_389 : memref<!tpu.dma_semaphore, #tpu.memory_space<semaphore_mem>>) {add = true}
      %dma_wait3A_390 = arith.constant 3 : i32
      %dma_wait3A_391 = arith.constant 3 : i32
      %dma_wait3A_392 = arith.constant 0 : i32
      %dma_wait3A_393 = arith.constant 0 : i32
      %dma_wait3A_394 = tpu.memref_slice %arg10[%dma_wait3A_390, %dma_wait3A_392, %dma_wait3A_393] : memref<8x128x16xf32, #tpu.memory_space<vmem>> -> memref<1x128x16xf32, #tpu.memory_space<vmem>>
      %dma_wait3A_395 = tpu.memref_squeeze %dma_wait3A_394 : memref<1x128x16xf32, #tpu.memory_space<vmem>> -> memref<128x16xf32, #tpu.memory_space<vmem>>
      %dma_wait3A_396 = arith.constant 0 : i32
      %dma_wait3A_397 = tpu.memref_slice %arg8[%add3A_201, %dma_wait3A_396] : memref<80x128xi32, #tpu.memory_space<vmem>> -> memref<1x128xi32, #tpu.memory_space<vmem>>
      %dma_wait3A_398 = tpu.memref_squeeze %dma_wait3A_397 : memref<1x128xi32, #tpu.memory_space<vmem>> -> memref<128xi32, #tpu.memory_space<vmem>>
      %dma_wait3A_399 = arith.constant 0 : i32
      %dma_wait3A_400 = arith.constant 0 : i32
      %dma_wait3A_401 = tpu.memref_slice %arg2[%dma_wait3A_399, %dma_wait3A_400] : memref<10240x16xf32, #tpu.memory_space<hbm>> -> memref<10240x16xf32, #tpu.memory_space<hbm>>
      %dma_wait3A_402 = tpu.memref_slice %arg11[%dma_wait3A_391] : memref<8x!tpu.dma_semaphore, #tpu.memory_space<semaphore_mem>> -> memref<1x!tpu.dma_semaphore, #tpu.memory_space<semaphore_mem>>
      %dma_wait3A_403 = tpu.memref_squeeze %dma_wait3A_402 : memref<1x!tpu.dma_semaphore, #tpu.memory_space<semaphore_mem>> -> memref<!tpu.dma_semaphore, #tpu.memory_space<semaphore_mem>>
      tpu.wait_indirect_dma semaphore(%dma_wait3A_403 : memref<!tpu.dma_semaphore, #tpu.memory_space<semaphore_mem>>) src(%dma_wait3A_401 : memref<10240x16xf32, #tpu.memory_space<hbm>>) dst(%dma_wait3A_395 : memref<128x16xf32, #tpu.memory_space<vmem>>)
      %add3A_404 = arith.constant 3 : i32
      %add3A_405 = arith.addi %mul3A_135, %add3A_404 : i32
      %dma_start3A_406 = arith.constant 3 : i32
      %dma_start3A_407 = arith.constant 3 : i32
      %dma_start3A_408 = arith.constant 0 : i32
      %dma_start3A_409 = arith.constant 0 : i32
      %dma_start3A_410 = tpu.memref_slice %arg10[%dma_start3A_406, %dma_start3A_408, %dma_start3A_409] : memref<8x128x16xf32, #tpu.memory_space<vmem>> -> memref<1x128x16xf32, #tpu.memory_space<vmem>>
      %dma_start3A_411 = tpu.memref_squeeze %dma_start3A_410 : memref<1x128x16xf32, #tpu.memory_space<vmem>> -> memref<128x16xf32, #tpu.memory_space<vmem>>
      %dma_start3A_412 = arith.constant 0 : i32
      %dma_start3A_413 = tpu.memref_slice %arg9[%add3A_405, %dma_start3A_412] : memref<80x128xi32, #tpu.memory_space<vmem>> -> memref<1x128xi32, #tpu.memory_space<vmem>>
      %dma_start3A_414 = tpu.memref_squeeze %dma_start3A_413 : memref<1x128xi32, #tpu.memory_space<vmem>> -> memref<128xi32, #tpu.memory_space<vmem>>
      %dma_start3A_415 = arith.constant 0 : i32
      %dma_start3A_416 = arith.constant 0 : i32
      %dma_start3A_417 = tpu.memref_slice %arg7[%dma_start3A_415, %dma_start3A_416] : memref<10240x16xf32, #tpu.memory_space<vmem_shared>> -> memref<10240x16xf32, #tpu.memory_space<vmem_shared>>
      %dma_start3A_418 = tpu.memref_slice %arg12[%dma_start3A_407] : memref<8x!tpu.dma_semaphore, #tpu.memory_space<semaphore_mem>> -> memref<1x!tpu.dma_semaphore, #tpu.memory_space<semaphore_mem>>
      %dma_start3A_419 = tpu.memref_squeeze %dma_start3A_418 : memref<1x!tpu.dma_semaphore, #tpu.memory_space<semaphore_mem>> -> memref<!tpu.dma_semaphore, #tpu.memory_space<semaphore_mem>>
      tpu.enqueue_indirect_dma source(%dma_start3A_411 : memref<128x16xf32, #tpu.memory_space<vmem>>) target(%dma_start3A_417 : memref<10240x16xf32, #tpu.memory_space<vmem_shared>>) offsets(%dma_start3A_414 : memref<128xi32, #tpu.memory_space<vmem>>) semaphore(%dma_start3A_419 : memref<!tpu.dma_semaphore, #tpu.memory_space<semaphore_mem>>) {add = true}
      %dma_wait3A_420 = arith.constant 4 : i32
      %dma_wait3A_421 = arith.constant 4 : i32
      %dma_wait3A_422 = arith.constant 0 : i32
      %dma_wait3A_423 = arith.constant 0 : i32
      %dma_wait3A_424 = tpu.memref_slice %arg10[%dma_wait3A_420, %dma_wait3A_422, %dma_wait3A_423] : memref<8x128x16xf32, #tpu.memory_space<vmem>> -> memref<1x128x16xf32, #tpu.memory_space<vmem>>
      %dma_wait3A_425 = tpu.memref_squeeze %dma_wait3A_424 : memref<1x128x16xf32, #tpu.memory_space<vmem>> -> memref<128x16xf32, #tpu.memory_space<vmem>>
      %dma_wait3A_426 = arith.constant 0 : i32
      %dma_wait3A_427 = tpu.memref_slice %arg8[%add3A_222, %dma_wait3A_426] : memref<80x128xi32, #tpu.memory_space<vmem>> -> memref<1x128xi32, #tpu.memory_space<vmem>>
      %dma_wait3A_428 = tpu.memref_squeeze %dma_wait3A_427 : memref<1x128xi32, #tpu.memory_space<vmem>> -> memref<128xi32, #tpu.memory_space<vmem>>
      %dma_wait3A_429 = arith.constant 0 : i32
      %dma_wait3A_430 = arith.constant 0 : i32
      %dma_wait3A_431 = tpu.memref_slice %arg2[%dma_wait3A_429, %dma_wait3A_430] : memref<10240x16xf32, #tpu.memory_space<hbm>> -> memref<10240x16xf32, #tpu.memory_space<hbm>>
      %dma_wait3A_432 = tpu.memref_slice %arg11[%dma_wait3A_421] : memref<8x!tpu.dma_semaphore, #tpu.memory_space<semaphore_mem>> -> memref<1x!tpu.dma_semaphore, #tpu.memory_space<semaphore_mem>>
      %dma_wait3A_433 = tpu.memref_squeeze %dma_wait3A_432 : memref<1x!tpu.dma_semaphore, #tpu.memory_space<semaphore_mem>> -> memref<!tpu.dma_semaphore, #tpu.memory_space<semaphore_mem>>
      tpu.wait_indirect_dma semaphore(%dma_wait3A_433 : memref<!tpu.dma_semaphore, #tpu.memory_space<semaphore_mem>>) src(%dma_wait3A_431 : memref<10240x16xf32, #tpu.memory_space<hbm>>) dst(%dma_wait3A_425 : memref<128x16xf32, #tpu.memory_space<vmem>>)
      %add3A_434 = arith.constant 4 : i32
      %add3A_435 = arith.addi %mul3A_135, %add3A_434 : i32
      %dma_start3A_436 = arith.constant 4 : i32
      %dma_start3A_437 = arith.constant 4 : i32
      %dma_start3A_438 = arith.constant 0 : i32
      %dma_start3A_439 = arith.constant 0 : i32
      %dma_start3A_440 = tpu.memref_slice %arg10[%dma_start3A_436, %dma_start3A_438, %dma_start3A_439] : memref<8x128x16xf32, #tpu.memory_space<vmem>> -> memref<1x128x16xf32, #tpu.memory_space<vmem>>
      %dma_start3A_441 = tpu.memref_squeeze %dma_start3A_440 : memref<1x128x16xf32, #tpu.memory_space<vmem>> -> memref<128x16xf32, #tpu.memory_space<vmem>>
      %dma_start3A_442 = arith.constant 0 : i32
      %dma_start3A_443 = tpu.memref_slice %arg9[%add3A_435, %dma_start3A_442] : memref<80x128xi32, #tpu.memory_space<vmem>> -> memref<1x128xi32, #tpu.memory_space<vmem>>
      %dma_start3A_444 = tpu.memref_squeeze %dma_start3A_443 : memref<1x128xi32, #tpu.memory_space<vmem>> -> memref<128xi32, #tpu.memory_space<vmem>>
      %dma_start3A_445 = arith.constant 0 : i32
      %dma_start3A_446 = arith.constant 0 : i32
      %dma_start3A_447 = tpu.memref_slice %arg7[%dma_start3A_445, %dma_start3A_446] : memref<10240x16xf32, #tpu.memory_space<vmem_shared>> -> memref<10240x16xf32, #tpu.memory_space<vmem_shared>>
      %dma_start3A_448 = tpu.memref_slice %arg12[%dma_start3A_437] : memref<8x!tpu.dma_semaphore, #tpu.memory_space<semaphore_mem>> -> memref<1x!tpu.dma_semaphore, #tpu.memory_space<semaphore_mem>>
      %dma_start3A_449 = tpu.memref_squeeze %dma_start3A_448 : memref<1x!tpu.dma_semaphore, #tpu.memory_space<semaphore_mem>> -> memref<!tpu.dma_semaphore, #tpu.memory_space<semaphore_mem>>
      tpu.enqueue_indirect_dma source(%dma_start3A_441 : memref<128x16xf32, #tpu.memory_space<vmem>>) target(%dma_start3A_447 : memref<10240x16xf32, #tpu.memory_space<vmem_shared>>) offsets(%dma_start3A_444 : memref<128xi32, #tpu.memory_space<vmem>>) semaphore(%dma_start3A_449 : memref<!tpu.dma_semaphore, #tpu.memory_space<semaphore_mem>>) {add = true}
      %dma_wait3A_450 = arith.constant 5 : i32
      %dma_wait3A_451 = arith.constant 5 : i32
      %dma_wait3A_452 = arith.constant 0 : i32
      %dma_wait3A_453 = arith.constant 0 : i32
      %dma_wait3A_454 = tpu.memref_slice %arg10[%dma_wait3A_450, %dma_wait3A_452, %dma_wait3A_453] : memref<8x128x16xf32, #tpu.memory_space<vmem>> -> memref<1x128x16xf32, #tpu.memory_space<vmem>>
      %dma_wait3A_455 = tpu.memref_squeeze %dma_wait3A_454 : memref<1x128x16xf32, #tpu.memory_space<vmem>> -> memref<128x16xf32, #tpu.memory_space<vmem>>
      %dma_wait3A_456 = arith.constant 0 : i32
      %dma_wait3A_457 = tpu.memref_slice %arg8[%add3A_243, %dma_wait3A_456] : memref<80x128xi32, #tpu.memory_space<vmem>> -> memref<1x128xi32, #tpu.memory_space<vmem>>
      %dma_wait3A_458 = tpu.memref_squeeze %dma_wait3A_457 : memref<1x128xi32, #tpu.memory_space<vmem>> -> memref<128xi32, #tpu.memory_space<vmem>>
      %dma_wait3A_459 = arith.constant 0 : i32
      %dma_wait3A_460 = arith.constant 0 : i32
      %dma_wait3A_461 = tpu.memref_slice %arg2[%dma_wait3A_459, %dma_wait3A_460] : memref<10240x16xf32, #tpu.memory_space<hbm>> -> memref<10240x16xf32, #tpu.memory_space<hbm>>
      %dma_wait3A_462 = tpu.memref_slice %arg11[%dma_wait3A_451] : memref<8x!tpu.dma_semaphore, #tpu.memory_space<semaphore_mem>> -> memref<1x!tpu.dma_semaphore, #tpu.memory_space<semaphore_mem>>
      %dma_wait3A_463 = tpu.memref_squeeze %dma_wait3A_462 : memref<1x!tpu.dma_semaphore, #tpu.memory_space<semaphore_mem>> -> memref<!tpu.dma_semaphore, #tpu.memory_space<semaphore_mem>>
      tpu.wait_indirect_dma semaphore(%dma_wait3A_463 : memref<!tpu.dma_semaphore, #tpu.memory_space<semaphore_mem>>) src(%dma_wait3A_461 : memref<10240x16xf32, #tpu.memory_space<hbm>>) dst(%dma_wait3A_455 : memref<128x16xf32, #tpu.memory_space<vmem>>)
      %add3A_464 = arith.constant 5 : i32
      %add3A_465 = arith.addi %mul3A_135, %add3A_464 : i32
      %dma_start3A_466 = arith.constant 5 : i32
      %dma_start3A_467 = arith.constant 5 : i32
      %dma_start3A_468 = arith.constant 0 : i32
      %dma_start3A_469 = arith.constant 0 : i32
      %dma_start3A_470 = tpu.memref_slice %arg10[%dma_start3A_466, %dma_start3A_468, %dma_start3A_469] : memref<8x128x16xf32, #tpu.memory_space<vmem>> -> memref<1x128x16xf32, #tpu.memory_space<vmem>>
      %dma_start3A_471 = tpu.memref_squeeze %dma_start3A_470 : memref<1x128x16xf32, #tpu.memory_space<vmem>> -> memref<128x16xf32, #tpu.memory_space<vmem>>
      %dma_start3A_472 = arith.constant 0 : i32
      %dma_start3A_473 = tpu.memref_slice %arg9[%add3A_465, %dma_start3A_472] : memref<80x128xi32, #tpu.memory_space<vmem>> -> memref<1x128xi32, #tpu.memory_space<vmem>>
      %dma_start3A_474 = tpu.memref_squeeze %dma_start3A_473 : memref<1x128xi32, #tpu.memory_space<vmem>> -> memref<128xi32, #tpu.memory_space<vmem>>
      %dma_start3A_475 = arith.constant 0 : i32
      %dma_start3A_476 = arith.constant 0 : i32
      %dma_start3A_477 = tpu.memref_slice %arg7[%dma_start3A_475, %dma_start3A_476] : memref<10240x16xf32, #tpu.memory_space<vmem_shared>> -> memref<10240x16xf32, #tpu.memory_space<vmem_shared>>
      %dma_start3A_478 = tpu.memref_slice %arg12[%dma_start3A_467] : memref<8x!tpu.dma_semaphore, #tpu.memory_space<semaphore_mem>> -> memref<1x!tpu.dma_semaphore, #tpu.memory_space<semaphore_mem>>
      %dma_start3A_479 = tpu.memref_squeeze %dma_start3A_478 : memref<1x!tpu.dma_semaphore, #tpu.memory_space<semaphore_mem>> -> memref<!tpu.dma_semaphore, #tpu.memory_space<semaphore_mem>>
      tpu.enqueue_indirect_dma source(%dma_start3A_471 : memref<128x16xf32, #tpu.memory_space<vmem>>) target(%dma_start3A_477 : memref<10240x16xf32, #tpu.memory_space<vmem_shared>>) offsets(%dma_start3A_474 : memref<128xi32, #tpu.memory_space<vmem>>) semaphore(%dma_start3A_479 : memref<!tpu.dma_semaphore, #tpu.memory_space<semaphore_mem>>) {add = true}
      %dma_wait3A_480 = arith.constant 6 : i32
      %dma_wait3A_481 = arith.constant 6 : i32
      %dma_wait3A_482 = arith.constant 0 : i32
      %dma_wait3A_483 = arith.constant 0 : i32
      %dma_wait3A_484 = tpu.memref_slice %arg10[%dma_wait3A_480, %dma_wait3A_482, %dma_wait3A_483] : memref<8x128x16xf32, #tpu.memory_space<vmem>> -> memref<1x128x16xf32, #tpu.memory_space<vmem>>
      %dma_wait3A_485 = tpu.memref_squeeze %dma_wait3A_484 : memref<1x128x16xf32, #tpu.memory_space<vmem>> -> memref<128x16xf32, #tpu.memory_space<vmem>>
      %dma_wait3A_486 = arith.constant 0 : i32
      %dma_wait3A_487 = tpu.memref_slice %arg8[%add3A_264, %dma_wait3A_486] : memref<80x128xi32, #tpu.memory_space<vmem>> -> memref<1x128xi32, #tpu.memory_space<vmem>>
      %dma_wait3A_488 = tpu.memref_squeeze %dma_wait3A_487 : memref<1x128xi32, #tpu.memory_space<vmem>> -> memref<128xi32, #tpu.memory_space<vmem>>
      %dma_wait3A_489 = arith.constant 0 : i32
      %dma_wait3A_490 = arith.constant 0 : i32
      %dma_wait3A_491 = tpu.memref_slice %arg2[%dma_wait3A_489, %dma_wait3A_490] : memref<10240x16xf32, #tpu.memory_space<hbm>> -> memref<10240x16xf32, #tpu.memory_space<hbm>>
      %dma_wait3A_492 = tpu.memref_slice %arg11[%dma_wait3A_481] : memref<8x!tpu.dma_semaphore, #tpu.memory_space<semaphore_mem>> -> memref<1x!tpu.dma_semaphore, #tpu.memory_space<semaphore_mem>>
      %dma_wait3A_493 = tpu.memref_squeeze %dma_wait3A_492 : memref<1x!tpu.dma_semaphore, #tpu.memory_space<semaphore_mem>> -> memref<!tpu.dma_semaphore, #tpu.memory_space<semaphore_mem>>
      tpu.wait_indirect_dma semaphore(%dma_wait3A_493 : memref<!tpu.dma_semaphore, #tpu.memory_space<semaphore_mem>>) src(%dma_wait3A_491 : memref<10240x16xf32, #tpu.memory_space<hbm>>) dst(%dma_wait3A_485 : memref<128x16xf32, #tpu.memory_space<vmem>>)
      %add3A_494 = arith.constant 6 : i32
      %add3A_495 = arith.addi %mul3A_135, %add3A_494 : i32
      %dma_start3A_496 = arith.constant 6 : i32
      %dma_start3A_497 = arith.constant 6 : i32
      %dma_start3A_498 = arith.constant 0 : i32
      %dma_start3A_499 = arith.constant 0 : i32
      %dma_start3A_500 = tpu.memref_slice %arg10[%dma_start3A_496, %dma_start3A_498, %dma_start3A_499] : memref<8x128x16xf32, #tpu.memory_space<vmem>> -> memref<1x128x16xf32, #tpu.memory_space<vmem>>
      %dma_start3A_501 = tpu.memref_squeeze %dma_start3A_500 : memref<1x128x16xf32, #tpu.memory_space<vmem>> -> memref<128x16xf32, #tpu.memory_space<vmem>>
      %dma_start3A_502 = arith.constant 0 : i32
      %dma_start3A_503 = tpu.memref_slice %arg9[%add3A_495, %dma_start3A_502] : memref<80x128xi32, #tpu.memory_space<vmem>> -> memref<1x128xi32, #tpu.memory_space<vmem>>
      %dma_start3A_504 = tpu.memref_squeeze %dma_start3A_503 : memref<1x128xi32, #tpu.memory_space<vmem>> -> memref<128xi32, #tpu.memory_space<vmem>>
      %dma_start3A_505 = arith.constant 0 : i32
      %dma_start3A_506 = arith.constant 0 : i32
      %dma_start3A_507 = tpu.memref_slice %arg7[%dma_start3A_505, %dma_start3A_506] : memref<10240x16xf32, #tpu.memory_space<vmem_shared>> -> memref<10240x16xf32, #tpu.memory_space<vmem_shared>>
      %dma_start3A_508 = tpu.memref_slice %arg12[%dma_start3A_497] : memref<8x!tpu.dma_semaphore, #tpu.memory_space<semaphore_mem>> -> memref<1x!tpu.dma_semaphore, #tpu.memory_space<semaphore_mem>>
      %dma_start3A_509 = tpu.memref_squeeze %dma_start3A_508 : memref<1x!tpu.dma_semaphore, #tpu.memory_space<semaphore_mem>> -> memref<!tpu.dma_semaphore, #tpu.memory_space<semaphore_mem>>
      tpu.enqueue_indirect_dma source(%dma_start3A_501 : memref<128x16xf32, #tpu.memory_space<vmem>>) target(%dma_start3A_507 : memref<10240x16xf32, #tpu.memory_space<vmem_shared>>) offsets(%dma_start3A_504 : memref<128xi32, #tpu.memory_space<vmem>>) semaphore(%dma_start3A_509 : memref<!tpu.dma_semaphore, #tpu.memory_space<semaphore_mem>>) {add = true}
      %dma_wait3A_510 = arith.constant 7 : i32
      %dma_wait3A_511 = arith.constant 7 : i32
      %dma_wait3A_512 = arith.constant 0 : i32
      %dma_wait3A_513 = arith.constant 0 : i32
      %dma_wait3A_514 = tpu.memref_slice %arg10[%dma_wait3A_510, %dma_wait3A_512, %dma_wait3A_513] : memref<8x128x16xf32, #tpu.memory_space<vmem>> -> memref<1x128x16xf32, #tpu.memory_space<vmem>>
      %dma_wait3A_515 = tpu.memref_squeeze %dma_wait3A_514 : memref<1x128x16xf32, #tpu.memory_space<vmem>> -> memref<128x16xf32, #tpu.memory_space<vmem>>
      %dma_wait3A_516 = arith.constant 0 : i32
      %dma_wait3A_517 = tpu.memref_slice %arg8[%add3A_285, %dma_wait3A_516] : memref<80x128xi32, #tpu.memory_space<vmem>> -> memref<1x128xi32, #tpu.memory_space<vmem>>
      %dma_wait3A_518 = tpu.memref_squeeze %dma_wait3A_517 : memref<1x128xi32, #tpu.memory_space<vmem>> -> memref<128xi32, #tpu.memory_space<vmem>>
      %dma_wait3A_519 = arith.constant 0 : i32
      %dma_wait3A_520 = arith.constant 0 : i32
      %dma_wait3A_521 = tpu.memref_slice %arg2[%dma_wait3A_519, %dma_wait3A_520] : memref<10240x16xf32, #tpu.memory_space<hbm>> -> memref<10240x16xf32, #tpu.memory_space<hbm>>
      %dma_wait3A_522 = tpu.memref_slice %arg11[%dma_wait3A_511] : memref<8x!tpu.dma_semaphore, #tpu.memory_space<semaphore_mem>> -> memref<1x!tpu.dma_semaphore, #tpu.memory_space<semaphore_mem>>
      %dma_wait3A_523 = tpu.memref_squeeze %dma_wait3A_522 : memref<1x!tpu.dma_semaphore, #tpu.memory_space<semaphore_mem>> -> memref<!tpu.dma_semaphore, #tpu.memory_space<semaphore_mem>>
      tpu.wait_indirect_dma semaphore(%dma_wait3A_523 : memref<!tpu.dma_semaphore, #tpu.memory_space<semaphore_mem>>) src(%dma_wait3A_521 : memref<10240x16xf32, #tpu.memory_space<hbm>>) dst(%dma_wait3A_515 : memref<128x16xf32, #tpu.memory_space<vmem>>)
      %add3A_524 = arith.constant 7 : i32
      %add3A_525 = arith.addi %mul3A_135, %add3A_524 : i32
      %dma_start3A_526 = arith.constant 7 : i32
      %dma_start3A_527 = arith.constant 7 : i32
      %dma_start3A_528 = arith.constant 0 : i32
      %dma_start3A_529 = arith.constant 0 : i32
      %dma_start3A_530 = tpu.memref_slice %arg10[%dma_start3A_526, %dma_start3A_528, %dma_start3A_529] : memref<8x128x16xf32, #tpu.memory_space<vmem>> -> memref<1x128x16xf32, #tpu.memory_space<vmem>>
      %dma_start3A_531 = tpu.memref_squeeze %dma_start3A_530 : memref<1x128x16xf32, #tpu.memory_space<vmem>> -> memref<128x16xf32, #tpu.memory_space<vmem>>
      %dma_start3A_532 = arith.constant 0 : i32
      %dma_start3A_533 = tpu.memref_slice %arg9[%add3A_525, %dma_start3A_532] : memref<80x128xi32, #tpu.memory_space<vmem>> -> memref<1x128xi32, #tpu.memory_space<vmem>>
      %dma_start3A_534 = tpu.memref_squeeze %dma_start3A_533 : memref<1x128xi32, #tpu.memory_space<vmem>> -> memref<128xi32, #tpu.memory_space<vmem>>
      %dma_start3A_535 = arith.constant 0 : i32
      %dma_start3A_536 = arith.constant 0 : i32
      %dma_start3A_537 = tpu.memref_slice %arg7[%dma_start3A_535, %dma_start3A_536] : memref<10240x16xf32, #tpu.memory_space<vmem_shared>> -> memref<10240x16xf32, #tpu.memory_space<vmem_shared>>
      %dma_start3A_538 = tpu.memref_slice %arg12[%dma_start3A_527] : memref<8x!tpu.dma_semaphore, #tpu.memory_space<semaphore_mem>> -> memref<1x!tpu.dma_semaphore, #tpu.memory_space<semaphore_mem>>
      %dma_start3A_539 = tpu.memref_squeeze %dma_start3A_538 : memref<1x!tpu.dma_semaphore, #tpu.memory_space<semaphore_mem>> -> memref<!tpu.dma_semaphore, #tpu.memory_space<semaphore_mem>>
      tpu.enqueue_indirect_dma source(%dma_start3A_531 : memref<128x16xf32, #tpu.memory_space<vmem>>) target(%dma_start3A_537 : memref<10240x16xf32, #tpu.memory_space<vmem_shared>>) offsets(%dma_start3A_534 : memref<128xi32, #tpu.memory_space<vmem>>) semaphore(%dma_start3A_539 : memref<!tpu.dma_semaphore, #tpu.memory_space<semaphore_mem>>) {add = true}
    }
    %scan3A_6 = arith.constant 10 : i32
    %dma_wait3A = arith.constant 0 : i32
    %dma_wait3A_7 = arith.constant 72 : i32
    %dma_wait3A_8 = arith.constant 0 : i32
    %dma_wait3A_9 = arith.constant 0 : i32
    %dma_wait3A_10 = arith.constant 0 : i32
    %dma_wait3A_11 = tpu.memref_slice %arg10[%dma_wait3A, %dma_wait3A_9, %dma_wait3A_10] : memref<8x128x16xf32, #tpu.memory_space<vmem>> -> memref<1x128x16xf32, #tpu.memory_space<vmem>>
    %dma_wait3A_12 = tpu.memref_squeeze %dma_wait3A_11 : memref<1x128x16xf32, #tpu.memory_space<vmem>> -> memref<128x16xf32, #tpu.memory_space<vmem>>
    %dma_wait3A_13 = arith.constant 0 : i32
    %dma_wait3A_14 = tpu.memref_slice %arg9[%dma_wait3A_7, %dma_wait3A_13] : memref<80x128xi32, #tpu.memory_space<vmem>> -> memref<1x128xi32, #tpu.memory_space<vmem>>
    %dma_wait3A_15 = tpu.memref_squeeze %dma_wait3A_14 : memref<1x128xi32, #tpu.memory_space<vmem>> -> memref<128xi32, #tpu.memory_space<vmem>>
    %dma_wait3A_16 = arith.constant 0 : i32
    %dma_wait3A_17 = arith.constant 0 : i32
    %dma_wait3A_18 = tpu.memref_slice %arg7[%dma_wait3A_16, %dma_wait3A_17] : memref<10240x16xf32, #tpu.memory_space<vmem_shared>> -> memref<10240x16xf32, #tpu.memory_space<vmem_shared>>
    %dma_wait3A_19 = tpu.memref_slice %arg12[%dma_wait3A_8] : memref<8x!tpu.dma_semaphore, #tpu.memory_space<semaphore_mem>> -> memref<1x!tpu.dma_semaphore, #tpu.memory_space<semaphore_mem>>
    %dma_wait3A_20 = tpu.memref_squeeze %dma_wait3A_19 : memref<1x!tpu.dma_semaphore, #tpu.memory_space<semaphore_mem>> -> memref<!tpu.dma_semaphore, #tpu.memory_space<semaphore_mem>>
    tpu.wait_indirect_dma semaphore(%dma_wait3A_20 : memref<!tpu.dma_semaphore, #tpu.memory_space<semaphore_mem>>) src(%dma_wait3A_12 : memref<128x16xf32, #tpu.memory_space<vmem>>) dst(%dma_wait3A_18 : memref<10240x16xf32, #tpu.memory_space<vmem_shared>>)
    %dma_wait3A_21 = arith.constant 1 : i32
    %dma_wait3A_22 = arith.constant 73 : i32
    %dma_wait3A_23 = arith.constant 1 : i32
    %dma_wait3A_24 = arith.constant 0 : i32
    %dma_wait3A_25 = arith.constant 0 : i32
    %dma_wait3A_26 = tpu.memref_slice %arg10[%dma_wait3A_21, %dma_wait3A_24, %dma_wait3A_25] : memref<8x128x16xf32, #tpu.memory_space<vmem>> -> memref<1x128x16xf32, #tpu.memory_space<vmem>>
    %dma_wait3A_27 = tpu.memref_squeeze %dma_wait3A_26 : memref<1x128x16xf32, #tpu.memory_space<vmem>> -> memref<128x16xf32, #tpu.memory_space<vmem>>
    %dma_wait3A_28 = arith.constant 0 : i32
    %dma_wait3A_29 = tpu.memref_slice %arg9[%dma_wait3A_22, %dma_wait3A_28] : memref<80x128xi32, #tpu.memory_space<vmem>> -> memref<1x128xi32, #tpu.memory_space<vmem>>
    %dma_wait3A_30 = tpu.memref_squeeze %dma_wait3A_29 : memref<1x128xi32, #tpu.memory_space<vmem>> -> memref<128xi32, #tpu.memory_space<vmem>>
    %dma_wait3A_31 = arith.constant 0 : i32
    %dma_wait3A_32 = arith.constant 0 : i32
    %dma_wait3A_33 = tpu.memref_slice %arg7[%dma_wait3A_31, %dma_wait3A_32] : memref<10240x16xf32, #tpu.memory_space<vmem_shared>> -> memref<10240x16xf32, #tpu.memory_space<vmem_shared>>
    %dma_wait3A_34 = tpu.memref_slice %arg12[%dma_wait3A_23] : memref<8x!tpu.dma_semaphore, #tpu.memory_space<semaphore_mem>> -> memref<1x!tpu.dma_semaphore, #tpu.memory_space<semaphore_mem>>
    %dma_wait3A_35 = tpu.memref_squeeze %dma_wait3A_34 : memref<1x!tpu.dma_semaphore, #tpu.memory_space<semaphore_mem>> -> memref<!tpu.dma_semaphore, #tpu.memory_space<semaphore_mem>>
    tpu.wait_indirect_dma semaphore(%dma_wait3A_35 : memref<!tpu.dma_semaphore, #tpu.memory_space<semaphore_mem>>) src(%dma_wait3A_27 : memref<128x16xf32, #tpu.memory_space<vmem>>) dst(%dma_wait3A_33 : memref<10240x16xf32, #tpu.memory_space<vmem_shared>>)
    %dma_wait3A_36 = arith.constant 2 : i32
    %dma_wait3A_37 = arith.constant 74 : i32
    %dma_wait3A_38 = arith.constant 2 : i32
    %dma_wait3A_39 = arith.constant 0 : i32
    %dma_wait3A_40 = arith.constant 0 : i32
    %dma_wait3A_41 = tpu.memref_slice %arg10[%dma_wait3A_36, %dma_wait3A_39, %dma_wait3A_40] : memref<8x128x16xf32, #tpu.memory_space<vmem>> -> memref<1x128x16xf32, #tpu.memory_space<vmem>>
    %dma_wait3A_42 = tpu.memref_squeeze %dma_wait3A_41 : memref<1x128x16xf32, #tpu.memory_space<vmem>> -> memref<128x16xf32, #tpu.memory_space<vmem>>
    %dma_wait3A_43 = arith.constant 0 : i32
    %dma_wait3A_44 = tpu.memref_slice %arg9[%dma_wait3A_37, %dma_wait3A_43] : memref<80x128xi32, #tpu.memory_space<vmem>> -> memref<1x128xi32, #tpu.memory_space<vmem>>
    %dma_wait3A_45 = tpu.memref_squeeze %dma_wait3A_44 : memref<1x128xi32, #tpu.memory_space<vmem>> -> memref<128xi32, #tpu.memory_space<vmem>>
    %dma_wait3A_46 = arith.constant 0 : i32
    %dma_wait3A_47 = arith.constant 0 : i32
    %dma_wait3A_48 = tpu.memref_slice %arg7[%dma_wait3A_46, %dma_wait3A_47] : memref<10240x16xf32, #tpu.memory_space<vmem_shared>> -> memref<10240x16xf32, #tpu.memory_space<vmem_shared>>
    %dma_wait3A_49 = tpu.memref_slice %arg12[%dma_wait3A_38] : memref<8x!tpu.dma_semaphore, #tpu.memory_space<semaphore_mem>> -> memref<1x!tpu.dma_semaphore, #tpu.memory_space<semaphore_mem>>
    %dma_wait3A_50 = tpu.memref_squeeze %dma_wait3A_49 : memref<1x!tpu.dma_semaphore, #tpu.memory_space<semaphore_mem>> -> memref<!tpu.dma_semaphore, #tpu.memory_space<semaphore_mem>>
    tpu.wait_indirect_dma semaphore(%dma_wait3A_50 : memref<!tpu.dma_semaphore, #tpu.memory_space<semaphore_mem>>) src(%dma_wait3A_42 : memref<128x16xf32, #tpu.memory_space<vmem>>) dst(%dma_wait3A_48 : memref<10240x16xf32, #tpu.memory_space<vmem_shared>>)
    %dma_wait3A_51 = arith.constant 3 : i32
    %dma_wait3A_52 = arith.constant 75 : i32
    %dma_wait3A_53 = arith.constant 3 : i32
    %dma_wait3A_54 = arith.constant 0 : i32
    %dma_wait3A_55 = arith.constant 0 : i32
    %dma_wait3A_56 = tpu.memref_slice %arg10[%dma_wait3A_51, %dma_wait3A_54, %dma_wait3A_55] : memref<8x128x16xf32, #tpu.memory_space<vmem>> -> memref<1x128x16xf32, #tpu.memory_space<vmem>>
    %dma_wait3A_57 = tpu.memref_squeeze %dma_wait3A_56 : memref<1x128x16xf32, #tpu.memory_space<vmem>> -> memref<128x16xf32, #tpu.memory_space<vmem>>
    %dma_wait3A_58 = arith.constant 0 : i32
    %dma_wait3A_59 = tpu.memref_slice %arg9[%dma_wait3A_52, %dma_wait3A_58] : memref<80x128xi32, #tpu.memory_space<vmem>> -> memref<1x128xi32, #tpu.memory_space<vmem>>
    %dma_wait3A_60 = tpu.memref_squeeze %dma_wait3A_59 : memref<1x128xi32, #tpu.memory_space<vmem>> -> memref<128xi32, #tpu.memory_space<vmem>>
    %dma_wait3A_61 = arith.constant 0 : i32
    %dma_wait3A_62 = arith.constant 0 : i32
    %dma_wait3A_63 = tpu.memref_slice %arg7[%dma_wait3A_61, %dma_wait3A_62] : memref<10240x16xf32, #tpu.memory_space<vmem_shared>> -> memref<10240x16xf32, #tpu.memory_space<vmem_shared>>
    %dma_wait3A_64 = tpu.memref_slice %arg12[%dma_wait3A_53] : memref<8x!tpu.dma_semaphore, #tpu.memory_space<semaphore_mem>> -> memref<1x!tpu.dma_semaphore, #tpu.memory_space<semaphore_mem>>
    %dma_wait3A_65 = tpu.memref_squeeze %dma_wait3A_64 : memref<1x!tpu.dma_semaphore, #tpu.memory_space<semaphore_mem>> -> memref<!tpu.dma_semaphore, #tpu.memory_space<semaphore_mem>>
    tpu.wait_indirect_dma semaphore(%dma_wait3A_65 : memref<!tpu.dma_semaphore, #tpu.memory_space<semaphore_mem>>) src(%dma_wait3A_57 : memref<128x16xf32, #tpu.memory_space<vmem>>) dst(%dma_wait3A_63 : memref<10240x16xf32, #tpu.memory_space<vmem_shared>>)
    %dma_wait3A_66 = arith.constant 4 : i32
    %dma_wait3A_67 = arith.constant 76 : i32
    %dma_wait3A_68 = arith.constant 4 : i32
    %dma_wait3A_69 = arith.constant 0 : i32
    %dma_wait3A_70 = arith.constant 0 : i32
    %dma_wait3A_71 = tpu.memref_slice %arg10[%dma_wait3A_66, %dma_wait3A_69, %dma_wait3A_70] : memref<8x128x16xf32, #tpu.memory_space<vmem>> -> memref<1x128x16xf32, #tpu.memory_space<vmem>>
    %dma_wait3A_72 = tpu.memref_squeeze %dma_wait3A_71 : memref<1x128x16xf32, #tpu.memory_space<vmem>> -> memref<128x16xf32, #tpu.memory_space<vmem>>
    %dma_wait3A_73 = arith.constant 0 : i32
    %dma_wait3A_74 = tpu.memref_slice %arg9[%dma_wait3A_67, %dma_wait3A_73] : memref<80x128xi32, #tpu.memory_space<vmem>> -> memref<1x128xi32, #tpu.memory_space<vmem>>
    %dma_wait3A_75 = tpu.memref_squeeze %dma_wait3A_74 : memref<1x128xi32, #tpu.memory_space<vmem>> -> memref<128xi32, #tpu.memory_space<vmem>>
    %dma_wait3A_76 = arith.constant 0 : i32
    %dma_wait3A_77 = arith.constant 0 : i32
    %dma_wait3A_78 = tpu.memref_slice %arg7[%dma_wait3A_76, %dma_wait3A_77] : memref<10240x16xf32, #tpu.memory_space<vmem_shared>> -> memref<10240x16xf32, #tpu.memory_space<vmem_shared>>
    %dma_wait3A_79 = tpu.memref_slice %arg12[%dma_wait3A_68] : memref<8x!tpu.dma_semaphore, #tpu.memory_space<semaphore_mem>> -> memref<1x!tpu.dma_semaphore, #tpu.memory_space<semaphore_mem>>
    %dma_wait3A_80 = tpu.memref_squeeze %dma_wait3A_79 : memref<1x!tpu.dma_semaphore, #tpu.memory_space<semaphore_mem>> -> memref<!tpu.dma_semaphore, #tpu.memory_space<semaphore_mem>>
    tpu.wait_indirect_dma semaphore(%dma_wait3A_80 : memref<!tpu.dma_semaphore, #tpu.memory_space<semaphore_mem>>) src(%dma_wait3A_72 : memref<128x16xf32, #tpu.memory_space<vmem>>) dst(%dma_wait3A_78 : memref<10240x16xf32, #tpu.memory_space<vmem_shared>>)
    %dma_wait3A_81 = arith.constant 5 : i32
    %dma_wait3A_82 = arith.constant 77 : i32
    %dma_wait3A_83 = arith.constant 5 : i32
    %dma_wait3A_84 = arith.constant 0 : i32
    %dma_wait3A_85 = arith.constant 0 : i32
    %dma_wait3A_86 = tpu.memref_slice %arg10[%dma_wait3A_81, %dma_wait3A_84, %dma_wait3A_85] : memref<8x128x16xf32, #tpu.memory_space<vmem>> -> memref<1x128x16xf32, #tpu.memory_space<vmem>>
    %dma_wait3A_87 = tpu.memref_squeeze %dma_wait3A_86 : memref<1x128x16xf32, #tpu.memory_space<vmem>> -> memref<128x16xf32, #tpu.memory_space<vmem>>
    %dma_wait3A_88 = arith.constant 0 : i32
    %dma_wait3A_89 = tpu.memref_slice %arg9[%dma_wait3A_82, %dma_wait3A_88] : memref<80x128xi32, #tpu.memory_space<vmem>> -> memref<1x128xi32, #tpu.memory_space<vmem>>
    %dma_wait3A_90 = tpu.memref_squeeze %dma_wait3A_89 : memref<1x128xi32, #tpu.memory_space<vmem>> -> memref<128xi32, #tpu.memory_space<vmem>>
    %dma_wait3A_91 = arith.constant 0 : i32
    %dma_wait3A_92 = arith.constant 0 : i32
    %dma_wait3A_93 = tpu.memref_slice %arg7[%dma_wait3A_91, %dma_wait3A_92] : memref<10240x16xf32, #tpu.memory_space<vmem_shared>> -> memref<10240x16xf32, #tpu.memory_space<vmem_shared>>
    %dma_wait3A_94 = tpu.memref_slice %arg12[%dma_wait3A_83] : memref<8x!tpu.dma_semaphore, #tpu.memory_space<semaphore_mem>> -> memref<1x!tpu.dma_semaphore, #tpu.memory_space<semaphore_mem>>
    %dma_wait3A_95 = tpu.memref_squeeze %dma_wait3A_94 : memref<1x!tpu.dma_semaphore, #tpu.memory_space<semaphore_mem>> -> memref<!tpu.dma_semaphore, #tpu.memory_space<semaphore_mem>>
    tpu.wait_indirect_dma semaphore(%dma_wait3A_95 : memref<!tpu.dma_semaphore, #tpu.memory_space<semaphore_mem>>) src(%dma_wait3A_87 : memref<128x16xf32, #tpu.memory_space<vmem>>) dst(%dma_wait3A_93 : memref<10240x16xf32, #tpu.memory_space<vmem_shared>>)
    %dma_wait3A_96 = arith.constant 6 : i32
    %dma_wait3A_97 = arith.constant 78 : i32
    %dma_wait3A_98 = arith.constant 6 : i32
    %dma_wait3A_99 = arith.constant 0 : i32
    %dma_wait3A_100 = arith.constant 0 : i32
    %dma_wait3A_101 = tpu.memref_slice %arg10[%dma_wait3A_96, %dma_wait3A_99, %dma_wait3A_100] : memref<8x128x16xf32, #tpu.memory_space<vmem>> -> memref<1x128x16xf32, #tpu.memory_space<vmem>>
    %dma_wait3A_102 = tpu.memref_squeeze %dma_wait3A_101 : memref<1x128x16xf32, #tpu.memory_space<vmem>> -> memref<128x16xf32, #tpu.memory_space<vmem>>
    %dma_wait3A_103 = arith.constant 0 : i32
    %dma_wait3A_104 = tpu.memref_slice %arg9[%dma_wait3A_97, %dma_wait3A_103] : memref<80x128xi32, #tpu.memory_space<vmem>> -> memref<1x128xi32, #tpu.memory_space<vmem>>
    %dma_wait3A_105 = tpu.memref_squeeze %dma_wait3A_104 : memref<1x128xi32, #tpu.memory_space<vmem>> -> memref<128xi32, #tpu.memory_space<vmem>>
    %dma_wait3A_106 = arith.constant 0 : i32
    %dma_wait3A_107 = arith.constant 0 : i32
    %dma_wait3A_108 = tpu.memref_slice %arg7[%dma_wait3A_106, %dma_wait3A_107] : memref<10240x16xf32, #tpu.memory_space<vmem_shared>> -> memref<10240x16xf32, #tpu.memory_space<vmem_shared>>
    %dma_wait3A_109 = tpu.memref_slice %arg12[%dma_wait3A_98] : memref<8x!tpu.dma_semaphore, #tpu.memory_space<semaphore_mem>> -> memref<1x!tpu.dma_semaphore, #tpu.memory_space<semaphore_mem>>
    %dma_wait3A_110 = tpu.memref_squeeze %dma_wait3A_109 : memref<1x!tpu.dma_semaphore, #tpu.memory_space<semaphore_mem>> -> memref<!tpu.dma_semaphore, #tpu.memory_space<semaphore_mem>>
    tpu.wait_indirect_dma semaphore(%dma_wait3A_110 : memref<!tpu.dma_semaphore, #tpu.memory_space<semaphore_mem>>) src(%dma_wait3A_102 : memref<128x16xf32, #tpu.memory_space<vmem>>) dst(%dma_wait3A_108 : memref<10240x16xf32, #tpu.memory_space<vmem_shared>>)
    %dma_wait3A_111 = arith.constant 7 : i32
    %dma_wait3A_112 = arith.constant 79 : i32
    %dma_wait3A_113 = arith.constant 7 : i32
    %dma_wait3A_114 = arith.constant 0 : i32
    %dma_wait3A_115 = arith.constant 0 : i32
    %dma_wait3A_116 = tpu.memref_slice %arg10[%dma_wait3A_111, %dma_wait3A_114, %dma_wait3A_115] : memref<8x128x16xf32, #tpu.memory_space<vmem>> -> memref<1x128x16xf32, #tpu.memory_space<vmem>>
    %dma_wait3A_117 = tpu.memref_squeeze %dma_wait3A_116 : memref<1x128x16xf32, #tpu.memory_space<vmem>> -> memref<128x16xf32, #tpu.memory_space<vmem>>
    %dma_wait3A_118 = arith.constant 0 : i32
    %dma_wait3A_119 = tpu.memref_slice %arg9[%dma_wait3A_112, %dma_wait3A_118] : memref<80x128xi32, #tpu.memory_space<vmem>> -> memref<1x128xi32, #tpu.memory_space<vmem>>
    %dma_wait3A_120 = tpu.memref_squeeze %dma_wait3A_119 : memref<1x128xi32, #tpu.memory_space<vmem>> -> memref<128xi32, #tpu.memory_space<vmem>>
    %dma_wait3A_121 = arith.constant 0 : i32
    %dma_wait3A_122 = arith.constant 0 : i32
    %dma_wait3A_123 = tpu.memref_slice %arg7[%dma_wait3A_121, %dma_wait3A_122] : memref<10240x16xf32, #tpu.memory_space<vmem_shared>> -> memref<10240x16xf32, #tpu.memory_space<vmem_shared>>
    %dma_wait3A_124 = tpu.memref_slice %arg12[%dma_wait3A_113] : memref<8x!tpu.dma_semaphore, #tpu.memory_space<semaphore_mem>> -> memref<1x!tpu.dma_semaphore, #tpu.memory_space<semaphore_mem>>
    %dma_wait3A_125 = tpu.memref_squeeze %dma_wait3A_124 : memref<1x!tpu.dma_semaphore, #tpu.memory_space<semaphore_mem>> -> memref<!tpu.dma_semaphore, #tpu.memory_space<semaphore_mem>>
    tpu.wait_indirect_dma semaphore(%dma_wait3A_125 : memref<!tpu.dma_semaphore, #tpu.memory_space<semaphore_mem>>) src(%dma_wait3A_117 : memref<128x16xf32, #tpu.memory_space<vmem>>) dst(%dma_wait3A_123 : memref<10240x16xf32, #tpu.memory_space<vmem_shared>>)
    %barrier3A_126 = arith.constant 0 : index
    tpu.barrier barrier_id(%barrier3A_126)
    %mul3A_127 = arith.constant 640 : i32
    %mul3A_128 = arith.muli %arg1, %mul3A_127 : i32
    "tpu.region"() ({
      %run_scoped3A = tpu.sem_alloc : memref<!tpu.dma_semaphore, #tpu.memory_space<semaphore_mem>>
      %dma_start3A = arith.constant 0 : i32
      %dma_start3A_129 = tpu.memref_slice %arg6[%arg0, %mul3A_128, %dma_start3A] : memref<2x10240x16xf32, #tpu.memory_space<hbm>> -> memref<1x640x16xf32, #tpu.memory_space<hbm>>
      %dma_start3A_130 = tpu.memref_squeeze %dma_start3A_129 : memref<1x640x16xf32, #tpu.memory_space<hbm>> -> memref<640x16xf32, #tpu.memory_space<hbm>>
      %dma_start3A_131 = arith.constant 0 : i32
      %dma_start3A_132 = tpu.memref_slice %arg7[%mul3A_128, %dma_start3A_131] : memref<10240x16xf32, #tpu.memory_space<vmem_shared>> -> memref<640x16xf32, #tpu.memory_space<vmem_shared>>
      tpu.enqueue_dma source(%dma_start3A_132 : memref<640x16xf32, #tpu.memory_space<vmem_shared>>) target(%dma_start3A_130 : memref<640x16xf32, #tpu.memory_space<hbm>>) target_semaphore(%run_scoped3A : memref<!tpu.dma_semaphore, #tpu.memory_space<semaphore_mem>>)
      %dma_wait3A_133 = arith.constant 0 : i32
      %dma_wait3A_134 = tpu.memref_slice %arg6[%arg0, %mul3A_128, %dma_wait3A_133] : memref<2x10240x16xf32, #tpu.memory_space<hbm>> -> memref<1x640x16xf32, #tpu.memory_space<hbm>>
      %dma_wait3A_135 = tpu.memref_squeeze %dma_wait3A_134 : memref<1x640x16xf32, #tpu.memory_space<hbm>> -> memref<640x16xf32, #tpu.memory_space<hbm>>
      %dma_wait3A_136 = arith.constant 0 : i32
      %dma_wait3A_137 = tpu.memref_slice %arg7[%mul3A_128, %dma_wait3A_136] : memref<10240x16xf32, #tpu.memory_space<vmem_shared>> -> memref<640x16xf32, #tpu.memory_space<vmem_shared>>
      tpu.wait_dma2 semaphore(%run_scoped3A : memref<!tpu.dma_semaphore, #tpu.memory_space<semaphore_mem>>) src(%dma_wait3A_137 : memref<640x16xf32, #tpu.memory_space<vmem_shared>>) dst(%dma_wait3A_135 : memref<640x16xf32, #tpu.memory_space<hbm>>)
      tpu.yield
    }) : () -> ()
    return
  }
}

module attributes {stable_mosaic.version = 14 : i64} {
  func.func @_g1_body(%arg0: memref<10000x128xf32, #tpu.memory_space<vmem>>, %arg1: memref<240x128xf32, #tpu.memory_space<vmem>>, %arg2: memref<128x16xf32, #tpu.memory_space<vmem>>, %arg3: memref<2x10240x1xf32, #tpu.memory_space<vmem>>, %arg4: memref<10240x16xf32, #tpu.memory_space<vmem>>, %arg5: memref<10240x1xf32, #tpu.memory_space<vmem>>) attributes {dimension_semantics = [], scalar_prefetch = 0 : i64, scratch_operands = 0 : i64, tpu.core_type = #tpu.core_type<tc>} {
    %get3A = arith.constant 0 : index
    %get3A_0 = arith.constant 0 : index
    %get3A_1 = arith.constant 0 : index
    %get3A_2 = vector.load %arg3[%get3A, %get3A_0, %get3A_1] : memref<2x10240x1xf32, #tpu.memory_space<vmem>>, vector<1x10240x1xf32>
    %get3A_3 = vector.shape_cast %get3A_2 : vector<1x10240x1xf32> to vector<10240x1xf32>
    %get3A_4 = arith.constant 1 : index
    %get3A_5 = arith.constant 0 : index
    %get3A_6 = arith.constant 0 : index
    %get3A_7 = vector.load %arg3[%get3A_4, %get3A_5, %get3A_6] : memref<2x10240x1xf32, #tpu.memory_space<vmem>>, vector<1x10240x1xf32>
    %get3A_8 = vector.shape_cast %get3A_7 : vector<1x10240x1xf32> to vector<10240x1xf32>
    %add3A = arith.addf %get3A_3, %get3A_8 : vector<10240x1xf32>
    %add3A_9 = arith.constant 1.000000e+00 : f32
    %add3A_10 = vector.broadcast %add3A_9 : f32 to vector<10240x1xf32>
    %add3A_11 = arith.addf %add3A, %add3A_10 : vector<10240x1xf32>
    %iota3A = tpu.iota {dimensions = array<i32: 0>} : vector<10240x1xi32>
    %lt3A = arith.constant 10100 : i32
    %lt3A_12 = vector.broadcast %lt3A : i32 to vector<10240x1xi32>
    %lt3A_13 = arith.cmpi slt, %iota3A, %lt3A_12 : vector<10240x1xi32>
    %convert_element_type3A = arith.extui %lt3A_13 : vector<10240x1xi1> to vector<10240x1xi32>
    %convert_element_type3A_14 = arith.sitofp %convert_element_type3A : vector<10240x1xi32> to vector<10240x1xf32>
    %max3A = arith.constant 1.000000e+00 : f32
    %max3A_15 = vector.broadcast %max3A : f32 to vector<10240x1xf32>
    %max3A_16 = arith.maximumf %add3A_11, %max3A_15 : vector<10240x1xf32>
    %sqrt3A = math.sqrt %max3A_16 : vector<10240x1xf32>
    %div3A = arith.divf %convert_element_type3A_14, %sqrt3A : vector<10240x1xf32>
    %swap3A = arith.constant 0 : index
    %swap3A_17 = arith.constant 0 : index
    %swap3A_18 = vector.load %arg5[%swap3A, %swap3A_17] : memref<10240x1xf32, #tpu.memory_space<vmem>>, vector<10240x1xf32>
    tpu.vector_store %arg5[%swap3A, %swap3A_17], %div3A {strides = array<i32>} : memref<10240x1xf32, #tpu.memory_space<vmem>>, vector<10240x1xf32>,
    %get3A_19 = arith.constant 0 : index
    %get3A_20 = arith.constant 0 : index
    %get3A_21 = vector.load %arg2[%get3A_19, %get3A_20] : memref<128x16xf32, #tpu.memory_space<vmem>>, vector<128x16xf32>
    %get3A_22 = arith.constant 0 : index
    %get3A_23 = arith.constant 0 : index
    %get3A_24 = vector.load %arg0[%get3A_22, %get3A_23] : memref<10000x128xf32, #tpu.memory_space<vmem>>, vector<10000x128xf32>
    %dot_general3A = arith.constant dense<0.000000e+00> : vector<10000x16xf32>
    %dot_general3A_25 = tpu.matmul %get3A_24, %get3A_21, %dot_general3A {dimension_numbers = #tpu.dot_dimension_numbers<[1], [0], [0], [1], [0, 0, 1, 1], [], []>, transpose_lhs_hint = false} : vector<10000x128xf32>, vector<128x16xf32>, vector<10000x16xf32> -> vector<10000x16xf32>
    %get3A_26 = arith.constant 0 : index
    %get3A_27 = arith.constant 0 : index
    %get3A_28 = vector.load %arg1[%get3A_26, %get3A_27] : memref<240x128xf32, #tpu.memory_space<vmem>>, vector<240x128xf32>
    %dot_general3A_29 = arith.constant dense<0.000000e+00> : vector<240x16xf32>
    %dot_general3A_30 = tpu.matmul %get3A_28, %get3A_21, %dot_general3A_29 {dimension_numbers = #tpu.dot_dimension_numbers<[1], [0], [0], [1], [0, 0, 1, 1], [], []>, transpose_lhs_hint = false} : vector<240x128xf32>, vector<128x16xf32>, vector<240x16xf32> -> vector<240x16xf32>
    %slice3A = vector.extract_strided_slice %div3A {offsets = [0, 0], sizes = [10000, 1], strides = [1, 1]} : vector<10240x1xf32> to vector<10000x1xf32>
    %mul3A = vector.broadcast %slice3A : vector<10000x1xf32> to vector<10000x16xf32>
    %mul3A_31 = arith.mulf %dot_general3A_25, %mul3A : vector<10000x16xf32>
    %swap3A_32 = arith.constant 0 : index
    %swap3A_33 = arith.constant 0 : index
    %swap3A_34 = vector.load %arg4[%swap3A_32, %swap3A_33] : memref<10240x16xf32, #tpu.memory_space<vmem>>, vector<10000x16xf32>
    tpu.vector_store %arg4[%swap3A_32, %swap3A_33], %mul3A_31 {strides = array<i32>} : memref<10240x16xf32, #tpu.memory_space<vmem>>, vector<10000x16xf32>,
    %slice3A_35 = vector.extract_strided_slice %div3A {offsets = [10000, 0], sizes = [240, 1], strides = [1, 1]} : vector<10240x1xf32> to vector<240x1xf32>
    %mul3A_36 = vector.broadcast %slice3A_35 : vector<240x1xf32> to vector<240x16xf32>
    %mul3A_37 = arith.mulf %dot_general3A_30, %mul3A_36 : vector<240x16xf32>
    %swap3A_38 = arith.constant 10000 : index
    %swap3A_39 = arith.constant 0 : index
    %swap3A_40 = vector.load %arg4[%swap3A_38, %swap3A_39] : memref<10240x16xf32, #tpu.memory_space<vmem>>, vector<240x16xf32>
    tpu.vector_store %arg4[%swap3A_38, %swap3A_39], %mul3A_37 {strides = array<i32>} : memref<10240x16xf32, #tpu.memory_space<vmem>>, vector<240x16xf32>,
    return
  }
}

module attributes {stable_mosaic.version = 14 : i64} {
  func.func @_body(%arg0: memref<2x10240x16xf32, #tpu.memory_space<vmem>>, %arg1: memref<10240x16xf32, #tpu.memory_space<vmem>>, %arg2: memref<10240x1xf32, #tpu.memory_space<vmem>>, %arg3: memref<16xf32, #tpu.memory_space<vmem>>, %arg4: memref<16x24xf32, #tpu.memory_space<vmem>>, %arg5: memref<10240x24xf32, #tpu.memory_space<vmem>>) attributes {dimension_semantics = [], scalar_prefetch = 0 : i64, scratch_operands = 0 : i64, tpu.core_type = #tpu.core_type<tc>} {
    %get3A = arith.constant 0 : index
    %get3A_0 = arith.constant 0 : index
    %get3A_1 = arith.constant 0 : index
    %get3A_2 = vector.load %arg0[%get3A, %get3A_0, %get3A_1] : memref<2x10240x16xf32, #tpu.memory_space<vmem>>, vector<1x10240x16xf32>
    %get3A_3 = vector.shape_cast %get3A_2 : vector<1x10240x16xf32> to vector<10240x16xf32>
    %get3A_4 = arith.constant 1 : index
    %get3A_5 = arith.constant 0 : index
    %get3A_6 = arith.constant 0 : index
    %get3A_7 = vector.load %arg0[%get3A_4, %get3A_5, %get3A_6] : memref<2x10240x16xf32, #tpu.memory_space<vmem>>, vector<1x10240x16xf32>
    %get3A_8 = vector.shape_cast %get3A_7 : vector<1x10240x16xf32> to vector<10240x16xf32>
    %add3A = arith.addf %get3A_3, %get3A_8 : vector<10240x16xf32>
    %get3A_9 = arith.constant 0 : index
    %get3A_10 = arith.constant 0 : index
    %get3A_11 = vector.load %arg1[%get3A_9, %get3A_10] : memref<10240x16xf32, #tpu.memory_space<vmem>>, vector<10240x16xf32>
    %add3A_12 = arith.addf %add3A, %get3A_11 : vector<10240x16xf32>
    %get3A_13 = arith.constant 0 : index
    %get3A_14 = arith.constant 0 : index
    %get3A_15 = vector.load %arg2[%get3A_13, %get3A_14] : memref<10240x1xf32, #tpu.memory_space<vmem>>, vector<10240x1xf32>
    %iota3A = tpu.iota {dimensions = array<i32: 0>} : vector<10240x1xi32>
    %lt3A = arith.constant 10100 : i32
    %lt3A_16 = vector.broadcast %lt3A : i32 to vector<10240x1xi32>
    %lt3A_17 = arith.cmpi slt, %iota3A, %lt3A_16 : vector<10240x1xi32>
    %convert_element_type3A = arith.extui %lt3A_17 : vector<10240x1xi1> to vector<10240x1xi32>
    %convert_element_type3A_18 = arith.sitofp %convert_element_type3A : vector<10240x1xi32> to vector<10240x1xf32>
    %mul3A = vector.broadcast %get3A_15 : vector<10240x1xf32> to vector<10240x16xf32>
    %mul3A_19 = arith.mulf %add3A_12, %mul3A : vector<10240x16xf32>
    %get3A_20 = arith.constant 0 : index
    %get3A_21 = vector.load %arg3[%get3A_20] : memref<16xf32, #tpu.memory_space<vmem>>, vector<16xf32>
    %broadcast_in_dim3A = vector.shape_cast %get3A_21 : vector<16xf32> to vector<1x16xf32>
    %add3A_22 = vector.broadcast %broadcast_in_dim3A : vector<1x16xf32> to vector<10240x16xf32>
    %add3A_23 = arith.addf %mul3A_19, %add3A_22 : vector<10240x16xf32>
    %mul3A_24 = vector.broadcast %convert_element_type3A_18 : vector<10240x1xf32> to vector<10240x16xf32>
    %mul3A_25 = arith.mulf %add3A_23, %mul3A_24 : vector<10240x16xf32>
    %get3A_26 = arith.constant 0 : index
    %get3A_27 = arith.constant 0 : index
    %get3A_28 = vector.load %arg4[%get3A_26, %get3A_27] : memref<16x24xf32, #tpu.memory_space<vmem>>, vector<16x24xf32>
    %dot_general3A = arith.constant dense<0.000000e+00> : vector<10240x24xf32>
    %dot_general3A_29 = tpu.matmul %mul3A_25, %get3A_28, %dot_general3A {dimension_numbers = #tpu.dot_dimension_numbers<[1], [0], [0], [1], [0, 0, 1, 1], [], []>, transpose_lhs_hint = false} : vector<10240x16xf32>, vector<16x24xf32>, vector<10240x24xf32> -> vector<10240x24xf32>
    %mul3A_30 = vector.broadcast %get3A_15 : vector<10240x1xf32> to vector<10240x24xf32>
    %mul3A_31 = arith.mulf %dot_general3A_29, %mul3A_30 : vector<10240x24xf32>
    %swap3A = arith.constant 0 : index
    %swap3A_32 = arith.constant 0 : index
    %swap3A_33 = vector.load %arg5[%swap3A, %swap3A_32] : memref<10240x24xf32, #tpu.memory_space<vmem>>, vector<10240x24xf32>
    tpu.vector_store %arg5[%swap3A, %swap3A_32], %mul3A_31 {strides = array<i32>} : memref<10240x24xf32, #tpu.memory_space<vmem>>, vector<10240x24xf32>,
    return
  }
}

module attributes {stable_mosaic.version = 14 : i64} {
  func.func @_body(%arg0: memref<2x10240x24xf32, #tpu.memory_space<vmem>>, %arg1: memref<10240x24xf32, #tpu.memory_space<vmem>>, %arg2: memref<10240x1xf32, #tpu.memory_space<vmem>>, %arg3: memref<24xf32, #tpu.memory_space<vmem>>, %arg4: memref<24x32xf32, #tpu.memory_space<vmem>>, %arg5: memref<10240x32xf32, #tpu.memory_space<vmem>>) attributes {dimension_semantics = [], scalar_prefetch = 0 : i64, scratch_operands = 0 : i64, tpu.core_type = #tpu.core_type<tc>} {
    %get3A = arith.constant 0 : index
    %get3A_0 = arith.constant 0 : index
    %get3A_1 = arith.constant 0 : index
    %get3A_2 = vector.load %arg0[%get3A, %get3A_0, %get3A_1] : memref<2x10240x24xf32, #tpu.memory_space<vmem>>, vector<1x10240x24xf32>
    %get3A_3 = vector.shape_cast %get3A_2 : vector<1x10240x24xf32> to vector<10240x24xf32>
    %get3A_4 = arith.constant 1 : index
    %get3A_5 = arith.constant 0 : index
    %get3A_6 = arith.constant 0 : index
    %get3A_7 = vector.load %arg0[%get3A_4, %get3A_5, %get3A_6] : memref<2x10240x24xf32, #tpu.memory_space<vmem>>, vector<1x10240x24xf32>
    %get3A_8 = vector.shape_cast %get3A_7 : vector<1x10240x24xf32> to vector<10240x24xf32>
    %add3A = arith.addf %get3A_3, %get3A_8 : vector<10240x24xf32>
    %get3A_9 = arith.constant 0 : index
    %get3A_10 = arith.constant 0 : index
    %get3A_11 = vector.load %arg1[%get3A_9, %get3A_10] : memref<10240x24xf32, #tpu.memory_space<vmem>>, vector<10240x24xf32>
    %add3A_12 = arith.addf %add3A, %get3A_11 : vector<10240x24xf32>
    %get3A_13 = arith.constant 0 : index
    %get3A_14 = arith.constant 0 : index
    %get3A_15 = vector.load %arg2[%get3A_13, %get3A_14] : memref<10240x1xf32, #tpu.memory_space<vmem>>, vector<10240x1xf32>
    %iota3A = tpu.iota {dimensions = array<i32: 0>} : vector<10240x1xi32>
    %lt3A = arith.constant 10100 : i32
    %lt3A_16 = vector.broadcast %lt3A : i32 to vector<10240x1xi32>
    %lt3A_17 = arith.cmpi slt, %iota3A, %lt3A_16 : vector<10240x1xi32>
    %convert_element_type3A = arith.extui %lt3A_17 : vector<10240x1xi1> to vector<10240x1xi32>
    %convert_element_type3A_18 = arith.sitofp %convert_element_type3A : vector<10240x1xi32> to vector<10240x1xf32>
    %mul3A = vector.broadcast %get3A_15 : vector<10240x1xf32> to vector<10240x24xf32>
    %mul3A_19 = arith.mulf %add3A_12, %mul3A : vector<10240x24xf32>
    %get3A_20 = arith.constant 0 : index
    %get3A_21 = vector.load %arg3[%get3A_20] : memref<24xf32, #tpu.memory_space<vmem>>, vector<24xf32>
    %broadcast_in_dim3A = vector.shape_cast %get3A_21 : vector<24xf32> to vector<1x24xf32>
    %add3A_22 = vector.broadcast %broadcast_in_dim3A : vector<1x24xf32> to vector<10240x24xf32>
    %add3A_23 = arith.addf %mul3A_19, %add3A_22 : vector<10240x24xf32>
    %mul3A_24 = vector.broadcast %convert_element_type3A_18 : vector<10240x1xf32> to vector<10240x24xf32>
    %mul3A_25 = arith.mulf %add3A_23, %mul3A_24 : vector<10240x24xf32>
    %get3A_26 = arith.constant 0 : index
    %get3A_27 = arith.constant 0 : index
    %get3A_28 = vector.load %arg4[%get3A_26, %get3A_27] : memref<24x32xf32, #tpu.memory_space<vmem>>, vector<24x32xf32>
    %dot_general3A = arith.constant dense<0.000000e+00> : vector<10240x32xf32>
    %dot_general3A_29 = tpu.matmul %mul3A_25, %get3A_28, %dot_general3A {dimension_numbers = #tpu.dot_dimension_numbers<[1], [0], [0], [1], [0, 0, 1, 1], [], []>, transpose_lhs_hint = false} : vector<10240x24xf32>, vector<24x32xf32>, vector<10240x32xf32> -> vector<10240x32xf32>
    %mul3A_30 = vector.broadcast %get3A_15 : vector<10240x1xf32> to vector<10240x32xf32>
    %mul3A_31 = arith.mulf %dot_general3A_29, %mul3A_30 : vector<10240x32xf32>
    %swap3A = arith.constant 0 : index
    %swap3A_32 = arith.constant 0 : index
    %swap3A_33 = vector.load %arg5[%swap3A, %swap3A_32] : memref<10240x32xf32, #tpu.memory_space<vmem>>, vector<10240x32xf32>
    tpu.vector_store %arg5[%swap3A, %swap3A_32], %mul3A_31 {strides = array<i32>} : memref<10240x32xf32, #tpu.memory_space<vmem>>, vector<10240x32xf32>,
    return
  }
}

module attributes {stable_mosaic.version = 14 : i64} {
  func.func @_probs_body(%arg0: i32, %arg1: memref<2x2048x32xf32, #tpu.memory_space<vmem>>, %arg2: memref<2048x32xf32, #tpu.memory_space<vmem>>, %arg3: memref<2048x1xf32, #tpu.memory_space<vmem>>, %arg4: memref<32xf32, #tpu.memory_space<vmem>>, %arg5: memref<32x16xf32, #tpu.memory_space<vmem>>, %arg6: memref<16xf32, #tpu.memory_space<vmem>>, %arg7: memref<16x10xf32, #tpu.memory_space<vmem>>, %arg8: memref<10xf32, #tpu.memory_space<vmem>>, %arg9: memref<32x24xf32, #tpu.memory_space<vmem>>, %arg10: memref<24xf32, #tpu.memory_space<vmem>>, %arg11: memref<24x10xf32, #tpu.memory_space<vmem>>, %arg12: memref<10xf32, #tpu.memory_space<vmem>>, %arg13: memref<2048x32xf32, #tpu.memory_space<vmem>>, %arg14: memref<2048x10xf32, #tpu.memory_space<vmem>>, %arg15: memref<2048x10xf32, #tpu.memory_space<vmem>>, %arg16: memref<2048x1xf32, #tpu.memory_space<vmem>>, %arg17: memref<2048x1xf32, #tpu.memory_space<vmem>>) attributes {dimension_semantics = [#tpu.dimension_semantics<arbitrary>], iteration_bounds = array<i64: 5>, scalar_prefetch = 0 : i64, scratch_operands = 0 : i64, tpu.core_type = #tpu.core_type<tc>, window_params = [{transform_indices = @transform_0, window_bounds = array<i64: 2, 2048, 32>}, {transform_indices = @transform_1, window_bounds = array<i64: 2048, 32>}, {transform_indices = @transform_2, window_bounds = array<i64: 2048, 1>}, {pipeline_mode = #tpu.pipeline_mode<synchronous>, transform_indices = @transform_3, window_bounds = array<i64: 32>}, {pipeline_mode = #tpu.pipeline_mode<synchronous>, transform_indices = @transform_4, window_bounds = array<i64: 32, 16>}, {pipeline_mode = #tpu.pipeline_mode<synchronous>, transform_indices = @transform_5, window_bounds = array<i64: 16>}, {pipeline_mode = #tpu.pipeline_mode<synchronous>, transform_indices = @transform_6, window_bounds = array<i64: 16, 10>}, {pipeline_mode = #tpu.pipeline_mode<synchronous>, transform_indices = @transform_7, window_bounds = array<i64: 10>}, {pipeline_mode = #tpu.pipeline_mode<synchronous>, transform_indices = @transform_8, window_bounds = array<i64: 32, 24>}, {pipeline_mode = #tpu.pipeline_mode<synchronous>, transform_indices = @transform_9, window_bounds = array<i64: 24>}, {pipeline_mode = #tpu.pipeline_mode<synchronous>, transform_indices = @transform_10, window_bounds = array<i64: 24, 10>}, {pipeline_mode = #tpu.pipeline_mode<synchronous>, transform_indices = @transform_11, window_bounds = array<i64: 10>}, {transform_indices = @transform_12, window_bounds = array<i64: 2048, 32>}, {transform_indices = @transform_13, window_bounds = array<i64: 2048, 10>}, {transform_indices = @transform_14, window_bounds = array<i64: 2048, 10>}, {transform_indices = @transform_15, window_bounds = array<i64: 2048, 1>}, {transform_indices = @transform_16, window_bounds = array<i64: 2048, 1>}]} {
    %get3A = arith.constant 0 : index
    %get3A_0 = arith.constant 0 : index
    %get3A_1 = arith.constant 0 : index
    %get3A_2 = vector.load %arg1[%get3A, %get3A_0, %get3A_1] : memref<2x2048x32xf32, #tpu.memory_space<vmem>>, vector<1x2048x32xf32>
    %get3A_3 = vector.shape_cast %get3A_2 : vector<1x2048x32xf32> to vector<2048x32xf32>
    %get3A_4 = arith.constant 1 : index
    %get3A_5 = arith.constant 0 : index
    %get3A_6 = arith.constant 0 : index
    %get3A_7 = vector.load %arg1[%get3A_4, %get3A_5, %get3A_6] : memref<2x2048x32xf32, #tpu.memory_space<vmem>>, vector<1x2048x32xf32>
    %get3A_8 = vector.shape_cast %get3A_7 : vector<1x2048x32xf32> to vector<2048x32xf32>
    %add3A = arith.addf %get3A_3, %get3A_8 : vector<2048x32xf32>
    %get3A_9 = arith.constant 0 : index
    %get3A_10 = arith.constant 0 : index
    %get3A_11 = vector.load %arg2[%get3A_9, %get3A_10] : memref<2048x32xf32, #tpu.memory_space<vmem>>, vector<2048x32xf32>
    %add3A_12 = arith.addf %add3A, %get3A_11 : vector<2048x32xf32>
    %get3A_13 = arith.constant 0 : index
    %get3A_14 = arith.constant 0 : index
    %get3A_15 = vector.load %arg3[%get3A_13, %get3A_14] : memref<2048x1xf32, #tpu.memory_space<vmem>>, vector<2048x1xf32>
    %mul3A = arith.constant 2048 : i32
    %mul3A_16 = arith.muli %arg0, %mul3A : i32
    %iota3A = tpu.iota {dimensions = array<i32: 0>} : vector<2048x1xi32>
    %add3A_17 = vector.broadcast %mul3A_16 : i32 to vector<2048x1xi32>
    %add3A_18 = arith.addi %add3A_17, %iota3A : vector<2048x1xi32>
    %lt3A = arith.constant 10100 : i32
    %lt3A_19 = vector.broadcast %lt3A : i32 to vector<2048x1xi32>
    %lt3A_20 = arith.cmpi slt, %add3A_18, %lt3A_19 : vector<2048x1xi32>
    %convert_element_type3A = arith.extui %lt3A_20 : vector<2048x1xi1> to vector<2048x1xi32>
    %convert_element_type3A_21 = arith.sitofp %convert_element_type3A : vector<2048x1xi32> to vector<2048x1xf32>
    %mul3A_22 = vector.broadcast %get3A_15 : vector<2048x1xf32> to vector<2048x32xf32>
    %mul3A_23 = arith.mulf %add3A_12, %mul3A_22 : vector<2048x32xf32>
    %get3A_24 = arith.constant 0 : index
    %get3A_25 = vector.load %arg4[%get3A_24] : memref<32xf32, #tpu.memory_space<vmem>>, vector<32xf32>
    %broadcast_in_dim3A = vector.shape_cast %get3A_25 : vector<32xf32> to vector<1x32xf32>
    %add3A_26 = vector.broadcast %broadcast_in_dim3A : vector<1x32xf32> to vector<2048x32xf32>
    %add3A_27 = arith.addf %mul3A_23, %add3A_26 : vector<2048x32xf32>
    %mul3A_28 = vector.broadcast %convert_element_type3A_21 : vector<2048x1xf32> to vector<2048x32xf32>
    %mul3A_29 = arith.mulf %add3A_27, %mul3A_28 : vector<2048x32xf32>
    %swap3A = arith.constant 0 : index
    %swap3A_30 = arith.constant 0 : index
    %swap3A_31 = vector.load %arg13[%swap3A, %swap3A_30] : memref<2048x32xf32, #tpu.memory_space<vmem>>, vector<2048x32xf32>
    tpu.vector_store %arg13[%swap3A, %swap3A_30], %mul3A_29 {strides = array<i32>} : memref<2048x32xf32, #tpu.memory_space<vmem>>, vector<2048x32xf32>,
    %get3A_32 = arith.constant 0 : index
    %get3A_33 = arith.constant 0 : index
    %get3A_34 = vector.load %arg5[%get3A_32, %get3A_33] : memref<32x16xf32, #tpu.memory_space<vmem>>, vector<32x16xf32>
    %dot_general3A = arith.constant dense<0.000000e+00> : vector<2048x16xf32>
    %dot_general3A_35 = tpu.matmul %mul3A_29, %get3A_34, %dot_general3A {dimension_numbers = #tpu.dot_dimension_numbers<[1], [0], [0], [1], [0, 0, 1, 1], [], []>, transpose_lhs_hint = false} : vector<2048x32xf32>, vector<32x16xf32>, vector<2048x16xf32> -> vector<2048x16xf32>
    %get3A_36 = arith.constant 0 : index
    %get3A_37 = vector.load %arg6[%get3A_36] : memref<16xf32, #tpu.memory_space<vmem>>, vector<16xf32>
    %broadcast_in_dim3A_38 = vector.shape_cast %get3A_37 : vector<16xf32> to vector<1x16xf32>
    %add3A_39 = vector.broadcast %broadcast_in_dim3A_38 : vector<1x16xf32> to vector<2048x16xf32>
    %add3A_40 = arith.addf %dot_general3A_35, %add3A_39 : vector<2048x16xf32>
    %jit3A = arith.constant 0.000000e+00 : f32
    %jit3A_41 = arith.constant 6.000000e+00 : f32
    %max3A = vector.broadcast %jit3A : f32 to vector<2048x16xf32>
    %max3A_42 = arith.maximumf %max3A, %add3A_40 : vector<2048x16xf32>
    %min3A = vector.broadcast %jit3A_41 : f32 to vector<2048x16xf32>
    %min3A_43 = arith.minimumf %min3A, %max3A_42 : vector<2048x16xf32>
    %get3A_44 = arith.constant 0 : index
    %get3A_45 = arith.constant 0 : index
    %get3A_46 = vector.load %arg7[%get3A_44, %get3A_45] : memref<16x10xf32, #tpu.memory_space<vmem>>, vector<16x10xf32>
    %dot_general3A_47 = arith.constant dense<0.000000e+00> : vector<2048x10xf32>
    %dot_general3A_48 = tpu.matmul %min3A_43, %get3A_46, %dot_general3A_47 {dimension_numbers = #tpu.dot_dimension_numbers<[1], [0], [0], [1], [0, 0, 1, 1], [], []>, transpose_lhs_hint = false} : vector<2048x16xf32>, vector<16x10xf32>, vector<2048x10xf32> -> vector<2048x10xf32>
    %get3A_49 = arith.constant 0 : index
    %get3A_50 = vector.load %arg8[%get3A_49] : memref<10xf32, #tpu.memory_space<vmem>>, vector<10xf32>
    %broadcast_in_dim3A_51 = vector.shape_cast %get3A_50 : vector<10xf32> to vector<1x10xf32>
    %add3A_52 = vector.broadcast %broadcast_in_dim3A_51 : vector<1x10xf32> to vector<2048x10xf32>
    %add3A_53 = arith.addf %dot_general3A_48, %add3A_52 : vector<2048x10xf32>
    %reduce_max3A = arith.constant dense<0xFF800000> : vector<2048xf32>
    %reduce_max3A_54 = vector.multi_reduction <maximumf>, %add3A_53, %reduce_max3A [1] : vector<2048x10xf32> to vector<2048xf32>
    %broadcast_in_dim3A_55 = vector.shape_cast %reduce_max3A_54 : vector<2048xf32> to vector<2048x1xf32>
    %sub3A = vector.broadcast %broadcast_in_dim3A_55 : vector<2048x1xf32> to vector<2048x10xf32>
    %sub3A_56 = arith.subf %add3A_53, %sub3A : vector<2048x10xf32>
    %exp3A = math.exp %sub3A_56 : vector<2048x10xf32>
    %reduce_sum3A = arith.constant dense<0.000000e+00> : vector<2048xf32>
    %reduce_sum3A_57 = vector.multi_reduction <add>, %exp3A, %reduce_sum3A [1] : vector<2048x10xf32> to vector<2048xf32>
    %broadcast_in_dim3A_58 = vector.shape_cast %reduce_sum3A_57 : vector<2048xf32> to vector<2048x1xf32>
    %div3A = vector.broadcast %broadcast_in_dim3A_58 : vector<2048x1xf32> to vector<2048x10xf32>
    %div3A_59 = arith.divf %exp3A, %div3A : vector<2048x10xf32>
    %lt3A_60 = arith.constant 10000 : i32
    %lt3A_61 = vector.broadcast %lt3A_60 : i32 to vector<2048x1xi32>
    %lt3A_62 = arith.cmpi slt, %add3A_18, %lt3A_61 : vector<2048x1xi32>
    %convert_element_type3A_63 = arith.extui %lt3A_62 : vector<2048x1xi1> to vector<2048x1xi32>
    %convert_element_type3A_64 = arith.sitofp %convert_element_type3A_63 : vector<2048x1xi32> to vector<2048x1xf32>
    %mul3A_65 = vector.broadcast %convert_element_type3A_64 : vector<2048x1xf32> to vector<2048x10xf32>
    %mul3A_66 = arith.mulf %div3A_59, %mul3A_65 : vector<2048x10xf32>
    %swap3A_67 = arith.constant 0 : index
    %swap3A_68 = arith.constant 0 : index
    %swap3A_69 = vector.load %arg14[%swap3A_67, %swap3A_68] : memref<2048x10xf32, #tpu.memory_space<vmem>>, vector<2048x10xf32>
    tpu.vector_store %arg14[%swap3A_67, %swap3A_68], %mul3A_66 {strides = array<i32>} : memref<2048x10xf32, #tpu.memory_space<vmem>>, vector<2048x10xf32>,
    %reduce_sum3A_70 = arith.constant dense<0.000000e+00> : vector<2048xf32>
    %reduce_sum3A_71 = vector.multi_reduction <add>, %mul3A_66, %reduce_sum3A_70 [1] : vector<2048x10xf32> to vector<2048xf32>
    %broadcast_in_dim3A_72 = vector.shape_cast %reduce_sum3A_71 : vector<2048xf32> to vector<2048x1xf32>
    %swap3A_73 = arith.constant 0 : index
    %swap3A_74 = arith.constant 0 : index
    %swap3A_75 = vector.load %arg16[%swap3A_73, %swap3A_74] : memref<2048x1xf32, #tpu.memory_space<vmem>>, vector<2048x1xf32>
    tpu.vector_store %arg16[%swap3A_73, %swap3A_74], %broadcast_in_dim3A_72 {strides = array<i32>} : memref<2048x1xf32, #tpu.memory_space<vmem>>, vector<2048x1xf32>,
    %get3A_76 = arith.constant 0 : index
    %get3A_77 = arith.constant 0 : index
    %get3A_78 = vector.load %arg9[%get3A_76, %get3A_77] : memref<32x24xf32, #tpu.memory_space<vmem>>, vector<32x24xf32>
    %dot_general3A_79 = arith.constant dense<0.000000e+00> : vector<2048x24xf32>
    %dot_general3A_80 = tpu.matmul %mul3A_29, %get3A_78, %dot_general3A_79 {dimension_numbers = #tpu.dot_dimension_numbers<[1], [0], [0], [1], [0, 0, 1, 1], [], []>, transpose_lhs_hint = false} : vector<2048x32xf32>, vector<32x24xf32>, vector<2048x24xf32> -> vector<2048x24xf32>
    %get3A_81 = arith.constant 0 : index
    %get3A_82 = vector.load %arg10[%get3A_81] : memref<24xf32, #tpu.memory_space<vmem>>, vector<24xf32>
    %broadcast_in_dim3A_83 = vector.shape_cast %get3A_82 : vector<24xf32> to vector<1x24xf32>
    %add3A_84 = vector.broadcast %broadcast_in_dim3A_83 : vector<1x24xf32> to vector<2048x24xf32>
    %add3A_85 = arith.addf %dot_general3A_80, %add3A_84 : vector<2048x24xf32>
    %jit3A_86 = arith.constant 0.000000e+00 : f32
    %jit3A_87 = arith.constant 6.000000e+00 : f32
    %max3A_88 = vector.broadcast %jit3A_86 : f32 to vector<2048x24xf32>
    %max3A_89 = arith.maximumf %max3A_88, %add3A_85 : vector<2048x24xf32>
    %min3A_90 = vector.broadcast %jit3A_87 : f32 to vector<2048x24xf32>
    %min3A_91 = arith.minimumf %min3A_90, %max3A_89 : vector<2048x24xf32>
    %get3A_92 = arith.constant 0 : index
    %get3A_93 = arith.constant 0 : index
    %get3A_94 = vector.load %arg11[%get3A_92, %get3A_93] : memref<24x10xf32, #tpu.memory_space<vmem>>, vector<24x10xf32>
    %dot_general3A_95 = arith.constant dense<0.000000e+00> : vector<2048x10xf32>
    %dot_general3A_96 = tpu.matmul %min3A_91, %get3A_94, %dot_general3A_95 {dimension_numbers = #tpu.dot_dimension_numbers<[1], [0], [0], [1], [0, 0, 1, 1], [], []>, transpose_lhs_hint = false} : vector<2048x24xf32>, vector<24x10xf32>, vector<2048x10xf32> -> vector<2048x10xf32>
    %get3A_97 = arith.constant 0 : index
    %get3A_98 = vector.load %arg12[%get3A_97] : memref<10xf32, #tpu.memory_space<vmem>>, vector<10xf32>
    %broadcast_in_dim3A_99 = vector.shape_cast %get3A_98 : vector<10xf32> to vector<1x10xf32>
    %add3A_100 = vector.broadcast %broadcast_in_dim3A_99 : vector<1x10xf32> to vector<2048x10xf32>
    %add3A_101 = arith.addf %dot_general3A_96, %add3A_100 : vector<2048x10xf32>
    %reduce_max3A_102 = arith.constant dense<0xFF800000> : vector<2048xf32>
    %reduce_max3A_103 = vector.multi_reduction <maximumf>, %add3A_101, %reduce_max3A_102 [1] : vector<2048x10xf32> to vector<2048xf32>
    %broadcast_in_dim3A_104 = vector.shape_cast %reduce_max3A_103 : vector<2048xf32> to vector<2048x1xf32>
    %sub3A_105 = vector.broadcast %broadcast_in_dim3A_104 : vector<2048x1xf32> to vector<2048x10xf32>
    %sub3A_106 = arith.subf %add3A_101, %sub3A_105 : vector<2048x10xf32>
    %exp3A_107 = math.exp %sub3A_106 : vector<2048x10xf32>
    %reduce_sum3A_108 = arith.constant dense<0.000000e+00> : vector<2048xf32>
    %reduce_sum3A_109 = vector.multi_reduction <add>, %exp3A_107, %reduce_sum3A_108 [1] : vector<2048x10xf32> to vector<2048xf32>
    %broadcast_in_dim3A_110 = vector.shape_cast %reduce_sum3A_109 : vector<2048xf32> to vector<2048x1xf32>
    %div3A_111 = vector.broadcast %broadcast_in_dim3A_110 : vector<2048x1xf32> to vector<2048x10xf32>
    %div3A_112 = arith.divf %exp3A_107, %div3A_111 : vector<2048x10xf32>
    %swap3A_113 = arith.constant 0 : index
    %swap3A_114 = arith.constant 0 : index
    %swap3A_115 = vector.load %arg15[%swap3A_113, %swap3A_114] : memref<2048x10xf32, #tpu.memory_space<vmem>>, vector<2048x10xf32>
    tpu.vector_store %arg15[%swap3A_113, %swap3A_114], %div3A_112 {strides = array<i32>} : memref<2048x10xf32, #tpu.memory_space<vmem>>, vector<2048x10xf32>,
    %reduce_sum3A_116 = arith.constant dense<0.000000e+00> : vector<2048xf32>
    %reduce_sum3A_117 = vector.multi_reduction <add>, %div3A_112, %reduce_sum3A_116 [1] : vector<2048x10xf32> to vector<2048xf32>
    %broadcast_in_dim3A_118 = vector.shape_cast %reduce_sum3A_117 : vector<2048xf32> to vector<2048x1xf32>
    %swap3A_119 = arith.constant 0 : index
    %swap3A_120 = arith.constant 0 : index
    %swap3A_121 = vector.load %arg17[%swap3A_119, %swap3A_120] : memref<2048x1xf32, #tpu.memory_space<vmem>>, vector<2048x1xf32>
    tpu.vector_store %arg17[%swap3A_119, %swap3A_120], %broadcast_in_dim3A_118 {strides = array<i32>} : memref<2048x1xf32, #tpu.memory_space<vmem>>, vector<2048x1xf32>,
    return
  }
  func.func @transform_0(%arg0: i32) -> (i32, i32, i32) {
    %c0_i32 = arith.constant 0 : i32
    %c0_i32_0 = arith.constant 0 : i32
    %c0_i32_1 = arith.constant 0 : i32
    return %c0_i32, %arg0, %c0_i32_0 : i32, i32, i32
  }
  func.func @transform_1(%arg0: i32) -> (i32, i32) {
    %c0_i32 = arith.constant 0 : i32
    %c0_i32_0 = arith.constant 0 : i32
    return %arg0, %c0_i32 : i32, i32
  }
  func.func @transform_2(%arg0: i32) -> (i32, i32) {
    %c0_i32 = arith.constant 0 : i32
    %c0_i32_0 = arith.constant 0 : i32
    return %arg0, %c0_i32 : i32, i32
  }
  func.func @transform_3(%arg0: i32) -> i32 {
    %c0_i32 = arith.constant 0 : i32
    %c0_i32_0 = arith.constant 0 : i32
    return %c0_i32 : i32
  }
  func.func @transform_4(%arg0: i32) -> (i32, i32) {
    %c0_i32 = arith.constant 0 : i32
    %c0_i32_0 = arith.constant 0 : i32
    %c0_i32_1 = arith.constant 0 : i32
    return %c0_i32, %c0_i32_0 : i32, i32
  }
  func.func @transform_5(%arg0: i32) -> i32 {
    %c0_i32 = arith.constant 0 : i32
    %c0_i32_0 = arith.constant 0 : i32
    return %c0_i32 : i32
  }
  func.func @transform_6(%arg0: i32) -> (i32, i32) {
    %c0_i32 = arith.constant 0 : i32
    %c0_i32_0 = arith.constant 0 : i32
    %c0_i32_1 = arith.constant 0 : i32
    return %c0_i32, %c0_i32_0 : i32, i32
  }
  func.func @transform_7(%arg0: i32) -> i32 {
    %c0_i32 = arith.constant 0 : i32
    %c0_i32_0 = arith.constant 0 : i32
    return %c0_i32 : i32
  }
  func.func @transform_8(%arg0: i32) -> (i32, i32) {
    %c0_i32 = arith.constant 0 : i32
    %c0_i32_0 = arith.constant 0 : i32
    %c0_i32_1 = arith.constant 0 : i32
    return %c0_i32, %c0_i32_0 : i32, i32
  }
  func.func @transform_9(%arg0: i32) -> i32 {
    %c0_i32 = arith.constant 0 : i32
    %c0_i32_0 = arith.constant 0 : i32
    return %c0_i32 : i32
  }
  func.func @transform_10(%arg0: i32) -> (i32, i32) {
    %c0_i32 = arith.constant 0 : i32
    %c0_i32_0 = arith.constant 0 : i32
    %c0_i32_1 = arith.constant 0 : i32
    return %c0_i32, %c0_i32_0 : i32, i32
  }
  func.func @transform_11(%arg0: i32) -> i32 {
    %c0_i32 = arith.constant 0 : i32
    %c0_i32_0 = arith.constant 0 : i32
    return %c0_i32 : i32
  }
  func.func @transform_12(%arg0: i32) -> (i32, i32) {
    %c0_i32 = arith.constant 0 : i32
    %c0_i32_0 = arith.constant 0 : i32
    return %arg0, %c0_i32 : i32, i32
  }
  func.func @transform_13(%arg0: i32) -> (i32, i32) {
    %c0_i32 = arith.constant 0 : i32
    %c0_i32_0 = arith.constant 0 : i32
    return %arg0, %c0_i32 : i32, i32
  }
  func.func @transform_14(%arg0: i32) -> (i32, i32) {
    %c0_i32 = arith.constant 0 : i32
    %c0_i32_0 = arith.constant 0 : i32
    return %arg0, %c0_i32 : i32, i32
  }
  func.func @transform_15(%arg0: i32) -> (i32, i32) {
    %c0_i32 = arith.constant 0 : i32
    %c0_i32_0 = arith.constant 0 : i32
    return %arg0, %c0_i32 : i32, i32
  }
  func.func @transform_16(%arg0: i32) -> (i32, i32) {
    %c0_i32 = arith.constant 0 : i32
    %c0_i32_0 = arith.constant 0 : i32
    return %arg0, %c0_i32 : i32, i32
  }
}

module attributes {stable_mosaic.version = 14 : i64} {
  func.func @_sample_body(%arg0: memref<10240x32xf32, #tpu.memory_space<vmem>>, %arg1: memref<10240x10xf32, #tpu.memory_space<vmem>>, %arg2: memref<80x128xf32, #tpu.memory_space<vmem>>, %arg3: memref<80x128xf32, #tpu.memory_space<vmem>>, %arg4: memref<32x24xf32, #tpu.memory_space<vmem>>, %arg5: memref<24xf32, #tpu.memory_space<vmem>>, %arg6: memref<24x10xf32, #tpu.memory_space<vmem>>, %arg7: memref<10xf32, #tpu.memory_space<vmem>>, %arg8: memref<80x128xf32, #tpu.memory_space<vmem>>, %arg9: memref<80x128xf32, #tpu.memory_space<vmem>>, %arg10: memref<10240x10xf32, #tpu.memory_space<vmem>>, %arg11: memref<1x1xi32, #tpu.memory_space<vmem>>, %arg12: memref<1x1xi32, #tpu.memory_space<vmem>>) attributes {dimension_semantics = [], scalar_prefetch = 0 : i64, scratch_operands = 0 : i64, tpu.core_type = #tpu.core_type<tc>} {
    %iota3A = tpu.iota {dimensions = array<i32: 0>} : vector<80x128xi32>
    %mul3A = arith.constant 128 : i32
    %mul3A_0 = vector.broadcast %mul3A : i32 to vector<80x128xi32>
    %mul3A_1 = arith.muli %iota3A, %mul3A_0 : vector<80x128xi32>
    %iota3A_2 = tpu.iota {dimensions = array<i32: 1>} : vector<80x128xi32>
    %add3A = arith.addi %mul3A_1, %iota3A_2 : vector<80x128xi32>
    %get3A = arith.constant 0 : index
    %get3A_3 = arith.constant 0 : index
    %get3A_4 = vector.load %arg2[%get3A, %get3A_3] : memref<80x128xf32, #tpu.memory_space<vmem>>, vector<80x128xf32>
    %add3A_5 = arith.constant 9.99999996E-13 : f32
    %add3A_6 = vector.broadcast %add3A_5 : f32 to vector<80x128xf32>
    %add3A_7 = arith.addf %get3A_4, %add3A_6 : vector<80x128xf32>
    %log3A = math.log %add3A_7 : vector<80x128xf32>
    %get3A_8 = arith.constant 0 : index
    %get3A_9 = arith.constant 0 : index
    %get3A_10 = vector.load %arg8[%get3A_8, %get3A_9] : memref<80x128xf32, #tpu.memory_space<vmem>>, vector<80x128xf32>
    %add3A_11 = arith.addf %log3A, %get3A_10 : vector<80x128xf32>
    %reduce_max3A = vector.shape_cast %add3A_11 : vector<80x128xf32> to vector<1x80x128xf32>
    %reduce_max3A_12 = arith.constant dense<0xFF800000> : vector<1xf32>
    %reduce_max3A_13 = vector.multi_reduction <maximumf>, %reduce_max3A, %reduce_max3A_12 [1, 2] : vector<1x80x128xf32> to vector<1xf32>
    %reduce_max3A_14 = vector.shape_cast %reduce_max3A_13 : vector<1xf32> to vector<1x1x1xf32>
    %reduce_max3A_15 = vector.extract %reduce_max3A_14[0, 0, 0] : f32 from vector<1x1x1xf32>
    %eq3A = vector.broadcast %reduce_max3A_15 : f32 to vector<80x128xf32>
    %eq3A_16 = arith.cmpf oeq, %add3A_11, %eq3A : vector<80x128xf32>
    %jit3A = arith.constant 10240 : i32
    %broadcast_in_dim3A = vector.broadcast %jit3A : i32 to vector<80x128xi32>
    %select_n3A = arith.select %eq3A_16, %add3A, %broadcast_in_dim3A : vector<80x128xi1>, vector<80x128xi32>
    %reduce_min3A = vector.shape_cast %select_n3A : vector<80x128xi32> to vector<1x80x128xi32>
    %reduce_min3A_17 = arith.constant dense<2147483647> : vector<1xi32>
    %reduce_min3A_18 = vector.multi_reduction <minsi>, %reduce_min3A, %reduce_min3A_17 [1, 2] : vector<1x80x128xi32> to vector<1xi32>
    %reduce_min3A_19 = vector.shape_cast %reduce_min3A_18 : vector<1xi32> to vector<1x1x1xi32>
    %reduce_min3A_20 = vector.extract %reduce_min3A_19[0, 0, 0] : i32 from vector<1x1x1xi32>
    %broadcast_in_dim3A_21 = vector.broadcast %reduce_min3A_20 : i32 to vector<1x1xi32>
    %swap3A = arith.constant 0 : index
    %swap3A_22 = arith.constant 0 : index
    %swap3A_23 = vector.load %arg11[%swap3A, %swap3A_22] : memref<1x1xi32, #tpu.memory_space<vmem>>, vector<1x1xi32>
    tpu.vector_store %arg11[%swap3A, %swap3A_22], %broadcast_in_dim3A_21 {strides = array<i32>} : memref<1x1xi32, #tpu.memory_space<vmem>>, vector<1x1xi32>,
    %get3A_24 = arith.index_cast %reduce_min3A_20 : i32 to index
    %get3A_25 = arith.constant 0 : index
    %get3A_26 = vector.load %arg0[%get3A_24, %get3A_25] : memref<10240x32xf32, #tpu.memory_space<vmem>>, vector<1x32xf32>
    %get3A_27 = arith.constant 0 : index
    %get3A_28 = arith.constant 0 : index
    %get3A_29 = vector.load %arg4[%get3A_27, %get3A_28] : memref<32x24xf32, #tpu.memory_space<vmem>>, vector<32x24xf32>
    %dot_general3A = arith.constant dense<0.000000e+00> : vector<1x24xf32>
    %dot_general3A_30 = tpu.matmul %get3A_26, %get3A_29, %dot_general3A {dimension_numbers = #tpu.dot_dimension_numbers<[1], [0], [0], [1], [0, 0, 1, 1], [], []>, transpose_lhs_hint = false} : vector<1x32xf32>, vector<32x24xf32>, vector<1x24xf32> -> vector<1x24xf32>
    %get3A_31 = arith.constant 0 : index
    %get3A_32 = vector.load %arg5[%get3A_31] : memref<24xf32, #tpu.memory_space<vmem>>, vector<24xf32>
    %broadcast_in_dim3A_33 = vector.shape_cast %get3A_32 : vector<24xf32> to vector<1x24xf32>
    %add3A_34 = arith.addf %dot_general3A_30, %broadcast_in_dim3A_33 : vector<1x24xf32>
    %jit3A_35 = arith.constant 0.000000e+00 : f32
    %jit3A_36 = arith.constant 6.000000e+00 : f32
    %max3A = vector.broadcast %jit3A_35 : f32 to vector<1x24xf32>
    %max3A_37 = arith.maximumf %max3A, %add3A_34 : vector<1x24xf32>
    %min3A = vector.broadcast %jit3A_36 : f32 to vector<1x24xf32>
    %min3A_38 = arith.minimumf %min3A, %max3A_37 : vector<1x24xf32>
    %get3A_39 = arith.constant 0 : index
    %get3A_40 = arith.constant 0 : index
    %get3A_41 = vector.load %arg6[%get3A_39, %get3A_40] : memref<24x10xf32, #tpu.memory_space<vmem>>, vector<24x10xf32>
    %dot_general3A_42 = arith.constant dense<0.000000e+00> : vector<1x10xf32>
    %dot_general3A_43 = tpu.matmul %min3A_38, %get3A_41, %dot_general3A_42 {dimension_numbers = #tpu.dot_dimension_numbers<[1], [0], [0], [1], [0, 0, 1, 1], [], []>, transpose_lhs_hint = false} : vector<1x24xf32>, vector<24x10xf32>, vector<1x10xf32> -> vector<1x10xf32>
    %get3A_44 = arith.constant 0 : index
    %get3A_45 = vector.load %arg7[%get3A_44] : memref<10xf32, #tpu.memory_space<vmem>>, vector<10xf32>
    %broadcast_in_dim3A_46 = vector.shape_cast %get3A_45 : vector<10xf32> to vector<1x10xf32>
    %add3A_47 = arith.addf %dot_general3A_43, %broadcast_in_dim3A_46 : vector<1x10xf32>
    %reduce_max3A_48 = arith.constant dense<0xFF800000> : vector<1xf32>
    %reduce_max3A_49 = vector.multi_reduction <maximumf>, %add3A_47, %reduce_max3A_48 [1] : vector<1x10xf32> to vector<1xf32>
    %broadcast_in_dim3A_50 = vector.shape_cast %reduce_max3A_49 : vector<1xf32> to vector<1x1xf32>
    %sub3A = vector.broadcast %broadcast_in_dim3A_50 : vector<1x1xf32> to vector<1x10xf32>
    %sub3A_51 = arith.subf %add3A_47, %sub3A : vector<1x10xf32>
    %exp3A = math.exp %sub3A_51 : vector<1x10xf32>
    %reduce_sum3A = arith.constant dense<0.000000e+00> : vector<1xf32>
    %reduce_sum3A_52 = vector.multi_reduction <add>, %exp3A, %reduce_sum3A [1] : vector<1x10xf32> to vector<1xf32>
    %broadcast_in_dim3A_53 = vector.shape_cast %reduce_sum3A_52 : vector<1xf32> to vector<1x1xf32>
    %div3A = vector.broadcast %broadcast_in_dim3A_53 : vector<1x1xf32> to vector<1x10xf32>
    %div3A_54 = arith.divf %exp3A, %div3A : vector<1x10xf32>
    %iota3A_55 = tpu.iota {dimensions = array<i32: 0>} : vector<10240x1xi32>
    %eq3A_56 = vector.broadcast %reduce_min3A_20 : i32 to vector<10240x1xi32>
    %eq3A_57 = arith.cmpi eq, %iota3A_55, %eq3A_56 : vector<10240x1xi32>
    %eq3A_58 = arith.constant 10100 : i32
    %eq3A_59 = vector.broadcast %eq3A_58 : i32 to vector<10240x1xi32>
    %eq3A_60 = arith.cmpi eq, %iota3A_55, %eq3A_59 : vector<10240x1xi32>
    %get3A_61 = arith.constant 0 : index
    %get3A_62 = arith.constant 0 : index
    %get3A_63 = vector.load %arg1[%get3A_61, %get3A_62] : memref<10240x10xf32, #tpu.memory_space<vmem>>, vector<10240x10xf32>
    %broadcast_in_dim3A_64 = vector.shape_cast %eq3A_60 : vector<10240x1xi1> to vector<10240x1xi1>
    %broadcast_in_dim3A_65 = vector.broadcast %broadcast_in_dim3A_64 : vector<10240x1xi1> to vector<10240x10xi1>
    %broadcast_in_dim3A_66 = vector.shape_cast %div3A_54 : vector<1x10xf32> to vector<1x10xf32>
    %broadcast_in_dim3A_67 = vector.broadcast %broadcast_in_dim3A_66 : vector<1x10xf32> to vector<10240x10xf32>
    %select_n3A_68 = arith.select %broadcast_in_dim3A_65, %broadcast_in_dim3A_67, %get3A_63 : vector<10240x10xi1>, vector<10240x10xf32>
    %jit3A_69 = arith.constant 0.000000e+00 : f32
    %broadcast_in_dim3A_70 = vector.shape_cast %eq3A_57 : vector<10240x1xi1> to vector<10240x1xi1>
    %broadcast_in_dim3A_71 = vector.broadcast %broadcast_in_dim3A_70 : vector<10240x1xi1> to vector<10240x10xi1>
    %broadcast_in_dim3A_72 = vector.broadcast %jit3A_69 : f32 to vector<10240x10xf32>
    %select_n3A_73 = arith.select %broadcast_in_dim3A_71, %broadcast_in_dim3A_72, %select_n3A_68 : vector<10240x10xi1>, vector<10240x10xf32>
    %swap3A_74 = arith.constant 0 : index
    %swap3A_75 = arith.constant 0 : index
    %swap3A_76 = vector.load %arg10[%swap3A_74, %swap3A_75] : memref<10240x10xf32, #tpu.memory_space<vmem>>, vector<10240x10xf32>
    tpu.vector_store %arg10[%swap3A_74, %swap3A_75], %select_n3A_73 {strides = array<i32>} : memref<10240x10xf32, #tpu.memory_space<vmem>>, vector<10240x10xf32>,
    %eq3A_77 = arith.constant 10100 : i32
    %eq3A_78 = vector.broadcast %eq3A_77 : i32 to vector<80x128xi32>
    %eq3A_79 = arith.cmpi eq, %add3A, %eq3A_78 : vector<80x128xi32>
    %reduce_sum3A_80 = vector.shape_cast %div3A_54 : vector<1x10xf32> to vector<1x1x10xf32>
    %reduce_sum3A_81 = arith.constant dense<0.000000e+00> : vector<1xf32>
    %reduce_sum3A_82 = vector.multi_reduction <add>, %reduce_sum3A_80, %reduce_sum3A_81 [1, 2] : vector<1x1x10xf32> to vector<1xf32>
    %reduce_sum3A_83 = vector.shape_cast %reduce_sum3A_82 : vector<1xf32> to vector<1x1x1xf32>
    %reduce_sum3A_84 = vector.extract %reduce_sum3A_83[0, 0, 0] : f32 from vector<1x1x1xf32>
    %get3A_85 = arith.constant 0 : index
    %get3A_86 = arith.constant 0 : index
    %get3A_87 = vector.load %arg3[%get3A_85, %get3A_86] : memref<80x128xf32, #tpu.memory_space<vmem>>, vector<80x128xf32>
    %broadcast_in_dim3A_88 = vector.broadcast %reduce_sum3A_84 : f32 to vector<80x128xf32>
    %select_n3A_89 = arith.select %eq3A_79, %broadcast_in_dim3A_88, %get3A_87 : vector<80x128xi1>, vector<80x128xf32>
    %eq3A_90 = vector.broadcast %reduce_min3A_20 : i32 to vector<80x128xi32>
    %eq3A_91 = arith.cmpi eq, %add3A, %eq3A_90 : vector<80x128xi32>
    %gt3A = arith.constant 10100 : i32
    %gt3A_92 = vector.broadcast %gt3A : i32 to vector<80x128xi32>
    %gt3A_93 = arith.cmpi sgt, %add3A, %gt3A_92 : vector<80x128xi32>
    %or3A = arith.ori %eq3A_91, %gt3A_93 : vector<80x128xi1>
    %jit3A_94 = arith.constant 0.000000e+00 : f32
    %broadcast_in_dim3A_95 = vector.broadcast %jit3A_94 : f32 to vector<80x128xf32>
    %select_n3A_96 = arith.select %or3A, %broadcast_in_dim3A_95, %select_n3A_89 : vector<80x128xi1>, vector<80x128xf32>
    %add3A_97 = arith.constant 9.99999996E-13 : f32
    %add3A_98 = vector.broadcast %add3A_97 : f32 to vector<80x128xf32>
    %add3A_99 = arith.addf %select_n3A_96, %add3A_98 : vector<80x128xf32>
    %log3A_100 = math.log %add3A_99 : vector<80x128xf32>
    %get3A_101 = arith.constant 0 : index
    %get3A_102 = arith.constant 0 : index
    %get3A_103 = vector.load %arg9[%get3A_101, %get3A_102] : memref<80x128xf32, #tpu.memory_space<vmem>>, vector<80x128xf32>
    %add3A_104 = arith.addf %log3A_100, %get3A_103 : vector<80x128xf32>
    %reduce_max3A_105 = vector.shape_cast %add3A_104 : vector<80x128xf32> to vector<1x80x128xf32>
    %reduce_max3A_106 = arith.constant dense<0xFF800000> : vector<1xf32>
    %reduce_max3A_107 = vector.multi_reduction <maximumf>, %reduce_max3A_105, %reduce_max3A_106 [1, 2] : vector<1x80x128xf32> to vector<1xf32>
    %reduce_max3A_108 = vector.shape_cast %reduce_max3A_107 : vector<1xf32> to vector<1x1x1xf32>
    %reduce_max3A_109 = vector.extract %reduce_max3A_108[0, 0, 0] : f32 from vector<1x1x1xf32>
    %eq3A_110 = vector.broadcast %reduce_max3A_109 : f32 to vector<80x128xf32>
    %eq3A_111 = arith.cmpf oeq, %add3A_104, %eq3A_110 : vector<80x128xf32>
    %jit3A_112 = arith.constant 10240 : i32
    %broadcast_in_dim3A_113 = vector.broadcast %jit3A_112 : i32 to vector<80x128xi32>
    %select_n3A_114 = arith.select %eq3A_111, %add3A, %broadcast_in_dim3A_113 : vector<80x128xi1>, vector<80x128xi32>
    %reduce_min3A_115 = vector.shape_cast %select_n3A_114 : vector<80x128xi32> to vector<1x80x128xi32>
    %reduce_min3A_116 = arith.constant dense<2147483647> : vector<1xi32>
    %reduce_min3A_117 = vector.multi_reduction <minsi>, %reduce_min3A_115, %reduce_min3A_116 [1, 2] : vector<1x80x128xi32> to vector<1xi32>
    %reduce_min3A_118 = vector.shape_cast %reduce_min3A_117 : vector<1xi32> to vector<1x1x1xi32>
    %reduce_min3A_119 = vector.extract %reduce_min3A_118[0, 0, 0] : i32 from vector<1x1x1xi32>
    %broadcast_in_dim3A_120 = vector.broadcast %reduce_min3A_119 : i32 to vector<1x1xi32>
    %swap3A_121 = arith.constant 0 : index
    %swap3A_122 = arith.constant 0 : index
    %swap3A_123 = vector.load %arg12[%swap3A_121, %swap3A_122] : memref<1x1xi32, #tpu.memory_space<vmem>>, vector<1x1xi32>
    tpu.vector_store %arg12[%swap3A_121, %swap3A_122], %broadcast_in_dim3A_120 {strides = array<i32>} : memref<1x1xi32, #tpu.memory_space<vmem>>, vector<1x1xi32>,
    return
  }
}

</mosaic_0001>

<sc_bundles>
// kernel: kernel.11.cloned.1.call-start
scs
__scs_entry_jumppad:
0x0: {  	(pc) =	sbr.rel $0x88, $3  }
0x1: {  	(tag) =	ssettag $0x0;
	lr =	simm.s32 $0x1  }
0x2: {  	[smem:$0x3F90] =	sst lr;
	_ =	strace $0xD0000000  }
0x3: {  	_ = 	snop  }
0x4: {  	_ = 	snop  }
0x5: {  	_ = 	snop  }
0x6: {  	_ = 	snop  }
0x7: {  	_ = 	snop  }
__scs_overlays_trampoline_lowered:
0x8: {  	[smem:$0x3F9F] =	sst s0  }
0x9: {  	[smem:$0x3FA0] =	sst s1  }
0xa: {  	[smem:$0x3FA1] =	sst s2  }
0xb: {  	[smem:$0x3FA2] =	sst s3  }
0xc: {  	[smem:$0x3FA3] =	sst s4  }
0xd: {  	[smem:$0x3FA4] =	sst s5  }
0xe: {  	[smem:$0x3FA5] =	sst s6  }
0xf: {  	[smem:$0x3FA6] =	sst s7  }
0x10: {  	[smem:$0x3FA7] =	sst s8  }
0x11: {  	[smem:$0x3FA8] =	sst s9;
	s0 =	simm.s32 @!p0 $0x0  }
0x12: {  	s1 =	sld [smem:$0x3F8E];
	s0 =	simm.s32 @p0 $0x1  }
0x13: {  	[smem:$0x3FA9] =	sst s0;
	s0 =	simm.s32 @!p1 $0x0  }
0x14: {  	s2 =	sld [smem:$0x3F8D];
	s0 =	simm.s32 @p1 $0x1  }
0x15: {  	[smem:$0x3FAA] =	sst s0;
	s0 =	simm.s32 @!p2 $0x0  }
0x16: {  	s3 =	sld [smem:$0x3FDB];
	s0 =	simm.s32 @p2 $0x1  }
0x17: {  	s4 =	simm.s32 $0x1BF5;
	[smem:$0x3FAC] =	sst s0  }
0x18: {  	s0 =	sld [smem:$0x3F8F];
	_ =	swait.ge [sflag:s4], $0x0  }
0x19: {  	s7 =	sld [smem:$0x3F90]  }
0x1a: {  	s8 =	sadd.s32 $0xFFFFE003, lr  }
0x1b: {  	s9 =	sadd.s32 $0xFFFFFEF7, lr;
	s5 =	simm.s32 $0xFFFFFFFF;
	p2 =	slt.u32 s8, $0xFFFFF086  }
0x1c: {  	p1 =	slt.u32 s9, $0xF7A;
	s5 =	simm.s32 @!p2 $0x0  }
0x1d: {  	s5 =	simm.s32 @p1 $0x1;
	p0 =	seq.s32 s7, s2  }
0x1e: {  	s7 =	smul.u32 @!p0 $0xF7A, s2;
	p2 =	seq.s32 @!p0 s5, $0x0  }
0x1f: {  	s9 =	smul.u32 $0xF7A, s1;
	s8 =	simm.s32 @!p0 $0x1BF5;
	p2 =	por !p2, p0  }
0x20: {  	[sflag:s8] =	ssyncset.s32 @!p0 $0xFFFFF086;
	s6 =	sadd.s32 @!p0 s3, s7;
	s7 =	simm.s32 @!p0 $0x108  }
0x21: {  	s3 =	sadd.s32 s3, s9;
	s6 =	sadd.s32 @!p0 $0x88, s6;
	s7 =	simm.s32 @p2 $0x1082  }
0x22: {  	[simem:s7], [sflag:s8] =	dma.local @!p0 [hbm:s6], $0xF7A  }
0x23: {  	s9 =	sor.u32 $0xD0000000, s2;
	s6 =	simm.s32 $0x108;
	_ =	swait.ge @!p0 [sflag:s8], $0x0  }
0x24: {  	s3 =	sadd.s32 $0x88, s3;
	s6 =	simm.s32 @!p1 $0x1082;
	[sflag:s4] =	ssyncset.s32 $0xFFFFF086  }
0x25: {  	[simem:s6], [sflag:s4] =	dma.local [hbm:s3], $0xF7A  }
0x26: {  	[smem:$0x3F90] =	sst s1;
	(tag) =	ssettag s2;
	_ =	strace s9  }
0x27: {  	s1 =	sld [smem:$0x3FA0]  }
0x28: {  	s2 =	sld [smem:$0x3FA1]  }
0x29: {  	s4 =	sld [smem:$0x3FA3]  }
0x2a: {  	p0 =	seq.s32 s5, $0x0;
	s5 =	sld [smem:$0x3FA4]  }
0x2b: {  	s6 =	sld [smem:$0x3FA5]  }
0x2c: {  	s7 =	sld [smem:$0x3FA6]  }
0x2d: {  	s3 =	simm.s32 $0x108;
	s8 =	sld [smem:$0x3FA7]  }
0x2e: {  	s3 =	simm.s32 @!p0 $0x1082;
	s9 =	sld [smem:$0x3FA8]  }
0x2f: {  	lr =	sadd.s32 s0, s3;
	s0 =	sld [smem:$0x3F9F]  }
0x30: {  	s3 =	sld [smem:$0x3FA2]  }
0x31: {  	[smem:$0x3FAB] =	sst s10  }
0x32: {  	s10 =	sld [smem:$0x3FA9];
	_ =	sdelay $0x3  }
0x33: {  	p0 =	seq.s32 s10, $0x1;
	s10 =	sld [smem:$0x3FAB];
	_ =	sdelay $0x3  }
0x34: {  	[smem:$0x3FAB] =	sst s10  }
0x35: {  	s10 =	sld [smem:$0x3FAA];
	_ =	sdelay $0x3  }
0x36: {  	p1 =	seq.s32 s10, $0x1;
	s10 =	sld [smem:$0x3FAB];
	_ =	sdelay $0x3  }
0x37: {  	[smem:$0x3FAB] =	sst s10  }
0x38: {  	s10 =	sld [smem:$0x3FAC]  }
0x39: {  	_ = 	snop;
	(pc) =	sbr.ind lr, $3  }
0x3a: {  	_ = 	snop  }
0x3b: {  	_ = 	snop  }
0x3c: {  	p2 =	seq.s32 s10, $0x1;
	s10 =	sld [smem:$0x3FAB]  }
0x3d: {  	_ =	shalt  }
0x3e: {  	_ =	shalt  }
0x3f: {  	_ =	shalt  }
0x40: {  	_ =	shalt  }
0x41: {  	_ =	shalt  }
0x42: {  	_ =	shalt  }
0x43: {  	_ =	shalt  }
0x44: {  	_ =	shalt  }
0x45: {  	_ =	shalt  }
0x46: {  	_ =	shalt  }
0x47: {  	_ =	shalt  }
0x48: {  	_ =	shalt  }
0x49: {  	_ =	shalt  }
0x4a: {  	_ =	shalt  }
0x4b: {  	_ =	shalt  }
0x4c: {  	_ =	shalt  }
0x4d: {  	_ =	shalt  }
0x4e: {  	_ =	shalt  }
0x4f: {  	_ =	shalt  }
0x50: {  	_ =	shalt  }
0x51: {  	_ =	shalt  }
0x52: {  	_ =	shalt  }
0x53: {  	_ =	shalt  }
0x54: {  	_ =	shalt  }
0x55: {  	_ =	shalt  }
0x56: {  	_ =	shalt  }
0x57: {  	_ =	shalt  }
0x58: {  	_ =	shalt  }
0x59: {  	_ =	shalt  }
0x5a: {  	_ =	shalt  }
0x5b: {  	_ =	shalt  }
0x5c: {  	_ =	shalt  }
0x5d: {  	_ =	shalt  }
0x5e: {  	_ =	shalt  }
0x5f: {  	_ =	shalt  }
0x60: {  	_ =	shalt  }
0x61: {  	_ =	shalt  }
0x62: {  	_ =	shalt  }
0x63: {  	_ =	shalt  }
0x64: {  	_ =	shalt  }
0x65: {  	_ =	shalt  }
0x66: {  	_ =	shalt  }
0x67: {  	_ =	shalt  }
0x68: {  	_ =	shalt  }
0x69: {  	_ =	shalt  }
0x6a: {  	_ =	shalt  }
0x6b: {  	_ =	shalt  }
0x6c: {  	_ =	shalt  }
0x6d: {  	_ =	shalt  }
0x6e: {  	_ =	shalt  }
0x6f: {  	_ =	shalt  }
0x70: {  	_ =	shalt  }
0x71: {  	_ =	shalt  }
0x72: {  	_ =	shalt  }
0x73: {  	_ =	shalt  }
0x74: {  	_ =	shalt  }
0x75: {  	_ =	shalt  }
0x76: {  	_ =	shalt  }
0x77: {  	_ =	shalt  }
0x78: {  	_ =	shalt  }
0x79: {  	_ =	shalt  }
0x7a: {  	_ =	shalt  }
0x7b: {  	_ =	shalt  }
0x7c: {  	_ =	shalt  }
0x7d: {  	_ =	shalt  }
0x7e: {  	_ =	shalt  }
0x7f: {  	_ =	shalt  }
0x80: {  	_ =	shalt  }
0x81: {  	_ =	shalt  }
0x82: {  	_ =	shalt  }
0x83: {  	_ =	shalt  }
0x84: {  	_ =	shalt  }
0x85: {  	_ =	shalt  }
0x86: {  	_ =	shalt  }
0x87: {  	_ =	shalt  }
.Lfunc_end0:
.L_simem_size_0:
called_computation_lowered:
.L_overlay_start_0:
0x88: {  	s2 =	sld [smem:$0x3FD9]  }
0x89: {  	s3 =	sld [smem:$0x3FFE];
	_ =	sdelay $0x1  }
0x8a: {  	s1 =	srdreg.scid  }
0x8b: {  	s0 =	sand.u32 $0x1, s1  }
0x8c: {  	s14 =	sshll.u32 s0, $0xA;
	s2 =	sadd.s32 s3, s2  }
0x8d: {  	s2 =	sadd.s32 s2, s14  }
0x8e: {  	[smem:$0x3FB7] =	sst s2  }
0x8f: {  	_ = 	snop  }
0x90: {  	s2 =	sld [smem:$0x3FD0];
	_ =	sdelay $0x2  }
0x91: {  	s15 =	simm.s32 $0xA;
	s4 =	simm.s32 $0x10  }
0x92: {  	[smem:s4], [sflag:s15] =	dma.local [hbm:s2], $0x1  }
0x93: {  	_ =	swait.eq [sflag:s15], $0x1  }
0x94: {  	[sflag:s15] =	ssyncset.done $0x0  }
0x95: {  	s16 =	sld [smem:$0x12];
	[sflag:s15] =	ssyncadd.s32 $0xFFFFFFFF  }
0x96: {  	s17 =	sld [smem:$0x13];
	(tm) =	ssettm $0x1  }
0x97: {  	s18 =	sld [smem:$0x3FFB];
	_ =	sdelay $0x3  }
0x98: {  	_ =	strace s18  }
0x99: {  	s4 =	sld [smem:$0x3FFC];
	_ =	sdelay $0x3  }
0x9a: {  	_ =	strace s4  }
0x9b: {  	s4 =	sld [smem:$0x3FFD];
	_ =	sdelay $0x3  }
0x9c: {  	_ =	strace s4  }
0x9d: {  	_ =	strace $0x8FFFFFFF  }
0x9e: {  	s19 =	sld [smem:$0x3FDB];
	_ =	sdelay $0x1  }
0x9f: {  	s5 =	simm.s32 $_scs_section_size  }
0xa0: {  	s6 =	simm.s32 $_size__tile_overlayer_lowered;
	s7 =	simm.s32 $_tile_overlayer_lowered  }
0xa1: {  	s22 =	simm.s32 $0x1BFF;
	s21 =	sshll.u32 s7, $0x1;
	s4 =	sadd.s32 s5, s19  }
0xa2: {  	s8 =	simm.s32 $0x0;
	s20 =	sshll.u32 s6, $0x1;
	s6 =	sadd.s32 s21, s4  }
0xa3: {  	[timem:s8], [sflag:s22] =	dma.local [hbm:s6], s20  }
0xa4: {  	_ =	swait.ge [sflag:s22], s20  }
0xa5: {  	s5 =	ssub.s32 $0x0, s20;
	[sflag:s22] =	ssyncset.done $0x0  }
0xa6: {  	[sflag:s22] =	ssyncadd.s32 s5;
	_ =	sdelay $0x1  }
0xa7: {  	s23 =	simm.s32 $0x1B8B  }
0xa8: {  	_ =	swait.ge [sflag:s23], $0x1  }
0xa9: {  	[sflag:s23] =	ssyncset.done $0x0  }
0xaa: {  	s25 =	simm.s32 $0x1B8E;
	s24 =	sld [smem:$0x3FFE];
	[sflag:s23] =	ssyncadd.s32 $0xFFFFFFFF  }
0xab: {  	s26 =	simm.s32 $execute0_lowered;
	[smem:$0x3FD2] =	sst s25  }
0xac: {  	s6 =	sshll.u32 s26, $0x1;
	_ =	strace $0x80000046;
	[dreg:$0x1] =	wrdreg $0xFFFFFFFF  }
0xad: {  	s28 =	simm.s32 $_size_execute0_lowered;
	s4 =	sadd.s32 s4, s6;
	[dreg:$0x0] =	wrdreg $0x0  }
0xae: {  	s6 =	sshll.u32 s28, $0x1;
	[dreg:$0x2] =	wrdreg s4  }
0xaf: {  	[dreg:$0x3] =	wrdreg s6  }
0xb0: {  	[dreg:$0x4] =	wrdreg $0xC0  }
0xb1: {  	_ =	task [dreg:s8], $0x5FFFF  }
0xb2: {  	[dreg:$0x1] =	wrdreg $0xFFFFFFFF  }
0xb3: {  	[dreg:$0x0] =	wrdreg $0x60  }
0xb4: {  	[dreg:$0x2] =	wrdreg s24  }
0xb5: {  	[dreg:$0x3] =	wrdreg s16  }
0xb6: {  	[dreg:$0x4] =	wrdreg s17  }
0xb7: {  	[dreg:$0x5] =	wrdreg $0x0  }
0xb8: {  	[dreg:$0x6] =	wrdreg $0x9  }
0xb9: {  	_ =	task.clear_ibuf [dreg:s8], $0x7FFFF;
	_ =	strace $0x90000046  }
0xba: {  	s29 =	simm.s32 $0x9;
	_ =	strace $0x80000048  }
0xbb: {  	_ =	swait.ge [sflag:s29], $0x1  }
0xbc: {  	[sflag:s29] =	ssyncadd.s32 $0xFFFFFFFF  }
0xbd: {  	_ =	strace $0x90000048  }
0xbe: {  	_ =	sfence  }
0xbf: {  	s30 =	sld [smem:$0x0];
	_ =	sdelay $0x2  }
0xc0: {  	s31 =	sshll.u32 s1, $0xD;
	s1 =	sshrl.u32 s1, $0x2  }
0xc1: {  	s3 =	sand.u32 $0x4000, s31;
	s1 =	sadd.s32 s1, s30  }
0xc2: {  	s0 =	sor.u32 s3, s0;
	s1 =	sshll.u32 s1, $0x11  }
0xc3: {  	s0 =	sor.u32 s1, s0  }
0xc4: {  	s0 =	sadd.s32 $0x8F2B, s0  }
0xc5: {  	[sflag:s0] =	ssyncadd.remote.s32 $0x1  }
0xc6: {  	_ =	sfence.sel $0xFFFF  }
0xc7: {  	[dreg:$0x0] =	wrdreg $0xFFFFFFFF;
	(pc) =	sbr.abs _section_cstart, $3  }
0xc8: {  	[dreg:$0x1] =	wrdreg $0xFFFFFFFF  }
0xc9: {  	_ =	task.clear_ibuf [dreg:s8], $0x2FFFF;
	_ =	strace $0x9FFFFFFF  }
0xca: {  	(tm) =	ssettm $0x7FFFFFFF  }
0xcb: {  	_ =	shalt  }
tec
execute0_lowered:
.L_overlay_start_1:
0x0: {  	(tag) =	ssettag $0x1  }
0x1: {  	s4 =	rddreg [dreg:$0x0]  }
0x2: {  	s5 =	rddreg [dreg:$0x1]  }
0x3: {  	s7 =	rddreg [dreg:$0x2];
	s1 =	srdreg.scid  }
0x4: {  	s0 =	stileid.u32;
	s2 =	rddreg [dreg:$0x3];
	s3 =	simm.s32 $0x0  }
0x5: {  	s12 =	simm.s32 $0x80;
	s13 =	simm.s32 $0x2A80;
	s14 =	simm.s32 $0x1  }
0x6: {  	s15 =	simm.s32 $0x0;
	s6 =	sand.u32 $0x1, s1;
	s1 =	rddreg [dreg:$0x4]  }
0x7: {  	s8 =	sshll.u32 s0, $0x1;
	[smem:$0x7FF] =	sst s3;
	s10 =	smul.u32 $0x280, s0  }
0x8: {  	s8 =	sor.u32 s6, s8;
	s9 =	ssub.s32 $0x2, s6;
	s6 =	smul.u32 $0x2800, s6  }
0x9: {  	s30 =	sshll.u32 s0, $0x6;
	_ =	strace $0x80000047;
	s8 =	smul.u32 $0x500, s8  }
0xa: {  	s28 =	sshrl.u32 s9, $0x1;
	s11 =	sadd.s32 s10, s2;
	s29 =	sshrl.u32 s10, $0x3  }
0xb: {  	s9 =	ssub.s32 s9, s28;
	s10 =	sadd.s32 s10, s6;
	s8 =	sadd.s32 s8, s4  }
0xc: {  	s4 =	sadd.s32 s5, s29;
	s5 =	sor.u32 $0x1C02, s30;
	s31 =	sshrl.u32 s10, $0x3  }
0xd: {  	s10 =	simm.s32 $0x2;
	s6 =	sadd.s32 $0xD200, s8;
	s7 =	sadd.s32 s7, s31  }
0xe: {  	v0 =	vimm.f32 $1.000000000e+00;
	s8 =	smax.u32 s9, $0x1;
	s9 =	sshrl.u32 s11, $0x3;
	s11 =	simm.s32 $0x280  }
.LBB2_1:
0xf: {  	[tilespmem:$0x2A80] =	vst v0  }
0x10: {  	[tilespmem:$0x2A90] =	vst v0  }
0x11: {  	[tilespmem:$0x2AA0] =	vst v0  }
0x12: {  	[tilespmem:$0x2AB0] =	vst v0  }
0x13: {  	[tilespmem:$0x2AC0] =	vst v0  }
0x14: {  	[tilespmem:$0x2AD0] =	vst v0  }
0x15: {  	[tilespmem:$0x2AE0] =	vst v0  }
0x16: {  	[tilespmem:$0x2AF0] =	vst v0  }
0x17: {  	[spmem:s9], [sflag:s5] =	dma.local [hbm:s4], $0x50  }
0x18: {  	_ =	swait.ge [sflag:s10], $0x50  }
0x19: {  	[sflag:s10] =	ssyncset.done $0x0  }
0x1a: {  	[sflag:s10] =	ssyncadd.s32 $0xFFFFFFB0  }
0x1b: {  	[tilespmem:s11], [sflag:$0x2] =	stream.linear.gather [hbm4b:s6+s3], $0x2800, $0x38;
	[tilespmem:$0x2B00] =	vst v63  }
0x1c: {  	_ =	swait.ge [sflag:s10], $0x2800  }
0x1d: {  	[sflag:s10] =	ssyncset.done $0x0  }
0x1e: {  	[sflag:s10] =	ssyncadd.s32 $0xFFFFD800  }
0x1f: {  	s16 =	simm.s32 $0x280;
	[bflag:$0x0] =	sbarrier.arrive $0xFFFF  }
0x20: {  	[spmem:s2] =	stream.indirect.scatter.add.f32 [tilespmem:s13], [sflag:$0x1], $0x1, s16, s12, $0xb8;
	[tilespmem:$0x2B00] =	vst v63  }
0x21: {  	s24 =	simm.s32 $0x300  }
0x22: {  	[spmem:s2] =	stream.indirect.scatter.add.f32 [tilespmem:s13], [sflag:$0x1], $0x1, s24, s12, $0xb8;
	[tilespmem:$0x2B00] =	vst v63  }
0x23: {  	s25 =	simm.s32 $0x380  }
0x24: {  	[spmem:s2] =	stream.indirect.scatter.add.f32 [tilespmem:s13], [sflag:$0x1], $0x1, s25, s12, $0xb8;
	[tilespmem:$0x2B00] =	vst v63  }
0x25: {  	s26 =	simm.s32 $0x400  }
0x26: {  	[spmem:s2] =	stream.indirect.scatter.add.f32 [tilespmem:s13], [sflag:$0x1], $0x1, s26, s12, $0xb8;
	[tilespmem:$0x2B00] =	vst v63  }
0x27: {  	s28 =	simm.s32 $0x480  }
0x28: {  	[spmem:s2] =	stream.indirect.scatter.add.f32 [tilespmem:s13], [sflag:$0x1], $0x1, s28, s12, $0xb8;
	[tilespmem:$0x2B00] =	vst v63  }
0x29: {  	s29 =	simm.s32 $0x500  }
0x2a: {  	[spmem:s2] =	stream.indirect.scatter.add.f32 [tilespmem:s13], [sflag:$0x1], $0x1, s29, s12, $0xb8;
	[tilespmem:$0x2B00] =	vst v63  }
0x2b: {  	s30 =	simm.s32 $0x580  }
0x2c: {  	[spmem:s2] =	stream.indirect.scatter.add.f32 [tilespmem:s13], [sflag:$0x1], $0x1, s30, s12, $0xb8;
	[tilespmem:$0x2B00] =	vst v63  }
0x2d: {  	s31 =	simm.s32 $0x600  }
0x2e: {  	[spmem:s2] =	stream.indirect.scatter.add.f32 [tilespmem:s13], [sflag:$0x1], $0x1, s31, s12, $0xb8;
	[tilespmem:$0x2B00] =	vst v63  }
0x2f: {  	_ =	swait.ge [sflag:s14], $0x80  }
0x30: {  	[sflag:s14] =	ssyncset.done $0x0  }
0x31: {  	[sflag:s14] =	ssyncadd.s32 $0xFFFFFF80  }
0x32: {  	_ =	swait.ge [sflag:s14], $0x80  }
0x33: {  	[sflag:s14] =	ssyncset.done $0x0  }
0x34: {  	[sflag:s14] =	ssyncadd.s32 $0xFFFFFF80  }
0x35: {  	_ =	swait.ge [sflag:s14], $0x80  }
0x36: {  	[sflag:s14] =	ssyncset.done $0x0  }
0x37: {  	[sflag:s14] =	ssyncadd.s32 $0xFFFFFF80  }
0x38: {  	_ =	swait.ge [sflag:s14], $0x80  }
0x39: {  	[sflag:s14] =	ssyncset.done $0x0  }
0x3a: {  	[sflag:s14] =	ssyncadd.s32 $0xFFFFFF80  }
0x3b: {  	_ =	swait.ge [sflag:s14], $0x80  }
0x3c: {  	[sflag:s14] =	ssyncset.done $0x0  }
0x3d: {  	[sflag:s14] =	ssyncadd.s32 $0xFFFFFF80  }
0x3e: {  	_ =	swait.ge [sflag:s14], $0x80  }
0x3f: {  	[sflag:s14] =	ssyncset.done $0x0  }
0x40: {  	[sflag:s14] =	ssyncadd.s32 $0xFFFFFF80  }
0x41: {  	_ =	swait.ge [sflag:s14], $0x80  }
0x42: {  	[sflag:s14] =	ssyncset.done $0x0  }
0x43: {  	[sflag:s14] =	ssyncadd.s32 $0xFFFFFF80  }
0x44: {  	_ =	swait.ge [sflag:s14], $0x80  }
0x45: {  	s19 =	simm.s32 $0x2000;
	s18 =	simm.s32 $0x400;
	[sflag:s14] =	ssyncset.done $0x0  }
.LBB2_2:
0x46: {  	s20 =	sadd.s32 $0x280, s18  }
0x47: {  	[sflag:s14] =	ssyncadd.s32 $0xFFFFFF80;
	s17 =	smov.u32 s19;
	s16 =	sadd.s32 $0x1000, s19  }
0x48: {  	[spmem:s2] =	stream.indirect.scatter.add.f32 [tilespmem:s13], [sflag:$0x1], $0x1, s20, s12, $0xb8;
	[tilespmem:$0x2B00] =	vst v63  }
0x49: {  	p0 =	sne.s32 s19, $0x9000;
	s19 =	sadd.s32 $0x300, s18  }
0x4a: {  	[spmem:s2] =	stream.indirect.scatter.add.f32 [tilespmem:s13], [sflag:$0x1], $0x1, s19, s12, $0xb8;
	[tilespmem:$0x2B00] =	vst v63  }
0x4b: {  	s19 =	sadd.s32 $0x380, s18  }
0x4c: {  	[spmem:s2] =	stream.indirect.scatter.add.f32 [tilespmem:s13], [sflag:$0x1], $0x1, s19, s12, $0xb8;
	[tilespmem:$0x2B00] =	vst v63  }
0x4d: {  	s19 =	sadd.s32 $0x400, s18  }
0x4e: {  	[spmem:s2] =	stream.indirect.scatter.add.f32 [tilespmem:s13], [sflag:$0x1], $0x1, s19, s12, $0xb8;
	[tilespmem:$0x2B00] =	vst v63  }
0x4f: {  	s19 =	sadd.s32 $0x480, s18  }
0x50: {  	[spmem:s2] =	stream.indirect.scatter.add.f32 [tilespmem:s13], [sflag:$0x1], $0x1, s19, s12, $0xb8;
	[tilespmem:$0x2B00] =	vst v63  }
0x51: {  	s19 =	sadd.s32 $0x500, s18  }
0x52: {  	[spmem:s2] =	stream.indirect.scatter.add.f32 [tilespmem:s13], [sflag:$0x1], $0x1, s19, s12, $0xb8;
	[tilespmem:$0x2B00] =	vst v63  }
0x53: {  	s19 =	sadd.s32 $0x580, s18  }
0x54: {  	[spmem:s2] =	stream.indirect.scatter.add.f32 [tilespmem:s13], [sflag:$0x1], $0x1, s19, s12, $0xb8;
	[tilespmem:$0x2B00] =	vst v63  }
0x55: {  	s18 =	sadd.s32 $0x600, s18  }
0x56: {  	[spmem:s2] =	stream.indirect.scatter.add.f32 [tilespmem:s13], [sflag:$0x1], $0x1, s18, s12, $0xb8;
	[tilespmem:$0x2B00] =	vst v63  }
0x57: {  	_ =	swait.ge [sflag:s14], $0x80  }
0x58: {  	[sflag:s14] =	ssyncset.done $0x0  }
0x59: {  	[sflag:s14] =	ssyncadd.s32 $0xFFFFFF80  }
0x5a: {  	_ =	swait.ge [sflag:s14], $0x80  }
0x5b: {  	[sflag:s14] =	ssyncset.done $0x0  }
0x5c: {  	[sflag:s14] =	ssyncadd.s32 $0xFFFFFF80  }
0x5d: {  	_ =	swait.ge [sflag:s14], $0x80  }
0x5e: {  	[sflag:s14] =	ssyncset.done $0x0  }
0x5f: {  	[sflag:s14] =	ssyncadd.s32 $0xFFFFFF80  }
0x60: {  	_ =	swait.ge [sflag:s14], $0x80  }
0x61: {  	[sflag:s14] =	ssyncset.done $0x0  }
0x62: {  	[sflag:s14] =	ssyncadd.s32 $0xFFFFFF80  }
0x63: {  	_ =	swait.ge [sflag:s14], $0x80  }
0x64: {  	[sflag:s14] =	ssyncset.done $0x0  }
0x65: {  	[sflag:s14] =	ssyncadd.s32 $0xFFFFFF80  }
0x66: {  	_ =	swait.ge [sflag:s14], $0x80  }
0x67: {  	[sflag:s14] =	ssyncset.done $0x0  }
0x68: {  	[sflag:s14] =	ssyncadd.s32 $0xFFFFFF80  }
.Ltmp0:
0x69: {  	_ =	swait.ge [sflag:s14], $0x80;
	(pc) =	sbr.rel @p0 .LBB2_2-.Ltmp0, $4  }
0x6a: {  	[sflag:s14] =	ssyncset.done $0x0  }
0x6b: {  	[sflag:s14] =	ssyncadd.s32 $0xFFFFFF80  }
0x6c: {  	_ =	swait.ge [sflag:s14], $0x80  }
0x6d: {  	s19 =	smov.u32 s16;
	s18 =	sshra.s32 s17, $0x2;
	[sflag:s14] =	ssyncset.done $0x0  }
0x6e: {  	s16 =	sadd.s32 $0x280, s18;
	[sflag:s14] =	ssyncadd.s32 $0xFFFFFF80  }
0x6f: {  	[spmem:s2] =	stream.indirect.scatter.add.f32 [tilespmem:s13], [sflag:$0x1], $0x1, s16, s12, $0xb8;
	[tilespmem:$0x2B00] =	vst v63  }
0x70: {  	s24 =	sadd.s32 $0x300, s18  }
0x71: {  	[spmem:s2] =	stream.indirect.scatter.add.f32 [tilespmem:s13], [sflag:$0x1], $0x1, s24, s12, $0xb8;
	[tilespmem:$0x2B00] =	vst v63  }
0x72: {  	s25 =	sadd.s32 $0x380, s18  }
0x73: {  	[spmem:s2] =	stream.indirect.scatter.add.f32 [tilespmem:s13], [sflag:$0x1], $0x1, s25, s12, $0xb8;
	[tilespmem:$0x2B00] =	vst v63  }
0x74: {  	s26 =	sadd.s32 $0x400, s18  }
0x75: {  	[spmem:s2] =	stream.indirect.scatter.add.f32 [tilespmem:s13], [sflag:$0x1], $0x1, s26, s12, $0xb8;
	[tilespmem:$0x2B00] =	vst v63  }
0x76: {  	s28 =	sadd.s32 $0x480, s18  }
0x77: {  	[spmem:s2] =	stream.indirect.scatter.add.f32 [tilespmem:s13], [sflag:$0x1], $0x1, s28, s12, $0xb8;
	[tilespmem:$0x2B00] =	vst v63  }
0x78: {  	s29 =	sadd.s32 $0x500, s18  }
0x79: {  	[spmem:s2] =	stream.indirect.scatter.add.f32 [tilespmem:s13], [sflag:$0x1], $0x1, s29, s12, $0xb8;
	[tilespmem:$0x2B00] =	vst v63  }
0x7a: {  	s30 =	sadd.s32 $0x580, s18  }
0x7b: {  	[spmem:s2] =	stream.indirect.scatter.add.f32 [tilespmem:s13], [sflag:$0x1], $0x1, s30, s12, $0xb8;
	[tilespmem:$0x2B00] =	vst v63  }
0x7c: {  	s31 =	sadd.s32 $0x600, s18  }
0x7d: {  	[spmem:s2] =	stream.indirect.scatter.add.f32 [tilespmem:s13], [sflag:$0x1], $0x1, s31, s12, $0xb8;
	[tilespmem:$0x2B00] =	vst v63  }
0x7e: {  	_ =	swait.ge [sflag:s14], $0x80  }
0x7f: {  	[sflag:s14] =	ssyncset.done $0x0  }
0x80: {  	[sflag:s14] =	ssyncadd.s32 $0xFFFFFF80  }
0x81: {  	_ =	swait.ge [sflag:s14], $0x80  }
0x82: {  	[sflag:s14] =	ssyncset.done $0x0  }
0x83: {  	[sflag:s14] =	ssyncadd.s32 $0xFFFFFF80  }
0x84: {  	_ =	swait.ge [sflag:s14], $0x80  }
0x85: {  	[sflag:s14] =	ssyncset.done $0x0  }
0x86: {  	[sflag:s14] =	ssyncadd.s32 $0xFFFFFF80  }
0x87: {  	_ =	swait.ge [sflag:s14], $0x80  }
0x88: {  	[sflag:s14] =	ssyncset.done $0x0  }
0x89: {  	[sflag:s14] =	ssyncadd.s32 $0xFFFFFF80  }
0x8a: {  	_ =	swait.ge [sflag:s14], $0x80  }
0x8b: {  	[sflag:s14] =	ssyncset.done $0x0  }
0x8c: {  	[sflag:s14] =	ssyncadd.s32 $0xFFFFFF80  }
0x8d: {  	_ =	swait.ge [sflag:s14], $0x80  }
0x8e: {  	[sflag:s14] =	ssyncset.done $0x0  }
0x8f: {  	[sflag:s14] =	ssyncadd.s32 $0xFFFFFF80  }
0x90: {  	_ =	swait.ge [sflag:s14], $0x80  }
0x91: {  	[sflag:s14] =	ssyncset.done $0x0  }
0x92: {  	[sflag:s14] =	ssyncadd.s32 $0xFFFFFF80  }
0x93: {  	_ =	swait.ge [sflag:s14], $0x80  }
0x94: {  	s15 =	sadd.s32 $0x1, s15;
	[sflag:s14] =	ssyncset.done $0x0  }
0x95: {  	p0 =	sne.s32 s15, s8;
	[sflag:s14] =	ssyncadd.s32 $0xFFFFFF80  }
.Ltmp1:
0x96: {  	[bflag:$0x0] =	sbarrier.arrive $0xFFFF;
	(pc) =	sbr.rel @p0 .LBB2_1-.Ltmp1, $4  }
0x97: {  	[hbm:s7], [sflag:s5] =	dma.local [spmem:s9], $0x50  }
0x98: {  	_ =	swait.ge [sflag:s10], $0x50  }
0x99: {  	[sflag:s10] =	ssyncset.done $0x0  }
0x9a: {  	[sflag:s10] =	ssyncadd.s32 $0xFFFFFFB0  }
0x9b: {  	_ =	sfence.sel $0x180000  }
0x9c: {  	[bflag:$0x0] =	sbarrier.arrive $0xFFFF  }
0x9d: {  	p0 =	sne.s32 s0, $0x0;
	_ =	strace $0x90000047  }
0x9e: {  	s0 =	sadd.s32 @!p0 $0x100000, s1;
	[bflag:$0x2] =	sbarrier.arrive $0xFFFF  }
0x9f: {  	[sflag:s0] =	ssyncadd.tile.s32 @!p0 $0x1;
	_ =	shalt  }
.Lfunc_end2:
_tile_overlayer_lowered:
.L_overlay_start_2:
0xa0: {  	(tag) =	ssettag $0x2  }
0xa1: {  	s0 =	rddreg [dreg:$0x0];
	s2 =	stileid.u32  }
0xa2: {  	s1 =	rddreg [dreg:$0x1];
	p0 =	sne.s32 s2, $0x0  }
0xa3: {  	s3 =	rddreg [dreg:$0x2];
	[bflag:$0x3] =	sbarrier.arrive $0xFFFF;
	s2 =	simm.s32 @!p0 $0x1C02  }
0xa4: {  	[timem:s3], [sflag:s2] =	dma.local @!p0 [hbm:s0], s1  }
0xa5: {  	s0 =	simm.s32 @!p0 $0x2  }
0xa6: {  	_ =	swait.ge @!p0 [sflag:s0], s1  }
0xa7: {  	s1 =	ssub.s32 @!p0 $0x0, s1;
	[sflag:s0] =	ssyncset.done @!p0 $0x0  }
0xa8: {  	[sflag:s0] =	ssyncadd.s32 @!p0 s1  }
0xa9: {  	[bflag:$0x3] =	sbarrier.arrive $0xFFFF  }
0xaa: {  	_ =	shalt  }

// kernel: kernel.14.cloned.1.call-start
scs
__scs_entry_jumppad:
0x0: {  	(pc) =	sbr.rel $0x88, $3  }
0x1: {  	(tag) =	ssettag $0x0;
	lr =	simm.s32 $0x1  }
0x2: {  	[smem:$0x3F90] =	sst lr;
	_ =	strace $0xD0000000  }
0x3: {  	_ = 	snop  }
0x4: {  	_ = 	snop  }
0x5: {  	_ = 	snop  }
0x6: {  	_ = 	snop  }
0x7: {  	_ = 	snop  }
__scs_overlays_trampoline_lowered:
0x8: {  	[smem:$0x3F9F] =	sst s0  }
0x9: {  	[smem:$0x3FA0] =	sst s1  }
0xa: {  	[smem:$0x3FA1] =	sst s2  }
0xb: {  	[smem:$0x3FA2] =	sst s3  }
0xc: {  	[smem:$0x3FA3] =	sst s4  }
0xd: {  	[smem:$0x3FA4] =	sst s5  }
0xe: {  	[smem:$0x3FA5] =	sst s6  }
0xf: {  	[smem:$0x3FA6] =	sst s7  }
0x10: {  	[smem:$0x3FA7] =	sst s8  }
0x11: {  	[smem:$0x3FA8] =	sst s9;
	s0 =	simm.s32 @!p0 $0x0  }
0x12: {  	s1 =	sld [smem:$0x3F8E];
	s0 =	simm.s32 @p0 $0x1  }
0x13: {  	[smem:$0x3FA9] =	sst s0;
	s0 =	simm.s32 @!p1 $0x0  }
0x14: {  	s2 =	sld [smem:$0x3F8D];
	s0 =	simm.s32 @p1 $0x1  }
0x15: {  	[smem:$0x3FAA] =	sst s0;
	s0 =	simm.s32 @!p2 $0x0  }
0x16: {  	s3 =	sld [smem:$0x3FDB];
	s0 =	simm.s32 @p2 $0x1  }
0x17: {  	s4 =	simm.s32 $0x1BF5;
	[smem:$0x3FAC] =	sst s0  }
0x18: {  	s0 =	sld [smem:$0x3F8F];
	_ =	swait.ge [sflag:s4], $0x0  }
0x19: {  	s7 =	sld [smem:$0x3F90]  }
0x1a: {  	s8 =	sadd.s32 $0xFFFFE003, lr  }
0x1b: {  	s9 =	sadd.s32 $0xFFFFFEF7, lr;
	s5 =	simm.s32 $0xFFFFFFFF;
	p2 =	slt.u32 s8, $0xFFFFF086  }
0x1c: {  	p1 =	slt.u32 s9, $0xF7A;
	s5 =	simm.s32 @!p2 $0x0  }
0x1d: {  	s5 =	simm.s32 @p1 $0x1;
	p0 =	seq.s32 s7, s2  }
0x1e: {  	s7 =	smul.u32 @!p0 $0xF7A, s2;
	p2 =	seq.s32 @!p0 s5, $0x0  }
0x1f: {  	s9 =	smul.u32 $0xF7A, s1;
	s8 =	simm.s32 @!p0 $0x1BF5;
	p2 =	por !p2, p0  }
0x20: {  	[sflag:s8] =	ssyncset.s32 @!p0 $0xFFFFF086;
	s6 =	sadd.s32 @!p0 s3, s7;
	s7 =	simm.s32 @!p0 $0x108  }
0x21: {  	s3 =	sadd.s32 s3, s9;
	s6 =	sadd.s32 @!p0 $0x88, s6;
	s7 =	simm.s32 @p2 $0x1082  }
0x22: {  	[simem:s7], [sflag:s8] =	dma.local @!p0 [hbm:s6], $0xF7A  }
0x23: {  	s9 =	sor.u32 $0xD0000000, s2;
	s6 =	simm.s32 $0x108;
	_ =	swait.ge @!p0 [sflag:s8], $0x0  }
0x24: {  	s3 =	sadd.s32 $0x88, s3;
	s6 =	simm.s32 @!p1 $0x1082;
	[sflag:s4] =	ssyncset.s32 $0xFFFFF086  }
0x25: {  	[simem:s6], [sflag:s4] =	dma.local [hbm:s3], $0xF7A  }
0x26: {  	[smem:$0x3F90] =	sst s1;
	(tag) =	ssettag s2;
	_ =	strace s9  }
0x27: {  	s1 =	sld [smem:$0x3FA0]  }
0x28: {  	s2 =	sld [smem:$0x3FA1]  }
0x29: {  	s4 =	sld [smem:$0x3FA3]  }
0x2a: {  	p0 =	seq.s32 s5, $0x0;
	s5 =	sld [smem:$0x3FA4]  }
0x2b: {  	s6 =	sld [smem:$0x3FA5]  }
0x2c: {  	s7 =	sld [smem:$0x3FA6]  }
0x2d: {  	s3 =	simm.s32 $0x108;
	s8 =	sld [smem:$0x3FA7]  }
0x2e: {  	s3 =	simm.s32 @!p0 $0x1082;
	s9 =	sld [smem:$0x3FA8]  }
0x2f: {  	lr =	sadd.s32 s0, s3;
	s0 =	sld [smem:$0x3F9F]  }
0x30: {  	s3 =	sld [smem:$0x3FA2]  }
0x31: {  	[smem:$0x3FAB] =	sst s10  }
0x32: {  	s10 =	sld [smem:$0x3FA9];
	_ =	sdelay $0x3  }
0x33: {  	p0 =	seq.s32 s10, $0x1;
	s10 =	sld [smem:$0x3FAB];
	_ =	sdelay $0x3  }
0x34: {  	[smem:$0x3FAB] =	sst s10  }
0x35: {  	s10 =	sld [smem:$0x3FAA];
	_ =	sdelay $0x3  }
0x36: {  	p1 =	seq.s32 s10, $0x1;
	s10 =	sld [smem:$0x3FAB];
	_ =	sdelay $0x3  }
0x37: {  	[smem:$0x3FAB] =	sst s10  }
0x38: {  	s10 =	sld [smem:$0x3FAC]  }
0x39: {  	_ = 	snop;
	(pc) =	sbr.ind lr, $3  }
0x3a: {  	_ = 	snop  }
0x3b: {  	_ = 	snop  }
0x3c: {  	p2 =	seq.s32 s10, $0x1;
	s10 =	sld [smem:$0x3FAB]  }
0x3d: {  	_ =	shalt  }
0x3e: {  	_ =	shalt  }
0x3f: {  	_ =	shalt  }
0x40: {  	_ =	shalt  }
0x41: {  	_ =	shalt  }
0x42: {  	_ =	shalt  }
0x43: {  	_ =	shalt  }
0x44: {  	_ =	shalt  }
0x45: {  	_ =	shalt  }
0x46: {  	_ =	shalt  }
0x47: {  	_ =	shalt  }
0x48: {  	_ =	shalt  }
0x49: {  	_ =	shalt  }
0x4a: {  	_ =	shalt  }
0x4b: {  	_ =	shalt  }
0x4c: {  	_ =	shalt  }
0x4d: {  	_ =	shalt  }
0x4e: {  	_ =	shalt  }
0x4f: {  	_ =	shalt  }
0x50: {  	_ =	shalt  }
0x51: {  	_ =	shalt  }
0x52: {  	_ =	shalt  }
0x53: {  	_ =	shalt  }
0x54: {  	_ =	shalt  }
0x55: {  	_ =	shalt  }
0x56: {  	_ =	shalt  }
0x57: {  	_ =	shalt  }
0x58: {  	_ =	shalt  }
0x59: {  	_ =	shalt  }
0x5a: {  	_ =	shalt  }
0x5b: {  	_ =	shalt  }
0x5c: {  	_ =	shalt  }
0x5d: {  	_ =	shalt  }
0x5e: {  	_ =	shalt  }
0x5f: {  	_ =	shalt  }
0x60: {  	_ =	shalt  }
0x61: {  	_ =	shalt  }
0x62: {  	_ =	shalt  }
0x63: {  	_ =	shalt  }
0x64: {  	_ =	shalt  }
0x65: {  	_ =	shalt  }
0x66: {  	_ =	shalt  }
0x67: {  	_ =	shalt  }
0x68: {  	_ =	shalt  }
0x69: {  	_ =	shalt  }
0x6a: {  	_ =	shalt  }
0x6b: {  	_ =	shalt  }
0x6c: {  	_ =	shalt  }
0x6d: {  	_ =	shalt  }
0x6e: {  	_ =	shalt  }
0x6f: {  	_ =	shalt  }
0x70: {  	_ =	shalt  }
0x71: {  	_ =	shalt  }
0x72: {  	_ =	shalt  }
0x73: {  	_ =	shalt  }
0x74: {  	_ =	shalt  }
0x75: {  	_ =	shalt  }
0x76: {  	_ =	shalt  }
0x77: {  	_ =	shalt  }
0x78: {  	_ =	shalt  }
0x79: {  	_ =	shalt  }
0x7a: {  	_ =	shalt  }
0x7b: {  	_ =	shalt  }
0x7c: {  	_ =	shalt  }
0x7d: {  	_ =	shalt  }
0x7e: {  	_ =	shalt  }
0x7f: {  	_ =	shalt  }
0x80: {  	_ =	shalt  }
0x81: {  	_ =	shalt  }
0x82: {  	_ =	shalt  }
0x83: {  	_ =	shalt  }
0x84: {  	_ =	shalt  }
0x85: {  	_ =	shalt  }
0x86: {  	_ =	shalt  }
0x87: {  	_ =	shalt  }
.Lfunc_end0:
.L_simem_size_0:
called_computation.1_lowered:
.L_overlay_start_0:
0x88: {  	s2 =	sld [smem:$0x3FD9]  }
0x89: {  	s3 =	sld [smem:$0x3FFE];
	_ =	sdelay $0x1  }
0x8a: {  	s1 =	srdreg.scid  }
0x8b: {  	s0 =	sand.u32 $0x1, s1  }
0x8c: {  	s16 =	sshll.u32 s0, $0xA;
	s2 =	sadd.s32 s3, s2  }
0x8d: {  	s2 =	sadd.s32 s2, s16  }
0x8e: {  	[smem:$0x3FB7] =	sst s2  }
0x8f: {  	_ = 	snop  }
0x90: {  	(tm) =	ssettm $0x1  }
0x91: {  	s17 =	sld [smem:$0x3FFB];
	_ =	sdelay $0x3  }
0x92: {  	_ =	strace s17  }
0x93: {  	s2 =	sld [smem:$0x3FFC];
	_ =	sdelay $0x3  }
0x94: {  	_ =	strace s2  }
0x95: {  	s2 =	sld [smem:$0x3FFD];
	_ =	sdelay $0x3  }
0x96: {  	_ =	strace s2  }
0x97: {  	_ =	strace $0x8FFFFFFF  }
0x98: {  	s18 =	sld [smem:$0x3FDB];
	_ =	sdelay $0x1  }
0x99: {  	s19 =	simm.s32 $_scs_section_size  }
0x9a: {  	s4 =	simm.s32 $_size__tile_overlayer_lowered;
	s5 =	simm.s32 $_tile_overlayer_lowered  }
0x9b: {  	s22 =	simm.s32 $0x1BFF;
	s21 =	sshll.u32 s5, $0x1;
	s2 =	sadd.s32 s19, s18  }
0x9c: {  	s6 =	simm.s32 $0x0;
	s20 =	sshll.u32 s4, $0x1;
	s4 =	sadd.s32 s21, s2  }
0x9d: {  	[timem:s6], [sflag:s22] =	dma.local [hbm:s4], s20  }
0x9e: {  	_ =	swait.ge [sflag:s22], s20  }
0x9f: {  	s3 =	ssub.s32 $0x0, s20;
	[sflag:s22] =	ssyncset.done $0x0  }
0xa0: {  	[sflag:s22] =	ssyncadd.s32 s3;
	_ =	sdelay $0x1  }
0xa1: {  	s23 =	simm.s32 $0x1B8B  }
0xa2: {  	_ =	swait.ge [sflag:s23], $0x1  }
0xa3: {  	[sflag:s23] =	ssyncset.done $0x0  }
0xa4: {  	s25 =	simm.s32 $0x1B8E;
	s24 =	sld [smem:$0x3FFE];
	[sflag:s23] =	ssyncadd.s32 $0xFFFFFFFF  }
0xa5: {  	s26 =	simm.s32 $execute0_lowered;
	[smem:$0x3FD2] =	sst s25  }
0xa6: {  	s4 =	sshll.u32 s26, $0x1;
	_ =	strace $0x80000049;
	[dreg:$0x1] =	wrdreg $0xFFFFFFFF  }
0xa7: {  	s28 =	simm.s32 $_size_execute0_lowered;
	s2 =	sadd.s32 s2, s4;
	[dreg:$0x0] =	wrdreg $0x0  }
0xa8: {  	s4 =	sshll.u32 s28, $0x1;
	[dreg:$0x2] =	wrdreg s2  }
0xa9: {  	[dreg:$0x3] =	wrdreg s4  }
0xaa: {  	[dreg:$0x4] =	wrdreg $0xC0  }
0xab: {  	_ =	task [dreg:s6], $0x5FFFF  }
0xac: {  	[dreg:$0x1] =	wrdreg $0xFFFFFFFF  }
0xad: {  	[dreg:$0x0] =	wrdreg $0x60  }
0xae: {  	[dreg:$0x2] =	wrdreg s24  }
0xaf: {  	[dreg:$0x3] =	wrdreg $0x0  }
0xb0: {  	[dreg:$0x4] =	wrdreg $0x9  }
0xb1: {  	_ =	task.clear_ibuf [dreg:s6], $0x5FFFF;
	_ =	strace $0x90000049  }
0xb2: {  	s29 =	simm.s32 $0x9;
	_ =	strace $0x8000004B  }
0xb3: {  	_ =	swait.ge [sflag:s29], $0x1  }
0xb4: {  	[sflag:s29] =	ssyncadd.s32 $0xFFFFFFFF  }
0xb5: {  	_ =	strace $0x9000004B  }
0xb6: {  	_ =	sfence  }
0xb7: {  	s30 =	sld [smem:$0x0];
	_ =	sdelay $0x2  }
0xb8: {  	s31 =	sshll.u32 s1, $0xD;
	s1 =	sshrl.u32 s1, $0x2  }
0xb9: {  	s3 =	sand.u32 $0x4000, s31;
	s1 =	sadd.s32 s1, s30  }
0xba: {  	s0 =	sor.u32 s3, s0;
	s1 =	sshll.u32 s1, $0x11  }
0xbb: {  	s0 =	sor.u32 s1, s0  }
0xbc: {  	s0 =	sadd.s32 $0x8F2B, s0  }
0xbd: {  	[sflag:s0] =	ssyncadd.remote.s32 $0x1  }
0xbe: {  	_ =	sfence.sel $0xFFFF  }
0xbf: {  	[dreg:$0x0] =	wrdreg $0xFFFFFFFF;
	(pc) =	sbr.abs _section_cstart, $3  }
0xc0: {  	[dreg:$0x1] =	wrdreg $0xFFFFFFFF  }
0xc1: {  	_ =	task.clear_ibuf [dreg:s6], $0x2FFFF;
	_ =	strace $0x9FFFFFFF  }
0xc2: {  	(tm) =	ssettm $0x7FFFFFFF  }
0xc3: {  	_ =	shalt  }
tec
execute0_lowered:
.L_overlay_start_1:
0x0: {  	(tag) =	ssettag $0x1  }
0x1: {  	s0 =	srdreg.scid  }
0x2: {  	s9 =	stileid.u32;
	s3 =	rddreg [dreg:$0x0]  }
0x3: {  	s2 =	rddreg [dreg:$0x1];
	s4 =	simm.s32 $0x0;
	s12 =	simm.s32 $0x11  }
0x4: {  	s15 =	simm.s32 $0x80;
	s16 =	simm.s32 $0xB000;
	s23 =	simm.s32 $0x7800  }
0x5: {  	s17 =	simm.s32 $0x1;
	s24 =	simm.s32 $0x8000;
	s18 =	simm.s32 $0x2  }
0x6: {  	s25 =	simm.s32 $0x8800;
	s26 =	simm.s32 $0x9000;
	s28 =	simm.s32 $0x9800  }
0x7: {  	s29 =	simm.s32 $0xA000;
	s30 =	simm.s32 $0xA800;
	[smem:$0x7FF] =	sst s4  }
0x8: {  	s31 =	simm.s32 $0xE;
	_ =	strace $0x8000004A;
	[dreg:$0x3] =	wrdreg s23  }
0x9: {  	s13 =	simm.s32 $0x0;
	s0 =	sand.u32 $0x1, s0;
	[dreg:$0x4] =	wrdreg s24  }
0xa: {  	s1 =	sshll.u32 s9, $0x1;
	s5 =	smul.u32 $0x2800, s9;
	[dreg:$0x5] =	wrdreg s25  }
0xb: {  	s4 =	sadd.s32 $0x3F200, s3;
	s20 =	sshll.u32 s9, $0x6;
	[dreg:$0x6] =	wrdreg s26  }
0xc: {  	s1 =	sor.u32 s0, s1;
	s6 =	smul.u32 $0x28000, s0;
	[dreg:$0x7] =	wrdreg s28  }
0xd: {  	s0 =	ssub.s32 $0x2, s0;
	[dreg:$0x8] =	wrdreg s29;
	s23 =	simm.s32 $0x7  }
0xe: {  	[dreg:$0x9] =	wrdreg s30;
	s24 =	simm.s32 $0x8;
	s1 =	smul.u32 $0x500, s1  }
0xf: {  	s7 =	sshrl.u32 s5, $0x3;
	s8 =	sshrl.u32 s0, $0x1;
	s6 =	sadd.s32 s5, s6  }
0x10: {  	s7 =	sadd.s32 s7, s3;
	s0 =	ssub.s32 s0, s8;
	s5 =	sadd.s32 s5, s2  }
0x11: {  	s1 =	sadd.s32 s1, s3;
	s6 =	sshrl.u32 s6, $0x3;
	s19 =	sadd.s32 $0x44200, s7  }
0x12: {  	s0 =	smax.u32 s0, $0x1;
	s11 =	sshrl.u32 s5, $0x3;
	s3 =	sadd.s32 s6, s3  }
0x13: {  	[dreg:$0xa] =	wrdreg s19;
	s6 =	sor.u32 $0x1C11, s20;
	s21 =	sadd.s32 $0x3200, s1  }
0x14: {  	s1 =	sadd.s32 $0xD200, s1;
	[dreg:$0xe] =	wrdreg s0;
	s19 =	simm.s32 $0x3  }
0x15: {  	s20 =	simm.s32 $0x4;
	s0 =	simm.s32 $0x10;
	[dreg:$0xb] =	wrdreg s21  }
0x16: {  	[dreg:$0xc] =	wrdreg s1;
	s22 =	sadd.s32 $0x49200, s3;
	s21 =	simm.s32 $0x5  }
0x17: {  	s1 =	simm.s32 $0xF;
	[dreg:$0xd] =	wrdreg s22;
	s22 =	simm.s32 $0x6  }
.LBB2_1:
0x18: {  	s3 =	rddreg [dreg:$0xa]  }
0x19: {  	[spmem:s11], [sflag:s6] =	dma.local [hbm:s3], $0x500  }
0x1a: {  	_ =	swait.ge [sflag:s12], $0x500  }
0x1b: {  	s28 =	simm.s32 $0x0;
	[sflag:s12] =	ssyncset.done $0x0  }
0x1c: {  	s7 =	simm.s32 $0x2800;
	s5 =	rddreg [dreg:$0xb];
	[sflag:s12] =	ssyncadd.s32 $0xFFFFFB00  }
0x1d: {  	[tilespmem:s7], [sflag:$0x11] =	stream.linear.gather [hbm4b:s5+s28], $0x2800, $0x38;
	[tilespmem:$0xB800] =	vst v63  }
0x1e: {  	_ =	swait.ge [sflag:s12], $0x2800  }
0x1f: {  	[sflag:s12] =	ssyncset.done $0x0  }
0x20: {  	s30 =	simm.s32 $0x5000;
	s29 =	rddreg [dreg:$0xc];
	[sflag:s12] =	ssyncadd.s32 $0xFFFFD800  }
0x21: {  	[tilespmem:s30], [sflag:$0x11] =	stream.linear.gather [hbm4b:s29+s28], $0x2800, $0x38;
	[tilespmem:$0xB800] =	vst v63  }
0x22: {  	_ =	swait.ge [sflag:s12], $0x2800  }
0x23: {  	[sflag:s12] =	ssyncset.done $0x0  }
0x24: {  	p0 =	por $0x0, $0x0;
	[sflag:s12] =	ssyncadd.s32 $0xFFFFD800  }
0x25: {  	s3 =	simm.s32 @p0 $0x9;
	[bflag:$0x0] =	sbarrier.arrive $0xFFFF  }
0x26: {  	_ =	swait.ge @p0 [sflag:s3], $0x800  }
0x27: {  	s8 =	simm.s32 @p0 $0x80;
	s5 =	simm.s32 @p0 $0xA;
	[sflag:s3] =	ssyncset.done @p0 $0x0  }
0x28: {  	s7 =	simm.s32 @p0 $0x7800;
	[sflag:s3] =	ssyncadd.s32 @p0 $0xFFFFF800;
	s3 =	simm.s32 @p0 $0x2800  }
0x29: {  	[tilespmem:s7], [sflag:$0x1] =	stream.indirect.gather @p0 [hbm4b:s4+s8], $0x10, s3, s8, $0xb8;
	[tilespmem:$0xB800] =	vst v63  }
0x2a: {  	_ =	swait.ge @p0 [sflag:s5], $0x800  }
0x2b: {  	s3 =	simm.s32 @p0 $0x2880;
	[sflag:s5] =	ssyncset.done @p0 $0x0  }
0x2c: {  	s7 =	simm.s32 @p0 $0xB;
	[sflag:s5] =	ssyncadd.s32 @p0 $0xFFFFF800;
	s5 =	simm.s32 @p0 $0x8000  }
0x2d: {  	[tilespmem:s5], [sflag:$0x2] =	stream.indirect.gather @p0 [hbm4b:s4+s8], $0x10, s3, s8, $0xb8;
	[tilespmem:$0xB800] =	vst v63  }
0x2e: {  	_ =	swait.ge @p0 [sflag:s7], $0x800  }
0x2f: {  	s3 =	simm.s32 @p0 $0x2900;
	[sflag:s7] =	ssyncset.done @p0 $0x0  }
0x30: {  	s5 =	simm.s32 @p0 $0x8800;
	[sflag:s7] =	ssyncadd.s32 @p0 $0xFFFFF800;
	s7 =	simm.s32 @p0 $0xC  }
0x31: {  	[tilespmem:s5], [sflag:$0x3] =	stream.indirect.gather @p0 [hbm4b:s4+s8], $0x10, s3, s8, $0xb8;
	[tilespmem:$0xB800] =	vst v63  }
0x32: {  	_ =	swait.ge @p0 [sflag:s7], $0x800  }
0x33: {  	s3 =	simm.s32 @p0 $0x2980;
	[sflag:s7] =	ssyncset.done @p0 $0x0  }
0x34: {  	s5 =	simm.s32 @p0 $0x9000;
	[sflag:s7] =	ssyncadd.s32 @p0 $0xFFFFF800;
	s7 =	simm.s32 @p0 $0xD  }
0x35: {  	[tilespmem:s5], [sflag:$0x4] =	stream.indirect.gather @p0 [hbm4b:s4+s8], $0x10, s3, s8, $0xb8;
	[tilespmem:$0xB800] =	vst v63  }
0x36: {  	_ =	swait.ge @p0 [sflag:s7], $0x800  }
0x37: {  	s3 =	simm.s32 @p0 $0x2A00;
	[sflag:s7] =	ssyncset.done @p0 $0x0  }
0x38: {  	s5 =	simm.s32 @p0 $0x9800;
	[sflag:s7] =	ssyncadd.s32 @p0 $0xFFFFF800;
	s7 =	simm.s32 @p0 $0xE  }
0x39: {  	[tilespmem:s5], [sflag:$0x5] =	stream.indirect.gather @p0 [hbm4b:s4+s8], $0x10, s3, s8, $0xb8;
	[tilespmem:$0xB800] =	vst v63  }
0x3a: {  	_ =	swait.ge @p0 [sflag:s7], $0x800  }
0x3b: {  	s3 =	simm.s32 @p0 $0x2A80;
	[sflag:s7] =	ssyncset.done @p0 $0x0  }
0x3c: {  	s5 =	simm.s32 @p0 $0xA000;
	[sflag:s7] =	ssyncadd.s32 @p0 $0xFFFFF800;
	s7 =	simm.s32 @p0 $0xF  }
0x3d: {  	[tilespmem:s5], [sflag:$0x6] =	stream.indirect.gather @p0 [hbm4b:s4+s8], $0x10, s3, s8, $0xb8;
	[tilespmem:$0xB800] =	vst v63  }
0x3e: {  	_ =	swait.ge @p0 [sflag:s7], $0x800  }
0x3f: {  	s3 =	simm.s32 @p0 $0x2B00;
	[sflag:s7] =	ssyncset.done @p0 $0x0  }
0x40: {  	s5 =	simm.s32 @p0 $0xA800;
	[sflag:s7] =	ssyncadd.s32 @p0 $0xFFFFF800;
	s7 =	simm.s32 @p0 $0x10  }
0x41: {  	[tilespmem:s5], [sflag:$0x7] =	stream.indirect.gather @p0 [hbm4b:s4+s8], $0x10, s3, s8, $0xb8;
	[tilespmem:$0xB800] =	vst v63  }
0x42: {  	_ =	swait.ge @p0 [sflag:s7], $0x800  }
0x43: {  	s3 =	simm.s32 @!p0 $0x7800;
	[sflag:s7] =	ssyncset.done @p0 $0x0  }
0x44: {  	s5 =	simm.s32 @!p0 $0x2800;
	[sflag:s7] =	ssyncadd.s32 @p0 $0xFFFFF800;
	s7 =	simm.s32 @!p0 $0x80  }
0x45: {  	[tilespmem:s3], [sflag:$0x1] =	stream.indirect.gather @!p0 [hbm4b:s4+s7], $0x10, s5, s7, $0xb8;
	[tilespmem:$0xB800] =	vst v63  }
0x46: {  	s3 =	simm.s32 @!p0 $0x2880;
	s5 =	simm.s32 @!p0 $0x8000  }
0x47: {  	[tilespmem:s5], [sflag:$0x2] =	stream.indirect.gather @!p0 [hbm4b:s4+s7], $0x10, s3, s7, $0xb8;
	[tilespmem:$0xB800] =	vst v63  }
0x48: {  	s3 =	simm.s32 @!p0 $0x2900;
	s5 =	simm.s32 @!p0 $0x8800  }
0x49: {  	[tilespmem:s5], [sflag:$0x3] =	stream.indirect.gather @!p0 [hbm4b:s4+s7], $0x10, s3, s7, $0xb8;
	[tilespmem:$0xB800] =	vst v63  }
0x4a: {  	s3 =	simm.s32 @!p0 $0x2980;
	s5 =	simm.s32 @!p0 $0x9000  }
0x4b: {  	[tilespmem:s5], [sflag:$0x4] =	stream.indirect.gather @!p0 [hbm4b:s4+s7], $0x10, s3, s7, $0xb8;
	[tilespmem:$0xB800] =	vst v63  }
0x4c: {  	s3 =	simm.s32 @!p0 $0x2A00;
	s5 =	simm.s32 @!p0 $0x9800  }
0x4d: {  	[tilespmem:s5], [sflag:$0x5] =	stream.indirect.gather @!p0 [hbm4b:s4+s7], $0x10, s3, s7, $0xb8;
	[tilespmem:$0xB800] =	vst v63  }
0x4e: {  	s3 =	simm.s32 @!p0 $0x2A80;
	s5 =	simm.s32 @!p0 $0xA000  }
0x4f: {  	[tilespmem:s5], [sflag:$0x6] =	stream.indirect.gather @!p0 [hbm4b:s4+s7], $0x10, s3, s7, $0xb8;
	[tilespmem:$0xB800] =	vst v63  }
0x50: {  	s3 =	simm.s32 @!p0 $0x2B00;
	s5 =	simm.s32 @!p0 $0xA800  }
0x51: {  	[tilespmem:s5], [sflag:$0x7] =	stream.indirect.gather @!p0 [hbm4b:s4+s7], $0x10, s3, s7, $0xb8;
	[tilespmem:$0xB800] =	vst v63  }
0x52: {  	s8 =	simm.s32 $0x2B80  }
0x53: {  	[tilespmem:s16], [sflag:$0x8] =	stream.indirect.gather [hbm4b:s4+s15], $0x10, s8, s15, $0xb8;
	[tilespmem:$0xB800] =	vst v63  }
0x54: {  	_ =	swait.ge [sflag:s17], $0x800  }
0x55: {  	[sflag:s17] =	ssyncset.done $0x0  }
0x56: {  	s10 =	simm.s32 $0x5000;
	s9 =	rddreg [dreg:$0x3];
	[sflag:s17] =	ssyncadd.s32 $0xFFFFF800  }
0x57: {  	[spmem:s2] =	stream.indirect.scatter.add.f32 [tilespmem:s9], [sflag:$0x9], $0x10, s10, s15, $0xb8;
	[tilespmem:$0xB800] =	vst v63  }
0x58: {  	s3 =	simm.s32 @p0 $0x80;
	_ =	swait.ge [sflag:s18], $0x800  }
0x59: {  	s3 =	simm.s32 @!p0 $0x80;
	[sflag:s18] =	ssyncset.done $0x0  }
0x5a: {  	s3 =	sadd.s32 $0x5000, s3;
	s14 =	rddreg [dreg:$0x4];
	[sflag:s18] =	ssyncadd.s32 $0xFFFFF800  }
0x5b: {  	[spmem:s2] =	stream.indirect.scatter.add.f32 [tilespmem:s14], [sflag:$0xA], $0x10, s3, s15, $0xb8;
	[tilespmem:$0xB800] =	vst v63  }
0x5c: {  	s3 =	simm.s32 @p0 $0x100;
	_ =	swait.ge [sflag:s19], $0x800  }
0x5d: {  	s3 =	simm.s32 @!p0 $0x100;
	[sflag:s19] =	ssyncset.done $0x0  }
0x5e: {  	s25 =	rddreg [dreg:$0x5];
	s3 =	sadd.s32 $0x5000, s3;
	[sflag:s19] =	ssyncadd.s32 $0xFFFFF800  }
0x5f: {  	[spmem:s2] =	stream.indirect.scatter.add.f32 [tilespmem:s25], [sflag:$0xB], $0x10, s3, s15, $0xb8;
	[tilespmem:$0xB800] =	vst v63  }
0x60: {  	s3 =	simm.s32 @p0 $0x180;
	_ =	swait.ge [sflag:s20], $0x800  }
0x61: {  	s3 =	simm.s32 @!p0 $0x180;
	[sflag:s20] =	ssyncset.done $0x0  }
0x62: {  	s26 =	rddreg [dreg:$0x6];
	s3 =	sadd.s32 $0x5000, s3;
	[sflag:s20] =	ssyncadd.s32 $0xFFFFF800  }
0x63: {  	[spmem:s2] =	stream.indirect.scatter.add.f32 [tilespmem:s26], [sflag:$0xC], $0x10, s3, s15, $0xb8;
	[tilespmem:$0xB800] =	vst v63  }
0x64: {  	s3 =	simm.s32 @p0 $0x200;
	_ =	swait.ge [sflag:s21], $0x800  }
0x65: {  	s3 =	simm.s32 @!p0 $0x200;
	[sflag:s21] =	ssyncset.done $0x0  }
0x66: {  	s28 =	rddreg [dreg:$0x7];
	s3 =	sadd.s32 $0x5000, s3;
	[sflag:s21] =	ssyncadd.s32 $0xFFFFF800  }
0x67: {  	[spmem:s2] =	stream.indirect.scatter.add.f32 [tilespmem:s28], [sflag:$0xD], $0x10, s3, s15, $0xb8;
	[tilespmem:$0xB800] =	vst v63  }
0x68: {  	s3 =	simm.s32 @p0 $0x280;
	_ =	swait.ge [sflag:s22], $0x800  }
0x69: {  	s5 =	simm.s32 $0x300;
	s3 =	simm.s32 @!p0 $0x280;
	[sflag:s22] =	ssyncset.done $0x0  }
0x6a: {  	s29 =	rddreg [dreg:$0x8];
	s3 =	sadd.s32 $0x5000, s3;
	[sflag:s22] =	ssyncadd.s32 $0xFFFFF800  }
0x6b: {  	[spmem:s2] =	stream.indirect.scatter.add.f32 [tilespmem:s29], [sflag:$0xE], $0x10, s3, s15, $0xb8;
	[tilespmem:$0xB800] =	vst v63  }
0x6c: {  	s5 =	simm.s32 @!p0 $0x300;
	_ =	swait.ge [sflag:s23], $0x800  }
0x6d: {  	s5 =	sadd.s32 $0x5000, s5;
	[sflag:s23] =	ssyncset.done $0x0  }
0x6e: {  	s8 =	simm.s32 $0x5380;
	s30 =	rddreg [dreg:$0x9];
	[sflag:s23] =	ssyncadd.s32 $0xFFFFF800  }
0x6f: {  	[spmem:s2] =	stream.indirect.scatter.add.f32 [tilespmem:s30], [sflag:$0xF], $0x10, s5, s15, $0xb8;
	[tilespmem:$0xB800] =	vst v63  }
0x70: {  	s14 =	simm.s32 $0x700;
	p0 =	por $0x1, $0x1;
	_ =	swait.ge [sflag:s24], $0x800  }
0x71: {  	s3 =	simm.s32 $0x1000;
	s5 =	simm.s32 $0x2000;
	[sflag:s24] =	ssyncset.done $0x0  }
.LBB2_2:
0x72: {  	s9 =	simm.s32 @p0 $0x9;
	[sflag:s24] =	ssyncadd.s32 $0xFFFFF800  }
0x73: {  	[spmem:s2] =	stream.indirect.scatter.add.f32 [tilespmem:s16], [sflag:$0x10], $0x10, s8, s15, $0xb8;
	[tilespmem:$0xB800] =	vst v63  }
0x74: {  	s10 =	simm.s32 @p0 $0xA;
	_ =	swait.ge @p0 [sflag:s9], $0x800  }
0x75: {  	s25 =	sshra.s32 @p0 s3, $0x2;
	s26 =	simm.s32 @p0 $0x7800;
	[sflag:s9] =	ssyncset.done @p0 $0x0  }
0x76: {  	s8 =	simm.s32 @p0 $0x80;
	[sflag:s9] =	ssyncadd.s32 @p0 $0xFFFFF800;
	s9 =	sadd.s32 @p0 $0x2800, s25  }
0x77: {  	[tilespmem:s26], [sflag:$0x1] =	stream.indirect.gather @p0 [hbm4b:s4+s8], $0x10, s9, s8, $0xb8;
	[tilespmem:$0xB800] =	vst v63  }
0x78: {  	_ =	swait.ge @p0 [sflag:s10], $0x800  }
0x79: {  	s30 =	simm.s32 @p0 $0xB;
	s28 =	sadd.s32 @p0 $0x2980, s25;
	[sflag:s10] =	ssyncset.done @p0 $0x0  }
0x7a: {  	s9 =	sadd.s32 @p0 $0x2880, s25;
	[sflag:s10] =	ssyncadd.s32 @p0 $0xFFFFF800;
	s10 =	simm.s32 @p0 $0x8000  }
0x7b: {  	[tilespmem:s10], [sflag:$0x2] =	stream.indirect.gather @p0 [hbm4b:s4+s8], $0x10, s9, s8, $0xb8;
	[tilespmem:$0xB800] =	vst v63  }
0x7c: {  	s29 =	sadd.s32 @p0 $0x2A00, s25;
	s26 =	sadd.s32 @p0 $0x2900, s25;
	_ =	swait.ge @p0 [sflag:s30], $0x800  }
0x7d: {  	s9 =	sadd.s32 @p0 $0x2A80, s25;
	s10 =	sadd.s32 @p0 $0x2B00, s25;
	[sflag:s30] =	ssyncset.done @p0 $0x0  }
0x7e: {  	s25 =	simm.s32 @p0 $0x8800;
	[sflag:s30] =	ssyncadd.s32 @p0 $0xFFFFF800;
	s30 =	simm.s32 @p0 $0xC  }
0x7f: {  	[tilespmem:s25], [sflag:$0x3] =	stream.indirect.gather @p0 [hbm4b:s4+s8], $0x10, s26, s8, $0xb8;
	[tilespmem:$0xB800] =	vst v63  }
0x80: {  	_ =	swait.ge @p0 [sflag:s30], $0x800  }
0x81: {  	[sflag:s30] =	ssyncset.done @p0 $0x0  }
0x82: {  	s25 =	simm.s32 @p0 $0x9000;
	s26 =	simm.s32 @p0 $0xD;
	[sflag:s30] =	ssyncadd.s32 @p0 $0xFFFFF800  }
0x83: {  	[tilespmem:s25], [sflag:$0x4] =	stream.indirect.gather @p0 [hbm4b:s4+s8], $0x10, s28, s8, $0xb8;
	[tilespmem:$0xB800] =	vst v63  }
0x84: {  	_ =	swait.ge @p0 [sflag:s26], $0x800  }
0x85: {  	[sflag:s26] =	ssyncset.done @p0 $0x0  }
0x86: {  	s25 =	simm.s32 @p0 $0x9800;
	[sflag:s26] =	ssyncadd.s32 @p0 $0xFFFFF800;
	s26 =	simm.s32 @p0 $0xE  }
0x87: {  	[tilespmem:s25], [sflag:$0x5] =	stream.indirect.gather @p0 [hbm4b:s4+s8], $0x10, s29, s8, $0xb8;
	[tilespmem:$0xB800] =	vst v63  }
0x88: {  	_ =	swait.ge @p0 [sflag:s26], $0x800  }
0x89: {  	[sflag:s26] =	ssyncset.done @p0 $0x0  }
0x8a: {  	s25 =	simm.s32 @p0 $0xA000;
	[sflag:s26] =	ssyncadd.s32 @p0 $0xFFFFF800;
	s26 =	simm.s32 @p0 $0xF  }
0x8b: {  	[tilespmem:s25], [sflag:$0x6] =	stream.indirect.gather @p0 [hbm4b:s4+s8], $0x10, s9, s8, $0xb8;
	[tilespmem:$0xB800] =	vst v63  }
0x8c: {  	_ =	swait.ge @p0 [sflag:s26], $0x800  }
0x8d: {  	[sflag:s26] =	ssyncset.done @p0 $0x0  }
0x8e: {  	s9 =	simm.s32 @p0 $0xA800;
	s25 =	simm.s32 @p0 $0x10;
	[sflag:s26] =	ssyncadd.s32 @p0 $0xFFFFF800  }
0x8f: {  	[tilespmem:s9], [sflag:$0x7] =	stream.indirect.gather @p0 [hbm4b:s4+s8], $0x10, s10, s8, $0xb8;
	[tilespmem:$0xB800] =	vst v63  }
0x90: {  	_ =	swait.ge @p0 [sflag:s25], $0x800  }
0x91: {  	s8 =	sshra.s32 @!p0 s3, $0x2;
	s9 =	simm.s32 @!p0 $0x7800;
	[sflag:s25] =	ssyncset.done @p0 $0x0  }
0x92: {  	s10 =	simm.s32 @!p0 $0x80;
	s8 =	sadd.s32 @!p0 $0x2800, s8;
	[sflag:s25] =	ssyncadd.s32 @p0 $0xFFFFF800  }
0x93: {  	[tilespmem:s9], [sflag:$0x1] =	stream.indirect.gather @!p0 [hbm4b:s4+s10], $0x10, s8, s10, $0xb8;
	[tilespmem:$0xB800] =	vst v63  }
0x94: {  	s8 =	simm.s32 @!p0 $0x2880;
	s9 =	simm.s32 @!p0 $0x8000  }
0x95: {  	[tilespmem:s9], [sflag:$0x2] =	stream.indirect.gather @!p0 [hbm4b:s4+s10], $0x10, s8, s10, $0xb8;
	[tilespmem:$0xB800] =	vst v63  }
0x96: {  	s8 =	simm.s32 @!p0 $0x2900;
	s9 =	simm.s32 @!p0 $0x8800  }
0x97: {  	[tilespmem:s9], [sflag:$0x3] =	stream.indirect.gather @!p0 [hbm4b:s4+s10], $0x10, s8, s10, $0xb8;
	[tilespmem:$0xB800] =	vst v63  }
0x98: {  	s8 =	simm.s32 @!p0 $0x2980;
	s9 =	simm.s32 @!p0 $0x9000  }
0x99: {  	[tilespmem:s9], [sflag:$0x4] =	stream.indirect.gather @!p0 [hbm4b:s4+s10], $0x10, s8, s10, $0xb8;
	[tilespmem:$0xB800] =	vst v63  }
0x9a: {  	s8 =	simm.s32 @!p0 $0x2A00;
	s9 =	simm.s32 @!p0 $0x9800  }
0x9b: {  	[tilespmem:s9], [sflag:$0x5] =	stream.indirect.gather @!p0 [hbm4b:s4+s10], $0x10, s8, s10, $0xb8;
	[tilespmem:$0xB800] =	vst v63  }
0x9c: {  	s8 =	simm.s32 @!p0 $0x2A80;
	s9 =	simm.s32 @!p0 $0xA000  }
0x9d: {  	[tilespmem:s9], [sflag:$0x6] =	stream.indirect.gather @!p0 [hbm4b:s4+s10], $0x10, s8, s10, $0xb8;
	[tilespmem:$0xB800] =	vst v63  }
0x9e: {  	s25 =	simm.s32 @!p0 $0xA800;
	s9 =	simm.s32 @!p0 $0x2B00;
	s8 =	sshra.s32 s3, $0x2  }
0x9f: {  	[tilespmem:s25], [sflag:$0x7] =	stream.indirect.gather @!p0 [hbm4b:s4+s10], $0x10, s9, s10, $0xb8;
	[tilespmem:$0xB800] =	vst v63  }
0xa0: {  	s28 =	sadd.s32 $0x2B80, s8  }
0xa1: {  	[tilespmem:s16], [sflag:$0x8] =	stream.indirect.gather [hbm4b:s4+s15], $0x10, s28, s15, $0xb8;
	[tilespmem:$0xB800] =	vst v63  }
0xa2: {  	_ =	swait.ge [sflag:s17], $0x800  }
0xa3: {  	s7 =	smov.u32 s5;
	[sflag:s17] =	ssyncset.done $0x0  }
0xa4: {  	s30 =	sadd.s32 $0x5000, s8;
	s29 =	rddreg [dreg:$0x3];
	[sflag:s17] =	ssyncadd.s32 $0xFFFFF800  }
0xa5: {  	[spmem:s2] =	stream.indirect.scatter.add.f32 [tilespmem:s29], [sflag:$0x9], $0x10, s30, s15, $0xb8;
	[tilespmem:$0xB800] =	vst v63  }
0xa6: {  	s3 =	smov.u32 s7;
	s7 =	sadd.s32 @p0 $0xFFFFFD80, s14;
	_ =	swait.ge [sflag:s18], $0x800  }
0xa7: {  	s7 =	simm.s32 @!p0 $0x80;
	[sflag:s18] =	ssyncset.done $0x0  }
0xa8: {  	s7 =	sadd.s32 $0x5000, s7;
	s10 =	rddreg [dreg:$0x4];
	[sflag:s18] =	ssyncadd.s32 $0xFFFFF800  }
0xa9: {  	[spmem:s2] =	stream.indirect.scatter.add.f32 [tilespmem:s10], [sflag:$0xA], $0x10, s7, s15, $0xb8;
	[tilespmem:$0xB800] =	vst v63  }
0xaa: {  	s7 =	sadd.s32 @p0 $0xFFFFFE00, s14;
	_ =	swait.ge [sflag:s19], $0x800  }
0xab: {  	s7 =	simm.s32 @!p0 $0x100;
	[sflag:s19] =	ssyncset.done $0x0  }
0xac: {  	s25 =	rddreg [dreg:$0x5];
	s7 =	sadd.s32 $0x5000, s7;
	[sflag:s19] =	ssyncadd.s32 $0xFFFFF800  }
0xad: {  	[spmem:s2] =	stream.indirect.scatter.add.f32 [tilespmem:s25], [sflag:$0xB], $0x10, s7, s15, $0xb8;
	[tilespmem:$0xB800] =	vst v63  }
0xae: {  	s7 =	sadd.s32 @p0 $0xFFFFFE80, s14;
	_ =	swait.ge [sflag:s20], $0x800  }
0xaf: {  	s7 =	simm.s32 @!p0 $0x180;
	[sflag:s20] =	ssyncset.done $0x0  }
0xb0: {  	s26 =	rddreg [dreg:$0x6];
	s7 =	sadd.s32 $0x5000, s7;
	[sflag:s20] =	ssyncadd.s32 $0xFFFFF800  }
0xb1: {  	[spmem:s2] =	stream.indirect.scatter.add.f32 [tilespmem:s26], [sflag:$0xC], $0x10, s7, s15, $0xb8;
	[tilespmem:$0xB800] =	vst v63  }
0xb2: {  	s7 =	sadd.s32 @p0 $0xFFFFFF00, s14;
	_ =	swait.ge [sflag:s21], $0x800  }
0xb3: {  	s7 =	simm.s32 @!p0 $0x200;
	[sflag:s21] =	ssyncset.done $0x0  }
0xb4: {  	s28 =	rddreg [dreg:$0x7];
	s7 =	sadd.s32 $0x5000, s7;
	[sflag:s21] =	ssyncadd.s32 $0xFFFFF800  }
0xb5: {  	[spmem:s2] =	stream.indirect.scatter.add.f32 [tilespmem:s28], [sflag:$0xD], $0x10, s7, s15, $0xb8;
	[tilespmem:$0xB800] =	vst v63  }
0xb6: {  	s7 =	sadd.s32 @p0 $0xFFFFFF80, s14;
	_ =	swait.ge [sflag:s22], $0x800  }
0xb7: {  	s5 =	sadd.s32 $0x1000, s5;
	s7 =	simm.s32 @!p0 $0x280;
	[sflag:s22] =	ssyncset.done $0x0  }
0xb8: {  	s29 =	rddreg [dreg:$0x8];
	s7 =	sadd.s32 $0x5000, s7;
	[sflag:s22] =	ssyncadd.s32 $0xFFFFF800  }
0xb9: {  	[spmem:s2] =	stream.indirect.scatter.add.f32 [tilespmem:s29], [sflag:$0xE], $0x10, s7, s15, $0xb8;
	[tilespmem:$0xB800] =	vst v63  }
0xba: {  	p1 =	sne.s32 s5, $0xA000;
	s9 =	smov.u32 s14;
	_ =	swait.ge [sflag:s23], $0x800  }
.Ltmp0:
0xbb: {  	s9 =	simm.s32 @!p0 $0x300;
	[sflag:s23] =	ssyncset.done $0x0;
	(pc) =	sbr.rel @p1 .LBB2_2-.Ltmp0, $4  }
0xbc: {  	s9 =	sadd.s32 $0x5000, s9;
	s30 =	rddreg [dreg:$0x9];
	[sflag:s23] =	ssyncadd.s32 $0xFFFFF800  }
0xbd: {  	[spmem:s2] =	stream.indirect.scatter.add.f32 [tilespmem:s30], [sflag:$0xF], $0x10, s9, s15, $0xb8;
	[tilespmem:$0xB800] =	vst v63  }
0xbe: {  	s8 =	sadd.s32 $0x5380, s8;
	_ =	swait.ge [sflag:s24], $0x800  }
0xbf: {  	s14 =	sadd.s32 $0x400, s14;
	p0 =	sne.s32 s3, $0x0;
	[sflag:s24] =	ssyncset.done $0x0  }
0xc0: {  	s5 =	simm.s32 @p0 $0x9;
	[sflag:s24] =	ssyncadd.s32 $0xFFFFF800  }
0xc1: {  	[spmem:s2] =	stream.indirect.scatter.add.f32 [tilespmem:s16], [sflag:$0x10], $0x10, s8, s15, $0xb8;
	[tilespmem:$0xB800] =	vst v63  }
0xc2: {  	_ =	swait.ge @p0 [sflag:s5], $0x800  }
0xc3: {  	s7 =	sshra.s32 @p0 s3, $0x2;
	s9 =	simm.s32 @p0 $0x80;
	[sflag:s5] =	ssyncset.done @p0 $0x0  }
0xc4: {  	s8 =	simm.s32 @p0 $0x7800;
	[sflag:s5] =	ssyncadd.s32 @p0 $0xFFFFF800;
	s5 =	sadd.s32 @p0 $0x2800, s7  }
0xc5: {  	[tilespmem:s8], [sflag:$0x1] =	stream.indirect.gather @p0 [hbm4b:s4+s9], $0x10, s5, s9, $0xb8;
	[tilespmem:$0xB800] =	vst v63  }
0xc6: {  	s5 =	simm.s32 @p0 $0xA  }
0xc7: {  	_ =	swait.ge @p0 [sflag:s5], $0x800  }
0xc8: {  	[sflag:s5] =	ssyncset.done @p0 $0x0  }
0xc9: {  	s8 =	sadd.s32 @p0 $0x2880, s7;
	[sflag:s5] =	ssyncadd.s32 @p0 $0xFFFFF800;
	s5 =	simm.s32 @p0 $0x8000  }
0xca: {  	[tilespmem:s5], [sflag:$0x2] =	stream.indirect.gather @p0 [hbm4b:s4+s9], $0x10, s8, s9, $0xb8;
	[tilespmem:$0xB800] =	vst v63  }
0xcb: {  	s5 =	simm.s32 @p0 $0xB  }
0xcc: {  	_ =	swait.ge @p0 [sflag:s5], $0x800  }
0xcd: {  	[sflag:s5] =	ssyncset.done @p0 $0x0  }
0xce: {  	s8 =	sadd.s32 @p0 $0x2900, s7;
	[sflag:s5] =	ssyncadd.s32 @p0 $0xFFFFF800;
	s5 =	simm.s32 @p0 $0x8800  }
0xcf: {  	[tilespmem:s5], [sflag:$0x3] =	stream.indirect.gather @p0 [hbm4b:s4+s9], $0x10, s8, s9, $0xb8;
	[tilespmem:$0xB800] =	vst v63  }
0xd0: {  	s5 =	simm.s32 @p0 $0xC  }
0xd1: {  	_ =	swait.ge @p0 [sflag:s5], $0x800  }
0xd2: {  	[sflag:s5] =	ssyncset.done @p0 $0x0  }
0xd3: {  	s8 =	sadd.s32 @p0 $0x2980, s7;
	[sflag:s5] =	ssyncadd.s32 @p0 $0xFFFFF800;
	s5 =	simm.s32 @p0 $0x9000  }
0xd4: {  	[tilespmem:s5], [sflag:$0x4] =	stream.indirect.gather @p0 [hbm4b:s4+s9], $0x10, s8, s9, $0xb8;
	[tilespmem:$0xB800] =	vst v63  }
0xd5: {  	s5 =	simm.s32 @p0 $0xD  }
0xd6: {  	_ =	swait.ge @p0 [sflag:s5], $0x800  }
0xd7: {  	[sflag:s5] =	ssyncset.done @p0 $0x0  }
0xd8: {  	s8 =	sadd.s32 @p0 $0x2A00, s7;
	[sflag:s5] =	ssyncadd.s32 @p0 $0xFFFFF800;
	s5 =	simm.s32 @p0 $0x9800  }
0xd9: {  	[tilespmem:s5], [sflag:$0x5] =	stream.indirect.gather @p0 [hbm4b:s4+s9], $0x10, s8, s9, $0xb8;
	[tilespmem:$0xB800] =	vst v63  }
0xda: {  	s5 =	simm.s32 @p0 $0xE  }
0xdb: {  	_ =	swait.ge @p0 [sflag:s5], $0x800  }
0xdc: {  	[sflag:s5] =	ssyncset.done @p0 $0x0  }
0xdd: {  	s8 =	sadd.s32 @p0 $0x2A80, s7;
	[sflag:s5] =	ssyncadd.s32 @p0 $0xFFFFF800;
	s5 =	simm.s32 @p0 $0xA000  }
0xde: {  	[tilespmem:s5], [sflag:$0x6] =	stream.indirect.gather @p0 [hbm4b:s4+s9], $0x10, s8, s9, $0xb8;
	[tilespmem:$0xB800] =	vst v63  }
0xdf: {  	s5 =	simm.s32 @p0 $0xF  }
0xe0: {  	_ =	swait.ge @p0 [sflag:s5], $0x800  }
0xe1: {  	[sflag:s5] =	ssyncset.done @p0 $0x0  }
0xe2: {  	s7 =	sadd.s32 @p0 $0x2B00, s7;
	[sflag:s5] =	ssyncadd.s32 @p0 $0xFFFFF800;
	s5 =	simm.s32 @p0 $0xA800  }
0xe3: {  	[tilespmem:s5], [sflag:$0x7] =	stream.indirect.gather @p0 [hbm4b:s4+s9], $0x10, s7, s9, $0xb8;
	[tilespmem:$0xB800] =	vst v63  }
0xe4: {  	s5 =	simm.s32 @p0 $0x10  }
0xe5: {  	_ =	swait.ge @p0 [sflag:s5], $0x800  }
0xe6: {  	s8 =	simm.s32 @!p0 $0x7800;
	s7 =	sshra.s32 @!p0 s3, $0x2;
	[sflag:s5] =	ssyncset.done @p0 $0x0  }
0xe7: {  	[sflag:s5] =	ssyncadd.s32 @p0 $0xFFFFF800;
	s5 =	sadd.s32 @!p0 $0x2800, s7;
	s7 =	simm.s32 @!p0 $0x80  }
0xe8: {  	[tilespmem:s8], [sflag:$0x1] =	stream.indirect.gather @!p0 [hbm4b:s4+s7], $0x10, s5, s7, $0xb8;
	[tilespmem:$0xB800] =	vst v63  }
0xe9: {  	s5 =	simm.s32 @!p0 $0x2880;
	s8 =	simm.s32 @!p0 $0x8000  }
0xea: {  	[tilespmem:s8], [sflag:$0x2] =	stream.indirect.gather @!p0 [hbm4b:s4+s7], $0x10, s5, s7, $0xb8;
	[tilespmem:$0xB800] =	vst v63  }
0xeb: {  	s5 =	simm.s32 @!p0 $0x2900;
	s8 =	simm.s32 @!p0 $0x8800  }
0xec: {  	[tilespmem:s8], [sflag:$0x3] =	stream.indirect.gather @!p0 [hbm4b:s4+s7], $0x10, s5, s7, $0xb8;
	[tilespmem:$0xB800] =	vst v63  }
0xed: {  	s5 =	simm.s32 @!p0 $0x2980;
	s8 =	simm.s32 @!p0 $0x9000  }
0xee: {  	[tilespmem:s8], [sflag:$0x4] =	stream.indirect.gather @!p0 [hbm4b:s4+s7], $0x10, s5, s7, $0xb8;
	[tilespmem:$0xB800] =	vst v63  }
0xef: {  	s5 =	simm.s32 @!p0 $0x2A00;
	s8 =	simm.s32 @!p0 $0x9800  }
0xf0: {  	[tilespmem:s8], [sflag:$0x5] =	stream.indirect.gather @!p0 [hbm4b:s4+s7], $0x10, s5, s7, $0xb8;
	[tilespmem:$0xB800] =	vst v63  }
0xf1: {  	s5 =	simm.s32 @!p0 $0x2A80;
	s8 =	simm.s32 @!p0 $0xA000  }
0xf2: {  	[tilespmem:s8], [sflag:$0x6] =	stream.indirect.gather @!p0 [hbm4b:s4+s7], $0x10, s5, s7, $0xb8;
	[tilespmem:$0xB800] =	vst v63  }
0xf3: {  	s3 =	sshra.s32 s3, $0x2;
	s5 =	simm.s32 @!p0 $0x2B00;
	s8 =	simm.s32 @!p0 $0xA800  }
0xf4: {  	[tilespmem:s8], [sflag:$0x7] =	stream.indirect.gather @!p0 [hbm4b:s4+s7], $0x10, s5, s7, $0xb8;
	[tilespmem:$0xB800] =	vst v63  }
0xf5: {  	s8 =	sadd.s32 $0x2B80, s3  }
0xf6: {  	[tilespmem:s16], [sflag:$0x8] =	stream.indirect.gather [hbm4b:s4+s15], $0x10, s8, s15, $0xb8;
	[tilespmem:$0xB800] =	vst v63  }
0xf7: {  	_ =	swait.ge [sflag:s17], $0x800  }
0xf8: {  	[sflag:s17] =	ssyncset.done $0x0  }
0xf9: {  	s10 =	sadd.s32 $0x5000, s3;
	s9 =	rddreg [dreg:$0x3];
	[sflag:s17] =	ssyncadd.s32 $0xFFFFF800  }
0xfa: {  	[spmem:s2] =	stream.indirect.scatter.add.f32 [tilespmem:s9], [sflag:$0x9], $0x10, s10, s15, $0xb8;
	[tilespmem:$0xB800] =	vst v63  }
0xfb: {  	s5 =	sadd.s32 @p0 $0xFFFFFD80, s14;
	_ =	swait.ge [sflag:s18], $0x800  }
0xfc: {  	s5 =	simm.s32 @!p0 $0x80;
	[sflag:s18] =	ssyncset.done $0x0  }
0xfd: {  	s5 =	sadd.s32 $0x5000, s5;
	s25 =	rddreg [dreg:$0x4];
	[sflag:s18] =	ssyncadd.s32 $0xFFFFF800  }
0xfe: {  	[spmem:s2] =	stream.indirect.scatter.add.f32 [tilespmem:s25], [sflag:$0xA], $0x10, s5, s15, $0xb8;
	[tilespmem:$0xB800] =	vst v63  }
0xff: {  	s5 =	sadd.s32 @p0 $0xFFFFFE00, s14;
	_ =	swait.ge [sflag:s19], $0x800  }
0x100: {  	s5 =	simm.s32 @!p0 $0x100;
	[sflag:s19] =	ssyncset.done $0x0  }
0x101: {  	s26 =	rddreg [dreg:$0x5];
	s5 =	sadd.s32 $0x5000, s5;
	[sflag:s19] =	ssyncadd.s32 $0xFFFFF800  }
0x102: {  	[spmem:s2] =	stream.indirect.scatter.add.f32 [tilespmem:s26], [sflag:$0xB], $0x10, s5, s15, $0xb8;
	[tilespmem:$0xB800] =	vst v63  }
0x103: {  	s5 =	sadd.s32 @p0 $0xFFFFFE80, s14;
	_ =	swait.ge [sflag:s20], $0x800  }
0x104: {  	s5 =	simm.s32 @!p0 $0x180;
	[sflag:s20] =	ssyncset.done $0x0  }
0x105: {  	s28 =	rddreg [dreg:$0x6];
	s5 =	sadd.s32 $0x5000, s5;
	[sflag:s20] =	ssyncadd.s32 $0xFFFFF800  }
0x106: {  	[spmem:s2] =	stream.indirect.scatter.add.f32 [tilespmem:s28], [sflag:$0xC], $0x10, s5, s15, $0xb8;
	[tilespmem:$0xB800] =	vst v63  }
0x107: {  	s5 =	sadd.s32 @p0 $0xFFFFFF00, s14;
	_ =	swait.ge [sflag:s21], $0x800  }
0x108: {  	s5 =	simm.s32 @!p0 $0x200;
	[sflag:s21] =	ssyncset.done $0x0  }
0x109: {  	s29 =	rddreg [dreg:$0x7];
	s5 =	sadd.s32 $0x5000, s5;
	[sflag:s21] =	ssyncadd.s32 $0xFFFFF800  }
0x10a: {  	[spmem:s2] =	stream.indirect.scatter.add.f32 [tilespmem:s29], [sflag:$0xD], $0x10, s5, s15, $0xb8;
	[tilespmem:$0xB800] =	vst v63  }
0x10b: {  	s5 =	sadd.s32 @p0 $0xFFFFFF80, s14;
	_ =	swait.ge [sflag:s22], $0x800  }
0x10c: {  	s5 =	simm.s32 @!p0 $0x280;
	[sflag:s22] =	ssyncset.done $0x0  }
0x10d: {  	s30 =	rddreg [dreg:$0x8];
	s5 =	sadd.s32 $0x5000, s5;
	[sflag:s22] =	ssyncadd.s32 $0xFFFFF800  }
0x10e: {  	[spmem:s2] =	stream.indirect.scatter.add.f32 [tilespmem:s30], [sflag:$0xE], $0x10, s5, s15, $0xb8;
	[tilespmem:$0xB800] =	vst v63  }
0x10f: {  	_ =	swait.ge [sflag:s23], $0x800  }
0x110: {  	s14 =	simm.s32 @!p0 $0x300;
	[sflag:s23] =	ssyncset.done $0x0  }
0x111: {  	s9 =	sadd.s32 $0x5000, s14;
	s8 =	rddreg [dreg:$0x9];
	[sflag:s23] =	ssyncadd.s32 $0xFFFFF800  }
0x112: {  	[spmem:s2] =	stream.indirect.scatter.add.f32 [tilespmem:s8], [sflag:$0xF], $0x10, s9, s15, $0xb8;
	[tilespmem:$0xB800] =	vst v63  }
0x113: {  	_ =	swait.ge [sflag:s24], $0x800  }
0x114: {  	[sflag:s24] =	ssyncset.done $0x0  }
0x115: {  	s3 =	sadd.s32 $0x5380, s3;
	s10 =	simm.s32 $0x9;
	[sflag:s24] =	ssyncadd.s32 $0xFFFFF800  }
0x116: {  	[spmem:s2] =	stream.indirect.scatter.add.f32 [tilespmem:s16], [sflag:$0x10], $0x10, s3, s15, $0xb8;
	[tilespmem:$0xB800] =	vst v63  }
0x117: {  	_ =	swait.ge [sflag:s10], $0x800  }
0x118: {  	[sflag:s10] =	ssyncset.done $0x0  }
0x119: {  	s14 =	simm.s32 $0xA;
	[sflag:s10] =	ssyncadd.s32 $0xFFFFF800  }
0x11a: {  	_ =	swait.ge [sflag:s14], $0x800  }
0x11b: {  	[sflag:s14] =	ssyncset.done $0x0  }
0x11c: {  	s25 =	simm.s32 $0xB;
	[sflag:s14] =	ssyncadd.s32 $0xFFFFF800  }
0x11d: {  	_ =	swait.ge [sflag:s25], $0x800  }
0x11e: {  	[sflag:s25] =	ssyncset.done $0x0  }
0x11f: {  	s26 =	simm.s32 $0xC;
	[sflag:s25] =	ssyncadd.s32 $0xFFFFF800  }
0x120: {  	_ =	swait.ge [sflag:s26], $0x800  }
0x121: {  	[sflag:s26] =	ssyncset.done $0x0  }
0x122: {  	s28 =	simm.s32 $0xD;
	[sflag:s26] =	ssyncadd.s32 $0xFFFFF800  }
0x123: {  	_ =	swait.ge [sflag:s28], $0x800  }
0x124: {  	[sflag:s28] =	ssyncset.done $0x0  }
0x125: {  	[sflag:s28] =	ssyncadd.s32 $0xFFFFF800  }
0x126: {  	_ =	swait.ge [sflag:s31], $0x800  }
0x127: {  	[sflag:s31] =	ssyncset.done $0x0  }
0x128: {  	[sflag:s31] =	ssyncadd.s32 $0xFFFFF800  }
0x129: {  	_ =	swait.ge [sflag:s1], $0x800  }
0x12a: {  	[sflag:s1] =	ssyncset.done $0x0  }
0x12b: {  	[sflag:s1] =	ssyncadd.s32 $0xFFFFF800  }
0x12c: {  	_ =	swait.ge [sflag:s0], $0x800  }
0x12d: {  	[sflag:s0] =	ssyncset.done $0x0  }
0x12e: {  	[sflag:s0] =	ssyncadd.s32 $0xFFFFF800  }
0x12f: {  	[bflag:$0x0] =	sbarrier.arrive $0xFFFF  }
0x130: {  	s29 =	rddreg [dreg:$0xd]  }
0x131: {  	[hbm:s29], [sflag:s6] =	dma.local [spmem:s11], $0x500  }
0x132: {  	_ =	swait.ge [sflag:s12], $0x500  }
0x133: {  	s13 =	sadd.s32 $0x1, s13;
	s30 =	rddreg [dreg:$0xe]  }
0x134: {  	p0 =	sne.s32 s13, s30  }
.Ltmp1:
0x135: {  	_ = 	snop;
	(pc) =	sbr.rel @p0 .LBB2_1-.Ltmp1, $3  }
0x136: {  	_ =	sdelay $0x1  }
0x137: {  	[sflag:s12] =	ssyncset.done $0x0  }
0x138: {  	[sflag:s12] =	ssyncadd.s32 $0xFFFFFB00  }
0x139: {  	_ =	sfence.sel $0x180000  }
0x13a: {  	[bflag:$0x0] =	sbarrier.arrive $0xFFFF  }
0x13b: {  	_ =	strace $0x9000004A  }
0x13c: {  	s0 =	stileid.u32;
	[bflag:$0x2] =	sbarrier.arrive $0xFFFF  }
0x13d: {  	p0 =	sne.s32 s0, $0x0;
	s0 =	rddreg [dreg:$0x2]  }
0x13e: {  	s0 =	sadd.s32 @!p0 $0x100000, s0  }
0x13f: {  	[sflag:s0] =	ssyncadd.tile.s32 @!p0 $0x1;
	_ =	shalt  }
.Lfunc_end2:
_tile_overlayer_lowered:
.L_overlay_start_2:
0x140: {  	(tag) =	ssettag $0x2  }
0x141: {  	s0 =	rddreg [dreg:$0x0];
	s2 =	stileid.u32  }
0x142: {  	s1 =	rddreg [dreg:$0x1];
	p0 =	sne.s32 s2, $0x0  }
0x143: {  	s3 =	rddreg [dreg:$0x2];
	[bflag:$0x3] =	sbarrier.arrive $0xFFFF;
	s2 =	simm.s32 @!p0 $0x1C11  }
0x144: {  	[timem:s3], [sflag:s2] =	dma.local @!p0 [hbm:s0], s1  }
0x145: {  	s0 =	simm.s32 @!p0 $0x11  }
0x146: {  	_ =	swait.ge @!p0 [sflag:s0], s1  }
0x147: {  	s1 =	ssub.s32 @!p0 $0x0, s1;
	[sflag:s0] =	ssyncset.done @!p0 $0x0  }
0x148: {  	[sflag:s0] =	ssyncadd.s32 @!p0 s1  }
0x149: {  	[bflag:$0x3] =	sbarrier.arrive $0xFFFF  }
0x14a: {  	_ =	shalt  }

// kernel: kernel.17.cloned.1.call-start
scs
__scs_entry_jumppad:
0x0: {  	(pc) =	sbr.rel $0x88, $3  }
0x1: {  	(tag) =	ssettag $0x0;
	lr =	simm.s32 $0x1  }
0x2: {  	[smem:$0x3F90] =	sst lr;
	_ =	strace $0xD0000000  }
0x3: {  	_ = 	snop  }
0x4: {  	_ = 	snop  }
0x5: {  	_ = 	snop  }
0x6: {  	_ = 	snop  }
0x7: {  	_ = 	snop  }
__scs_overlays_trampoline_lowered:
0x8: {  	[smem:$0x3F9F] =	sst s0  }
0x9: {  	[smem:$0x3FA0] =	sst s1  }
0xa: {  	[smem:$0x3FA1] =	sst s2  }
0xb: {  	[smem:$0x3FA2] =	sst s3  }
0xc: {  	[smem:$0x3FA3] =	sst s4  }
0xd: {  	[smem:$0x3FA4] =	sst s5  }
0xe: {  	[smem:$0x3FA5] =	sst s6  }
0xf: {  	[smem:$0x3FA6] =	sst s7  }
0x10: {  	[smem:$0x3FA7] =	sst s8  }
0x11: {  	[smem:$0x3FA8] =	sst s9;
	s0 =	simm.s32 @!p0 $0x0  }
0x12: {  	s1 =	sld [smem:$0x3F8E];
	s0 =	simm.s32 @p0 $0x1  }
0x13: {  	[smem:$0x3FA9] =	sst s0;
	s0 =	simm.s32 @!p1 $0x0  }
0x14: {  	s2 =	sld [smem:$0x3F8D];
	s0 =	simm.s32 @p1 $0x1  }
0x15: {  	[smem:$0x3FAA] =	sst s0;
	s0 =	simm.s32 @!p2 $0x0  }
0x16: {  	s3 =	sld [smem:$0x3FDB];
	s0 =	simm.s32 @p2 $0x1  }
0x17: {  	s4 =	simm.s32 $0x1BF5;
	[smem:$0x3FAC] =	sst s0  }
0x18: {  	s0 =	sld [smem:$0x3F8F];
	_ =	swait.ge [sflag:s4], $0x0  }
0x19: {  	s7 =	sld [smem:$0x3F90]  }
0x1a: {  	s8 =	sadd.s32 $0xFFFFE003, lr  }
0x1b: {  	s9 =	sadd.s32 $0xFFFFFEF7, lr;
	s5 =	simm.s32 $0xFFFFFFFF;
	p2 =	slt.u32 s8, $0xFFFFF086  }
0x1c: {  	p1 =	slt.u32 s9, $0xF7A;
	s5 =	simm.s32 @!p2 $0x0  }
0x1d: {  	s5 =	simm.s32 @p1 $0x1;
	p0 =	seq.s32 s7, s2  }
0x1e: {  	s7 =	smul.u32 @!p0 $0xF7A, s2;
	p2 =	seq.s32 @!p0 s5, $0x0  }
0x1f: {  	s9 =	smul.u32 $0xF7A, s1;
	s8 =	simm.s32 @!p0 $0x1BF5;
	p2 =	por !p2, p0  }
0x20: {  	[sflag:s8] =	ssyncset.s32 @!p0 $0xFFFFF086;
	s6 =	sadd.s32 @!p0 s3, s7;
	s7 =	simm.s32 @!p0 $0x108  }
0x21: {  	s3 =	sadd.s32 s3, s9;
	s6 =	sadd.s32 @!p0 $0x88, s6;
	s7 =	simm.s32 @p2 $0x1082  }
0x22: {  	[simem:s7], [sflag:s8] =	dma.local @!p0 [hbm:s6], $0xF7A  }
0x23: {  	s9 =	sor.u32 $0xD0000000, s2;
	s6 =	simm.s32 $0x108;
	_ =	swait.ge @!p0 [sflag:s8], $0x0  }
0x24: {  	s3 =	sadd.s32 $0x88, s3;
	s6 =	simm.s32 @!p1 $0x1082;
	[sflag:s4] =	ssyncset.s32 $0xFFFFF086  }
0x25: {  	[simem:s6], [sflag:s4] =	dma.local [hbm:s3], $0xF7A  }
0x26: {  	[smem:$0x3F90] =	sst s1;
	(tag) =	ssettag s2;
	_ =	strace s9  }
0x27: {  	s1 =	sld [smem:$0x3FA0]  }
0x28: {  	s2 =	sld [smem:$0x3FA1]  }
0x29: {  	s4 =	sld [smem:$0x3FA3]  }
0x2a: {  	p0 =	seq.s32 s5, $0x0;
	s5 =	sld [smem:$0x3FA4]  }
0x2b: {  	s6 =	sld [smem:$0x3FA5]  }
0x2c: {  	s7 =	sld [smem:$0x3FA6]  }
0x2d: {  	s3 =	simm.s32 $0x108;
	s8 =	sld [smem:$0x3FA7]  }
0x2e: {  	s3 =	simm.s32 @!p0 $0x1082;
	s9 =	sld [smem:$0x3FA8]  }
0x2f: {  	lr =	sadd.s32 s0, s3;
	s0 =	sld [smem:$0x3F9F]  }
0x30: {  	s3 =	sld [smem:$0x3FA2]  }
0x31: {  	[smem:$0x3FAB] =	sst s10  }
0x32: {  	s10 =	sld [smem:$0x3FA9];
	_ =	sdelay $0x3  }
0x33: {  	p0 =	seq.s32 s10, $0x1;
	s10 =	sld [smem:$0x3FAB];
	_ =	sdelay $0x3  }
0x34: {  	[smem:$0x3FAB] =	sst s10  }
0x35: {  	s10 =	sld [smem:$0x3FAA];
	_ =	sdelay $0x3  }
0x36: {  	p1 =	seq.s32 s10, $0x1;
	s10 =	sld [smem:$0x3FAB];
	_ =	sdelay $0x3  }
0x37: {  	[smem:$0x3FAB] =	sst s10  }
0x38: {  	s10 =	sld [smem:$0x3FAC]  }
0x39: {  	_ = 	snop;
	(pc) =	sbr.ind lr, $3  }
0x3a: {  	_ = 	snop  }
0x3b: {  	_ = 	snop  }
0x3c: {  	p2 =	seq.s32 s10, $0x1;
	s10 =	sld [smem:$0x3FAB]  }
0x3d: {  	_ =	shalt  }
0x3e: {  	_ =	shalt  }
0x3f: {  	_ =	shalt  }
0x40: {  	_ =	shalt  }
0x41: {  	_ =	shalt  }
0x42: {  	_ =	shalt  }
0x43: {  	_ =	shalt  }
0x44: {  	_ =	shalt  }
0x45: {  	_ =	shalt  }
0x46: {  	_ =	shalt  }
0x47: {  	_ =	shalt  }
0x48: {  	_ =	shalt  }
0x49: {  	_ =	shalt  }
0x4a: {  	_ =	shalt  }
0x4b: {  	_ =	shalt  }
0x4c: {  	_ =	shalt  }
0x4d: {  	_ =	shalt  }
0x4e: {  	_ =	shalt  }
0x4f: {  	_ =	shalt  }
0x50: {  	_ =	shalt  }
0x51: {  	_ =	shalt  }
0x52: {  	_ =	shalt  }
0x53: {  	_ =	shalt  }
0x54: {  	_ =	shalt  }
0x55: {  	_ =	shalt  }
0x56: {  	_ =	shalt  }
0x57: {  	_ =	shalt  }
0x58: {  	_ =	shalt  }
0x59: {  	_ =	shalt  }
0x5a: {  	_ =	shalt  }
0x5b: {  	_ =	shalt  }
0x5c: {  	_ =	shalt  }
0x5d: {  	_ =	shalt  }
0x5e: {  	_ =	shalt  }
0x5f: {  	_ =	shalt  }
0x60: {  	_ =	shalt  }
0x61: {  	_ =	shalt  }
0x62: {  	_ =	shalt  }
0x63: {  	_ =	shalt  }
0x64: {  	_ =	shalt  }
0x65: {  	_ =	shalt  }
0x66: {  	_ =	shalt  }
0x67: {  	_ =	shalt  }
0x68: {  	_ =	shalt  }
0x69: {  	_ =	shalt  }
0x6a: {  	_ =	shalt  }
0x6b: {  	_ =	shalt  }
0x6c: {  	_ =	shalt  }
0x6d: {  	_ =	shalt  }
0x6e: {  	_ =	shalt  }
0x6f: {  	_ =	shalt  }
0x70: {  	_ =	shalt  }
0x71: {  	_ =	shalt  }
0x72: {  	_ =	shalt  }
0x73: {  	_ =	shalt  }
0x74: {  	_ =	shalt  }
0x75: {  	_ =	shalt  }
0x76: {  	_ =	shalt  }
0x77: {  	_ =	shalt  }
0x78: {  	_ =	shalt  }
0x79: {  	_ =	shalt  }
0x7a: {  	_ =	shalt  }
0x7b: {  	_ =	shalt  }
0x7c: {  	_ =	shalt  }
0x7d: {  	_ =	shalt  }
0x7e: {  	_ =	shalt  }
0x7f: {  	_ =	shalt  }
0x80: {  	_ =	shalt  }
0x81: {  	_ =	shalt  }
0x82: {  	_ =	shalt  }
0x83: {  	_ =	shalt  }
0x84: {  	_ =	shalt  }
0x85: {  	_ =	shalt  }
0x86: {  	_ =	shalt  }
0x87: {  	_ =	shalt  }
.Lfunc_end0:
.L_simem_size_0:
called_computation.2_lowered:
.L_overlay_start_0:
0x88: {  	s2 =	sld [smem:$0x3FD9]  }
0x89: {  	s3 =	sld [smem:$0x3FFE];
	_ =	sdelay $0x1  }
0x8a: {  	s1 =	srdreg.scid  }
0x8b: {  	s0 =	sand.u32 $0x1, s1  }
0x8c: {  	s16 =	sshll.u32 s0, $0xA;
	s2 =	sadd.s32 s3, s2  }
0x8d: {  	s2 =	sadd.s32 s2, s16  }
0x8e: {  	[smem:$0x3FB7] =	sst s2  }
0x8f: {  	_ = 	snop  }
0x90: {  	(tm) =	ssettm $0x1  }
0x91: {  	s17 =	sld [smem:$0x3FFB];
	_ =	sdelay $0x3  }
0x92: {  	_ =	strace s17  }
0x93: {  	s2 =	sld [smem:$0x3FFC];
	_ =	sdelay $0x3  }
0x94: {  	_ =	strace s2  }
0x95: {  	s2 =	sld [smem:$0x3FFD];
	_ =	sdelay $0x3  }
0x96: {  	_ =	strace s2  }
0x97: {  	_ =	strace $0x8FFFFFFF  }
0x98: {  	s18 =	sld [smem:$0x3FDB];
	_ =	sdelay $0x1  }
0x99: {  	s19 =	simm.s32 $_scs_section_size  }
0x9a: {  	s4 =	simm.s32 $_size__tile_overlayer_lowered;
	s5 =	simm.s32 $_tile_overlayer_lowered  }
0x9b: {  	s22 =	simm.s32 $0x1BFF;
	s21 =	sshll.u32 s5, $0x1;
	s2 =	sadd.s32 s19, s18  }
0x9c: {  	s6 =	simm.s32 $0x0;
	s20 =	sshll.u32 s4, $0x1;
	s4 =	sadd.s32 s21, s2  }
0x9d: {  	[timem:s6], [sflag:s22] =	dma.local [hbm:s4], s20  }
0x9e: {  	_ =	swait.ge [sflag:s22], s20  }
0x9f: {  	s3 =	ssub.s32 $0x0, s20;
	[sflag:s22] =	ssyncset.done $0x0  }
0xa0: {  	[sflag:s22] =	ssyncadd.s32 s3;
	_ =	sdelay $0x1  }
0xa1: {  	s23 =	simm.s32 $0x1B8B  }
0xa2: {  	_ =	swait.ge [sflag:s23], $0x1  }
0xa3: {  	[sflag:s23] =	ssyncset.done $0x0  }
0xa4: {  	s25 =	simm.s32 $0x1B8E;
	s24 =	sld [smem:$0x3FFE];
	[sflag:s23] =	ssyncadd.s32 $0xFFFFFFFF  }
0xa5: {  	s26 =	simm.s32 $execute0_lowered;
	[smem:$0x3FD2] =	sst s25  }
0xa6: {  	s4 =	sshll.u32 s26, $0x1;
	_ =	strace $0x8000004C;
	[dreg:$0x1] =	wrdreg $0xFFFFFFFF  }
0xa7: {  	s28 =	simm.s32 $_size_execute0_lowered;
	s2 =	sadd.s32 s2, s4;
	[dreg:$0x0] =	wrdreg $0x0  }
0xa8: {  	s4 =	sshll.u32 s28, $0x1;
	[dreg:$0x2] =	wrdreg s2  }
0xa9: {  	[dreg:$0x3] =	wrdreg s4  }
0xaa: {  	[dreg:$0x4] =	wrdreg $0xC0  }
0xab: {  	_ =	task [dreg:s6], $0x5FFFF  }
0xac: {  	[dreg:$0x1] =	wrdreg $0xFFFFFFFF  }
0xad: {  	[dreg:$0x0] =	wrdreg $0x60  }
0xae: {  	[dreg:$0x2] =	wrdreg s24  }
0xaf: {  	[dreg:$0x3] =	wrdreg $0x0  }
0xb0: {  	[dreg:$0x4] =	wrdreg $0x9  }
0xb1: {  	_ =	task.clear_ibuf [dreg:s6], $0x5FFFF;
	_ =	strace $0x9000004C  }
0xb2: {  	s29 =	simm.s32 $0x9;
	_ =	strace $0x8000004E  }
0xb3: {  	_ =	swait.ge [sflag:s29], $0x1  }
0xb4: {  	[sflag:s29] =	ssyncadd.s32 $0xFFFFFFFF  }
0xb5: {  	_ =	strace $0x9000004E  }
0xb6: {  	_ =	sfence  }
0xb7: {  	s30 =	sld [smem:$0x0];
	_ =	sdelay $0x2  }
0xb8: {  	s31 =	sshll.u32 s1, $0xD;
	s1 =	sshrl.u32 s1, $0x2  }
0xb9: {  	s3 =	sand.u32 $0x4000, s31;
	s1 =	sadd.s32 s1, s30  }
0xba: {  	s0 =	sor.u32 s3, s0;
	s1 =	sshll.u32 s1, $0x11  }
0xbb: {  	s0 =	sor.u32 s1, s0  }
0xbc: {  	s0 =	sadd.s32 $0x8F2B, s0  }
0xbd: {  	[sflag:s0] =	ssyncadd.remote.s32 $0x1  }
0xbe: {  	_ =	sfence.sel $0xFFFF  }
0xbf: {  	[dreg:$0x0] =	wrdreg $0xFFFFFFFF;
	(pc) =	sbr.abs _section_cstart, $3  }
0xc0: {  	[dreg:$0x1] =	wrdreg $0xFFFFFFFF  }
0xc1: {  	_ =	task.clear_ibuf [dreg:s6], $0x2FFFF;
	_ =	strace $0x9FFFFFFF  }
0xc2: {  	(tm) =	ssettm $0x7FFFFFFF  }
0xc3: {  	_ =	shalt  }
tec
execute0_lowered:
.L_overlay_start_1:
0x0: {  	(tag) =	ssettag $0x1  }
0x1: {  	s0 =	srdreg.scid  }
0x2: {  	s9 =	stileid.u32;
	s3 =	rddreg [dreg:$0x0]  }
0x3: {  	s2 =	rddreg [dreg:$0x1];
	s4 =	simm.s32 $0x0;
	s12 =	simm.s32 $0x11  }
0x4: {  	s15 =	simm.s32 $0x80;
	s16 =	simm.s32 $0xE000;
	s23 =	simm.s32 $0x8C00  }
0x5: {  	s17 =	simm.s32 $0x1;
	s24 =	simm.s32 $0x9800;
	s18 =	simm.s32 $0x2  }
0x6: {  	s25 =	simm.s32 $0xA400;
	s26 =	simm.s32 $0xB000;
	s28 =	simm.s32 $0xBC00  }
0x7: {  	s29 =	simm.s32 $0xC800;
	s30 =	simm.s32 $0xD400;
	[smem:$0x7FF] =	sst s4  }
0x8: {  	s31 =	simm.s32 $0xE;
	_ =	strace $0x8000004D;
	[dreg:$0x3] =	wrdreg s23  }
0x9: {  	s13 =	simm.s32 $0x0;
	s0 =	sand.u32 $0x1, s0;
	[dreg:$0x4] =	wrdreg s24  }
0xa: {  	s1 =	sshll.u32 s9, $0x1;
	s5 =	smul.u32 $0x3C00, s9;
	[dreg:$0x5] =	wrdreg s25  }
0xb: {  	s4 =	sadd.s32 $0x3F200, s3;
	s20 =	sshll.u32 s9, $0x6;
	[dreg:$0x6] =	wrdreg s26  }
0xc: {  	s1 =	sor.u32 s0, s1;
	s6 =	smul.u32 $0x3C000, s0;
	[dreg:$0x7] =	wrdreg s28  }
0xd: {  	s0 =	ssub.s32 $0x2, s0;
	[dreg:$0x8] =	wrdreg s29;
	s23 =	simm.s32 $0x7  }
0xe: {  	[dreg:$0x9] =	wrdreg s30;
	s24 =	simm.s32 $0x8;
	s1 =	smul.u32 $0x500, s1  }
0xf: {  	s7 =	sshrl.u32 s5, $0x3;
	s8 =	sshrl.u32 s0, $0x1;
	s6 =	sadd.s32 s5, s6  }
0x10: {  	s7 =	sadd.s32 s7, s3;
	s0 =	ssub.s32 s0, s8;
	s5 =	sadd.s32 s5, s2  }
0x11: {  	s1 =	sadd.s32 s1, s3;
	s6 =	sshrl.u32 s6, $0x3;
	s19 =	sadd.s32 $0x46A00, s7  }
0x12: {  	s0 =	smax.u32 s0, $0x1;
	s11 =	sshrl.u32 s5, $0x3;
	s3 =	sadd.s32 s6, s3  }
0x13: {  	[dreg:$0xa] =	wrdreg s19;
	s6 =	sor.u32 $0x1C11, s20;
	s21 =	sadd.s32 $0x3200, s1  }
0x14: {  	s1 =	sadd.s32 $0xD200, s1;
	[dreg:$0xe] =	wrdreg s0;
	s19 =	simm.s32 $0x3  }
0x15: {  	s20 =	simm.s32 $0x4;
	s0 =	simm.s32 $0x10;
	[dreg:$0xb] =	wrdreg s21  }
0x16: {  	[dreg:$0xc] =	wrdreg s1;
	s22 =	sadd.s32 $0x4E200, s3;
	s21 =	simm.s32 $0x5  }
0x17: {  	s1 =	simm.s32 $0xF;
	[dreg:$0xd] =	wrdreg s22;
	s22 =	simm.s32 $0x6  }
.LBB2_1:
0x18: {  	s3 =	rddreg [dreg:$0xa]  }
0x19: {  	[spmem:s11], [sflag:s6] =	dma.local [hbm:s3], $0x780  }
0x1a: {  	_ =	swait.ge [sflag:s12], $0x780  }
0x1b: {  	s28 =	simm.s32 $0x0;
	[sflag:s12] =	ssyncset.done $0x0  }
0x1c: {  	s7 =	simm.s32 $0x3C00;
	s5 =	rddreg [dreg:$0xb];
	[sflag:s12] =	ssyncadd.s32 $0xFFFFF880  }
0x1d: {  	[tilespmem:s7], [sflag:$0x11] =	stream.linear.gather [hbm4b:s5+s28], $0x2800, $0x38;
	[tilespmem:$0xEC00] =	vst v63  }
0x1e: {  	_ =	swait.ge [sflag:s12], $0x2800  }
0x1f: {  	[sflag:s12] =	ssyncset.done $0x0  }
0x20: {  	s30 =	simm.s32 $0x6400;
	s29 =	rddreg [dreg:$0xc];
	[sflag:s12] =	ssyncadd.s32 $0xFFFFD800  }
0x21: {  	[tilespmem:s30], [sflag:$0x11] =	stream.linear.gather [hbm4b:s29+s28], $0x2800, $0x38;
	[tilespmem:$0xEC00] =	vst v63  }
0x22: {  	_ =	swait.ge [sflag:s12], $0x2800  }
0x23: {  	[sflag:s12] =	ssyncset.done $0x0  }
0x24: {  	p0 =	por $0x0, $0x0;
	[sflag:s12] =	ssyncadd.s32 $0xFFFFD800  }
0x25: {  	s3 =	simm.s32 @p0 $0x9;
	[bflag:$0x0] =	sbarrier.arrive $0xFFFF  }
0x26: {  	_ =	swait.ge @p0 [sflag:s3], $0xC00  }
0x27: {  	s8 =	simm.s32 @p0 $0x80;
	s5 =	simm.s32 @p0 $0xA;
	[sflag:s3] =	ssyncset.done @p0 $0x0  }
0x28: {  	s7 =	simm.s32 @p0 $0x8C00;
	[sflag:s3] =	ssyncadd.s32 @p0 $0xFFFFF400;
	s3 =	simm.s32 @p0 $0x3C00  }
0x29: {  	[tilespmem:s7], [sflag:$0x1] =	stream.indirect.gather @p0 [hbm4b:s4+s8], $0x18, s3, s8, $0xb8;
	[tilespmem:$0xEC00] =	vst v63  }
0x2a: {  	_ =	swait.ge @p0 [sflag:s5], $0xC00  }
0x2b: {  	s3 =	simm.s32 @p0 $0x3C80;
	[sflag:s5] =	ssyncset.done @p0 $0x0  }
0x2c: {  	s7 =	simm.s32 @p0 $0xB;
	[sflag:s5] =	ssyncadd.s32 @p0 $0xFFFFF400;
	s5 =	simm.s32 @p0 $0x9800  }
0x2d: {  	[tilespmem:s5], [sflag:$0x2] =	stream.indirect.gather @p0 [hbm4b:s4+s8], $0x18, s3, s8, $0xb8;
	[tilespmem:$0xEC00] =	vst v63  }
0x2e: {  	_ =	swait.ge @p0 [sflag:s7], $0xC00  }
0x2f: {  	s3 =	simm.s32 @p0 $0x3D00;
	[sflag:s7] =	ssyncset.done @p0 $0x0  }
0x30: {  	s5 =	simm.s32 @p0 $0xA400;
	[sflag:s7] =	ssyncadd.s32 @p0 $0xFFFFF400;
	s7 =	simm.s32 @p0 $0xC  }
0x31: {  	[tilespmem:s5], [sflag:$0x3] =	stream.indirect.gather @p0 [hbm4b:s4+s8], $0x18, s3, s8, $0xb8;
	[tilespmem:$0xEC00] =	vst v63  }
0x32: {  	_ =	swait.ge @p0 [sflag:s7], $0xC00  }
0x33: {  	s3 =	simm.s32 @p0 $0x3D80;
	[sflag:s7] =	ssyncset.done @p0 $0x0  }
0x34: {  	s5 =	simm.s32 @p0 $0xB000;
	[sflag:s7] =	ssyncadd.s32 @p0 $0xFFFFF400;
	s7 =	simm.s32 @p0 $0xD  }
0x35: {  	[tilespmem:s5], [sflag:$0x4] =	stream.indirect.gather @p0 [hbm4b:s4+s8], $0x18, s3, s8, $0xb8;
	[tilespmem:$0xEC00] =	vst v63  }
0x36: {  	_ =	swait.ge @p0 [sflag:s7], $0xC00  }
0x37: {  	s3 =	simm.s32 @p0 $0x3E00;
	[sflag:s7] =	ssyncset.done @p0 $0x0  }
0x38: {  	s5 =	simm.s32 @p0 $0xBC00;
	[sflag:s7] =	ssyncadd.s32 @p0 $0xFFFFF400;
	s7 =	simm.s32 @p0 $0xE  }
0x39: {  	[tilespmem:s5], [sflag:$0x5] =	stream.indirect.gather @p0 [hbm4b:s4+s8], $0x18, s3, s8, $0xb8;
	[tilespmem:$0xEC00] =	vst v63  }
0x3a: {  	_ =	swait.ge @p0 [sflag:s7], $0xC00  }
0x3b: {  	s3 =	simm.s32 @p0 $0x3E80;
	[sflag:s7] =	ssyncset.done @p0 $0x0  }
0x3c: {  	s5 =	simm.s32 @p0 $0xC800;
	[sflag:s7] =	ssyncadd.s32 @p0 $0xFFFFF400;
	s7 =	simm.s32 @p0 $0xF  }
0x3d: {  	[tilespmem:s5], [sflag:$0x6] =	stream.indirect.gather @p0 [hbm4b:s4+s8], $0x18, s3, s8, $0xb8;
	[tilespmem:$0xEC00] =	vst v63  }
0x3e: {  	_ =	swait.ge @p0 [sflag:s7], $0xC00  }
0x3f: {  	s3 =	simm.s32 @p0 $0x3F00;
	[sflag:s7] =	ssyncset.done @p0 $0x0  }
0x40: {  	s5 =	simm.s32 @p0 $0xD400;
	[sflag:s7] =	ssyncadd.s32 @p0 $0xFFFFF400;
	s7 =	simm.s32 @p0 $0x10  }
0x41: {  	[tilespmem:s5], [sflag:$0x7] =	stream.indirect.gather @p0 [hbm4b:s4+s8], $0x18, s3, s8, $0xb8;
	[tilespmem:$0xEC00] =	vst v63  }
0x42: {  	_ =	swait.ge @p0 [sflag:s7], $0xC00  }
0x43: {  	s3 =	simm.s32 @!p0 $0x8C00;
	[sflag:s7] =	ssyncset.done @p0 $0x0  }
0x44: {  	s5 =	simm.s32 @!p0 $0x3C00;
	[sflag:s7] =	ssyncadd.s32 @p0 $0xFFFFF400;
	s7 =	simm.s32 @!p0 $0x80  }
0x45: {  	[tilespmem:s3], [sflag:$0x1] =	stream.indirect.gather @!p0 [hbm4b:s4+s7], $0x18, s5, s7, $0xb8;
	[tilespmem:$0xEC00] =	vst v63  }
0x46: {  	s3 =	simm.s32 @!p0 $0x3C80;
	s5 =	simm.s32 @!p0 $0x9800  }
0x47: {  	[tilespmem:s5], [sflag:$0x2] =	stream.indirect.gather @!p0 [hbm4b:s4+s7], $0x18, s3, s7, $0xb8;
	[tilespmem:$0xEC00] =	vst v63  }
0x48: {  	s3 =	simm.s32 @!p0 $0x3D00;
	s5 =	simm.s32 @!p0 $0xA400  }
0x49: {  	[tilespmem:s5], [sflag:$0x3] =	stream.indirect.gather @!p0 [hbm4b:s4+s7], $0x18, s3, s7, $0xb8;
	[tilespmem:$0xEC00] =	vst v63  }
0x4a: {  	s3 =	simm.s32 @!p0 $0x3D80;
	s5 =	simm.s32 @!p0 $0xB000  }
0x4b: {  	[tilespmem:s5], [sflag:$0x4] =	stream.indirect.gather @!p0 [hbm4b:s4+s7], $0x18, s3, s7, $0xb8;
	[tilespmem:$0xEC00] =	vst v63  }
0x4c: {  	s3 =	simm.s32 @!p0 $0x3E00;
	s5 =	simm.s32 @!p0 $0xBC00  }
0x4d: {  	[tilespmem:s5], [sflag:$0x5] =	stream.indirect.gather @!p0 [hbm4b:s4+s7], $0x18, s3, s7, $0xb8;
	[tilespmem:$0xEC00] =	vst v63  }
0x4e: {  	s3 =	simm.s32 @!p0 $0x3E80;
	s5 =	simm.s32 @!p0 $0xC800  }
0x4f: {  	[tilespmem:s5], [sflag:$0x6] =	stream.indirect.gather @!p0 [hbm4b:s4+s7], $0x18, s3, s7, $0xb8;
	[tilespmem:$0xEC00] =	vst v63  }
0x50: {  	s3 =	simm.s32 @!p0 $0x3F00;
	s5 =	simm.s32 @!p0 $0xD400  }
0x51: {  	[tilespmem:s5], [sflag:$0x7] =	stream.indirect.gather @!p0 [hbm4b:s4+s7], $0x18, s3, s7, $0xb8;
	[tilespmem:$0xEC00] =	vst v63  }
0x52: {  	s8 =	simm.s32 $0x3F80  }
0x53: {  	[tilespmem:s16], [sflag:$0x8] =	stream.indirect.gather [hbm4b:s4+s15], $0x18, s8, s15, $0xb8;
	[tilespmem:$0xEC00] =	vst v63  }
0x54: {  	_ =	swait.ge [sflag:s17], $0xC00  }
0x55: {  	[sflag:s17] =	ssyncset.done $0x0  }
0x56: {  	s10 =	simm.s32 $0x6400;
	s9 =	rddreg [dreg:$0x3];
	[sflag:s17] =	ssyncadd.s32 $0xFFFFF400  }
0x57: {  	[spmem:s2] =	stream.indirect.scatter.add.f32 [tilespmem:s9], [sflag:$0x9], $0x18, s10, s15, $0xb8;
	[tilespmem:$0xEC00] =	vst v63  }
0x58: {  	s3 =	simm.s32 @p0 $0x80;
	_ =	swait.ge [sflag:s18], $0xC00  }
0x59: {  	s3 =	simm.s32 @!p0 $0x80;
	[sflag:s18] =	ssyncset.done $0x0  }
0x5a: {  	s3 =	sadd.s32 $0x6400, s3;
	s14 =	rddreg [dreg:$0x4];
	[sflag:s18] =	ssyncadd.s32 $0xFFFFF400  }
0x5b: {  	[spmem:s2] =	stream.indirect.scatter.add.f32 [tilespmem:s14], [sflag:$0xA], $0x18, s3, s15, $0xb8;
	[tilespmem:$0xEC00] =	vst v63  }
0x5c: {  	s3 =	simm.s32 @p0 $0x100;
	_ =	swait.ge [sflag:s19], $0xC00  }
0x5d: {  	s3 =	simm.s32 @!p0 $0x100;
	[sflag:s19] =	ssyncset.done $0x0  }
0x5e: {  	s25 =	rddreg [dreg:$0x5];
	s3 =	sadd.s32 $0x6400, s3;
	[sflag:s19] =	ssyncadd.s32 $0xFFFFF400  }
0x5f: {  	[spmem:s2] =	stream.indirect.scatter.add.f32 [tilespmem:s25], [sflag:$0xB], $0x18, s3, s15, $0xb8;
	[tilespmem:$0xEC00] =	vst v63  }
0x60: {  	s3 =	simm.s32 @p0 $0x180;
	_ =	swait.ge [sflag:s20], $0xC00  }
0x61: {  	s3 =	simm.s32 @!p0 $0x180;
	[sflag:s20] =	ssyncset.done $0x0  }
0x62: {  	s26 =	rddreg [dreg:$0x6];
	s3 =	sadd.s32 $0x6400, s3;
	[sflag:s20] =	ssyncadd.s32 $0xFFFFF400  }
0x63: {  	[spmem:s2] =	stream.indirect.scatter.add.f32 [tilespmem:s26], [sflag:$0xC], $0x18, s3, s15, $0xb8;
	[tilespmem:$0xEC00] =	vst v63  }
0x64: {  	s3 =	simm.s32 @p0 $0x200;
	_ =	swait.ge [sflag:s21], $0xC00  }
0x65: {  	s3 =	simm.s32 @!p0 $0x200;
	[sflag:s21] =	ssyncset.done $0x0  }
0x66: {  	s28 =	rddreg [dreg:$0x7];
	s3 =	sadd.s32 $0x6400, s3;
	[sflag:s21] =	ssyncadd.s32 $0xFFFFF400  }
0x67: {  	[spmem:s2] =	stream.indirect.scatter.add.f32 [tilespmem:s28], [sflag:$0xD], $0x18, s3, s15, $0xb8;
	[tilespmem:$0xEC00] =	vst v63  }
0x68: {  	s3 =	simm.s32 @p0 $0x280;
	_ =	swait.ge [sflag:s22], $0xC00  }
0x69: {  	s5 =	simm.s32 $0x300;
	s3 =	simm.s32 @!p0 $0x280;
	[sflag:s22] =	ssyncset.done $0x0  }
0x6a: {  	s29 =	rddreg [dreg:$0x8];
	s3 =	sadd.s32 $0x6400, s3;
	[sflag:s22] =	ssyncadd.s32 $0xFFFFF400  }
0x6b: {  	[spmem:s2] =	stream.indirect.scatter.add.f32 [tilespmem:s29], [sflag:$0xE], $0x18, s3, s15, $0xb8;
	[tilespmem:$0xEC00] =	vst v63  }
0x6c: {  	s5 =	simm.s32 @!p0 $0x300;
	_ =	swait.ge [sflag:s23], $0xC00  }
0x6d: {  	s5 =	sadd.s32 $0x6400, s5;
	[sflag:s23] =	ssyncset.done $0x0  }
0x6e: {  	s8 =	simm.s32 $0x6780;
	s30 =	rddreg [dreg:$0x9];
	[sflag:s23] =	ssyncadd.s32 $0xFFFFF400  }
0x6f: {  	[spmem:s2] =	stream.indirect.scatter.add.f32 [tilespmem:s30], [sflag:$0xF], $0x18, s5, s15, $0xb8;
	[tilespmem:$0xEC00] =	vst v63  }
0x70: {  	s14 =	simm.s32 $0x700;
	p0 =	por $0x1, $0x1;
	_ =	swait.ge [sflag:s24], $0xC00  }
0x71: {  	s3 =	simm.s32 $0x1000;
	s5 =	simm.s32 $0x2000;
	[sflag:s24] =	ssyncset.done $0x0  }
.LBB2_2:
0x72: {  	s9 =	simm.s32 @p0 $0x9;
	[sflag:s24] =	ssyncadd.s32 $0xFFFFF400  }
0x73: {  	[spmem:s2] =	stream.indirect.scatter.add.f32 [tilespmem:s16], [sflag:$0x10], $0x18, s8, s15, $0xb8;
	[tilespmem:$0xEC00] =	vst v63  }
0x74: {  	s10 =	simm.s32 @p0 $0xA;
	_ =	swait.ge @p0 [sflag:s9], $0xC00  }
0x75: {  	s25 =	sshra.s32 @p0 s3, $0x2;
	s26 =	simm.s32 @p0 $0x8C00;
	[sflag:s9] =	ssyncset.done @p0 $0x0  }
0x76: {  	s8 =	simm.s32 @p0 $0x80;
	[sflag:s9] =	ssyncadd.s32 @p0 $0xFFFFF400;
	s9 =	sadd.s32 @p0 $0x3C00, s25  }
0x77: {  	[tilespmem:s26], [sflag:$0x1] =	stream.indirect.gather @p0 [hbm4b:s4+s8], $0x18, s9, s8, $0xb8;
	[tilespmem:$0xEC00] =	vst v63  }
0x78: {  	_ =	swait.ge @p0 [sflag:s10], $0xC00  }
0x79: {  	s30 =	simm.s32 @p0 $0xB;
	s28 =	sadd.s32 @p0 $0x3D80, s25;
	[sflag:s10] =	ssyncset.done @p0 $0x0  }
0x7a: {  	s9 =	sadd.s32 @p0 $0x3C80, s25;
	[sflag:s10] =	ssyncadd.s32 @p0 $0xFFFFF400;
	s10 =	simm.s32 @p0 $0x9800  }
0x7b: {  	[tilespmem:s10], [sflag:$0x2] =	stream.indirect.gather @p0 [hbm4b:s4+s8], $0x18, s9, s8, $0xb8;
	[tilespmem:$0xEC00] =	vst v63  }
0x7c: {  	s29 =	sadd.s32 @p0 $0x3E00, s25;
	s26 =	sadd.s32 @p0 $0x3D00, s25;
	_ =	swait.ge @p0 [sflag:s30], $0xC00  }
0x7d: {  	s9 =	sadd.s32 @p0 $0x3E80, s25;
	s10 =	sadd.s32 @p0 $0x3F00, s25;
	[sflag:s30] =	ssyncset.done @p0 $0x0  }
0x7e: {  	s25 =	simm.s32 @p0 $0xA400;
	[sflag:s30] =	ssyncadd.s32 @p0 $0xFFFFF400;
	s30 =	simm.s32 @p0 $0xC  }
0x7f: {  	[tilespmem:s25], [sflag:$0x3] =	stream.indirect.gather @p0 [hbm4b:s4+s8], $0x18, s26, s8, $0xb8;
	[tilespmem:$0xEC00] =	vst v63  }
0x80: {  	_ =	swait.ge @p0 [sflag:s30], $0xC00  }
0x81: {  	[sflag:s30] =	ssyncset.done @p0 $0x0  }
0x82: {  	s25 =	simm.s32 @p0 $0xB000;
	s26 =	simm.s32 @p0 $0xD;
	[sflag:s30] =	ssyncadd.s32 @p0 $0xFFFFF400  }
0x83: {  	[tilespmem:s25], [sflag:$0x4] =	stream.indirect.gather @p0 [hbm4b:s4+s8], $0x18, s28, s8, $0xb8;
	[tilespmem:$0xEC00] =	vst v63  }
0x84: {  	_ =	swait.ge @p0 [sflag:s26], $0xC00  }
0x85: {  	[sflag:s26] =	ssyncset.done @p0 $0x0  }
0x86: {  	s25 =	simm.s32 @p0 $0xBC00;
	[sflag:s26] =	ssyncadd.s32 @p0 $0xFFFFF400;
	s26 =	simm.s32 @p0 $0xE  }
0x87: {  	[tilespmem:s25], [sflag:$0x5] =	stream.indirect.gather @p0 [hbm4b:s4+s8], $0x18, s29, s8, $0xb8;
	[tilespmem:$0xEC00] =	vst v63  }
0x88: {  	_ =	swait.ge @p0 [sflag:s26], $0xC00  }
0x89: {  	[sflag:s26] =	ssyncset.done @p0 $0x0  }
0x8a: {  	s25 =	simm.s32 @p0 $0xC800;
	[sflag:s26] =	ssyncadd.s32 @p0 $0xFFFFF400;
	s26 =	simm.s32 @p0 $0xF  }
0x8b: {  	[tilespmem:s25], [sflag:$0x6] =	stream.indirect.gather @p0 [hbm4b:s4+s8], $0x18, s9, s8, $0xb8;
	[tilespmem:$0xEC00] =	vst v63  }
0x8c: {  	_ =	swait.ge @p0 [sflag:s26], $0xC00  }
0x8d: {  	[sflag:s26] =	ssyncset.done @p0 $0x0  }
0x8e: {  	s9 =	simm.s32 @p0 $0xD400;
	s25 =	simm.s32 @p0 $0x10;
	[sflag:s26] =	ssyncadd.s32 @p0 $0xFFFFF400  }
0x8f: {  	[tilespmem:s9], [sflag:$0x7] =	stream.indirect.gather @p0 [hbm4b:s4+s8], $0x18, s10, s8, $0xb8;
	[tilespmem:$0xEC00] =	vst v63  }
0x90: {  	_ =	swait.ge @p0 [sflag:s25], $0xC00  }
0x91: {  	s8 =	sshra.s32 @!p0 s3, $0x2;
	s9 =	simm.s32 @!p0 $0x8C00;
	[sflag:s25] =	ssyncset.done @p0 $0x0  }
0x92: {  	s10 =	simm.s32 @!p0 $0x80;
	s8 =	sadd.s32 @!p0 $0x3C00, s8;
	[sflag:s25] =	ssyncadd.s32 @p0 $0xFFFFF400  }
0x93: {  	[tilespmem:s9], [sflag:$0x1] =	stream.indirect.gather @!p0 [hbm4b:s4+s10], $0x18, s8, s10, $0xb8;
	[tilespmem:$0xEC00] =	vst v63  }
0x94: {  	s8 =	simm.s32 @!p0 $0x3C80;
	s9 =	simm.s32 @!p0 $0x9800  }
0x95: {  	[tilespmem:s9], [sflag:$0x2] =	stream.indirect.gather @!p0 [hbm4b:s4+s10], $0x18, s8, s10, $0xb8;
	[tilespmem:$0xEC00] =	vst v63  }
0x96: {  	s8 =	simm.s32 @!p0 $0x3D00;
	s9 =	simm.s32 @!p0 $0xA400  }
0x97: {  	[tilespmem:s9], [sflag:$0x3] =	stream.indirect.gather @!p0 [hbm4b:s4+s10], $0x18, s8, s10, $0xb8;
	[tilespmem:$0xEC00] =	vst v63  }
0x98: {  	s8 =	simm.s32 @!p0 $0x3D80;
	s9 =	simm.s32 @!p0 $0xB000  }
0x99: {  	[tilespmem:s9], [sflag:$0x4] =	stream.indirect.gather @!p0 [hbm4b:s4+s10], $0x18, s8, s10, $0xb8;
	[tilespmem:$0xEC00] =	vst v63  }
0x9a: {  	s8 =	simm.s32 @!p0 $0x3E00;
	s9 =	simm.s32 @!p0 $0xBC00  }
0x9b: {  	[tilespmem:s9], [sflag:$0x5] =	stream.indirect.gather @!p0 [hbm4b:s4+s10], $0x18, s8, s10, $0xb8;
	[tilespmem:$0xEC00] =	vst v63  }
0x9c: {  	s8 =	simm.s32 @!p0 $0x3E80;
	s9 =	simm.s32 @!p0 $0xC800  }
0x9d: {  	[tilespmem:s9], [sflag:$0x6] =	stream.indirect.gather @!p0 [hbm4b:s4+s10], $0x18, s8, s10, $0xb8;
	[tilespmem:$0xEC00] =	vst v63  }
0x9e: {  	s25 =	simm.s32 @!p0 $0xD400;
	s9 =	simm.s32 @!p0 $0x3F00;
	s8 =	sshra.s32 s3, $0x2  }
0x9f: {  	[tilespmem:s25], [sflag:$0x7] =	stream.indirect.gather @!p0 [hbm4b:s4+s10], $0x18, s9, s10, $0xb8;
	[tilespmem:$0xEC00] =	vst v63  }
0xa0: {  	s28 =	sadd.s32 $0x3F80, s8  }
0xa1: {  	[tilespmem:s16], [sflag:$0x8] =	stream.indirect.gather [hbm4b:s4+s15], $0x18, s28, s15, $0xb8;
	[tilespmem:$0xEC00] =	vst v63  }
0xa2: {  	_ =	swait.ge [sflag:s17], $0xC00  }
0xa3: {  	s7 =	smov.u32 s5;
	[sflag:s17] =	ssyncset.done $0x0  }
0xa4: {  	s30 =	sadd.s32 $0x6400, s8;
	s29 =	rddreg [dreg:$0x3];
	[sflag:s17] =	ssyncadd.s32 $0xFFFFF400  }
0xa5: {  	[spmem:s2] =	stream.indirect.scatter.add.f32 [tilespmem:s29], [sflag:$0x9], $0x18, s30, s15, $0xb8;
	[tilespmem:$0xEC00] =	vst v63  }
0xa6: {  	s3 =	smov.u32 s7;
	s7 =	sadd.s32 @p0 $0xFFFFFD80, s14;
	_ =	swait.ge [sflag:s18], $0xC00  }
0xa7: {  	s7 =	simm.s32 @!p0 $0x80;
	[sflag:s18] =	ssyncset.done $0x0  }
0xa8: {  	s7 =	sadd.s32 $0x6400, s7;
	s10 =	rddreg [dreg:$0x4];
	[sflag:s18] =	ssyncadd.s32 $0xFFFFF400  }
0xa9: {  	[spmem:s2] =	stream.indirect.scatter.add.f32 [tilespmem:s10], [sflag:$0xA], $0x18, s7, s15, $0xb8;
	[tilespmem:$0xEC00] =	vst v63  }
0xaa: {  	s7 =	sadd.s32 @p0 $0xFFFFFE00, s14;
	_ =	swait.ge [sflag:s19], $0xC00  }
0xab: {  	s7 =	simm.s32 @!p0 $0x100;
	[sflag:s19] =	ssyncset.done $0x0  }
0xac: {  	s25 =	rddreg [dreg:$0x5];
	s7 =	sadd.s32 $0x6400, s7;
	[sflag:s19] =	ssyncadd.s32 $0xFFFFF400  }
0xad: {  	[spmem:s2] =	stream.indirect.scatter.add.f32 [tilespmem:s25], [sflag:$0xB], $0x18, s7, s15, $0xb8;
	[tilespmem:$0xEC00] =	vst v63  }
0xae: {  	s7 =	sadd.s32 @p0 $0xFFFFFE80, s14;
	_ =	swait.ge [sflag:s20], $0xC00  }
0xaf: {  	s7 =	simm.s32 @!p0 $0x180;
	[sflag:s20] =	ssyncset.done $0x0  }
0xb0: {  	s26 =	rddreg [dreg:$0x6];
	s7 =	sadd.s32 $0x6400, s7;
	[sflag:s20] =	ssyncadd.s32 $0xFFFFF400  }
0xb1: {  	[spmem:s2] =	stream.indirect.scatter.add.f32 [tilespmem:s26], [sflag:$0xC], $0x18, s7, s15, $0xb8;
	[tilespmem:$0xEC00] =	vst v63  }
0xb2: {  	s7 =	sadd.s32 @p0 $0xFFFFFF00, s14;
	_ =	swait.ge [sflag:s21], $0xC00  }
0xb3: {  	s7 =	simm.s32 @!p0 $0x200;
	[sflag:s21] =	ssyncset.done $0x0  }
0xb4: {  	s28 =	rddreg [dreg:$0x7];
	s7 =	sadd.s32 $0x6400, s7;
	[sflag:s21] =	ssyncadd.s32 $0xFFFFF400  }
0xb5: {  	[spmem:s2] =	stream.indirect.scatter.add.f32 [tilespmem:s28], [sflag:$0xD], $0x18, s7, s15, $0xb8;
	[tilespmem:$0xEC00] =	vst v63  }
0xb6: {  	s7 =	sadd.s32 @p0 $0xFFFFFF80, s14;
	_ =	swait.ge [sflag:s22], $0xC00  }
0xb7: {  	s5 =	sadd.s32 $0x1000, s5;
	s7 =	simm.s32 @!p0 $0x280;
	[sflag:s22] =	ssyncset.done $0x0  }
0xb8: {  	s29 =	rddreg [dreg:$0x8];
	s7 =	sadd.s32 $0x6400, s7;
	[sflag:s22] =	ssyncadd.s32 $0xFFFFF400  }
0xb9: {  	[spmem:s2] =	stream.indirect.scatter.add.f32 [tilespmem:s29], [sflag:$0xE], $0x18, s7, s15, $0xb8;
	[tilespmem:$0xEC00] =	vst v63  }
0xba: {  	p1 =	sne.s32 s5, $0xA000;
	s9 =	smov.u32 s14;
	_ =	swait.ge [sflag:s23], $0xC00  }
.Ltmp0:
0xbb: {  	s9 =	simm.s32 @!p0 $0x300;
	[sflag:s23] =	ssyncset.done $0x0;
	(pc) =	sbr.rel @p1 .LBB2_2-.Ltmp0, $4  }
0xbc: {  	s9 =	sadd.s32 $0x6400, s9;
	s30 =	rddreg [dreg:$0x9];
	[sflag:s23] =	ssyncadd.s32 $0xFFFFF400  }
0xbd: {  	[spmem:s2] =	stream.indirect.scatter.add.f32 [tilespmem:s30], [sflag:$0xF], $0x18, s9, s15, $0xb8;
	[tilespmem:$0xEC00] =	vst v63  }
0xbe: {  	s8 =	sadd.s32 $0x6780, s8;
	_ =	swait.ge [sflag:s24], $0xC00  }
0xbf: {  	s14 =	sadd.s32 $0x400, s14;
	p0 =	sne.s32 s3, $0x0;
	[sflag:s24] =	ssyncset.done $0x0  }
0xc0: {  	s5 =	simm.s32 @p0 $0x9;
	[sflag:s24] =	ssyncadd.s32 $0xFFFFF400  }
0xc1: {  	[spmem:s2] =	stream.indirect.scatter.add.f32 [tilespmem:s16], [sflag:$0x10], $0x18, s8, s15, $0xb8;
	[tilespmem:$0xEC00] =	vst v63  }
0xc2: {  	_ =	swait.ge @p0 [sflag:s5], $0xC00  }
0xc3: {  	s7 =	sshra.s32 @p0 s3, $0x2;
	s9 =	simm.s32 @p0 $0x80;
	[sflag:s5] =	ssyncset.done @p0 $0x0  }
0xc4: {  	s8 =	simm.s32 @p0 $0x8C00;
	[sflag:s5] =	ssyncadd.s32 @p0 $0xFFFFF400;
	s5 =	sadd.s32 @p0 $0x3C00, s7  }
0xc5: {  	[tilespmem:s8], [sflag:$0x1] =	stream.indirect.gather @p0 [hbm4b:s4+s9], $0x18, s5, s9, $0xb8;
	[tilespmem:$0xEC00] =	vst v63  }
0xc6: {  	s5 =	simm.s32 @p0 $0xA  }
0xc7: {  	_ =	swait.ge @p0 [sflag:s5], $0xC00  }
0xc8: {  	[sflag:s5] =	ssyncset.done @p0 $0x0  }
0xc9: {  	s8 =	sadd.s32 @p0 $0x3C80, s7;
	[sflag:s5] =	ssyncadd.s32 @p0 $0xFFFFF400;
	s5 =	simm.s32 @p0 $0x9800  }
0xca: {  	[tilespmem:s5], [sflag:$0x2] =	stream.indirect.gather @p0 [hbm4b:s4+s9], $0x18, s8, s9, $0xb8;
	[tilespmem:$0xEC00] =	vst v63  }
0xcb: {  	s5 =	simm.s32 @p0 $0xB  }
0xcc: {  	_ =	swait.ge @p0 [sflag:s5], $0xC00  }
0xcd: {  	[sflag:s5] =	ssyncset.done @p0 $0x0  }
0xce: {  	s8 =	sadd.s32 @p0 $0x3D00, s7;
	[sflag:s5] =	ssyncadd.s32 @p0 $0xFFFFF400;
	s5 =	simm.s32 @p0 $0xA400  }
0xcf: {  	[tilespmem:s5], [sflag:$0x3] =	stream.indirect.gather @p0 [hbm4b:s4+s9], $0x18, s8, s9, $0xb8;
	[tilespmem:$0xEC00] =	vst v63  }
0xd0: {  	s5 =	simm.s32 @p0 $0xC  }
0xd1: {  	_ =	swait.ge @p0 [sflag:s5], $0xC00  }
0xd2: {  	[sflag:s5] =	ssyncset.done @p0 $0x0  }
0xd3: {  	s8 =	sadd.s32 @p0 $0x3D80, s7;
	[sflag:s5] =	ssyncadd.s32 @p0 $0xFFFFF400;
	s5 =	simm.s32 @p0 $0xB000  }
0xd4: {  	[tilespmem:s5], [sflag:$0x4] =	stream.indirect.gather @p0 [hbm4b:s4+s9], $0x18, s8, s9, $0xb8;
	[tilespmem:$0xEC00] =	vst v63  }
0xd5: {  	s5 =	simm.s32 @p0 $0xD  }
0xd6: {  	_ =	swait.ge @p0 [sflag:s5], $0xC00  }
0xd7: {  	[sflag:s5] =	ssyncset.done @p0 $0x0  }
0xd8: {  	s8 =	sadd.s32 @p0 $0x3E00, s7;
	[sflag:s5] =	ssyncadd.s32 @p0 $0xFFFFF400;
	s5 =	simm.s32 @p0 $0xBC00  }
0xd9: {  	[tilespmem:s5], [sflag:$0x5] =	stream.indirect.gather @p0 [hbm4b:s4+s9], $0x18, s8, s9, $0xb8;
	[tilespmem:$0xEC00] =	vst v63  }
0xda: {  	s5 =	simm.s32 @p0 $0xE  }
0xdb: {  	_ =	swait.ge @p0 [sflag:s5], $0xC00  }
0xdc: {  	[sflag:s5] =	ssyncset.done @p0 $0x0  }
0xdd: {  	s8 =	sadd.s32 @p0 $0x3E80, s7;
	[sflag:s5] =	ssyncadd.s32 @p0 $0xFFFFF400;
	s5 =	simm.s32 @p0 $0xC800  }
0xde: {  	[tilespmem:s5], [sflag:$0x6] =	stream.indirect.gather @p0 [hbm4b:s4+s9], $0x18, s8, s9, $0xb8;
	[tilespmem:$0xEC00] =	vst v63  }
0xdf: {  	s5 =	simm.s32 @p0 $0xF  }
0xe0: {  	_ =	swait.ge @p0 [sflag:s5], $0xC00  }
0xe1: {  	[sflag:s5] =	ssyncset.done @p0 $0x0  }
0xe2: {  	s7 =	sadd.s32 @p0 $0x3F00, s7;
	[sflag:s5] =	ssyncadd.s32 @p0 $0xFFFFF400;
	s5 =	simm.s32 @p0 $0xD400  }
0xe3: {  	[tilespmem:s5], [sflag:$0x7] =	stream.indirect.gather @p0 [hbm4b:s4+s9], $0x18, s7, s9, $0xb8;
	[tilespmem:$0xEC00] =	vst v63  }
0xe4: {  	s5 =	simm.s32 @p0 $0x10  }
0xe5: {  	_ =	swait.ge @p0 [sflag:s5], $0xC00  }
0xe6: {  	s8 =	simm.s32 @!p0 $0x8C00;
	s7 =	sshra.s32 @!p0 s3, $0x2;
	[sflag:s5] =	ssyncset.done @p0 $0x0  }
0xe7: {  	[sflag:s5] =	ssyncadd.s32 @p0 $0xFFFFF400;
	s5 =	sadd.s32 @!p0 $0x3C00, s7;
	s7 =	simm.s32 @!p0 $0x80  }
0xe8: {  	[tilespmem:s8], [sflag:$0x1] =	stream.indirect.gather @!p0 [hbm4b:s4+s7], $0x18, s5, s7, $0xb8;
	[tilespmem:$0xEC00] =	vst v63  }
0xe9: {  	s5 =	simm.s32 @!p0 $0x3C80;
	s8 =	simm.s32 @!p0 $0x9800  }
0xea: {  	[tilespmem:s8], [sflag:$0x2] =	stream.indirect.gather @!p0 [hbm4b:s4+s7], $0x18, s5, s7, $0xb8;
	[tilespmem:$0xEC00] =	vst v63  }
0xeb: {  	s5 =	simm.s32 @!p0 $0x3D00;
	s8 =	simm.s32 @!p0 $0xA400  }
0xec: {  	[tilespmem:s8], [sflag:$0x3] =	stream.indirect.gather @!p0 [hbm4b:s4+s7], $0x18, s5, s7, $0xb8;
	[tilespmem:$0xEC00] =	vst v63  }
0xed: {  	s5 =	simm.s32 @!p0 $0x3D80;
	s8 =	simm.s32 @!p0 $0xB000  }
0xee: {  	[tilespmem:s8], [sflag:$0x4] =	stream.indirect.gather @!p0 [hbm4b:s4+s7], $0x18, s5, s7, $0xb8;
	[tilespmem:$0xEC00] =	vst v63  }
0xef: {  	s5 =	simm.s32 @!p0 $0x3E00;
	s8 =	simm.s32 @!p0 $0xBC00  }
0xf0: {  	[tilespmem:s8], [sflag:$0x5] =	stream.indirect.gather @!p0 [hbm4b:s4+s7], $0x18, s5, s7, $0xb8;
	[tilespmem:$0xEC00] =	vst v63  }
0xf1: {  	s5 =	simm.s32 @!p0 $0x3E80;
	s8 =	simm.s32 @!p0 $0xC800  }
0xf2: {  	[tilespmem:s8], [sflag:$0x6] =	stream.indirect.gather @!p0 [hbm4b:s4+s7], $0x18, s5, s7, $0xb8;
	[tilespmem:$0xEC00] =	vst v63  }
0xf3: {  	s3 =	sshra.s32 s3, $0x2;
	s5 =	simm.s32 @!p0 $0x3F00;
	s8 =	simm.s32 @!p0 $0xD400  }
0xf4: {  	[tilespmem:s8], [sflag:$0x7] =	stream.indirect.gather @!p0 [hbm4b:s4+s7], $0x18, s5, s7, $0xb8;
	[tilespmem:$0xEC00] =	vst v63  }
0xf5: {  	s8 =	sadd.s32 $0x3F80, s3  }
0xf6: {  	[tilespmem:s16], [sflag:$0x8] =	stream.indirect.gather [hbm4b:s4+s15], $0x18, s8, s15, $0xb8;
	[tilespmem:$0xEC00] =	vst v63  }
0xf7: {  	_ =	swait.ge [sflag:s17], $0xC00  }
0xf8: {  	[sflag:s17] =	ssyncset.done $0x0  }
0xf9: {  	s10 =	sadd.s32 $0x6400, s3;
	s9 =	rddreg [dreg:$0x3];
	[sflag:s17] =	ssyncadd.s32 $0xFFFFF400  }
0xfa: {  	[spmem:s2] =	stream.indirect.scatter.add.f32 [tilespmem:s9], [sflag:$0x9], $0x18, s10, s15, $0xb8;
	[tilespmem:$0xEC00] =	vst v63  }
0xfb: {  	s5 =	sadd.s32 @p0 $0xFFFFFD80, s14;
	_ =	swait.ge [sflag:s18], $0xC00  }
0xfc: {  	s5 =	simm.s32 @!p0 $0x80;
	[sflag:s18] =	ssyncset.done $0x0  }
0xfd: {  	s5 =	sadd.s32 $0x6400, s5;
	s25 =	rddreg [dreg:$0x4];
	[sflag:s18] =	ssyncadd.s32 $0xFFFFF400  }
0xfe: {  	[spmem:s2] =	stream.indirect.scatter.add.f32 [tilespmem:s25], [sflag:$0xA], $0x18, s5, s15, $0xb8;
	[tilespmem:$0xEC00] =	vst v63  }
0xff: {  	s5 =	sadd.s32 @p0 $0xFFFFFE00, s14;
	_ =	swait.ge [sflag:s19], $0xC00  }
0x100: {  	s5 =	simm.s32 @!p0 $0x100;
	[sflag:s19] =	ssyncset.done $0x0  }
0x101: {  	s26 =	rddreg [dreg:$0x5];
	s5 =	sadd.s32 $0x6400, s5;
	[sflag:s19] =	ssyncadd.s32 $0xFFFFF400  }
0x102: {  	[spmem:s2] =	stream.indirect.scatter.add.f32 [tilespmem:s26], [sflag:$0xB], $0x18, s5, s15, $0xb8;
	[tilespmem:$0xEC00] =	vst v63  }
0x103: {  	s5 =	sadd.s32 @p0 $0xFFFFFE80, s14;
	_ =	swait.ge [sflag:s20], $0xC00  }
0x104: {  	s5 =	simm.s32 @!p0 $0x180;
	[sflag:s20] =	ssyncset.done $0x0  }
0x105: {  	s28 =	rddreg [dreg:$0x6];
	s5 =	sadd.s32 $0x6400, s5;
	[sflag:s20] =	ssyncadd.s32 $0xFFFFF400  }
0x106: {  	[spmem:s2] =	stream.indirect.scatter.add.f32 [tilespmem:s28], [sflag:$0xC], $0x18, s5, s15, $0xb8;
	[tilespmem:$0xEC00] =	vst v63  }
0x107: {  	s5 =	sadd.s32 @p0 $0xFFFFFF00, s14;
	_ =	swait.ge [sflag:s21], $0xC00  }
0x108: {  	s5 =	simm.s32 @!p0 $0x200;
	[sflag:s21] =	ssyncset.done $0x0  }
0x109: {  	s29 =	rddreg [dreg:$0x7];
	s5 =	sadd.s32 $0x6400, s5;
	[sflag:s21] =	ssyncadd.s32 $0xFFFFF400  }
0x10a: {  	[spmem:s2] =	stream.indirect.scatter.add.f32 [tilespmem:s29], [sflag:$0xD], $0x18, s5, s15, $0xb8;
	[tilespmem:$0xEC00] =	vst v63  }
0x10b: {  	s5 =	sadd.s32 @p0 $0xFFFFFF80, s14;
	_ =	swait.ge [sflag:s22], $0xC00  }
0x10c: {  	s5 =	simm.s32 @!p0 $0x280;
	[sflag:s22] =	ssyncset.done $0x0  }
0x10d: {  	s30 =	rddreg [dreg:$0x8];
	s5 =	sadd.s32 $0x6400, s5;
	[sflag:s22] =	ssyncadd.s32 $0xFFFFF400  }
0x10e: {  	[spmem:s2] =	stream.indirect.scatter.add.f32 [tilespmem:s30], [sflag:$0xE], $0x18, s5, s15, $0xb8;
	[tilespmem:$0xEC00] =	vst v63  }
0x10f: {  	_ =	swait.ge [sflag:s23], $0xC00  }
0x110: {  	s14 =	simm.s32 @!p0 $0x300;
	[sflag:s23] =	ssyncset.done $0x0  }
0x111: {  	s9 =	sadd.s32 $0x6400, s14;
	s8 =	rddreg [dreg:$0x9];
	[sflag:s23] =	ssyncadd.s32 $0xFFFFF400  }
0x112: {  	[spmem:s2] =	stream.indirect.scatter.add.f32 [tilespmem:s8], [sflag:$0xF], $0x18, s9, s15, $0xb8;
	[tilespmem:$0xEC00] =	vst v63  }
0x113: {  	_ =	swait.ge [sflag:s24], $0xC00  }
0x114: {  	[sflag:s24] =	ssyncset.done $0x0  }
0x115: {  	s3 =	sadd.s32 $0x6780, s3;
	s10 =	simm.s32 $0x9;
	[sflag:s24] =	ssyncadd.s32 $0xFFFFF400  }
0x116: {  	[spmem:s2] =	stream.indirect.scatter.add.f32 [tilespmem:s16], [sflag:$0x10], $0x18, s3, s15, $0xb8;
	[tilespmem:$0xEC00] =	vst v63  }
0x117: {  	_ =	swait.ge [sflag:s10], $0xC00  }
0x118: {  	[sflag:s10] =	ssyncset.done $0x0  }
0x119: {  	s14 =	simm.s32 $0xA;
	[sflag:s10] =	ssyncadd.s32 $0xFFFFF400  }
0x11a: {  	_ =	swait.ge [sflag:s14], $0xC00  }
0x11b: {  	[sflag:s14] =	ssyncset.done $0x0  }
0x11c: {  	s25 =	simm.s32 $0xB;
	[sflag:s14] =	ssyncadd.s32 $0xFFFFF400  }
0x11d: {  	_ =	swait.ge [sflag:s25], $0xC00  }
0x11e: {  	[sflag:s25] =	ssyncset.done $0x0  }
0x11f: {  	s26 =	simm.s32 $0xC;
	[sflag:s25] =	ssyncadd.s32 $0xFFFFF400  }
0x120: {  	_ =	swait.ge [sflag:s26], $0xC00  }
0x121: {  	[sflag:s26] =	ssyncset.done $0x0  }
0x122: {  	s28 =	simm.s32 $0xD;
	[sflag:s26] =	ssyncadd.s32 $0xFFFFF400  }
0x123: {  	_ =	swait.ge [sflag:s28], $0xC00  }
0x124: {  	[sflag:s28] =	ssyncset.done $0x0  }
0x125: {  	[sflag:s28] =	ssyncadd.s32 $0xFFFFF400  }
0x126: {  	_ =	swait.ge [sflag:s31], $0xC00  }
0x127: {  	[sflag:s31] =	ssyncset.done $0x0  }
0x128: {  	[sflag:s31] =	ssyncadd.s32 $0xFFFFF400  }
0x129: {  	_ =	swait.ge [sflag:s1], $0xC00  }
0x12a: {  	[sflag:s1] =	ssyncset.done $0x0  }
0x12b: {  	[sflag:s1] =	ssyncadd.s32 $0xFFFFF400  }
0x12c: {  	_ =	swait.ge [sflag:s0], $0xC00  }
0x12d: {  	[sflag:s0] =	ssyncset.done $0x0  }
0x12e: {  	[sflag:s0] =	ssyncadd.s32 $0xFFFFF400  }
0x12f: {  	[bflag:$0x0] =	sbarrier.arrive $0xFFFF  }
0x130: {  	s29 =	rddreg [dreg:$0xd]  }
0x131: {  	[hbm:s29], [sflag:s6] =	dma.local [spmem:s11], $0x780  }
0x132: {  	_ =	swait.ge [sflag:s12], $0x780  }
0x133: {  	s13 =	sadd.s32 $0x1, s13;
	s30 =	rddreg [dreg:$0xe]  }
0x134: {  	p0 =	sne.s32 s13, s30  }
.Ltmp1:
0x135: {  	_ = 	snop;
	(pc) =	sbr.rel @p0 .LBB2_1-.Ltmp1, $3  }
0x136: {  	_ =	sdelay $0x1  }
0x137: {  	[sflag:s12] =	ssyncset.done $0x0  }
0x138: {  	[sflag:s12] =	ssyncadd.s32 $0xFFFFF880  }
0x139: {  	_ =	sfence.sel $0x180000  }
0x13a: {  	[bflag:$0x0] =	sbarrier.arrive $0xFFFF  }
0x13b: {  	_ =	strace $0x9000004D  }
0x13c: {  	s0 =	stileid.u32;
	[bflag:$0x2] =	sbarrier.arrive $0xFFFF  }
0x13d: {  	p0 =	sne.s32 s0, $0x0;
	s0 =	rddreg [dreg:$0x2]  }
0x13e: {  	s0 =	sadd.s32 @!p0 $0x100000, s0  }
0x13f: {  	[sflag:s0] =	ssyncadd.tile.s32 @!p0 $0x1;
	_ =	shalt  }
.Lfunc_end2:
_tile_overlayer_lowered:
.L_overlay_start_2:
0x140: {  	(tag) =	ssettag $0x2  }
0x141: {  	s0 =	rddreg [dreg:$0x0];
	s2 =	stileid.u32  }
0x142: {  	s1 =	rddreg [dreg:$0x1];
	p0 =	sne.s32 s2, $0x0  }
0x143: {  	s3 =	rddreg [dreg:$0x2];
	[bflag:$0x3] =	sbarrier.arrive $0xFFFF;
	s2 =	simm.s32 @!p0 $0x1C11  }
0x144: {  	[timem:s3], [sflag:s2] =	dma.local @!p0 [hbm:s0], s1  }
0x145: {  	s0 =	simm.s32 @!p0 $0x11  }
0x146: {  	_ =	swait.ge @!p0 [sflag:s0], s1  }
0x147: {  	s1 =	ssub.s32 @!p0 $0x0, s1;
	[sflag:s0] =	ssyncset.done @!p0 $0x0  }
0x148: {  	[sflag:s0] =	ssyncadd.s32 @!p0 s1  }
0x149: {  	[bflag:$0x3] =	sbarrier.arrive $0xFFFF  }
0x14a: {  	_ =	shalt  }

// kernel: kernel.20.cloned.1.call-start
scs
__scs_entry_jumppad:
0x0: {  	(pc) =	sbr.rel $0x88, $3  }
0x1: {  	(tag) =	ssettag $0x0;
	lr =	simm.s32 $0x1  }
0x2: {  	[smem:$0x3F90] =	sst lr;
	_ =	strace $0xD0000000  }
0x3: {  	_ = 	snop  }
0x4: {  	_ = 	snop  }
0x5: {  	_ = 	snop  }
0x6: {  	_ = 	snop  }
0x7: {  	_ = 	snop  }
__scs_overlays_trampoline_lowered:
0x8: {  	[smem:$0x3F9F] =	sst s0  }
0x9: {  	[smem:$0x3FA0] =	sst s1  }
0xa: {  	[smem:$0x3FA1] =	sst s2  }
0xb: {  	[smem:$0x3FA2] =	sst s3  }
0xc: {  	[smem:$0x3FA3] =	sst s4  }
0xd: {  	[smem:$0x3FA4] =	sst s5  }
0xe: {  	[smem:$0x3FA5] =	sst s6  }
0xf: {  	[smem:$0x3FA6] =	sst s7  }
0x10: {  	[smem:$0x3FA7] =	sst s8  }
0x11: {  	[smem:$0x3FA8] =	sst s9;
	s0 =	simm.s32 @!p0 $0x0  }
0x12: {  	s1 =	sld [smem:$0x3F8E];
	s0 =	simm.s32 @p0 $0x1  }
0x13: {  	[smem:$0x3FA9] =	sst s0;
	s0 =	simm.s32 @!p1 $0x0  }
0x14: {  	s2 =	sld [smem:$0x3F8D];
	s0 =	simm.s32 @p1 $0x1  }
0x15: {  	[smem:$0x3FAA] =	sst s0;
	s0 =	simm.s32 @!p2 $0x0  }
0x16: {  	s3 =	sld [smem:$0x3FDB];
	s0 =	simm.s32 @p2 $0x1  }
0x17: {  	s4 =	simm.s32 $0x1BF5;
	[smem:$0x3FAC] =	sst s0  }
0x18: {  	s0 =	sld [smem:$0x3F8F];
	_ =	swait.ge [sflag:s4], $0x0  }
0x19: {  	s7 =	sld [smem:$0x3F90]  }
0x1a: {  	s8 =	sadd.s32 $0xFFFFE003, lr  }
0x1b: {  	s9 =	sadd.s32 $0xFFFFFEF7, lr;
	s5 =	simm.s32 $0xFFFFFFFF;
	p2 =	slt.u32 s8, $0xFFFFF086  }
0x1c: {  	p1 =	slt.u32 s9, $0xF7A;
	s5 =	simm.s32 @!p2 $0x0  }
0x1d: {  	s5 =	simm.s32 @p1 $0x1;
	p0 =	seq.s32 s7, s2  }
0x1e: {  	s7 =	smul.u32 @!p0 $0xF7A, s2;
	p2 =	seq.s32 @!p0 s5, $0x0  }
0x1f: {  	s9 =	smul.u32 $0xF7A, s1;
	s8 =	simm.s32 @!p0 $0x1BF5;
	p2 =	por !p2, p0  }
0x20: {  	[sflag:s8] =	ssyncset.s32 @!p0 $0xFFFFF086;
	s6 =	sadd.s32 @!p0 s3, s7;
	s7 =	simm.s32 @!p0 $0x108  }
0x21: {  	s3 =	sadd.s32 s3, s9;
	s6 =	sadd.s32 @!p0 $0x88, s6;
	s7 =	simm.s32 @p2 $0x1082  }
0x22: {  	[simem:s7], [sflag:s8] =	dma.local @!p0 [hbm:s6], $0xF7A  }
0x23: {  	s9 =	sor.u32 $0xD0000000, s2;
	s6 =	simm.s32 $0x108;
	_ =	swait.ge @!p0 [sflag:s8], $0x0  }
0x24: {  	s3 =	sadd.s32 $0x88, s3;
	s6 =	simm.s32 @!p1 $0x1082;
	[sflag:s4] =	ssyncset.s32 $0xFFFFF086  }
0x25: {  	[simem:s6], [sflag:s4] =	dma.local [hbm:s3], $0xF7A  }
0x26: {  	[smem:$0x3F90] =	sst s1;
	(tag) =	ssettag s2;
	_ =	strace s9  }
0x27: {  	s1 =	sld [smem:$0x3FA0]  }
0x28: {  	s2 =	sld [smem:$0x3FA1]  }
0x29: {  	s4 =	sld [smem:$0x3FA3]  }
0x2a: {  	p0 =	seq.s32 s5, $0x0;
	s5 =	sld [smem:$0x3FA4]  }
0x2b: {  	s6 =	sld [smem:$0x3FA5]  }
0x2c: {  	s7 =	sld [smem:$0x3FA6]  }
0x2d: {  	s3 =	simm.s32 $0x108;
	s8 =	sld [smem:$0x3FA7]  }
0x2e: {  	s3 =	simm.s32 @!p0 $0x1082;
	s9 =	sld [smem:$0x3FA8]  }
0x2f: {  	lr =	sadd.s32 s0, s3;
	s0 =	sld [smem:$0x3F9F]  }
0x30: {  	s3 =	sld [smem:$0x3FA2]  }
0x31: {  	[smem:$0x3FAB] =	sst s10  }
0x32: {  	s10 =	sld [smem:$0x3FA9];
	_ =	sdelay $0x3  }
0x33: {  	p0 =	seq.s32 s10, $0x1;
	s10 =	sld [smem:$0x3FAB];
	_ =	sdelay $0x3  }
0x34: {  	[smem:$0x3FAB] =	sst s10  }
0x35: {  	s10 =	sld [smem:$0x3FAA];
	_ =	sdelay $0x3  }
0x36: {  	p1 =	seq.s32 s10, $0x1;
	s10 =	sld [smem:$0x3FAB];
	_ =	sdelay $0x3  }
0x37: {  	[smem:$0x3FAB] =	sst s10  }
0x38: {  	s10 =	sld [smem:$0x3FAC]  }
0x39: {  	_ = 	snop;
	(pc) =	sbr.ind lr, $3  }
0x3a: {  	_ = 	snop  }
0x3b: {  	_ = 	snop  }
0x3c: {  	p2 =	seq.s32 s10, $0x1;
	s10 =	sld [smem:$0x3FAB]  }
0x3d: {  	_ =	shalt  }
0x3e: {  	_ =	shalt  }
0x3f: {  	_ =	shalt  }
0x40: {  	_ =	shalt  }
0x41: {  	_ =	shalt  }
0x42: {  	_ =	shalt  }
0x43: {  	_ =	shalt  }
0x44: {  	_ =	shalt  }
0x45: {  	_ =	shalt  }
0x46: {  	_ =	shalt  }
0x47: {  	_ =	shalt  }
0x48: {  	_ =	shalt  }
0x49: {  	_ =	shalt  }
0x4a: {  	_ =	shalt  }
0x4b: {  	_ =	shalt  }
0x4c: {  	_ =	shalt  }
0x4d: {  	_ =	shalt  }
0x4e: {  	_ =	shalt  }
0x4f: {  	_ =	shalt  }
0x50: {  	_ =	shalt  }
0x51: {  	_ =	shalt  }
0x52: {  	_ =	shalt  }
0x53: {  	_ =	shalt  }
0x54: {  	_ =	shalt  }
0x55: {  	_ =	shalt  }
0x56: {  	_ =	shalt  }
0x57: {  	_ =	shalt  }
0x58: {  	_ =	shalt  }
0x59: {  	_ =	shalt  }
0x5a: {  	_ =	shalt  }
0x5b: {  	_ =	shalt  }
0x5c: {  	_ =	shalt  }
0x5d: {  	_ =	shalt  }
0x5e: {  	_ =	shalt  }
0x5f: {  	_ =	shalt  }
0x60: {  	_ =	shalt  }
0x61: {  	_ =	shalt  }
0x62: {  	_ =	shalt  }
0x63: {  	_ =	shalt  }
0x64: {  	_ =	shalt  }
0x65: {  	_ =	shalt  }
0x66: {  	_ =	shalt  }
0x67: {  	_ =	shalt  }
0x68: {  	_ =	shalt  }
0x69: {  	_ =	shalt  }
0x6a: {  	_ =	shalt  }
0x6b: {  	_ =	shalt  }
0x6c: {  	_ =	shalt  }
0x6d: {  	_ =	shalt  }
0x6e: {  	_ =	shalt  }
0x6f: {  	_ =	shalt  }
0x70: {  	_ =	shalt  }
0x71: {  	_ =	shalt  }
0x72: {  	_ =	shalt  }
0x73: {  	_ =	shalt  }
0x74: {  	_ =	shalt  }
0x75: {  	_ =	shalt  }
0x76: {  	_ =	shalt  }
0x77: {  	_ =	shalt  }
0x78: {  	_ =	shalt  }
0x79: {  	_ =	shalt  }
0x7a: {  	_ =	shalt  }
0x7b: {  	_ =	shalt  }
0x7c: {  	_ =	shalt  }
0x7d: {  	_ =	shalt  }
0x7e: {  	_ =	shalt  }
0x7f: {  	_ =	shalt  }
0x80: {  	_ =	shalt  }
0x81: {  	_ =	shalt  }
0x82: {  	_ =	shalt  }
0x83: {  	_ =	shalt  }
0x84: {  	_ =	shalt  }
0x85: {  	_ =	shalt  }
0x86: {  	_ =	shalt  }
0x87: {  	_ =	shalt  }
.Lfunc_end0:
.L_simem_size_0:
called_computation.3_lowered:
.L_overlay_start_0:
0x88: {  	s2 =	sld [smem:$0x3FD9]  }
0x89: {  	s3 =	sld [smem:$0x3FFE];
	_ =	sdelay $0x1  }
0x8a: {  	s1 =	srdreg.scid  }
0x8b: {  	s0 =	sand.u32 $0x1, s1  }
0x8c: {  	s16 =	sshll.u32 s0, $0xA;
	s2 =	sadd.s32 s3, s2  }
0x8d: {  	s2 =	sadd.s32 s2, s16  }
0x8e: {  	[smem:$0x3FB7] =	sst s2  }
0x8f: {  	_ = 	snop  }
0x90: {  	(tm) =	ssettm $0x1  }
0x91: {  	s17 =	sld [smem:$0x3FFB];
	_ =	sdelay $0x3  }
0x92: {  	_ =	strace s17  }
0x93: {  	s2 =	sld [smem:$0x3FFC];
	_ =	sdelay $0x3  }
0x94: {  	_ =	strace s2  }
0x95: {  	s2 =	sld [smem:$0x3FFD];
	_ =	sdelay $0x3  }
0x96: {  	_ =	strace s2  }
0x97: {  	_ =	strace $0x8FFFFFFF  }
0x98: {  	s18 =	sld [smem:$0x3FDB];
	_ =	sdelay $0x1  }
0x99: {  	s19 =	simm.s32 $_scs_section_size  }
0x9a: {  	s4 =	simm.s32 $_size__tile_overlayer_lowered;
	s5 =	simm.s32 $_tile_overlayer_lowered  }
0x9b: {  	s22 =	simm.s32 $0x1BFF;
	s21 =	sshll.u32 s5, $0x1;
	s2 =	sadd.s32 s19, s18  }
0x9c: {  	s6 =	simm.s32 $0x0;
	s20 =	sshll.u32 s4, $0x1;
	s4 =	sadd.s32 s21, s2  }
0x9d: {  	[timem:s6], [sflag:s22] =	dma.local [hbm:s4], s20  }
0x9e: {  	_ =	swait.ge [sflag:s22], s20  }
0x9f: {  	s3 =	ssub.s32 $0x0, s20;
	[sflag:s22] =	ssyncset.done $0x0  }
0xa0: {  	[sflag:s22] =	ssyncadd.s32 s3;
	_ =	sdelay $0x1  }
0xa1: {  	s23 =	simm.s32 $0x1B8B  }
0xa2: {  	_ =	swait.ge [sflag:s23], $0x1  }
0xa3: {  	[sflag:s23] =	ssyncset.done $0x0  }
0xa4: {  	s25 =	simm.s32 $0x1B8E;
	s24 =	sld [smem:$0x3FFE];
	[sflag:s23] =	ssyncadd.s32 $0xFFFFFFFF  }
0xa5: {  	s26 =	simm.s32 $execute0_lowered;
	[smem:$0x3FD2] =	sst s25  }
0xa6: {  	s4 =	sshll.u32 s26, $0x1;
	_ =	strace $0x8000004F;
	[dreg:$0x1] =	wrdreg $0xFFFFFFFF  }
0xa7: {  	s28 =	simm.s32 $_size_execute0_lowered;
	s2 =	sadd.s32 s2, s4;
	[dreg:$0x0] =	wrdreg $0x0  }
0xa8: {  	s4 =	sshll.u32 s28, $0x1;
	[dreg:$0x2] =	wrdreg s2  }
0xa9: {  	[dreg:$0x3] =	wrdreg s4  }
0xaa: {  	[dreg:$0x4] =	wrdreg $0xC0  }
0xab: {  	_ =	task [dreg:s6], $0x5FFFF  }
0xac: {  	[dreg:$0x1] =	wrdreg $0xFFFFFFFF  }
0xad: {  	[dreg:$0x0] =	wrdreg $0x60  }
0xae: {  	[dreg:$0x2] =	wrdreg s24  }
0xaf: {  	[dreg:$0x3] =	wrdreg $0x0  }
0xb0: {  	[dreg:$0x4] =	wrdreg $0x9  }
0xb1: {  	_ =	task.clear_ibuf [dreg:s6], $0x5FFFF;
	_ =	strace $0x9000004F  }
0xb2: {  	s29 =	simm.s32 $0x9;
	_ =	strace $0x80000051  }
0xb3: {  	_ =	swait.ge [sflag:s29], $0x1  }
0xb4: {  	[sflag:s29] =	ssyncadd.s32 $0xFFFFFFFF  }
0xb5: {  	_ =	strace $0x90000051  }
0xb6: {  	_ =	sfence  }
0xb7: {  	s30 =	sld [smem:$0x0];
	_ =	sdelay $0x2  }
0xb8: {  	s31 =	sshll.u32 s1, $0xD;
	s1 =	sshrl.u32 s1, $0x2  }
0xb9: {  	s3 =	sand.u32 $0x4000, s31;
	s1 =	sadd.s32 s1, s30  }
0xba: {  	s0 =	sor.u32 s3, s0;
	s1 =	sshll.u32 s1, $0x11  }
0xbb: {  	s0 =	sor.u32 s1, s0  }
0xbc: {  	s0 =	sadd.s32 $0x8F2B, s0  }
0xbd: {  	[sflag:s0] =	ssyncadd.remote.s32 $0x1  }
0xbe: {  	_ =	sfence.sel $0xFFFF  }
0xbf: {  	[dreg:$0x0] =	wrdreg $0xFFFFFFFF;
	(pc) =	sbr.abs _section_cstart, $3  }
0xc0: {  	[dreg:$0x1] =	wrdreg $0xFFFFFFFF  }
0xc1: {  	_ =	task.clear_ibuf [dreg:s6], $0x2FFFF;
	_ =	strace $0x9FFFFFFF  }
0xc2: {  	(tm) =	ssettm $0x7FFFFFFF  }
0xc3: {  	_ =	shalt  }
tec
execute0_lowered:
.L_overlay_start_1:
0x0: {  	(tag) =	ssettag $0x1  }
0x1: {  	s0 =	srdreg.scid  }
0x2: {  	s9 =	stileid.u32;
	s3 =	rddreg [dreg:$0x0]  }
0x3: {  	s2 =	rddreg [dreg:$0x1];
	s4 =	simm.s32 $0x0;
	s12 =	simm.s32 $0x11  }
0x4: {  	s15 =	simm.s32 $0x80;
	s16 =	simm.s32 $0x11000;
	s23 =	simm.s32 $0xA000  }
0x5: {  	s17 =	simm.s32 $0x1;
	s24 =	simm.s32 $0xB000;
	s18 =	simm.s32 $0x2  }
0x6: {  	s25 =	simm.s32 $0xC000;
	s26 =	simm.s32 $0xD000;
	s28 =	simm.s32 $0xE000  }
0x7: {  	s29 =	simm.s32 $0xF000;
	s30 =	simm.s32 $0x10000;
	[smem:$0x7FF] =	sst s4  }
0x8: {  	s31 =	simm.s32 $0xE;
	_ =	strace $0x80000050;
	[dreg:$0x3] =	wrdreg s23  }
0x9: {  	s13 =	simm.s32 $0x0;
	s0 =	sand.u32 $0x1, s0;
	[dreg:$0x4] =	wrdreg s24  }
0xa: {  	s1 =	sshll.u32 s9, $0x1;
	s5 =	smul.u32 $0x5000, s9;
	[dreg:$0x5] =	wrdreg s25  }
0xb: {  	s4 =	sadd.s32 $0x67200, s3;
	s20 =	sshll.u32 s9, $0x6;
	[dreg:$0x6] =	wrdreg s26  }
0xc: {  	s1 =	sor.u32 s0, s1;
	s6 =	smul.u32 $0x50000, s0;
	[dreg:$0x7] =	wrdreg s28  }
0xd: {  	s0 =	ssub.s32 $0x2, s0;
	[dreg:$0x8] =	wrdreg s29;
	s23 =	simm.s32 $0x7  }
0xe: {  	[dreg:$0x9] =	wrdreg s30;
	s24 =	simm.s32 $0x8;
	s1 =	smul.u32 $0x500, s1  }
0xf: {  	s7 =	sshrl.u32 s5, $0x3;
	s8 =	sshrl.u32 s0, $0x1;
	s6 =	sadd.s32 s5, s6  }
0x10: {  	s7 =	sadd.s32 s7, s3;
	s0 =	ssub.s32 s0, s8;
	s5 =	sadd.s32 s5, s2  }
0x11: {  	s1 =	sadd.s32 s1, s3;
	s6 =	sshrl.u32 s6, $0x3;
	s19 =	sadd.s32 $0x71200, s7  }
0x12: {  	s0 =	smax.u32 s0, $0x1;
	s11 =	sshrl.u32 s5, $0x3;
	s3 =	sadd.s32 s6, s3  }
0x13: {  	[dreg:$0xa] =	wrdreg s19;
	s6 =	sor.u32 $0x1C11, s20;
	s21 =	sadd.s32 $0x3200, s1  }
0x14: {  	s1 =	sadd.s32 $0xD200, s1;
	[dreg:$0xe] =	wrdreg s0;
	s19 =	simm.s32 $0x3  }
0x15: {  	s20 =	simm.s32 $0x4;
	s0 =	simm.s32 $0x10;
	[dreg:$0xb] =	wrdreg s21  }
0x16: {  	[dreg:$0xc] =	wrdreg s1;
	s22 =	sadd.s32 $0x7B200, s3;
	s21 =	simm.s32 $0x5  }
0x17: {  	s1 =	simm.s32 $0xF;
	[dreg:$0xd] =	wrdreg s22;
	s22 =	simm.s32 $0x6  }
.LBB2_1:
0x18: {  	s3 =	rddreg [dreg:$0xa]  }
0x19: {  	[spmem:s11], [sflag:s6] =	dma.local [hbm:s3], $0xA00  }
0x1a: {  	_ =	swait.ge [sflag:s12], $0xA00  }
0x1b: {  	s28 =	simm.s32 $0x0;
	[sflag:s12] =	ssyncset.done $0x0  }
0x1c: {  	s7 =	simm.s32 $0x5000;
	s5 =	rddreg [dreg:$0xb];
	[sflag:s12] =	ssyncadd.s32 $0xFFFFF600  }
0x1d: {  	[tilespmem:s7], [sflag:$0x11] =	stream.linear.gather [hbm4b:s5+s28], $0x2800, $0x38;
	[tilespmem:$0x12000] =	vst v63  }
0x1e: {  	_ =	swait.ge [sflag:s12], $0x2800  }
0x1f: {  	[sflag:s12] =	ssyncset.done $0x0  }
0x20: {  	s30 =	simm.s32 $0x7800;
	s29 =	rddreg [dreg:$0xc];
	[sflag:s12] =	ssyncadd.s32 $0xFFFFD800  }
0x21: {  	[tilespmem:s30], [sflag:$0x11] =	stream.linear.gather [hbm4b:s29+s28], $0x2800, $0x38;
	[tilespmem:$0x12000] =	vst v63  }
0x22: {  	_ =	swait.ge [sflag:s12], $0x2800  }
0x23: {  	[sflag:s12] =	ssyncset.done $0x0  }
0x24: {  	p0 =	por $0x0, $0x0;
	[sflag:s12] =	ssyncadd.s32 $0xFFFFD800  }
0x25: {  	s3 =	simm.s32 @p0 $0x9;
	[bflag:$0x0] =	sbarrier.arrive $0xFFFF  }
0x26: {  	_ =	swait.ge @p0 [sflag:s3], $0x1000  }
0x27: {  	s8 =	simm.s32 @p0 $0x80;
	s5 =	simm.s32 @p0 $0xA;
	[sflag:s3] =	ssyncset.done @p0 $0x0  }
0x28: {  	s7 =	simm.s32 @p0 $0xA000;
	[sflag:s3] =	ssyncadd.s32 @p0 $0xFFFFF000;
	s3 =	simm.s32 @p0 $0x5000  }
0x29: {  	[tilespmem:s7], [sflag:$0x1] =	stream.indirect.gather @p0 [hbm4b:s4+s8], $0x20, s3, s8, $0xb8;
	[tilespmem:$0x12000] =	vst v63  }
0x2a: {  	_ =	swait.ge @p0 [sflag:s5], $0x1000  }
0x2b: {  	s3 =	simm.s32 @p0 $0x5080;
	[sflag:s5] =	ssyncset.done @p0 $0x0  }
0x2c: {  	s7 =	simm.s32 @p0 $0xB;
	[sflag:s5] =	ssyncadd.s32 @p0 $0xFFFFF000;
	s5 =	simm.s32 @p0 $0xB000  }
0x2d: {  	[tilespmem:s5], [sflag:$0x2] =	stream.indirect.gather @p0 [hbm4b:s4+s8], $0x20, s3, s8, $0xb8;
	[tilespmem:$0x12000] =	vst v63  }
0x2e: {  	_ =	swait.ge @p0 [sflag:s7], $0x1000  }
0x2f: {  	s3 =	simm.s32 @p0 $0x5100;
	[sflag:s7] =	ssyncset.done @p0 $0x0  }
0x30: {  	s5 =	simm.s32 @p0 $0xC000;
	[sflag:s7] =	ssyncadd.s32 @p0 $0xFFFFF000;
	s7 =	simm.s32 @p0 $0xC  }
0x31: {  	[tilespmem:s5], [sflag:$0x3] =	stream.indirect.gather @p0 [hbm4b:s4+s8], $0x20, s3, s8, $0xb8;
	[tilespmem:$0x12000] =	vst v63  }
0x32: {  	_ =	swait.ge @p0 [sflag:s7], $0x1000  }
0x33: {  	s3 =	simm.s32 @p0 $0x5180;
	[sflag:s7] =	ssyncset.done @p0 $0x0  }
0x34: {  	s5 =	simm.s32 @p0 $0xD000;
	[sflag:s7] =	ssyncadd.s32 @p0 $0xFFFFF000;
	s7 =	simm.s32 @p0 $0xD  }
0x35: {  	[tilespmem:s5], [sflag:$0x4] =	stream.indirect.gather @p0 [hbm4b:s4+s8], $0x20, s3, s8, $0xb8;
	[tilespmem:$0x12000] =	vst v63  }
0x36: {  	_ =	swait.ge @p0 [sflag:s7], $0x1000  }
0x37: {  	s3 =	simm.s32 @p0 $0x5200;
	[sflag:s7] =	ssyncset.done @p0 $0x0  }
0x38: {  	s5 =	simm.s32 @p0 $0xE000;
	[sflag:s7] =	ssyncadd.s32 @p0 $0xFFFFF000;
	s7 =	simm.s32 @p0 $0xE  }
0x39: {  	[tilespmem:s5], [sflag:$0x5] =	stream.indirect.gather @p0 [hbm4b:s4+s8], $0x20, s3, s8, $0xb8;
	[tilespmem:$0x12000] =	vst v63  }
0x3a: {  	_ =	swait.ge @p0 [sflag:s7], $0x1000  }
0x3b: {  	s3 =	simm.s32 @p0 $0x5280;
	[sflag:s7] =	ssyncset.done @p0 $0x0  }
0x3c: {  	s5 =	simm.s32 @p0 $0xF000;
	[sflag:s7] =	ssyncadd.s32 @p0 $0xFFFFF000;
	s7 =	simm.s32 @p0 $0xF  }
0x3d: {  	[tilespmem:s5], [sflag:$0x6] =	stream.indirect.gather @p0 [hbm4b:s4+s8], $0x20, s3, s8, $0xb8;
	[tilespmem:$0x12000] =	vst v63  }
0x3e: {  	_ =	swait.ge @p0 [sflag:s7], $0x1000  }
0x3f: {  	s3 =	simm.s32 @p0 $0x5300;
	[sflag:s7] =	ssyncset.done @p0 $0x0  }
0x40: {  	s5 =	simm.s32 @p0 $0x10000;
	[sflag:s7] =	ssyncadd.s32 @p0 $0xFFFFF000;
	s7 =	simm.s32 @p0 $0x10  }
0x41: {  	[tilespmem:s5], [sflag:$0x7] =	stream.indirect.gather @p0 [hbm4b:s4+s8], $0x20, s3, s8, $0xb8;
	[tilespmem:$0x12000] =	vst v63  }
0x42: {  	_ =	swait.ge @p0 [sflag:s7], $0x1000  }
0x43: {  	s3 =	simm.s32 @!p0 $0xA000;
	[sflag:s7] =	ssyncset.done @p0 $0x0  }
0x44: {  	s5 =	simm.s32 @!p0 $0x5000;
	[sflag:s7] =	ssyncadd.s32 @p0 $0xFFFFF000;
	s7 =	simm.s32 @!p0 $0x80  }
0x45: {  	[tilespmem:s3], [sflag:$0x1] =	stream.indirect.gather @!p0 [hbm4b:s4+s7], $0x20, s5, s7, $0xb8;
	[tilespmem:$0x12000] =	vst v63  }
0x46: {  	s3 =	simm.s32 @!p0 $0x5080;
	s5 =	simm.s32 @!p0 $0xB000  }
0x47: {  	[tilespmem:s5], [sflag:$0x2] =	stream.indirect.gather @!p0 [hbm4b:s4+s7], $0x20, s3, s7, $0xb8;
	[tilespmem:$0x12000] =	vst v63  }
0x48: {  	s3 =	simm.s32 @!p0 $0x5100;
	s5 =	simm.s32 @!p0 $0xC000  }
0x49: {  	[tilespmem:s5], [sflag:$0x3] =	stream.indirect.gather @!p0 [hbm4b:s4+s7], $0x20, s3, s7, $0xb8;
	[tilespmem:$0x12000] =	vst v63  }
0x4a: {  	s3 =	simm.s32 @!p0 $0x5180;
	s5 =	simm.s32 @!p0 $0xD000  }
0x4b: {  	[tilespmem:s5], [sflag:$0x4] =	stream.indirect.gather @!p0 [hbm4b:s4+s7], $0x20, s3, s7, $0xb8;
	[tilespmem:$0x12000] =	vst v63  }
0x4c: {  	s3 =	simm.s32 @!p0 $0x5200;
	s5 =	simm.s32 @!p0 $0xE000  }
0x4d: {  	[tilespmem:s5], [sflag:$0x5] =	stream.indirect.gather @!p0 [hbm4b:s4+s7], $0x20, s3, s7, $0xb8;
	[tilespmem:$0x12000] =	vst v63  }
0x4e: {  	s3 =	simm.s32 @!p0 $0x5280;
	s5 =	simm.s32 @!p0 $0xF000  }
0x4f: {  	[tilespmem:s5], [sflag:$0x6] =	stream.indirect.gather @!p0 [hbm4b:s4+s7], $0x20, s3, s7, $0xb8;
	[tilespmem:$0x12000] =	vst v63  }
0x50: {  	s3 =	simm.s32 @!p0 $0x5300;
	s5 =	simm.s32 @!p0 $0x10000  }
0x51: {  	[tilespmem:s5], [sflag:$0x7] =	stream.indirect.gather @!p0 [hbm4b:s4+s7], $0x20, s3, s7, $0xb8;
	[tilespmem:$0x12000] =	vst v63  }
0x52: {  	s8 =	simm.s32 $0x5380  }
0x53: {  	[tilespmem:s16], [sflag:$0x8] =	stream.indirect.gather [hbm4b:s4+s15], $0x20, s8, s15, $0xb8;
	[tilespmem:$0x12000] =	vst v63  }
0x54: {  	_ =	swait.ge [sflag:s17], $0x1000  }
0x55: {  	[sflag:s17] =	ssyncset.done $0x0  }
0x56: {  	s10 =	simm.s32 $0x7800;
	s9 =	rddreg [dreg:$0x3];
	[sflag:s17] =	ssyncadd.s32 $0xFFFFF000  }
0x57: {  	[spmem:s2] =	stream.indirect.scatter.add.f32 [tilespmem:s9], [sflag:$0x9], $0x20, s10, s15, $0xb8;
	[tilespmem:$0x12000] =	vst v63  }
0x58: {  	s3 =	simm.s32 @p0 $0x80;
	_ =	swait.ge [sflag:s18], $0x1000  }
0x59: {  	s3 =	simm.s32 @!p0 $0x80;
	[sflag:s18] =	ssyncset.done $0x0  }
0x5a: {  	s3 =	sadd.s32 $0x7800, s3;
	s14 =	rddreg [dreg:$0x4];
	[sflag:s18] =	ssyncadd.s32 $0xFFFFF000  }
0x5b: {  	[spmem:s2] =	stream.indirect.scatter.add.f32 [tilespmem:s14], [sflag:$0xA], $0x20, s3, s15, $0xb8;
	[tilespmem:$0x12000] =	vst v63  }
0x5c: {  	s3 =	simm.s32 @p0 $0x100;
	_ =	swait.ge [sflag:s19], $0x1000  }
0x5d: {  	s3 =	simm.s32 @!p0 $0x100;
	[sflag:s19] =	ssyncset.done $0x0  }
0x5e: {  	s25 =	rddreg [dreg:$0x5];
	s3 =	sadd.s32 $0x7800, s3;
	[sflag:s19] =	ssyncadd.s32 $0xFFFFF000  }
0x5f: {  	[spmem:s2] =	stream.indirect.scatter.add.f32 [tilespmem:s25], [sflag:$0xB], $0x20, s3, s15, $0xb8;
	[tilespmem:$0x12000] =	vst v63  }
0x60: {  	s3 =	simm.s32 @p0 $0x180;
	_ =	swait.ge [sflag:s20], $0x1000  }
0x61: {  	s3 =	simm.s32 @!p0 $0x180;
	[sflag:s20] =	ssyncset.done $0x0  }
0x62: {  	s26 =	rddreg [dreg:$0x6];
	s3 =	sadd.s32 $0x7800, s3;
	[sflag:s20] =	ssyncadd.s32 $0xFFFFF000  }
0x63: {  	[spmem:s2] =	stream.indirect.scatter.add.f32 [tilespmem:s26], [sflag:$0xC], $0x20, s3, s15, $0xb8;
	[tilespmem:$0x12000] =	vst v63  }
0x64: {  	s3 =	simm.s32 @p0 $0x200;
	_ =	swait.ge [sflag:s21], $0x1000  }
0x65: {  	s3 =	simm.s32 @!p0 $0x200;
	[sflag:s21] =	ssyncset.done $0x0  }
0x66: {  	s28 =	rddreg [dreg:$0x7];
	s3 =	sadd.s32 $0x7800, s3;
	[sflag:s21] =	ssyncadd.s32 $0xFFFFF000  }
0x67: {  	[spmem:s2] =	stream.indirect.scatter.add.f32 [tilespmem:s28], [sflag:$0xD], $0x20, s3, s15, $0xb8;
	[tilespmem:$0x12000] =	vst v63  }
0x68: {  	s3 =	simm.s32 @p0 $0x280;
	_ =	swait.ge [sflag:s22], $0x1000  }
0x69: {  	s5 =	simm.s32 $0x300;
	s3 =	simm.s32 @!p0 $0x280;
	[sflag:s22] =	ssyncset.done $0x0  }
0x6a: {  	s29 =	rddreg [dreg:$0x8];
	s3 =	sadd.s32 $0x7800, s3;
	[sflag:s22] =	ssyncadd.s32 $0xFFFFF000  }
0x6b: {  	[spmem:s2] =	stream.indirect.scatter.add.f32 [tilespmem:s29], [sflag:$0xE], $0x20, s3, s15, $0xb8;
	[tilespmem:$0x12000] =	vst v63  }
0x6c: {  	s5 =	simm.s32 @!p0 $0x300;
	_ =	swait.ge [sflag:s23], $0x1000  }
0x6d: {  	s5 =	sadd.s32 $0x7800, s5;
	[sflag:s23] =	ssyncset.done $0x0  }
0x6e: {  	s8 =	simm.s32 $0x7B80;
	s30 =	rddreg [dreg:$0x9];
	[sflag:s23] =	ssyncadd.s32 $0xFFFFF000  }
0x6f: {  	[spmem:s2] =	stream.indirect.scatter.add.f32 [tilespmem:s30], [sflag:$0xF], $0x20, s5, s15, $0xb8;
	[tilespmem:$0x12000] =	vst v63  }
0x70: {  	s14 =	simm.s32 $0x700;
	p0 =	por $0x1, $0x1;
	_ =	swait.ge [sflag:s24], $0x1000  }
0x71: {  	s3 =	simm.s32 $0x1000;
	s5 =	simm.s32 $0x2000;
	[sflag:s24] =	ssyncset.done $0x0  }
.LBB2_2:
0x72: {  	s9 =	simm.s32 @p0 $0x9;
	[sflag:s24] =	ssyncadd.s32 $0xFFFFF000  }
0x73: {  	[spmem:s2] =	stream.indirect.scatter.add.f32 [tilespmem:s16], [sflag:$0x10], $0x20, s8, s15, $0xb8;
	[tilespmem:$0x12000] =	vst v63  }
0x74: {  	s10 =	simm.s32 @p0 $0xA;
	_ =	swait.ge @p0 [sflag:s9], $0x1000  }
0x75: {  	s25 =	sshra.s32 @p0 s3, $0x2;
	s26 =	simm.s32 @p0 $0xA000;
	[sflag:s9] =	ssyncset.done @p0 $0x0  }
0x76: {  	s8 =	simm.s32 @p0 $0x80;
	[sflag:s9] =	ssyncadd.s32 @p0 $0xFFFFF000;
	s9 =	sadd.s32 @p0 $0x5000, s25  }
0x77: {  	[tilespmem:s26], [sflag:$0x1] =	stream.indirect.gather @p0 [hbm4b:s4+s8], $0x20, s9, s8, $0xb8;
	[tilespmem:$0x12000] =	vst v63  }
0x78: {  	_ =	swait.ge @p0 [sflag:s10], $0x1000  }
0x79: {  	s30 =	simm.s32 @p0 $0xB;
	s28 =	sadd.s32 @p0 $0x5180, s25;
	[sflag:s10] =	ssyncset.done @p0 $0x0  }
0x7a: {  	s9 =	sadd.s32 @p0 $0x5080, s25;
	[sflag:s10] =	ssyncadd.s32 @p0 $0xFFFFF000;
	s10 =	simm.s32 @p0 $0xB000  }
0x7b: {  	[tilespmem:s10], [sflag:$0x2] =	stream.indirect.gather @p0 [hbm4b:s4+s8], $0x20, s9, s8, $0xb8;
	[tilespmem:$0x12000] =	vst v63  }
0x7c: {  	s29 =	sadd.s32 @p0 $0x5200, s25;
	s26 =	sadd.s32 @p0 $0x5100, s25;
	_ =	swait.ge @p0 [sflag:s30], $0x1000  }
0x7d: {  	s9 =	sadd.s32 @p0 $0x5280, s25;
	s10 =	sadd.s32 @p0 $0x5300, s25;
	[sflag:s30] =	ssyncset.done @p0 $0x0  }
0x7e: {  	s25 =	simm.s32 @p0 $0xC000;
	[sflag:s30] =	ssyncadd.s32 @p0 $0xFFFFF000;
	s30 =	simm.s32 @p0 $0xC  }
0x7f: {  	[tilespmem:s25], [sflag:$0x3] =	stream.indirect.gather @p0 [hbm4b:s4+s8], $0x20, s26, s8, $0xb8;
	[tilespmem:$0x12000] =	vst v63  }
0x80: {  	_ =	swait.ge @p0 [sflag:s30], $0x1000  }
0x81: {  	[sflag:s30] =	ssyncset.done @p0 $0x0  }
0x82: {  	s25 =	simm.s32 @p0 $0xD000;
	s26 =	simm.s32 @p0 $0xD;
	[sflag:s30] =	ssyncadd.s32 @p0 $0xFFFFF000  }
0x83: {  	[tilespmem:s25], [sflag:$0x4] =	stream.indirect.gather @p0 [hbm4b:s4+s8], $0x20, s28, s8, $0xb8;
	[tilespmem:$0x12000] =	vst v63  }
0x84: {  	_ =	swait.ge @p0 [sflag:s26], $0x1000  }
0x85: {  	[sflag:s26] =	ssyncset.done @p0 $0x0  }
0x86: {  	s25 =	simm.s32 @p0 $0xE000;
	[sflag:s26] =	ssyncadd.s32 @p0 $0xFFFFF000;
	s26 =	simm.s32 @p0 $0xE  }
0x87: {  	[tilespmem:s25], [sflag:$0x5] =	stream.indirect.gather @p0 [hbm4b:s4+s8], $0x20, s29, s8, $0xb8;
	[tilespmem:$0x12000] =	vst v63  }
0x88: {  	_ =	swait.ge @p0 [sflag:s26], $0x1000  }
0x89: {  	[sflag:s26] =	ssyncset.done @p0 $0x0  }
0x8a: {  	s25 =	simm.s32 @p0 $0xF000;
	[sflag:s26] =	ssyncadd.s32 @p0 $0xFFFFF000;
	s26 =	simm.s32 @p0 $0xF  }
0x8b: {  	[tilespmem:s25], [sflag:$0x6] =	stream.indirect.gather @p0 [hbm4b:s4+s8], $0x20, s9, s8, $0xb8;
	[tilespmem:$0x12000] =	vst v63  }
0x8c: {  	_ =	swait.ge @p0 [sflag:s26], $0x1000  }
0x8d: {  	[sflag:s26] =	ssyncset.done @p0 $0x0  }
0x8e: {  	s9 =	simm.s32 @p0 $0x10000;
	s25 =	simm.s32 @p0 $0x10;
	[sflag:s26] =	ssyncadd.s32 @p0 $0xFFFFF000  }
0x8f: {  	[tilespmem:s9], [sflag:$0x7] =	stream.indirect.gather @p0 [hbm4b:s4+s8], $0x20, s10, s8, $0xb8;
	[tilespmem:$0x12000] =	vst v63  }
0x90: {  	_ =	swait.ge @p0 [sflag:s25], $0x1000  }
0x91: {  	s8 =	sshra.s32 @!p0 s3, $0x2;
	s9 =	simm.s32 @!p0 $0xA000;
	[sflag:s25] =	ssyncset.done @p0 $0x0  }
0x92: {  	s10 =	simm.s32 @!p0 $0x80;
	s8 =	sadd.s32 @!p0 $0x5000, s8;
	[sflag:s25] =	ssyncadd.s32 @p0 $0xFFFFF000  }
0x93: {  	[tilespmem:s9], [sflag:$0x1] =	stream.indirect.gather @!p0 [hbm4b:s4+s10], $0x20, s8, s10, $0xb8;
	[tilespmem:$0x12000] =	vst v63  }
0x94: {  	s8 =	simm.s32 @!p0 $0x5080;
	s9 =	simm.s32 @!p0 $0xB000  }
0x95: {  	[tilespmem:s9], [sflag:$0x2] =	stream.indirect.gather @!p0 [hbm4b:s4+s10], $0x20, s8, s10, $0xb8;
	[tilespmem:$0x12000] =	vst v63  }
0x96: {  	s8 =	simm.s32 @!p0 $0x5100;
	s9 =	simm.s32 @!p0 $0xC000  }
0x97: {  	[tilespmem:s9], [sflag:$0x3] =	stream.indirect.gather @!p0 [hbm4b:s4+s10], $0x20, s8, s10, $0xb8;
	[tilespmem:$0x12000] =	vst v63  }
0x98: {  	s8 =	simm.s32 @!p0 $0x5180;
	s9 =	simm.s32 @!p0 $0xD000  }
0x99: {  	[tilespmem:s9], [sflag:$0x4] =	stream.indirect.gather @!p0 [hbm4b:s4+s10], $0x20, s8, s10, $0xb8;
	[tilespmem:$0x12000] =	vst v63  }
0x9a: {  	s8 =	simm.s32 @!p0 $0x5200;
	s9 =	simm.s32 @!p0 $0xE000  }
0x9b: {  	[tilespmem:s9], [sflag:$0x5] =	stream.indirect.gather @!p0 [hbm4b:s4+s10], $0x20, s8, s10, $0xb8;
	[tilespmem:$0x12000] =	vst v63  }
0x9c: {  	s8 =	simm.s32 @!p0 $0x5280;
	s9 =	simm.s32 @!p0 $0xF000  }
0x9d: {  	[tilespmem:s9], [sflag:$0x6] =	stream.indirect.gather @!p0 [hbm4b:s4+s10], $0x20, s8, s10, $0xb8;
	[tilespmem:$0x12000] =	vst v63  }
0x9e: {  	s25 =	simm.s32 @!p0 $0x10000;
	s9 =	simm.s32 @!p0 $0x5300;
	s8 =	sshra.s32 s3, $0x2  }
0x9f: {  	[tilespmem:s25], [sflag:$0x7] =	stream.indirect.gather @!p0 [hbm4b:s4+s10], $0x20, s9, s10, $0xb8;
	[tilespmem:$0x12000] =	vst v63  }
0xa0: {  	s28 =	sadd.s32 $0x5380, s8  }
0xa1: {  	[tilespmem:s16], [sflag:$0x8] =	stream.indirect.gather [hbm4b:s4+s15], $0x20, s28, s15, $0xb8;
	[tilespmem:$0x12000] =	vst v63  }
0xa2: {  	_ =	swait.ge [sflag:s17], $0x1000  }
0xa3: {  	s7 =	smov.u32 s5;
	[sflag:s17] =	ssyncset.done $0x0  }
0xa4: {  	s30 =	sadd.s32 $0x7800, s8;
	s29 =	rddreg [dreg:$0x3];
	[sflag:s17] =	ssyncadd.s32 $0xFFFFF000  }
0xa5: {  	[spmem:s2] =	stream.indirect.scatter.add.f32 [tilespmem:s29], [sflag:$0x9], $0x20, s30, s15, $0xb8;
	[tilespmem:$0x12000] =	vst v63  }
0xa6: {  	s3 =	smov.u32 s7;
	s7 =	sadd.s32 @p0 $0xFFFFFD80, s14;
	_ =	swait.ge [sflag:s18], $0x1000  }
0xa7: {  	s7 =	simm.s32 @!p0 $0x80;
	[sflag:s18] =	ssyncset.done $0x0  }
0xa8: {  	s7 =	sadd.s32 $0x7800, s7;
	s10 =	rddreg [dreg:$0x4];
	[sflag:s18] =	ssyncadd.s32 $0xFFFFF000  }
0xa9: {  	[spmem:s2] =	stream.indirect.scatter.add.f32 [tilespmem:s10], [sflag:$0xA], $0x20, s7, s15, $0xb8;
	[tilespmem:$0x12000] =	vst v63  }
0xaa: {  	s7 =	sadd.s32 @p0 $0xFFFFFE00, s14;
	_ =	swait.ge [sflag:s19], $0x1000  }
0xab: {  	s7 =	simm.s32 @!p0 $0x100;
	[sflag:s19] =	ssyncset.done $0x0  }
0xac: {  	s25 =	rddreg [dreg:$0x5];
	s7 =	sadd.s32 $0x7800, s7;
	[sflag:s19] =	ssyncadd.s32 $0xFFFFF000  }
0xad: {  	[spmem:s2] =	stream.indirect.scatter.add.f32 [tilespmem:s25], [sflag:$0xB], $0x20, s7, s15, $0xb8;
	[tilespmem:$0x12000] =	vst v63  }
0xae: {  	s7 =	sadd.s32 @p0 $0xFFFFFE80, s14;
	_ =	swait.ge [sflag:s20], $0x1000  }
0xaf: {  	s7 =	simm.s32 @!p0 $0x180;
	[sflag:s20] =	ssyncset.done $0x0  }
0xb0: {  	s26 =	rddreg [dreg:$0x6];
	s7 =	sadd.s32 $0x7800, s7;
	[sflag:s20] =	ssyncadd.s32 $0xFFFFF000  }
0xb1: {  	[spmem:s2] =	stream.indirect.scatter.add.f32 [tilespmem:s26], [sflag:$0xC], $0x20, s7, s15, $0xb8;
	[tilespmem:$0x12000] =	vst v63  }
0xb2: {  	s7 =	sadd.s32 @p0 $0xFFFFFF00, s14;
	_ =	swait.ge [sflag:s21], $0x1000  }
0xb3: {  	s7 =	simm.s32 @!p0 $0x200;
	[sflag:s21] =	ssyncset.done $0x0  }
0xb4: {  	s28 =	rddreg [dreg:$0x7];
	s7 =	sadd.s32 $0x7800, s7;
	[sflag:s21] =	ssyncadd.s32 $0xFFFFF000  }
0xb5: {  	[spmem:s2] =	stream.indirect.scatter.add.f32 [tilespmem:s28], [sflag:$0xD], $0x20, s7, s15, $0xb8;
	[tilespmem:$0x12000] =	vst v63  }
0xb6: {  	s7 =	sadd.s32 @p0 $0xFFFFFF80, s14;
	_ =	swait.ge [sflag:s22], $0x1000  }
0xb7: {  	s5 =	sadd.s32 $0x1000, s5;
	s7 =	simm.s32 @!p0 $0x280;
	[sflag:s22] =	ssyncset.done $0x0  }
0xb8: {  	s29 =	rddreg [dreg:$0x8];
	s7 =	sadd.s32 $0x7800, s7;
	[sflag:s22] =	ssyncadd.s32 $0xFFFFF000  }
0xb9: {  	[spmem:s2] =	stream.indirect.scatter.add.f32 [tilespmem:s29], [sflag:$0xE], $0x20, s7, s15, $0xb8;
	[tilespmem:$0x12000] =	vst v63  }
0xba: {  	p1 =	sne.s32 s5, $0xA000;
	s9 =	smov.u32 s14;
	_ =	swait.ge [sflag:s23], $0x1000  }
.Ltmp0:
0xbb: {  	s9 =	simm.s32 @!p0 $0x300;
	[sflag:s23] =	ssyncset.done $0x0;
	(pc) =	sbr.rel @p1 .LBB2_2-.Ltmp0, $4  }
0xbc: {  	s9 =	sadd.s32 $0x7800, s9;
	s30 =	rddreg [dreg:$0x9];
	[sflag:s23] =	ssyncadd.s32 $0xFFFFF000  }
0xbd: {  	[spmem:s2] =	stream.indirect.scatter.add.f32 [tilespmem:s30], [sflag:$0xF], $0x20, s9, s15, $0xb8;
	[tilespmem:$0x12000] =	vst v63  }
0xbe: {  	s8 =	sadd.s32 $0x7B80, s8;
	_ =	swait.ge [sflag:s24], $0x1000  }
0xbf: {  	s14 =	sadd.s32 $0x400, s14;
	p0 =	sne.s32 s3, $0x0;
	[sflag:s24] =	ssyncset.done $0x0  }
0xc0: {  	s5 =	simm.s32 @p0 $0x9;
	[sflag:s24] =	ssyncadd.s32 $0xFFFFF000  }
0xc1: {  	[spmem:s2] =	stream.indirect.scatter.add.f32 [tilespmem:s16], [sflag:$0x10], $0x20, s8, s15, $0xb8;
	[tilespmem:$0x12000] =	vst v63  }
0xc2: {  	_ =	swait.ge @p0 [sflag:s5], $0x1000  }
0xc3: {  	s7 =	sshra.s32 @p0 s3, $0x2;
	s9 =	simm.s32 @p0 $0x80;
	[sflag:s5] =	ssyncset.done @p0 $0x0  }
0xc4: {  	s8 =	simm.s32 @p0 $0xA000;
	[sflag:s5] =	ssyncadd.s32 @p0 $0xFFFFF000;
	s5 =	sadd.s32 @p0 $0x5000, s7  }
0xc5: {  	[tilespmem:s8], [sflag:$0x1] =	stream.indirect.gather @p0 [hbm4b:s4+s9], $0x20, s5, s9, $0xb8;
	[tilespmem:$0x12000] =	vst v63  }
0xc6: {  	s5 =	simm.s32 @p0 $0xA  }
0xc7: {  	_ =	swait.ge @p0 [sflag:s5], $0x1000  }
0xc8: {  	[sflag:s5] =	ssyncset.done @p0 $0x0  }
0xc9: {  	s8 =	sadd.s32 @p0 $0x5080, s7;
	[sflag:s5] =	ssyncadd.s32 @p0 $0xFFFFF000;
	s5 =	simm.s32 @p0 $0xB000  }
0xca: {  	[tilespmem:s5], [sflag:$0x2] =	stream.indirect.gather @p0 [hbm4b:s4+s9], $0x20, s8, s9, $0xb8;
	[tilespmem:$0x12000] =	vst v63  }
0xcb: {  	s5 =	simm.s32 @p0 $0xB  }
0xcc: {  	_ =	swait.ge @p0 [sflag:s5], $0x1000  }
0xcd: {  	[sflag:s5] =	ssyncset.done @p0 $0x0  }
0xce: {  	s8 =	sadd.s32 @p0 $0x5100, s7;
	[sflag:s5] =	ssyncadd.s32 @p0 $0xFFFFF000;
	s5 =	simm.s32 @p0 $0xC000  }
0xcf: {  	[tilespmem:s5], [sflag:$0x3] =	stream.indirect.gather @p0 [hbm4b:s4+s9], $0x20, s8, s9, $0xb8;
	[tilespmem:$0x12000] =	vst v63  }
0xd0: {  	s5 =	simm.s32 @p0 $0xC  }
0xd1: {  	_ =	swait.ge @p0 [sflag:s5], $0x1000  }
0xd2: {  	[sflag:s5] =	ssyncset.done @p0 $0x0  }
0xd3: {  	s8 =	sadd.s32 @p0 $0x5180, s7;
	[sflag:s5] =	ssyncadd.s32 @p0 $0xFFFFF000;
	s5 =	simm.s32 @p0 $0xD000  }
0xd4: {  	[tilespmem:s5], [sflag:$0x4] =	stream.indirect.gather @p0 [hbm4b:s4+s9], $0x20, s8, s9, $0xb8;
	[tilespmem:$0x12000] =	vst v63  }
0xd5: {  	s5 =	simm.s32 @p0 $0xD  }
0xd6: {  	_ =	swait.ge @p0 [sflag:s5], $0x1000  }
0xd7: {  	[sflag:s5] =	ssyncset.done @p0 $0x0  }
0xd8: {  	s8 =	sadd.s32 @p0 $0x5200, s7;
	[sflag:s5] =	ssyncadd.s32 @p0 $0xFFFFF000;
	s5 =	simm.s32 @p0 $0xE000  }
0xd9: {  	[tilespmem:s5], [sflag:$0x5] =	stream.indirect.gather @p0 [hbm4b:s4+s9], $0x20, s8, s9, $0xb8;
	[tilespmem:$0x12000] =	vst v63  }
0xda: {  	s5 =	simm.s32 @p0 $0xE  }
0xdb: {  	_ =	swait.ge @p0 [sflag:s5], $0x1000  }
0xdc: {  	[sflag:s5] =	ssyncset.done @p0 $0x0  }
0xdd: {  	s8 =	sadd.s32 @p0 $0x5280, s7;
	[sflag:s5] =	ssyncadd.s32 @p0 $0xFFFFF000;
	s5 =	simm.s32 @p0 $0xF000  }
0xde: {  	[tilespmem:s5], [sflag:$0x6] =	stream.indirect.gather @p0 [hbm4b:s4+s9], $0x20, s8, s9, $0xb8;
	[tilespmem:$0x12000] =	vst v63  }
0xdf: {  	s5 =	simm.s32 @p0 $0xF  }
0xe0: {  	_ =	swait.ge @p0 [sflag:s5], $0x1000  }
0xe1: {  	[sflag:s5] =	ssyncset.done @p0 $0x0  }
0xe2: {  	s7 =	sadd.s32 @p0 $0x5300, s7;
	[sflag:s5] =	ssyncadd.s32 @p0 $0xFFFFF000;
	s5 =	simm.s32 @p0 $0x10000  }
0xe3: {  	[tilespmem:s5], [sflag:$0x7] =	stream.indirect.gather @p0 [hbm4b:s4+s9], $0x20, s7, s9, $0xb8;
	[tilespmem:$0x12000] =	vst v63  }
0xe4: {  	s5 =	simm.s32 @p0 $0x10  }
0xe5: {  	_ =	swait.ge @p0 [sflag:s5], $0x1000  }
0xe6: {  	s8 =	simm.s32 @!p0 $0xA000;
	s7 =	sshra.s32 @!p0 s3, $0x2;
	[sflag:s5] =	ssyncset.done @p0 $0x0  }
0xe7: {  	[sflag:s5] =	ssyncadd.s32 @p0 $0xFFFFF000;
	s5 =	sadd.s32 @!p0 $0x5000, s7;
	s7 =	simm.s32 @!p0 $0x80  }
0xe8: {  	[tilespmem:s8], [sflag:$0x1] =	stream.indirect.gather @!p0 [hbm4b:s4+s7], $0x20, s5, s7, $0xb8;
	[tilespmem:$0x12000] =	vst v63  }
0xe9: {  	s5 =	simm.s32 @!p0 $0x5080;
	s8 =	simm.s32 @!p0 $0xB000  }
0xea: {  	[tilespmem:s8], [sflag:$0x2] =	stream.indirect.gather @!p0 [hbm4b:s4+s7], $0x20, s5, s7, $0xb8;
	[tilespmem:$0x12000] =	vst v63  }
0xeb: {  	s5 =	simm.s32 @!p0 $0x5100;
	s8 =	simm.s32 @!p0 $0xC000  }
0xec: {  	[tilespmem:s8], [sflag:$0x3] =	stream.indirect.gather @!p0 [hbm4b:s4+s7], $0x20, s5, s7, $0xb8;
	[tilespmem:$0x12000] =	vst v63  }
0xed: {  	s5 =	simm.s32 @!p0 $0x5180;
	s8 =	simm.s32 @!p0 $0xD000  }
0xee: {  	[tilespmem:s8], [sflag:$0x4] =	stream.indirect.gather @!p0 [hbm4b:s4+s7], $0x20, s5, s7, $0xb8;
	[tilespmem:$0x12000] =	vst v63  }
0xef: {  	s5 =	simm.s32 @!p0 $0x5200;
	s8 =	simm.s32 @!p0 $0xE000  }
0xf0: {  	[tilespmem:s8], [sflag:$0x5] =	stream.indirect.gather @!p0 [hbm4b:s4+s7], $0x20, s5, s7, $0xb8;
	[tilespmem:$0x12000] =	vst v63  }
0xf1: {  	s5 =	simm.s32 @!p0 $0x5280;
	s8 =	simm.s32 @!p0 $0xF000  }
0xf2: {  	[tilespmem:s8], [sflag:$0x6] =	stream.indirect.gather @!p0 [hbm4b:s4+s7], $0x20, s5, s7, $0xb8;
	[tilespmem:$0x12000] =	vst v63  }
0xf3: {  	s3 =	sshra.s32 s3, $0x2;
	s5 =	simm.s32 @!p0 $0x5300;
	s8 =	simm.s32 @!p0 $0x10000  }
0xf4: {  	[tilespmem:s8], [sflag:$0x7] =	stream.indirect.gather @!p0 [hbm4b:s4+s7], $0x20, s5, s7, $0xb8;
	[tilespmem:$0x12000] =	vst v63  }
0xf5: {  	s8 =	sadd.s32 $0x5380, s3  }
0xf6: {  	[tilespmem:s16], [sflag:$0x8] =	stream.indirect.gather [hbm4b:s4+s15], $0x20, s8, s15, $0xb8;
	[tilespmem:$0x12000] =	vst v63  }
0xf7: {  	_ =	swait.ge [sflag:s17], $0x1000  }
0xf8: {  	[sflag:s17] =	ssyncset.done $0x0  }
0xf9: {  	s10 =	sadd.s32 $0x7800, s3;
	s9 =	rddreg [dreg:$0x3];
	[sflag:s17] =	ssyncadd.s32 $0xFFFFF000  }
0xfa: {  	[spmem:s2] =	stream.indirect.scatter.add.f32 [tilespmem:s9], [sflag:$0x9], $0x20, s10, s15, $0xb8;
	[tilespmem:$0x12000] =	vst v63  }
0xfb: {  	s5 =	sadd.s32 @p0 $0xFFFFFD80, s14;
	_ =	swait.ge [sflag:s18], $0x1000  }
0xfc: {  	s5 =	simm.s32 @!p0 $0x80;
	[sflag:s18] =	ssyncset.done $0x0  }
0xfd: {  	s5 =	sadd.s32 $0x7800, s5;
	s25 =	rddreg [dreg:$0x4];
	[sflag:s18] =	ssyncadd.s32 $0xFFFFF000  }
0xfe: {  	[spmem:s2] =	stream.indirect.scatter.add.f32 [tilespmem:s25], [sflag:$0xA], $0x20, s5, s15, $0xb8;
	[tilespmem:$0x12000] =	vst v63  }
0xff: {  	s5 =	sadd.s32 @p0 $0xFFFFFE00, s14;
	_ =	swait.ge [sflag:s19], $0x1000  }
0x100: {  	s5 =	simm.s32 @!p0 $0x100;
	[sflag:s19] =	ssyncset.done $0x0  }
0x101: {  	s26 =	rddreg [dreg:$0x5];
	s5 =	sadd.s32 $0x7800, s5;
	[sflag:s19] =	ssyncadd.s32 $0xFFFFF000  }
0x102: {  	[spmem:s2] =	stream.indirect.scatter.add.f32 [tilespmem:s26], [sflag:$0xB], $0x20, s5, s15, $0xb8;
	[tilespmem:$0x12000] =	vst v63  }
0x103: {  	s5 =	sadd.s32 @p0 $0xFFFFFE80, s14;
	_ =	swait.ge [sflag:s20], $0x1000  }
0x104: {  	s5 =	simm.s32 @!p0 $0x180;
	[sflag:s20] =	ssyncset.done $0x0  }
0x105: {  	s28 =	rddreg [dreg:$0x6];
	s5 =	sadd.s32 $0x7800, s5;
	[sflag:s20] =	ssyncadd.s32 $0xFFFFF000  }
0x106: {  	[spmem:s2] =	stream.indirect.scatter.add.f32 [tilespmem:s28], [sflag:$0xC], $0x20, s5, s15, $0xb8;
	[tilespmem:$0x12000] =	vst v63  }
0x107: {  	s5 =	sadd.s32 @p0 $0xFFFFFF00, s14;
	_ =	swait.ge [sflag:s21], $0x1000  }
0x108: {  	s5 =	simm.s32 @!p0 $0x200;
	[sflag:s21] =	ssyncset.done $0x0  }
0x109: {  	s29 =	rddreg [dreg:$0x7];
	s5 =	sadd.s32 $0x7800, s5;
	[sflag:s21] =	ssyncadd.s32 $0xFFFFF000  }
0x10a: {  	[spmem:s2] =	stream.indirect.scatter.add.f32 [tilespmem:s29], [sflag:$0xD], $0x20, s5, s15, $0xb8;
	[tilespmem:$0x12000] =	vst v63  }
0x10b: {  	s5 =	sadd.s32 @p0 $0xFFFFFF80, s14;
	_ =	swait.ge [sflag:s22], $0x1000  }
0x10c: {  	s5 =	simm.s32 @!p0 $0x280;
	[sflag:s22] =	ssyncset.done $0x0  }
0x10d: {  	s30 =	rddreg [dreg:$0x8];
	s5 =	sadd.s32 $0x7800, s5;
	[sflag:s22] =	ssyncadd.s32 $0xFFFFF000  }
0x10e: {  	[spmem:s2] =	stream.indirect.scatter.add.f32 [tilespmem:s30], [sflag:$0xE], $0x20, s5, s15, $0xb8;
	[tilespmem:$0x12000] =	vst v63  }
0x10f: {  	_ =	swait.ge [sflag:s23], $0x1000  }
0x110: {  	s14 =	simm.s32 @!p0 $0x300;
	[sflag:s23] =	ssyncset.done $0x0  }
0x111: {  	s9 =	sadd.s32 $0x7800, s14;
	s8 =	rddreg [dreg:$0x9];
	[sflag:s23] =	ssyncadd.s32 $0xFFFFF000  }
0x112: {  	[spmem:s2] =	stream.indirect.scatter.add.f32 [tilespmem:s8], [sflag:$0xF], $0x20, s9, s15, $0xb8;
	[tilespmem:$0x12000] =	vst v63  }
0x113: {  	_ =	swait.ge [sflag:s24], $0x1000  }
0x114: {  	[sflag:s24] =	ssyncset.done $0x0  }
0x115: {  	s3 =	sadd.s32 $0x7B80, s3;
	s10 =	simm.s32 $0x9;
	[sflag:s24] =	ssyncadd.s32 $0xFFFFF000  }
0x116: {  	[spmem:s2] =	stream.indirect.scatter.add.f32 [tilespmem:s16], [sflag:$0x10], $0x20, s3, s15, $0xb8;
	[tilespmem:$0x12000] =	vst v63  }
0x117: {  	_ =	swait.ge [sflag:s10], $0x1000  }
0x118: {  	[sflag:s10] =	ssyncset.done $0x0  }
0x119: {  	s14 =	simm.s32 $0xA;
	[sflag:s10] =	ssyncadd.s32 $0xFFFFF000  }
0x11a: {  	_ =	swait.ge [sflag:s14], $0x1000  }
0x11b: {  	[sflag:s14] =	ssyncset.done $0x0  }
0x11c: {  	s25 =	simm.s32 $0xB;
	[sflag:s14] =	ssyncadd.s32 $0xFFFFF000  }
0x11d: {  	_ =	swait.ge [sflag:s25], $0x1000  }
0x11e: {  	[sflag:s25] =	ssyncset.done $0x0  }
0x11f: {  	s26 =	simm.s32 $0xC;
	[sflag:s25] =	ssyncadd.s32 $0xFFFFF000  }
0x120: {  	_ =	swait.ge [sflag:s26], $0x1000  }
0x121: {  	[sflag:s26] =	ssyncset.done $0x0  }
0x122: {  	s28 =	simm.s32 $0xD;
	[sflag:s26] =	ssyncadd.s32 $0xFFFFF000  }
0x123: {  	_ =	swait.ge [sflag:s28], $0x1000  }
0x124: {  	[sflag:s28] =	ssyncset.done $0x0  }
0x125: {  	[sflag:s28] =	ssyncadd.s32 $0xFFFFF000  }
0x126: {  	_ =	swait.ge [sflag:s31], $0x1000  }
0x127: {  	[sflag:s31] =	ssyncset.done $0x0  }
0x128: {  	[sflag:s31] =	ssyncadd.s32 $0xFFFFF000  }
0x129: {  	_ =	swait.ge [sflag:s1], $0x1000  }
0x12a: {  	[sflag:s1] =	ssyncset.done $0x0  }
0x12b: {  	[sflag:s1] =	ssyncadd.s32 $0xFFFFF000  }
0x12c: {  	_ =	swait.ge [sflag:s0], $0x1000  }
0x12d: {  	[sflag:s0] =	ssyncset.done $0x0  }
0x12e: {  	[sflag:s0] =	ssyncadd.s32 $0xFFFFF000  }
0x12f: {  	[bflag:$0x0] =	sbarrier.arrive $0xFFFF  }
0x130: {  	s29 =	rddreg [dreg:$0xd]  }
0x131: {  	[hbm:s29], [sflag:s6] =	dma.local [spmem:s11], $0xA00  }
0x132: {  	_ =	swait.ge [sflag:s12], $0xA00  }
0x133: {  	s13 =	sadd.s32 $0x1, s13;
	s30 =	rddreg [dreg:$0xe]  }
0x134: {  	p0 =	sne.s32 s13, s30  }
.Ltmp1:
0x135: {  	_ = 	snop;
	(pc) =	sbr.rel @p0 .LBB2_1-.Ltmp1, $3  }
0x136: {  	_ =	sdelay $0x1  }
0x137: {  	[sflag:s12] =	ssyncset.done $0x0  }
0x138: {  	[sflag:s12] =	ssyncadd.s32 $0xFFFFF600  }
0x139: {  	_ =	sfence.sel $0x180000  }
0x13a: {  	[bflag:$0x0] =	sbarrier.arrive $0xFFFF  }
0x13b: {  	_ =	strace $0x90000050  }
0x13c: {  	s0 =	stileid.u32;
	[bflag:$0x2] =	sbarrier.arrive $0xFFFF  }
0x13d: {  	p0 =	sne.s32 s0, $0x0;
	s0 =	rddreg [dreg:$0x2]  }
0x13e: {  	s0 =	sadd.s32 @!p0 $0x100000, s0  }
0x13f: {  	[sflag:s0] =	ssyncadd.tile.s32 @!p0 $0x1;
	_ =	shalt  }
.Lfunc_end2:
_tile_overlayer_lowered:
.L_overlay_start_2:
0x140: {  	(tag) =	ssettag $0x2  }
0x141: {  	s0 =	rddreg [dreg:$0x0];
	s2 =	stileid.u32  }
0x142: {  	s1 =	rddreg [dreg:$0x1];
	p0 =	sne.s32 s2, $0x0  }
0x143: {  	s3 =	rddreg [dreg:$0x2];
	[bflag:$0x3] =	sbarrier.arrive $0xFFFF;
	s2 =	simm.s32 @!p0 $0x1C11  }
0x144: {  	[timem:s3], [sflag:s2] =	dma.local @!p0 [hbm:s0], s1  }
0x145: {  	s0 =	simm.s32 @!p0 $0x11  }
0x146: {  	_ =	swait.ge @!p0 [sflag:s0], s1  }
0x147: {  	s1 =	ssub.s32 @!p0 $0x0, s1;
	[sflag:s0] =	ssyncset.done @!p0 $0x0  }
0x148: {  	[sflag:s0] =	ssyncadd.s32 @!p0 s1  }
0x149: {  	[bflag:$0x3] =	sbarrier.arrive $0xFFFF  }
0x14a: {  	_ =	shalt  }

</sc_bundles>
